<compile_context>
chip_gen: v7x
topology: tpu7x:2x2x1
jax: 0.10.2.dev20260603
libtpu: 0.0.44.dev20260713+nightly
codegen_flags: <defaults>
</compile_context>

<pallas_src>
import functools

import jax
import jax.numpy as jnp
from jax import lax
from jax.experimental import pallas as pl
from jax.experimental.pallas import tpu as pltpu
from jax.experimental.pallas import tpu_sc as plsc

B, L, D = 4096, 200, 64
MAX_POS = 252
NC, NS = 2, 16
NW = NC * NS
B_PER_W = B // NW
NB = 2
ROWS = NB * L
NCHUNK = B_PER_W // NB
NPAIR = NCHUNK // 2

_mesh = plsc.VectorSubcoreMesh(core_axis_name="c", subcore_axis_name="s")


@functools.partial(
    pl.kernel,
    mesh=_mesh,
    out_type=jax.ShapeDtypeStruct((B, L, D), jnp.float32),
    compiler_params=pltpu.CompilerParams(use_tc_tiling_on_sc=False,
                                         needs_layout_passes=False),
    scratch_types=[
        pltpu.VMEM((2, ROWS), jnp.int32),
        pltpu.VMEM((2, ROWS), jnp.int32),
        pltpu.VMEM((2, ROWS, D), jnp.float32),
        pltpu.VMEM((MAX_POS, D), jnp.float32),
        pltpu.SemaphoreType.DMA,
        pltpu.SemaphoreType.DMA,
        pltpu.SemaphoreType.DMA,
        pltpu.SemaphoreType.DMA,
        pltpu.SemaphoreType.DMA,
        pltpu.SemaphoreType.DMA,
    ],
)
def _embed_kernel(x_hbm, seq_hbm, tab_hbm, pos_hbm, out_hbm,
                  tok_idx, pos_idx, tok_rows, pos_local,
                  sem_in0, sem_in1, sem_out0, sem_out1, sem_idx0, sem_idx1):
    sem_in = (sem_in0, sem_in1)
    sem_out = (sem_out0, sem_out1)
    sem_idx = (sem_idx0, sem_idx1)
    wid = lax.axis_index("s") * NC + lax.axis_index("c")
    b_base = wid * B_PER_W
    lane = lax.iota(jnp.int32, 16)
    SPLITS = ((0, 128), (128, 72))

    def issue_gathers(b):
        for k in range(NB):
            for off, ln in SPLITS:
                s = pl.ds(k * L + off, ln)
                pltpu.async_copy(tab_hbm.at[tok_idx.at[b, s]],
                                 tok_rows.at[b, s], sem_in[b])

    def drain_gathers(b):
        pltpu.make_async_copy(tab_hbm.at[pl.ds(0, ROWS)],
                              tok_rows.at[b], sem_in[b]).wait()

    def issue_idx(gdyn, b):
        b0 = b_base + gdyn * NB
        for k in range(NB):
            s = pl.ds(k * L, L)
            pltpu.async_copy(x_hbm.at[b0 + k], tok_idx.at[b, s], sem_idx[b])
            pltpu.async_copy(seq_hbm.at[b0 + k], pos_idx.at[b, s], sem_idx[b])

    def drain_idx(b):
        pltpu.make_async_copy(x_hbm.at[0], tok_idx.at[b, pl.ds(0, L)],
                              sem_idx[b]).wait()
        pltpu.make_async_copy(x_hbm.at[0], tok_idx.at[b, pl.ds(L, L)],
                              sem_idx[b]).wait()
        pltpu.make_async_copy(x_hbm.at[0], pos_idx.at[b, pl.ds(0, L)],
                              sem_idx[b]).wait()
        pltpu.make_async_copy(x_hbm.at[0], pos_idx.at[b, pl.ds(L, L)],
                              sem_idx[b]).wait()

    def issue_out(gdyn, b):
        b0 = b_base + gdyn * NB
        for k in range(NB):
            pltpu.async_copy(tok_rows.at[b, pl.ds(k * L, L)],
                             out_hbm.at[b0 + k], sem_out[b])

    def drain_out(b):
        for k in range(NB):
            pltpu.make_async_copy(tok_rows.at[b, pl.ds(k * L, L)],
                                  out_hbm.at[0], sem_out[b]).wait()

    def add_chunk(b):
        rows2d = tok_rows.at[b]

        def add_block(r, carry):
            pvec = pos_idx[b, pl.ds(r * 16, 16)]
            block = rows2d.at[pl.ds(r * 16, 16)]
            for t in range(16):
                rot = (lane + t) & 15
                for cb in range(0, D, 16):
                    jvec = rot + cb
                    pos_v = plsc.load_gather(pos_local, [pvec, jvec])
                    plsc.addupdate_scatter(block, [lane, jvec], pos_v)
            return carry

        lax.fori_loop(0, ROWS // 16, add_block, 0)

    pltpu.sync_copy(pos_hbm, pos_local)
    for k in range(NB):
        s = pl.ds(k * L, L)
        pltpu.sync_copy(x_hbm.at[b_base + k], tok_idx.at[0, s])
        pltpu.sync_copy(seq_hbm.at[b_base + k], pos_idx.at[0, s])
    issue_gathers(0)
    issue_idx(1, 1)

    def pair_body(g2, carry):
        for b in range(2):
            g = 2 * g2 + b
            nb = 1 - b
            if b == 0:
                drain_idx(nb)

                @pl.when(g2 >= 1)
                def _():
                    drain_out(nb)
                issue_gathers(nb)
            else:
                @pl.when(g2 < NPAIR - 1)
                def _():
                    drain_idx(nb)
                    drain_out(nb)
                    issue_gathers(nb)
            drain_gathers(b)
            add_chunk(b)
            @pl.when(g2 < NPAIR - 1)
            def _():
                issue_idx(g + 2, b)
            issue_out(g, b)
        return carry

    lax.fori_loop(0, NPAIR, pair_body, 0)
    drain_out(0)
    drain_out(1)


def kernel(x, seq_idx, embed_table, pos_table):
    return _embed_kernel(x.astype(jnp.int32), seq_idx.astype(jnp.int32),
                         embed_table, pos_table)

# --- scband reference (transcript-rebuilt; emitter-appended) ---
"""Pipeline reference for scband-embed-layer-35012573397764 (READ-ONLY COPY).

The authoritative reference and input builder live on the scoring server;
editing this copy changes nothing except your own understanding.
"""

import jax, jax.numpy as jnp
import numpy as np

VOCAB = 1000000
D_MODEL = 64
MAX_POS = 252
B, L = 4096, 200


def setup_inputs(seed: int = 0) -> dict:
    key = jax.random.key(seed)
    k1, k2, k3, k4 = jax.random.split(key, 4)
    x = jax.random.randint(k1, (B, L), 0, VOCAB, dtype=jnp.int64) if jax.config.jax_enable_x64 else jax.random.randint(k1, (B, L), 0, VOCAB)
    seq_idx = jax.random.randint(k2, (B, L), 0, MAX_POS)
    # nn.Embedding weights ~ N(0,1); padding_idx=0 row is zeroed
    embed_table = jax.random.normal(k3, (VOCAB, D_MODEL), dtype=jnp.float32).at[0].set(0.0)
    pos_table = jax.random.normal(k4, (MAX_POS, D_MODEL), dtype=jnp.float32).at[0].set(0.0)
    return {"x": x, "seq_idx": seq_idx, "embed_table": embed_table, "pos_table": pos_table}


def reference(x, seq_idx, embed_table, pos_table):
    # embed_tok: token embedding lookup (padding_idx=0 row is all-zero)
    tok = jnp.take(embed_table, x, axis=0)
    # embed_pos: positional embedding lookup (padding_idx=0 row is all-zero)
    pos = jnp.take(pos_table, seq_idx, axis=0)
    return tok + pos

if __name__ == "__main__":
    import jax
    _d = setup_inputs()
    print(jax.jit(kernel)(*tuple(_d.values())))

</pallas_src>

<mosaic_0001>
#map = affine_map<(d0, d1) -> (0, 0)>
#map1 = affine_map<(d0, d1) -> (0, 0, 0)>
module attributes {stable_mosaic.version = 14 : i64} {
  func.func @_embed_kernel(%arg0: i32, %arg1: i32, %arg2: memref<4096x200xi32, #tpu.memory_space<hbm>>, %arg3: memref<4096x200xi32, #tpu.memory_space<hbm>>, %arg4: memref<1000000x64xf32, #tpu.memory_space<hbm>>, %arg5: memref<252x64xf32, #tpu.memory_space<hbm>>, %arg6: memref<4096x200x64xf32, #tpu.memory_space<hbm>>, %arg7: memref<2x400xi32, #tpu.memory_space<vmem>>, %arg8: memref<2x400xi32, #tpu.memory_space<vmem>>, %arg9: memref<2x400x64xf32, #tpu.memory_space<vmem>>, %arg10: memref<252x64xf32, #tpu.memory_space<vmem>>, %arg11: memref<!tpu.dma_semaphore, #tpu.memory_space<semaphore_mem>>, %arg12: memref<!tpu.dma_semaphore, #tpu.memory_space<semaphore_mem>>, %arg13: memref<!tpu.dma_semaphore, #tpu.memory_space<semaphore_mem>>, %arg14: memref<!tpu.dma_semaphore, #tpu.memory_space<semaphore_mem>>, %arg15: memref<!tpu.dma_semaphore, #tpu.memory_space<semaphore_mem>>, %arg16: memref<!tpu.dma_semaphore, #tpu.memory_space<semaphore_mem>>) attributes {dimension_semantics = [#tpu.dimension_semantics<core_parallel>, #tpu.dimension_semantics<subcore_parallel>], iteration_bounds = array<i64: 2, 16>, scalar_prefetch = 0 : i64, scratch_operands = 10 : i64, tpu.core_type = #tpu.core_type<sc_vector_subcore>, window_params = [{transform_indices = #map}, {transform_indices = #map}, {transform_indices = #map}, {transform_indices = #map}, {transform_indices = #map1}]} {
    %mul3A = arith.constant 2 : i32
    %mul3A_0 = arith.muli %arg1, %mul3A : i32
    %add3A = arith.addi %mul3A_0, %arg0 : i32
    %mul3A_1 = arith.constant 128 : i32
    %mul3A_2 = arith.muli %add3A, %mul3A_1 : i32
    %iota3A = tpu.iota {dimensions = array<i32: 0>} : vector<16xi32>
    "tpu.region"() ({
      %run_scoped3A_199 = tpu.sem_alloc : memref<!tpu.dma_semaphore, #tpu.memory_space<semaphore_mem>>
      tpu.enqueue_dma source(%arg5 : memref<252x64xf32, #tpu.memory_space<hbm>>) target(%arg10 : memref<252x64xf32, #tpu.memory_space<vmem>>) target_semaphore(%run_scoped3A_199 : memref<!tpu.dma_semaphore, #tpu.memory_space<semaphore_mem>>)
      tpu.wait_dma2 semaphore(%run_scoped3A_199 : memref<!tpu.dma_semaphore, #tpu.memory_space<semaphore_mem>>) src(%arg5 : memref<252x64xf32, #tpu.memory_space<hbm>>) dst(%arg10 : memref<252x64xf32, #tpu.memory_space<vmem>>)
      tpu.yield
    }) : () -> ()
    %add3A_3 = arith.constant 0 : i32
    %add3A_4 = arith.addi %mul3A_2, %add3A_3 : i32
    %run_scoped3A = arith.constant 0 : i32
    "tpu.region"() ({
      %run_scoped3A_199 = tpu.sem_alloc : memref<!tpu.dma_semaphore, #tpu.memory_space<semaphore_mem>>
      %dma_start3A_200 = arith.constant 0 : i32
      %dma_start3A_201 = tpu.memref_slice %arg7[%run_scoped3A, %dma_start3A_200] : memref<2x400xi32, #tpu.memory_space<vmem>> -> memref<1x200xi32, #tpu.memory_space<vmem>>
      %dma_start3A_202 = tpu.memref_squeeze %dma_start3A_201 : memref<1x200xi32, #tpu.memory_space<vmem>> -> memref<200xi32, #tpu.memory_space<vmem>>
      %dma_start3A_203 = arith.constant 0 : i32
      %dma_start3A_204 = tpu.memref_slice %arg2[%add3A_4, %dma_start3A_203] : memref<4096x200xi32, #tpu.memory_space<hbm>> -> memref<1x200xi32, #tpu.memory_space<hbm>>
      %dma_start3A_205 = tpu.memref_squeeze %dma_start3A_204 : memref<1x200xi32, #tpu.memory_space<hbm>> -> memref<200xi32, #tpu.memory_space<hbm>>
      %dma_start3A_206 = arith.constant 0 : i32
      %dma_start3A_207 = tpu.memref_slice %arg7[%run_scoped3A, %dma_start3A_206] : memref<2x400xi32, #tpu.memory_space<vmem>> -> memref<1x200xi32, #tpu.memory_space<vmem>>
      %dma_start3A_208 = tpu.memref_squeeze %dma_start3A_207 : memref<1x200xi32, #tpu.memory_space<vmem>> -> memref<200xi32, #tpu.memory_space<vmem>>
      %dma_start3A_209 = arith.constant 0 : i32
      %dma_start3A_210 = tpu.memref_slice %arg2[%add3A_4, %dma_start3A_209] : memref<4096x200xi32, #tpu.memory_space<hbm>> -> memref<1x200xi32, #tpu.memory_space<hbm>>
      %dma_start3A_211 = tpu.memref_squeeze %dma_start3A_210 : memref<1x200xi32, #tpu.memory_space<hbm>> -> memref<200xi32, #tpu.memory_space<hbm>>
      tpu.enqueue_dma source(%dma_start3A_211 : memref<200xi32, #tpu.memory_space<hbm>>) target(%dma_start3A_208 : memref<200xi32, #tpu.memory_space<vmem>>) target_semaphore(%run_scoped3A_199 : memref<!tpu.dma_semaphore, #tpu.memory_space<semaphore_mem>>)
      %dma_wait3A_212 = arith.constant 0 : i32
      %dma_wait3A_213 = tpu.memref_slice %arg7[%run_scoped3A, %dma_wait3A_212] : memref<2x400xi32, #tpu.memory_space<vmem>> -> memref<1x200xi32, #tpu.memory_space<vmem>>
      %dma_wait3A_214 = tpu.memref_squeeze %dma_wait3A_213 : memref<1x200xi32, #tpu.memory_space<vmem>> -> memref<200xi32, #tpu.memory_space<vmem>>
      %dma_wait3A_215 = arith.constant 0 : i32
      %dma_wait3A_216 = tpu.memref_slice %arg2[%add3A_4, %dma_wait3A_215] : memref<4096x200xi32, #tpu.memory_space<hbm>> -> memref<1x200xi32, #tpu.memory_space<hbm>>
      %dma_wait3A_217 = tpu.memref_squeeze %dma_wait3A_216 : memref<1x200xi32, #tpu.memory_space<hbm>> -> memref<200xi32, #tpu.memory_space<hbm>>
      %dma_wait3A_218 = arith.constant 0 : i32
      %dma_wait3A_219 = tpu.memref_slice %arg7[%run_scoped3A, %dma_wait3A_218] : memref<2x400xi32, #tpu.memory_space<vmem>> -> memref<1x200xi32, #tpu.memory_space<vmem>>
      %dma_wait3A_220 = tpu.memref_squeeze %dma_wait3A_219 : memref<1x200xi32, #tpu.memory_space<vmem>> -> memref<200xi32, #tpu.memory_space<vmem>>
      %dma_wait3A_221 = arith.constant 0 : i32
      %dma_wait3A_222 = tpu.memref_slice %arg2[%add3A_4, %dma_wait3A_221] : memref<4096x200xi32, #tpu.memory_space<hbm>> -> memref<1x200xi32, #tpu.memory_space<hbm>>
      %dma_wait3A_223 = tpu.memref_squeeze %dma_wait3A_222 : memref<1x200xi32, #tpu.memory_space<hbm>> -> memref<200xi32, #tpu.memory_space<hbm>>
      tpu.wait_dma2 semaphore(%run_scoped3A_199 : memref<!tpu.dma_semaphore, #tpu.memory_space<semaphore_mem>>) src(%dma_wait3A_223 : memref<200xi32, #tpu.memory_space<hbm>>) dst(%dma_wait3A_220 : memref<200xi32, #tpu.memory_space<vmem>>)
      tpu.yield
    }) : () -> ()
    %add3A_5 = arith.constant 0 : i32
    %add3A_6 = arith.addi %mul3A_2, %add3A_5 : i32
    %run_scoped3A_7 = arith.constant 0 : i32
    "tpu.region"() ({
      %run_scoped3A_199 = tpu.sem_alloc : memref<!tpu.dma_semaphore, #tpu.memory_space<semaphore_mem>>
      %dma_start3A_200 = arith.constant 0 : i32
      %dma_start3A_201 = tpu.memref_slice %arg8[%run_scoped3A_7, %dma_start3A_200] : memref<2x400xi32, #tpu.memory_space<vmem>> -> memref<1x200xi32, #tpu.memory_space<vmem>>
      %dma_start3A_202 = tpu.memref_squeeze %dma_start3A_201 : memref<1x200xi32, #tpu.memory_space<vmem>> -> memref<200xi32, #tpu.memory_space<vmem>>
      %dma_start3A_203 = arith.constant 0 : i32
      %dma_start3A_204 = tpu.memref_slice %arg3[%add3A_6, %dma_start3A_203] : memref<4096x200xi32, #tpu.memory_space<hbm>> -> memref<1x200xi32, #tpu.memory_space<hbm>>
      %dma_start3A_205 = tpu.memref_squeeze %dma_start3A_204 : memref<1x200xi32, #tpu.memory_space<hbm>> -> memref<200xi32, #tpu.memory_space<hbm>>
      %dma_start3A_206 = arith.constant 0 : i32
      %dma_start3A_207 = tpu.memref_slice %arg8[%run_scoped3A_7, %dma_start3A_206] : memref<2x400xi32, #tpu.memory_space<vmem>> -> memref<1x200xi32, #tpu.memory_space<vmem>>
      %dma_start3A_208 = tpu.memref_squeeze %dma_start3A_207 : memref<1x200xi32, #tpu.memory_space<vmem>> -> memref<200xi32, #tpu.memory_space<vmem>>
      %dma_start3A_209 = arith.constant 0 : i32
      %dma_start3A_210 = tpu.memref_slice %arg3[%add3A_6, %dma_start3A_209] : memref<4096x200xi32, #tpu.memory_space<hbm>> -> memref<1x200xi32, #tpu.memory_space<hbm>>
      %dma_start3A_211 = tpu.memref_squeeze %dma_start3A_210 : memref<1x200xi32, #tpu.memory_space<hbm>> -> memref<200xi32, #tpu.memory_space<hbm>>
      tpu.enqueue_dma source(%dma_start3A_211 : memref<200xi32, #tpu.memory_space<hbm>>) target(%dma_start3A_208 : memref<200xi32, #tpu.memory_space<vmem>>) target_semaphore(%run_scoped3A_199 : memref<!tpu.dma_semaphore, #tpu.memory_space<semaphore_mem>>)
      %dma_wait3A_212 = arith.constant 0 : i32
      %dma_wait3A_213 = tpu.memref_slice %arg8[%run_scoped3A_7, %dma_wait3A_212] : memref<2x400xi32, #tpu.memory_space<vmem>> -> memref<1x200xi32, #tpu.memory_space<vmem>>
      %dma_wait3A_214 = tpu.memref_squeeze %dma_wait3A_213 : memref<1x200xi32, #tpu.memory_space<vmem>> -> memref<200xi32, #tpu.memory_space<vmem>>
      %dma_wait3A_215 = arith.constant 0 : i32
      %dma_wait3A_216 = tpu.memref_slice %arg3[%add3A_6, %dma_wait3A_215] : memref<4096x200xi32, #tpu.memory_space<hbm>> -> memref<1x200xi32, #tpu.memory_space<hbm>>
      %dma_wait3A_217 = tpu.memref_squeeze %dma_wait3A_216 : memref<1x200xi32, #tpu.memory_space<hbm>> -> memref<200xi32, #tpu.memory_space<hbm>>
      %dma_wait3A_218 = arith.constant 0 : i32
      %dma_wait3A_219 = tpu.memref_slice %arg8[%run_scoped3A_7, %dma_wait3A_218] : memref<2x400xi32, #tpu.memory_space<vmem>> -> memref<1x200xi32, #tpu.memory_space<vmem>>
      %dma_wait3A_220 = tpu.memref_squeeze %dma_wait3A_219 : memref<1x200xi32, #tpu.memory_space<vmem>> -> memref<200xi32, #tpu.memory_space<vmem>>
      %dma_wait3A_221 = arith.constant 0 : i32
      %dma_wait3A_222 = tpu.memref_slice %arg3[%add3A_6, %dma_wait3A_221] : memref<4096x200xi32, #tpu.memory_space<hbm>> -> memref<1x200xi32, #tpu.memory_space<hbm>>
      %dma_wait3A_223 = tpu.memref_squeeze %dma_wait3A_222 : memref<1x200xi32, #tpu.memory_space<hbm>> -> memref<200xi32, #tpu.memory_space<hbm>>
      tpu.wait_dma2 semaphore(%run_scoped3A_199 : memref<!tpu.dma_semaphore, #tpu.memory_space<semaphore_mem>>) src(%dma_wait3A_223 : memref<200xi32, #tpu.memory_space<hbm>>) dst(%dma_wait3A_220 : memref<200xi32, #tpu.memory_space<vmem>>)
      tpu.yield
    }) : () -> ()
    %add3A_8 = arith.constant 1 : i32
    %add3A_9 = arith.addi %mul3A_2, %add3A_8 : i32
    %run_scoped3A_10 = arith.constant 0 : i32
    "tpu.region"() ({
      %run_scoped3A_199 = tpu.sem_alloc : memref<!tpu.dma_semaphore, #tpu.memory_space<semaphore_mem>>
      %dma_start3A_200 = arith.constant 200 : i32
      %dma_start3A_201 = tpu.memref_slice %arg7[%run_scoped3A_10, %dma_start3A_200] : memref<2x400xi32, #tpu.memory_space<vmem>> -> memref<1x200xi32, #tpu.memory_space<vmem>>
      %dma_start3A_202 = tpu.memref_squeeze %dma_start3A_201 : memref<1x200xi32, #tpu.memory_space<vmem>> -> memref<200xi32, #tpu.memory_space<vmem>>
      %dma_start3A_203 = arith.constant 0 : i32
      %dma_start3A_204 = tpu.memref_slice %arg2[%add3A_9, %dma_start3A_203] : memref<4096x200xi32, #tpu.memory_space<hbm>> -> memref<1x200xi32, #tpu.memory_space<hbm>>
      %dma_start3A_205 = tpu.memref_squeeze %dma_start3A_204 : memref<1x200xi32, #tpu.memory_space<hbm>> -> memref<200xi32, #tpu.memory_space<hbm>>
      %dma_start3A_206 = arith.constant 200 : i32
      %dma_start3A_207 = tpu.memref_slice %arg7[%run_scoped3A_10, %dma_start3A_206] : memref<2x400xi32, #tpu.memory_space<vmem>> -> memref<1x200xi32, #tpu.memory_space<vmem>>
      %dma_start3A_208 = tpu.memref_squeeze %dma_start3A_207 : memref<1x200xi32, #tpu.memory_space<vmem>> -> memref<200xi32, #tpu.memory_space<vmem>>
      %dma_start3A_209 = arith.constant 0 : i32
      %dma_start3A_210 = tpu.memref_slice %arg2[%add3A_9, %dma_start3A_209] : memref<4096x200xi32, #tpu.memory_space<hbm>> -> memref<1x200xi32, #tpu.memory_space<hbm>>
      %dma_start3A_211 = tpu.memref_squeeze %dma_start3A_210 : memref<1x200xi32, #tpu.memory_space<hbm>> -> memref<200xi32, #tpu.memory_space<hbm>>
      tpu.enqueue_dma source(%dma_start3A_211 : memref<200xi32, #tpu.memory_space<hbm>>) target(%dma_start3A_208 : memref<200xi32, #tpu.memory_space<vmem>>) target_semaphore(%run_scoped3A_199 : memref<!tpu.dma_semaphore, #tpu.memory_space<semaphore_mem>>)
      %dma_wait3A_212 = arith.constant 200 : i32
      %dma_wait3A_213 = tpu.memref_slice %arg7[%run_scoped3A_10, %dma_wait3A_212] : memref<2x400xi32, #tpu.memory_space<vmem>> -> memref<1x200xi32, #tpu.memory_space<vmem>>
      %dma_wait3A_214 = tpu.memref_squeeze %dma_wait3A_213 : memref<1x200xi32, #tpu.memory_space<vmem>> -> memref<200xi32, #tpu.memory_space<vmem>>
      %dma_wait3A_215 = arith.constant 0 : i32
      %dma_wait3A_216 = tpu.memref_slice %arg2[%add3A_9, %dma_wait3A_215] : memref<4096x200xi32, #tpu.memory_space<hbm>> -> memref<1x200xi32, #tpu.memory_space<hbm>>
      %dma_wait3A_217 = tpu.memref_squeeze %dma_wait3A_216 : memref<1x200xi32, #tpu.memory_space<hbm>> -> memref<200xi32, #tpu.memory_space<hbm>>
      %dma_wait3A_218 = arith.constant 200 : i32
      %dma_wait3A_219 = tpu.memref_slice %arg7[%run_scoped3A_10, %dma_wait3A_218] : memref<2x400xi32, #tpu.memory_space<vmem>> -> memref<1x200xi32, #tpu.memory_space<vmem>>
      %dma_wait3A_220 = tpu.memref_squeeze %dma_wait3A_219 : memref<1x200xi32, #tpu.memory_space<vmem>> -> memref<200xi32, #tpu.memory_space<vmem>>
      %dma_wait3A_221 = arith.constant 0 : i32
      %dma_wait3A_222 = tpu.memref_slice %arg2[%add3A_9, %dma_wait3A_221] : memref<4096x200xi32, #tpu.memory_space<hbm>> -> memref<1x200xi32, #tpu.memory_space<hbm>>
      %dma_wait3A_223 = tpu.memref_squeeze %dma_wait3A_222 : memref<1x200xi32, #tpu.memory_space<hbm>> -> memref<200xi32, #tpu.memory_space<hbm>>
      tpu.wait_dma2 semaphore(%run_scoped3A_199 : memref<!tpu.dma_semaphore, #tpu.memory_space<semaphore_mem>>) src(%dma_wait3A_223 : memref<200xi32, #tpu.memory_space<hbm>>) dst(%dma_wait3A_220 : memref<200xi32, #tpu.memory_space<vmem>>)
      tpu.yield
    }) : () -> ()
    %add3A_11 = arith.constant 1 : i32
    %add3A_12 = arith.addi %mul3A_2, %add3A_11 : i32
    %run_scoped3A_13 = arith.constant 0 : i32
    "tpu.region"() ({
      %run_scoped3A_199 = tpu.sem_alloc : memref<!tpu.dma_semaphore, #tpu.memory_space<semaphore_mem>>
      %dma_start3A_200 = arith.constant 200 : i32
      %dma_start3A_201 = tpu.memref_slice %arg8[%run_scoped3A_13, %dma_start3A_200] : memref<2x400xi32, #tpu.memory_space<vmem>> -> memref<1x200xi32, #tpu.memory_space<vmem>>
      %dma_start3A_202 = tpu.memref_squeeze %dma_start3A_201 : memref<1x200xi32, #tpu.memory_space<vmem>> -> memref<200xi32, #tpu.memory_space<vmem>>
      %dma_start3A_203 = arith.constant 0 : i32
      %dma_start3A_204 = tpu.memref_slice %arg3[%add3A_12, %dma_start3A_203] : memref<4096x200xi32, #tpu.memory_space<hbm>> -> memref<1x200xi32, #tpu.memory_space<hbm>>
      %dma_start3A_205 = tpu.memref_squeeze %dma_start3A_204 : memref<1x200xi32, #tpu.memory_space<hbm>> -> memref<200xi32, #tpu.memory_space<hbm>>
      %dma_start3A_206 = arith.constant 200 : i32
      %dma_start3A_207 = tpu.memref_slice %arg8[%run_scoped3A_13, %dma_start3A_206] : memref<2x400xi32, #tpu.memory_space<vmem>> -> memref<1x200xi32, #tpu.memory_space<vmem>>
      %dma_start3A_208 = tpu.memref_squeeze %dma_start3A_207 : memref<1x200xi32, #tpu.memory_space<vmem>> -> memref<200xi32, #tpu.memory_space<vmem>>
      %dma_start3A_209 = arith.constant 0 : i32
      %dma_start3A_210 = tpu.memref_slice %arg3[%add3A_12, %dma_start3A_209] : memref<4096x200xi32, #tpu.memory_space<hbm>> -> memref<1x200xi32, #tpu.memory_space<hbm>>
      %dma_start3A_211 = tpu.memref_squeeze %dma_start3A_210 : memref<1x200xi32, #tpu.memory_space<hbm>> -> memref<200xi32, #tpu.memory_space<hbm>>
      tpu.enqueue_dma source(%dma_start3A_211 : memref<200xi32, #tpu.memory_space<hbm>>) target(%dma_start3A_208 : memref<200xi32, #tpu.memory_space<vmem>>) target_semaphore(%run_scoped3A_199 : memref<!tpu.dma_semaphore, #tpu.memory_space<semaphore_mem>>)
      %dma_wait3A_212 = arith.constant 200 : i32
      %dma_wait3A_213 = tpu.memref_slice %arg8[%run_scoped3A_13, %dma_wait3A_212] : memref<2x400xi32, #tpu.memory_space<vmem>> -> memref<1x200xi32, #tpu.memory_space<vmem>>
      %dma_wait3A_214 = tpu.memref_squeeze %dma_wait3A_213 : memref<1x200xi32, #tpu.memory_space<vmem>> -> memref<200xi32, #tpu.memory_space<vmem>>
      %dma_wait3A_215 = arith.constant 0 : i32
      %dma_wait3A_216 = tpu.memref_slice %arg3[%add3A_12, %dma_wait3A_215] : memref<4096x200xi32, #tpu.memory_space<hbm>> -> memref<1x200xi32, #tpu.memory_space<hbm>>
      %dma_wait3A_217 = tpu.memref_squeeze %dma_wait3A_216 : memref<1x200xi32, #tpu.memory_space<hbm>> -> memref<200xi32, #tpu.memory_space<hbm>>
      %dma_wait3A_218 = arith.constant 200 : i32
      %dma_wait3A_219 = tpu.memref_slice %arg8[%run_scoped3A_13, %dma_wait3A_218] : memref<2x400xi32, #tpu.memory_space<vmem>> -> memref<1x200xi32, #tpu.memory_space<vmem>>
      %dma_wait3A_220 = tpu.memref_squeeze %dma_wait3A_219 : memref<1x200xi32, #tpu.memory_space<vmem>> -> memref<200xi32, #tpu.memory_space<vmem>>
      %dma_wait3A_221 = arith.constant 0 : i32
      %dma_wait3A_222 = tpu.memref_slice %arg3[%add3A_12, %dma_wait3A_221] : memref<4096x200xi32, #tpu.memory_space<hbm>> -> memref<1x200xi32, #tpu.memory_space<hbm>>
      %dma_wait3A_223 = tpu.memref_squeeze %dma_wait3A_222 : memref<1x200xi32, #tpu.memory_space<hbm>> -> memref<200xi32, #tpu.memory_space<hbm>>
      tpu.wait_dma2 semaphore(%run_scoped3A_199 : memref<!tpu.dma_semaphore, #tpu.memory_space<semaphore_mem>>) src(%dma_wait3A_223 : memref<200xi32, #tpu.memory_space<hbm>>) dst(%dma_wait3A_220 : memref<200xi32, #tpu.memory_space<vmem>>)
      tpu.yield
    }) : () -> ()
    %dma_start3A = arith.constant 0 : i32
    %dma_start3A_14 = arith.constant 0 : i32
    %dma_start3A_15 = arith.constant 0 : i32
    %dma_start3A_16 = arith.constant 0 : i32
    %dma_start3A_17 = tpu.memref_slice %arg9[%dma_start3A_14, %dma_start3A_15, %dma_start3A_16] : memref<2x400x64xf32, #tpu.memory_space<vmem>> -> memref<1x128x64xf32, #tpu.memory_space<vmem>>
    %dma_start3A_18 = tpu.memref_squeeze %dma_start3A_17 : memref<1x128x64xf32, #tpu.memory_space<vmem>> -> memref<128x64xf32, #tpu.memory_space<vmem>>
    %dma_start3A_19 = arith.constant 0 : i32
    %dma_start3A_20 = tpu.memref_slice %arg7[%dma_start3A, %dma_start3A_19] : memref<2x400xi32, #tpu.memory_space<vmem>> -> memref<1x128xi32, #tpu.memory_space<vmem>>
    %dma_start3A_21 = tpu.memref_squeeze %dma_start3A_20 : memref<1x128xi32, #tpu.memory_space<vmem>> -> memref<128xi32, #tpu.memory_space<vmem>>
    %dma_start3A_22 = arith.constant 0 : i32
    %dma_start3A_23 = arith.constant 0 : i32
    %dma_start3A_24 = tpu.memref_slice %arg4[%dma_start3A_22, %dma_start3A_23] : memref<1000000x64xf32, #tpu.memory_space<hbm>> -> memref<1000000x64xf32, #tpu.memory_space<hbm>>
    tpu.enqueue_indirect_dma source(%dma_start3A_24 : memref<1000000x64xf32, #tpu.memory_space<hbm>>) target(%dma_start3A_18 : memref<128x64xf32, #tpu.memory_space<vmem>>) offsets(%dma_start3A_21 : memref<128xi32, #tpu.memory_space<vmem>>) semaphore(%arg11 : memref<!tpu.dma_semaphore, #tpu.memory_space<semaphore_mem>>)
    %dma_start3A_25 = arith.constant 0 : i32
    %dma_start3A_26 = arith.constant 0 : i32
    %dma_start3A_27 = arith.constant 128 : i32
    %dma_start3A_28 = arith.constant 0 : i32
    %dma_start3A_29 = tpu.memref_slice %arg9[%dma_start3A_26, %dma_start3A_27, %dma_start3A_28] : memref<2x400x64xf32, #tpu.memory_space<vmem>> -> memref<1x72x64xf32, #tpu.memory_space<vmem>>
    %dma_start3A_30 = tpu.memref_squeeze %dma_start3A_29 : memref<1x72x64xf32, #tpu.memory_space<vmem>> -> memref<72x64xf32, #tpu.memory_space<vmem>>
    %dma_start3A_31 = arith.constant 128 : i32
    %dma_start3A_32 = tpu.memref_slice %arg7[%dma_start3A_25, %dma_start3A_31] : memref<2x400xi32, #tpu.memory_space<vmem>> -> memref<1x72xi32, #tpu.memory_space<vmem>>
    %dma_start3A_33 = tpu.memref_squeeze %dma_start3A_32 : memref<1x72xi32, #tpu.memory_space<vmem>> -> memref<72xi32, #tpu.memory_space<vmem>>
    %dma_start3A_34 = arith.constant 0 : i32
    %dma_start3A_35 = arith.constant 0 : i32
    %dma_start3A_36 = tpu.memref_slice %arg4[%dma_start3A_34, %dma_start3A_35] : memref<1000000x64xf32, #tpu.memory_space<hbm>> -> memref<1000000x64xf32, #tpu.memory_space<hbm>>
    tpu.enqueue_indirect_dma source(%dma_start3A_36 : memref<1000000x64xf32, #tpu.memory_space<hbm>>) target(%dma_start3A_30 : memref<72x64xf32, #tpu.memory_space<vmem>>) offsets(%dma_start3A_33 : memref<72xi32, #tpu.memory_space<vmem>>) semaphore(%arg11 : memref<!tpu.dma_semaphore, #tpu.memory_space<semaphore_mem>>)
    %dma_start3A_37 = arith.constant 0 : i32
    %dma_start3A_38 = arith.constant 0 : i32
    %dma_start3A_39 = arith.constant 200 : i32
    %dma_start3A_40 = arith.constant 0 : i32
    %dma_start3A_41 = tpu.memref_slice %arg9[%dma_start3A_38, %dma_start3A_39, %dma_start3A_40] : memref<2x400x64xf32, #tpu.memory_space<vmem>> -> memref<1x128x64xf32, #tpu.memory_space<vmem>>
    %dma_start3A_42 = tpu.memref_squeeze %dma_start3A_41 : memref<1x128x64xf32, #tpu.memory_space<vmem>> -> memref<128x64xf32, #tpu.memory_space<vmem>>
    %dma_start3A_43 = arith.constant 200 : i32
    %dma_start3A_44 = tpu.memref_slice %arg7[%dma_start3A_37, %dma_start3A_43] : memref<2x400xi32, #tpu.memory_space<vmem>> -> memref<1x128xi32, #tpu.memory_space<vmem>>
    %dma_start3A_45 = tpu.memref_squeeze %dma_start3A_44 : memref<1x128xi32, #tpu.memory_space<vmem>> -> memref<128xi32, #tpu.memory_space<vmem>>
    %dma_start3A_46 = arith.constant 0 : i32
    %dma_start3A_47 = arith.constant 0 : i32
    %dma_start3A_48 = tpu.memref_slice %arg4[%dma_start3A_46, %dma_start3A_47] : memref<1000000x64xf32, #tpu.memory_space<hbm>> -> memref<1000000x64xf32, #tpu.memory_space<hbm>>
    tpu.enqueue_indirect_dma source(%dma_start3A_48 : memref<1000000x64xf32, #tpu.memory_space<hbm>>) target(%dma_start3A_42 : memref<128x64xf32, #tpu.memory_space<vmem>>) offsets(%dma_start3A_45 : memref<128xi32, #tpu.memory_space<vmem>>) semaphore(%arg11 : memref<!tpu.dma_semaphore, #tpu.memory_space<semaphore_mem>>)
    %dma_start3A_49 = arith.constant 0 : i32
    %dma_start3A_50 = arith.constant 0 : i32
    %dma_start3A_51 = arith.constant 328 : i32
    %dma_start3A_52 = arith.constant 0 : i32
    %dma_start3A_53 = tpu.memref_slice %arg9[%dma_start3A_50, %dma_start3A_51, %dma_start3A_52] : memref<2x400x64xf32, #tpu.memory_space<vmem>> -> memref<1x72x64xf32, #tpu.memory_space<vmem>>
    %dma_start3A_54 = tpu.memref_squeeze %dma_start3A_53 : memref<1x72x64xf32, #tpu.memory_space<vmem>> -> memref<72x64xf32, #tpu.memory_space<vmem>>
    %dma_start3A_55 = arith.constant 328 : i32
    %dma_start3A_56 = tpu.memref_slice %arg7[%dma_start3A_49, %dma_start3A_55] : memref<2x400xi32, #tpu.memory_space<vmem>> -> memref<1x72xi32, #tpu.memory_space<vmem>>
    %dma_start3A_57 = tpu.memref_squeeze %dma_start3A_56 : memref<1x72xi32, #tpu.memory_space<vmem>> -> memref<72xi32, #tpu.memory_space<vmem>>
    %dma_start3A_58 = arith.constant 0 : i32
    %dma_start3A_59 = arith.constant 0 : i32
    %dma_start3A_60 = tpu.memref_slice %arg4[%dma_start3A_58, %dma_start3A_59] : memref<1000000x64xf32, #tpu.memory_space<hbm>> -> memref<1000000x64xf32, #tpu.memory_space<hbm>>
    tpu.enqueue_indirect_dma source(%dma_start3A_60 : memref<1000000x64xf32, #tpu.memory_space<hbm>>) target(%dma_start3A_54 : memref<72x64xf32, #tpu.memory_space<vmem>>) offsets(%dma_start3A_57 : memref<72xi32, #tpu.memory_space<vmem>>) semaphore(%arg11 : memref<!tpu.dma_semaphore, #tpu.memory_space<semaphore_mem>>)
    %add3A_61 = arith.constant 2 : i32
    %add3A_62 = arith.addi %mul3A_2, %add3A_61 : i32
    %add3A_63 = arith.constant 0 : i32
    %add3A_64 = arith.addi %add3A_62, %add3A_63 : i32
    %dma_start3A_65 = arith.constant 1 : i32
    %dma_start3A_66 = arith.constant 0 : i32
    %dma_start3A_67 = tpu.memref_slice %arg7[%dma_start3A_65, %dma_start3A_66] : memref<2x400xi32, #tpu.memory_space<vmem>> -> memref<1x200xi32, #tpu.memory_space<vmem>>
    %dma_start3A_68 = tpu.memref_squeeze %dma_start3A_67 : memref<1x200xi32, #tpu.memory_space<vmem>> -> memref<200xi32, #tpu.memory_space<vmem>>
    %dma_start3A_69 = arith.constant 0 : i32
    %dma_start3A_70 = tpu.memref_slice %arg2[%add3A_64, %dma_start3A_69] : memref<4096x200xi32, #tpu.memory_space<hbm>> -> memref<1x200xi32, #tpu.memory_space<hbm>>
    %dma_start3A_71 = tpu.memref_squeeze %dma_start3A_70 : memref<1x200xi32, #tpu.memory_space<hbm>> -> memref<200xi32, #tpu.memory_space<hbm>>
    %dma_start3A_72 = arith.constant 0 : i32
    %dma_start3A_73 = tpu.memref_slice %arg7[%dma_start3A_65, %dma_start3A_72] : memref<2x400xi32, #tpu.memory_space<vmem>> -> memref<1x200xi32, #tpu.memory_space<vmem>>
    %dma_start3A_74 = tpu.memref_squeeze %dma_start3A_73 : memref<1x200xi32, #tpu.memory_space<vmem>> -> memref<200xi32, #tpu.memory_space<vmem>>
    %dma_start3A_75 = arith.constant 0 : i32
    %dma_start3A_76 = tpu.memref_slice %arg2[%add3A_64, %dma_start3A_75] : memref<4096x200xi32, #tpu.memory_space<hbm>> -> memref<1x200xi32, #tpu.memory_space<hbm>>
    %dma_start3A_77 = tpu.memref_squeeze %dma_start3A_76 : memref<1x200xi32, #tpu.memory_space<hbm>> -> memref<200xi32, #tpu.memory_space<hbm>>
    tpu.enqueue_dma source(%dma_start3A_77 : memref<200xi32, #tpu.memory_space<hbm>>) target(%dma_start3A_74 : memref<200xi32, #tpu.memory_space<vmem>>) target_semaphore(%arg16 : memref<!tpu.dma_semaphore, #tpu.memory_space<semaphore_mem>>)
    %add3A_78 = arith.constant 0 : i32
    %add3A_79 = arith.addi %add3A_62, %add3A_78 : i32
    %dma_start3A_80 = arith.constant 1 : i32
    %dma_start3A_81 = arith.constant 0 : i32
    %dma_start3A_82 = tpu.memref_slice %arg8[%dma_start3A_80, %dma_start3A_81] : memref<2x400xi32, #tpu.memory_space<vmem>> -> memref<1x200xi32, #tpu.memory_space<vmem>>
    %dma_start3A_83 = tpu.memref_squeeze %dma_start3A_82 : memref<1x200xi32, #tpu.memory_space<vmem>> -> memref<200xi32, #tpu.memory_space<vmem>>
    %dma_start3A_84 = arith.constant 0 : i32
    %dma_start3A_85 = tpu.memref_slice %arg3[%add3A_79, %dma_start3A_84] : memref<4096x200xi32, #tpu.memory_space<hbm>> -> memref<1x200xi32, #tpu.memory_space<hbm>>
    %dma_start3A_86 = tpu.memref_squeeze %dma_start3A_85 : memref<1x200xi32, #tpu.memory_space<hbm>> -> memref<200xi32, #tpu.memory_space<hbm>>
    %dma_start3A_87 = arith.constant 0 : i32
    %dma_start3A_88 = tpu.memref_slice %arg8[%dma_start3A_80, %dma_start3A_87] : memref<2x400xi32, #tpu.memory_space<vmem>> -> memref<1x200xi32, #tpu.memory_space<vmem>>
    %dma_start3A_89 = tpu.memref_squeeze %dma_start3A_88 : memref<1x200xi32, #tpu.memory_space<vmem>> -> memref<200xi32, #tpu.memory_space<vmem>>
    %dma_start3A_90 = arith.constant 0 : i32
    %dma_start3A_91 = tpu.memref_slice %arg3[%add3A_79, %dma_start3A_90] : memref<4096x200xi32, #tpu.memory_space<hbm>> -> memref<1x200xi32, #tpu.memory_space<hbm>>
    %dma_start3A_92 = tpu.memref_squeeze %dma_start3A_91 : memref<1x200xi32, #tpu.memory_space<hbm>> -> memref<200xi32, #tpu.memory_space<hbm>>
    tpu.enqueue_dma source(%dma_start3A_92 : memref<200xi32, #tpu.memory_space<hbm>>) target(%dma_start3A_89 : memref<200xi32, #tpu.memory_space<vmem>>) target_semaphore(%arg16 : memref<!tpu.dma_semaphore, #tpu.memory_space<semaphore_mem>>)
    %add3A_93 = arith.constant 1 : i32
    %add3A_94 = arith.addi %add3A_62, %add3A_93 : i32
    %dma_start3A_95 = arith.constant 1 : i32
    %dma_start3A_96 = arith.constant 200 : i32
    %dma_start3A_97 = tpu.memref_slice %arg7[%dma_start3A_95, %dma_start3A_96] : memref<2x400xi32, #tpu.memory_space<vmem>> -> memref<1x200xi32, #tpu.memory_space<vmem>>
    %dma_start3A_98 = tpu.memref_squeeze %dma_start3A_97 : memref<1x200xi32, #tpu.memory_space<vmem>> -> memref<200xi32, #tpu.memory_space<vmem>>
    %dma_start3A_99 = arith.constant 0 : i32
    %dma_start3A_100 = tpu.memref_slice %arg2[%add3A_94, %dma_start3A_99] : memref<4096x200xi32, #tpu.memory_space<hbm>> -> memref<1x200xi32, #tpu.memory_space<hbm>>
    %dma_start3A_101 = tpu.memref_squeeze %dma_start3A_100 : memref<1x200xi32, #tpu.memory_space<hbm>> -> memref<200xi32, #tpu.memory_space<hbm>>
    %dma_start3A_102 = arith.constant 200 : i32
    %dma_start3A_103 = tpu.memref_slice %arg7[%dma_start3A_95, %dma_start3A_102] : memref<2x400xi32, #tpu.memory_space<vmem>> -> memref<1x200xi32, #tpu.memory_space<vmem>>
    %dma_start3A_104 = tpu.memref_squeeze %dma_start3A_103 : memref<1x200xi32, #tpu.memory_space<vmem>> -> memref<200xi32, #tpu.memory_space<vmem>>
    %dma_start3A_105 = arith.constant 0 : i32
    %dma_start3A_106 = tpu.memref_slice %arg2[%add3A_94, %dma_start3A_105] : memref<4096x200xi32, #tpu.memory_space<hbm>> -> memref<1x200xi32, #tpu.memory_space<hbm>>
    %dma_start3A_107 = tpu.memref_squeeze %dma_start3A_106 : memref<1x200xi32, #tpu.memory_space<hbm>> -> memref<200xi32, #tpu.memory_space<hbm>>
    tpu.enqueue_dma source(%dma_start3A_107 : memref<200xi32, #tpu.memory_space<hbm>>) target(%dma_start3A_104 : memref<200xi32, #tpu.memory_space<vmem>>) target_semaphore(%arg16 : memref<!tpu.dma_semaphore, #tpu.memory_space<semaphore_mem>>)
    %add3A_108 = arith.constant 1 : i32
    %add3A_109 = arith.addi %add3A_62, %add3A_108 : i32
    %dma_start3A_110 = arith.constant 1 : i32
    %dma_start3A_111 = arith.constant 200 : i32
    %dma_start3A_112 = tpu.memref_slice %arg8[%dma_start3A_110, %dma_start3A_111] : memref<2x400xi32, #tpu.memory_space<vmem>> -> memref<1x200xi32, #tpu.memory_space<vmem>>
    %dma_start3A_113 = tpu.memref_squeeze %dma_start3A_112 : memref<1x200xi32, #tpu.memory_space<vmem>> -> memref<200xi32, #tpu.memory_space<vmem>>
    %dma_start3A_114 = arith.constant 0 : i32
    %dma_start3A_115 = tpu.memref_slice %arg3[%add3A_109, %dma_start3A_114] : memref<4096x200xi32, #tpu.memory_space<hbm>> -> memref<1x200xi32, #tpu.memory_space<hbm>>
    %dma_start3A_116 = tpu.memref_squeeze %dma_start3A_115 : memref<1x200xi32, #tpu.memory_space<hbm>> -> memref<200xi32, #tpu.memory_space<hbm>>
    %dma_start3A_117 = arith.constant 200 : i32
    %dma_start3A_118 = tpu.memref_slice %arg8[%dma_start3A_110, %dma_start3A_117] : memref<2x400xi32, #tpu.memory_space<vmem>> -> memref<1x200xi32, #tpu.memory_space<vmem>>
    %dma_start3A_119 = tpu.memref_squeeze %dma_start3A_118 : memref<1x200xi32, #tpu.memory_space<vmem>> -> memref<200xi32, #tpu.memory_space<vmem>>
    %dma_start3A_120 = arith.constant 0 : i32
    %dma_start3A_121 = tpu.memref_slice %arg3[%add3A_109, %dma_start3A_120] : memref<4096x200xi32, #tpu.memory_space<hbm>> -> memref<1x200xi32, #tpu.memory_space<hbm>>
    %dma_start3A_122 = tpu.memref_squeeze %dma_start3A_121 : memref<1x200xi32, #tpu.memory_space<hbm>> -> memref<200xi32, #tpu.memory_space<hbm>>
    tpu.enqueue_dma source(%dma_start3A_122 : memref<200xi32, #tpu.memory_space<hbm>>) target(%dma_start3A_119 : memref<200xi32, #tpu.memory_space<vmem>>) target_semaphore(%arg16 : memref<!tpu.dma_semaphore, #tpu.memory_space<semaphore_mem>>)
    %scan3A = arith.constant 0 : i32
    %scan3A_123 = arith.constant 0 : i32
    %scan3A_124 = arith.constant 32 : i32
    %scan3A_125 = arith.addi %scan3A_123, %scan3A_124 : i32
    %scan3A_126 = arith.constant 1 : i32
    scf.for %scan3A_199 = %scan3A_123 to %scan3A_125 step %scan3A_126  : i32 {
      %mul3A_200 = arith.constant 2 : i32
      %mul3A_201 = arith.muli %mul3A_200, %scan3A_199 : i32
      %add3A_202 = arith.constant 0 : i32
      %add3A_203 = arith.addi %mul3A_201, %add3A_202 : i32
      %dma_wait3A_204 = arith.constant 0 : i32
      %dma_wait3A_205 = arith.constant 1 : i32
      %dma_wait3A_206 = arith.constant 0 : i32
      %dma_wait3A_207 = tpu.memref_slice %arg7[%dma_wait3A_205, %dma_wait3A_206] : memref<2x400xi32, #tpu.memory_space<vmem>> -> memref<1x200xi32, #tpu.memory_space<vmem>>
      %dma_wait3A_208 = tpu.memref_squeeze %dma_wait3A_207 : memref<1x200xi32, #tpu.memory_space<vmem>> -> memref<200xi32, #tpu.memory_space<vmem>>
      %dma_wait3A_209 = arith.constant 0 : i32
      %dma_wait3A_210 = tpu.memref_slice %arg2[%dma_wait3A_204, %dma_wait3A_209] : memref<4096x200xi32, #tpu.memory_space<hbm>> -> memref<1x200xi32, #tpu.memory_space<hbm>>
      %dma_wait3A_211 = tpu.memref_squeeze %dma_wait3A_210 : memref<1x200xi32, #tpu.memory_space<hbm>> -> memref<200xi32, #tpu.memory_space<hbm>>
      %dma_wait3A_212 = arith.constant 0 : i32
      %dma_wait3A_213 = tpu.memref_slice %arg7[%dma_wait3A_205, %dma_wait3A_212] : memref<2x400xi32, #tpu.memory_space<vmem>> -> memref<1x200xi32, #tpu.memory_space<vmem>>
      %dma_wait3A_214 = tpu.memref_squeeze %dma_wait3A_213 : memref<1x200xi32, #tpu.memory_space<vmem>> -> memref<200xi32, #tpu.memory_space<vmem>>
      %dma_wait3A_215 = arith.constant 0 : i32
      %dma_wait3A_216 = tpu.memref_slice %arg2[%dma_wait3A_204, %dma_wait3A_215] : memref<4096x200xi32, #tpu.memory_space<hbm>> -> memref<1x200xi32, #tpu.memory_space<hbm>>
      %dma_wait3A_217 = tpu.memref_squeeze %dma_wait3A_216 : memref<1x200xi32, #tpu.memory_space<hbm>> -> memref<200xi32, #tpu.memory_space<hbm>>
      tpu.wait_dma2 semaphore(%arg16 : memref<!tpu.dma_semaphore, #tpu.memory_space<semaphore_mem>>) src(%dma_wait3A_217 : memref<200xi32, #tpu.memory_space<hbm>>) dst(%dma_wait3A_214 : memref<200xi32, #tpu.memory_space<vmem>>)
      %dma_wait3A_218 = arith.constant 0 : i32
      %dma_wait3A_219 = arith.constant 1 : i32
      %dma_wait3A_220 = arith.constant 200 : i32
      %dma_wait3A_221 = tpu.memref_slice %arg7[%dma_wait3A_219, %dma_wait3A_220] : memref<2x400xi32, #tpu.memory_space<vmem>> -> memref<1x200xi32, #tpu.memory_space<vmem>>
      %dma_wait3A_222 = tpu.memref_squeeze %dma_wait3A_221 : memref<1x200xi32, #tpu.memory_space<vmem>> -> memref<200xi32, #tpu.memory_space<vmem>>
      %dma_wait3A_223 = arith.constant 0 : i32
      %dma_wait3A_224 = tpu.memref_slice %arg2[%dma_wait3A_218, %dma_wait3A_223] : memref<4096x200xi32, #tpu.memory_space<hbm>> -> memref<1x200xi32, #tpu.memory_space<hbm>>
      %dma_wait3A_225 = tpu.memref_squeeze %dma_wait3A_224 : memref<1x200xi32, #tpu.memory_space<hbm>> -> memref<200xi32, #tpu.memory_space<hbm>>
      %dma_wait3A_226 = arith.constant 200 : i32
      %dma_wait3A_227 = tpu.memref_slice %arg7[%dma_wait3A_219, %dma_wait3A_226] : memref<2x400xi32, #tpu.memory_space<vmem>> -> memref<1x200xi32, #tpu.memory_space<vmem>>
      %dma_wait3A_228 = tpu.memref_squeeze %dma_wait3A_227 : memref<1x200xi32, #tpu.memory_space<vmem>> -> memref<200xi32, #tpu.memory_space<vmem>>
      %dma_wait3A_229 = arith.constant 0 : i32
      %dma_wait3A_230 = tpu.memref_slice %arg2[%dma_wait3A_218, %dma_wait3A_229] : memref<4096x200xi32, #tpu.memory_space<hbm>> -> memref<1x200xi32, #tpu.memory_space<hbm>>
      %dma_wait3A_231 = tpu.memref_squeeze %dma_wait3A_230 : memref<1x200xi32, #tpu.memory_space<hbm>> -> memref<200xi32, #tpu.memory_space<hbm>>
      tpu.wait_dma2 semaphore(%arg16 : memref<!tpu.dma_semaphore, #tpu.memory_space<semaphore_mem>>) src(%dma_wait3A_231 : memref<200xi32, #tpu.memory_space<hbm>>) dst(%dma_wait3A_228 : memref<200xi32, #tpu.memory_space<vmem>>)
      %dma_wait3A_232 = arith.constant 0 : i32
      %dma_wait3A_233 = arith.constant 1 : i32
      %dma_wait3A_234 = arith.constant 0 : i32
      %dma_wait3A_235 = tpu.memref_slice %arg8[%dma_wait3A_233, %dma_wait3A_234] : memref<2x400xi32, #tpu.memory_space<vmem>> -> memref<1x200xi32, #tpu.memory_space<vmem>>
      %dma_wait3A_236 = tpu.memref_squeeze %dma_wait3A_235 : memref<1x200xi32, #tpu.memory_space<vmem>> -> memref<200xi32, #tpu.memory_space<vmem>>
      %dma_wait3A_237 = arith.constant 0 : i32
      %dma_wait3A_238 = tpu.memref_slice %arg2[%dma_wait3A_232, %dma_wait3A_237] : memref<4096x200xi32, #tpu.memory_space<hbm>> -> memref<1x200xi32, #tpu.memory_space<hbm>>
      %dma_wait3A_239 = tpu.memref_squeeze %dma_wait3A_238 : memref<1x200xi32, #tpu.memory_space<hbm>> -> memref<200xi32, #tpu.memory_space<hbm>>
      %dma_wait3A_240 = arith.constant 0 : i32
      %dma_wait3A_241 = tpu.memref_slice %arg8[%dma_wait3A_233, %dma_wait3A_240] : memref<2x400xi32, #tpu.memory_space<vmem>> -> memref<1x200xi32, #tpu.memory_space<vmem>>
      %dma_wait3A_242 = tpu.memref_squeeze %dma_wait3A_241 : memref<1x200xi32, #tpu.memory_space<vmem>> -> memref<200xi32, #tpu.memory_space<vmem>>
      %dma_wait3A_243 = arith.constant 0 : i32
      %dma_wait3A_244 = tpu.memref_slice %arg2[%dma_wait3A_232, %dma_wait3A_243] : memref<4096x200xi32, #tpu.memory_space<hbm>> -> memref<1x200xi32, #tpu.memory_space<hbm>>
      %dma_wait3A_245 = tpu.memref_squeeze %dma_wait3A_244 : memref<1x200xi32, #tpu.memory_space<hbm>> -> memref<200xi32, #tpu.memory_space<hbm>>
      tpu.wait_dma2 semaphore(%arg16 : memref<!tpu.dma_semaphore, #tpu.memory_space<semaphore_mem>>) src(%dma_wait3A_245 : memref<200xi32, #tpu.memory_space<hbm>>) dst(%dma_wait3A_242 : memref<200xi32, #tpu.memory_space<vmem>>)
      %dma_wait3A_246 = arith.constant 0 : i32
      %dma_wait3A_247 = arith.constant 1 : i32
      %dma_wait3A_248 = arith.constant 200 : i32
      %dma_wait3A_249 = tpu.memref_slice %arg8[%dma_wait3A_247, %dma_wait3A_248] : memref<2x400xi32, #tpu.memory_space<vmem>> -> memref<1x200xi32, #tpu.memory_space<vmem>>
      %dma_wait3A_250 = tpu.memref_squeeze %dma_wait3A_249 : memref<1x200xi32, #tpu.memory_space<vmem>> -> memref<200xi32, #tpu.memory_space<vmem>>
      %dma_wait3A_251 = arith.constant 0 : i32
      %dma_wait3A_252 = tpu.memref_slice %arg2[%dma_wait3A_246, %dma_wait3A_251] : memref<4096x200xi32, #tpu.memory_space<hbm>> -> memref<1x200xi32, #tpu.memory_space<hbm>>
      %dma_wait3A_253 = tpu.memref_squeeze %dma_wait3A_252 : memref<1x200xi32, #tpu.memory_space<hbm>> -> memref<200xi32, #tpu.memory_space<hbm>>
      %dma_wait3A_254 = arith.constant 200 : i32
      %dma_wait3A_255 = tpu.memref_slice %arg8[%dma_wait3A_247, %dma_wait3A_254] : memref<2x400xi32, #tpu.memory_space<vmem>> -> memref<1x200xi32, #tpu.memory_space<vmem>>
      %dma_wait3A_256 = tpu.memref_squeeze %dma_wait3A_255 : memref<1x200xi32, #tpu.memory_space<vmem>> -> memref<200xi32, #tpu.memory_space<vmem>>
      %dma_wait3A_257 = arith.constant 0 : i32
      %dma_wait3A_258 = tpu.memref_slice %arg2[%dma_wait3A_246, %dma_wait3A_257] : memref<4096x200xi32, #tpu.memory_space<hbm>> -> memref<1x200xi32, #tpu.memory_space<hbm>>
      %dma_wait3A_259 = tpu.memref_squeeze %dma_wait3A_258 : memref<1x200xi32, #tpu.memory_space<hbm>> -> memref<200xi32, #tpu.memory_space<hbm>>
      tpu.wait_dma2 semaphore(%arg16 : memref<!tpu.dma_semaphore, #tpu.memory_space<semaphore_mem>>) src(%dma_wait3A_259 : memref<200xi32, #tpu.memory_space<hbm>>) dst(%dma_wait3A_256 : memref<200xi32, #tpu.memory_space<vmem>>)
      %ge3A = arith.constant 1 : i32
      %ge3A_260 = arith.cmpi sge, %scan3A_199, %ge3A : i32
      %convert_element_type3A = arith.extui %ge3A_260 : i1 to i32
      %cond3A = arith.constant 0 : i32
      %cond3A_261 = arith.cmpi ne, %convert_element_type3A, %cond3A : i32
      scf.if %cond3A_261 {
        %dma_wait3A_454 = arith.constant 1 : i32
        %dma_wait3A_455 = arith.constant 0 : i32
        %dma_wait3A_456 = arith.constant 0 : i32
        %dma_wait3A_457 = arith.constant 0 : i32
        %dma_wait3A_458 = tpu.memref_slice %arg9[%dma_wait3A_454, %dma_wait3A_456, %dma_wait3A_457] : memref<2x400x64xf32, #tpu.memory_space<vmem>> -> memref<1x200x64xf32, #tpu.memory_space<vmem>>
        %dma_wait3A_459 = tpu.memref_squeeze %dma_wait3A_458 : memref<1x200x64xf32, #tpu.memory_space<vmem>> -> memref<200x64xf32, #tpu.memory_space<vmem>>
        %dma_wait3A_460 = arith.constant 0 : i32
        %dma_wait3A_461 = arith.constant 0 : i32
        %dma_wait3A_462 = tpu.memref_slice %arg6[%dma_wait3A_455, %dma_wait3A_460, %dma_wait3A_461] : memref<4096x200x64xf32, #tpu.memory_space<hbm>> -> memref<1x200x64xf32, #tpu.memory_space<hbm>>
        %dma_wait3A_463 = tpu.memref_squeeze %dma_wait3A_462 : memref<1x200x64xf32, #tpu.memory_space<hbm>> -> memref<200x64xf32, #tpu.memory_space<hbm>>
        %dma_wait3A_464 = arith.constant 0 : i32
        %dma_wait3A_465 = arith.constant 0 : i32
        %dma_wait3A_466 = tpu.memref_slice %arg6[%dma_wait3A_455, %dma_wait3A_464, %dma_wait3A_465] : memref<4096x200x64xf32, #tpu.memory_space<hbm>> -> memref<1x200x64xf32, #tpu.memory_space<hbm>>
        %dma_wait3A_467 = tpu.memref_squeeze %dma_wait3A_466 : memref<1x200x64xf32, #tpu.memory_space<hbm>> -> memref<200x64xf32, #tpu.memory_space<hbm>>
        %dma_wait3A_468 = arith.constant 0 : i32
        %dma_wait3A_469 = arith.constant 0 : i32
        %dma_wait3A_470 = tpu.memref_slice %arg9[%dma_wait3A_454, %dma_wait3A_468, %dma_wait3A_469] : memref<2x400x64xf32, #tpu.memory_space<vmem>> -> memref<1x200x64xf32, #tpu.memory_space<vmem>>
        %dma_wait3A_471 = tpu.memref_squeeze %dma_wait3A_470 : memref<1x200x64xf32, #tpu.memory_space<vmem>> -> memref<200x64xf32, #tpu.memory_space<vmem>>
        tpu.wait_dma2 semaphore(%arg14 : memref<!tpu.dma_semaphore, #tpu.memory_space<semaphore_mem>>) src(%dma_wait3A_471 : memref<200x64xf32, #tpu.memory_space<vmem>>) dst(%dma_wait3A_467 : memref<200x64xf32, #tpu.memory_space<hbm>>)
        %dma_wait3A_472 = arith.constant 1 : i32
        %dma_wait3A_473 = arith.constant 0 : i32
        %dma_wait3A_474 = arith.constant 200 : i32
        %dma_wait3A_475 = arith.constant 0 : i32
        %dma_wait3A_476 = tpu.memref_slice %arg9[%dma_wait3A_472, %dma_wait3A_474, %dma_wait3A_475] : memref<2x400x64xf32, #tpu.memory_space<vmem>> -> memref<1x200x64xf32, #tpu.memory_space<vmem>>
        %dma_wait3A_477 = tpu.memref_squeeze %dma_wait3A_476 : memref<1x200x64xf32, #tpu.memory_space<vmem>> -> memref<200x64xf32, #tpu.memory_space<vmem>>
        %dma_wait3A_478 = arith.constant 0 : i32
        %dma_wait3A_479 = arith.constant 0 : i32
        %dma_wait3A_480 = tpu.memref_slice %arg6[%dma_wait3A_473, %dma_wait3A_478, %dma_wait3A_479] : memref<4096x200x64xf32, #tpu.memory_space<hbm>> -> memref<1x200x64xf32, #tpu.memory_space<hbm>>
        %dma_wait3A_481 = tpu.memref_squeeze %dma_wait3A_480 : memref<1x200x64xf32, #tpu.memory_space<hbm>> -> memref<200x64xf32, #tpu.memory_space<hbm>>
        %dma_wait3A_482 = arith.constant 0 : i32
        %dma_wait3A_483 = arith.constant 0 : i32
        %dma_wait3A_484 = tpu.memref_slice %arg6[%dma_wait3A_473, %dma_wait3A_482, %dma_wait3A_483] : memref<4096x200x64xf32, #tpu.memory_space<hbm>> -> memref<1x200x64xf32, #tpu.memory_space<hbm>>
        %dma_wait3A_485 = tpu.memref_squeeze %dma_wait3A_484 : memref<1x200x64xf32, #tpu.memory_space<hbm>> -> memref<200x64xf32, #tpu.memory_space<hbm>>
        %dma_wait3A_486 = arith.constant 200 : i32
        %dma_wait3A_487 = arith.constant 0 : i32
        %dma_wait3A_488 = tpu.memref_slice %arg9[%dma_wait3A_472, %dma_wait3A_486, %dma_wait3A_487] : memref<2x400x64xf32, #tpu.memory_space<vmem>> -> memref<1x200x64xf32, #tpu.memory_space<vmem>>
        %dma_wait3A_489 = tpu.memref_squeeze %dma_wait3A_488 : memref<1x200x64xf32, #tpu.memory_space<vmem>> -> memref<200x64xf32, #tpu.memory_space<vmem>>
        tpu.wait_dma2 semaphore(%arg14 : memref<!tpu.dma_semaphore, #tpu.memory_space<semaphore_mem>>) src(%dma_wait3A_489 : memref<200x64xf32, #tpu.memory_space<vmem>>) dst(%dma_wait3A_485 : memref<200x64xf32, #tpu.memory_space<hbm>>)
      } else {
      }
      %dma_start3A_262 = arith.constant 1 : i32
      %dma_start3A_263 = arith.constant 1 : i32
      %dma_start3A_264 = arith.constant 0 : i32
      %dma_start3A_265 = arith.constant 0 : i32
      %dma_start3A_266 = tpu.memref_slice %arg9[%dma_start3A_263, %dma_start3A_264, %dma_start3A_265] : memref<2x400x64xf32, #tpu.memory_space<vmem>> -> memref<1x128x64xf32, #tpu.memory_space<vmem>>
      %dma_start3A_267 = tpu.memref_squeeze %dma_start3A_266 : memref<1x128x64xf32, #tpu.memory_space<vmem>> -> memref<128x64xf32, #tpu.memory_space<vmem>>
      %dma_start3A_268 = arith.constant 0 : i32
      %dma_start3A_269 = tpu.memref_slice %arg7[%dma_start3A_262, %dma_start3A_268] : memref<2x400xi32, #tpu.memory_space<vmem>> -> memref<1x128xi32, #tpu.memory_space<vmem>>
      %dma_start3A_270 = tpu.memref_squeeze %dma_start3A_269 : memref<1x128xi32, #tpu.memory_space<vmem>> -> memref<128xi32, #tpu.memory_space<vmem>>
      %dma_start3A_271 = arith.constant 0 : i32
      %dma_start3A_272 = arith.constant 0 : i32
      %dma_start3A_273 = tpu.memref_slice %arg4[%dma_start3A_271, %dma_start3A_272] : memref<1000000x64xf32, #tpu.memory_space<hbm>> -> memref<1000000x64xf32, #tpu.memory_space<hbm>>
      tpu.enqueue_indirect_dma source(%dma_start3A_273 : memref<1000000x64xf32, #tpu.memory_space<hbm>>) target(%dma_start3A_267 : memref<128x64xf32, #tpu.memory_space<vmem>>) offsets(%dma_start3A_270 : memref<128xi32, #tpu.memory_space<vmem>>) semaphore(%arg12 : memref<!tpu.dma_semaphore, #tpu.memory_space<semaphore_mem>>)
      %dma_start3A_274 = arith.constant 1 : i32
      %dma_start3A_275 = arith.constant 1 : i32
      %dma_start3A_276 = arith.constant 128 : i32
      %dma_start3A_277 = arith.constant 0 : i32
      %dma_start3A_278 = tpu.memref_slice %arg9[%dma_start3A_275, %dma_start3A_276, %dma_start3A_277] : memref<2x400x64xf32, #tpu.memory_space<vmem>> -> memref<1x72x64xf32, #tpu.memory_space<vmem>>
      %dma_start3A_279 = tpu.memref_squeeze %dma_start3A_278 : memref<1x72x64xf32, #tpu.memory_space<vmem>> -> memref<72x64xf32, #tpu.memory_space<vmem>>
      %dma_start3A_280 = arith.constant 128 : i32
      %dma_start3A_281 = tpu.memref_slice %arg7[%dma_start3A_274, %dma_start3A_280] : memref<2x400xi32, #tpu.memory_space<vmem>> -> memref<1x72xi32, #tpu.memory_space<vmem>>
      %dma_start3A_282 = tpu.memref_squeeze %dma_start3A_281 : memref<1x72xi32, #tpu.memory_space<vmem>> -> memref<72xi32, #tpu.memory_space<vmem>>
      %dma_start3A_283 = arith.constant 0 : i32
      %dma_start3A_284 = arith.constant 0 : i32
      %dma_start3A_285 = tpu.memref_slice %arg4[%dma_start3A_283, %dma_start3A_284] : memref<1000000x64xf32, #tpu.memory_space<hbm>> -> memref<1000000x64xf32, #tpu.memory_space<hbm>>
      tpu.enqueue_indirect_dma source(%dma_start3A_285 : memref<1000000x64xf32, #tpu.memory_space<hbm>>) target(%dma_start3A_279 : memref<72x64xf32, #tpu.memory_space<vmem>>) offsets(%dma_start3A_282 : memref<72xi32, #tpu.memory_space<vmem>>) semaphore(%arg12 : memref<!tpu.dma_semaphore, #tpu.memory_space<semaphore_mem>>)
      %dma_start3A_286 = arith.constant 1 : i32
      %dma_start3A_287 = arith.constant 1 : i32
      %dma_start3A_288 = arith.constant 200 : i32
      %dma_start3A_289 = arith.constant 0 : i32
      %dma_start3A_290 = tpu.memref_slice %arg9[%dma_start3A_287, %dma_start3A_288, %dma_start3A_289] : memref<2x400x64xf32, #tpu.memory_space<vmem>> -> memref<1x128x64xf32, #tpu.memory_space<vmem>>
      %dma_start3A_291 = tpu.memref_squeeze %dma_start3A_290 : memref<1x128x64xf32, #tpu.memory_space<vmem>> -> memref<128x64xf32, #tpu.memory_space<vmem>>
      %dma_start3A_292 = arith.constant 200 : i32
      %dma_start3A_293 = tpu.memref_slice %arg7[%dma_start3A_286, %dma_start3A_292] : memref<2x400xi32, #tpu.memory_space<vmem>> -> memref<1x128xi32, #tpu.memory_space<vmem>>
      %dma_start3A_294 = tpu.memref_squeeze %dma_start3A_293 : memref<1x128xi32, #tpu.memory_space<vmem>> -> memref<128xi32, #tpu.memory_space<vmem>>
      %dma_start3A_295 = arith.constant 0 : i32
      %dma_start3A_296 = arith.constant 0 : i32
      %dma_start3A_297 = tpu.memref_slice %arg4[%dma_start3A_295, %dma_start3A_296] : memref<1000000x64xf32, #tpu.memory_space<hbm>> -> memref<1000000x64xf32, #tpu.memory_space<hbm>>
      tpu.enqueue_indirect_dma source(%dma_start3A_297 : memref<1000000x64xf32, #tpu.memory_space<hbm>>) target(%dma_start3A_291 : memref<128x64xf32, #tpu.memory_space<vmem>>) offsets(%dma_start3A_294 : memref<128xi32, #tpu.memory_space<vmem>>) semaphore(%arg12 : memref<!tpu.dma_semaphore, #tpu.memory_space<semaphore_mem>>)
      %dma_start3A_298 = arith.constant 1 : i32
      %dma_start3A_299 = arith.constant 1 : i32
      %dma_start3A_300 = arith.constant 328 : i32
      %dma_start3A_301 = arith.constant 0 : i32
      %dma_start3A_302 = tpu.memref_slice %arg9[%dma_start3A_299, %dma_start3A_300, %dma_start3A_301] : memref<2x400x64xf32, #tpu.memory_space<vmem>> -> memref<1x72x64xf32, #tpu.memory_space<vmem>>
      %dma_start3A_303 = tpu.memref_squeeze %dma_start3A_302 : memref<1x72x64xf32, #tpu.memory_space<vmem>> -> memref<72x64xf32, #tpu.memory_space<vmem>>
      %dma_start3A_304 = arith.constant 328 : i32
      %dma_start3A_305 = tpu.memref_slice %arg7[%dma_start3A_298, %dma_start3A_304] : memref<2x400xi32, #tpu.memory_space<vmem>> -> memref<1x72xi32, #tpu.memory_space<vmem>>
      %dma_start3A_306 = tpu.memref_squeeze %dma_start3A_305 : memref<1x72xi32, #tpu.memory_space<vmem>> -> memref<72xi32, #tpu.memory_space<vmem>>
      %dma_start3A_307 = arith.constant 0 : i32
      %dma_start3A_308 = arith.constant 0 : i32
      %dma_start3A_309 = tpu.memref_slice %arg4[%dma_start3A_307, %dma_start3A_308] : memref<1000000x64xf32, #tpu.memory_space<hbm>> -> memref<1000000x64xf32, #tpu.memory_space<hbm>>
      tpu.enqueue_indirect_dma source(%dma_start3A_309 : memref<1000000x64xf32, #tpu.memory_space<hbm>>) target(%dma_start3A_303 : memref<72x64xf32, #tpu.memory_space<vmem>>) offsets(%dma_start3A_306 : memref<72xi32, #tpu.memory_space<vmem>>) semaphore(%arg12 : memref<!tpu.dma_semaphore, #tpu.memory_space<semaphore_mem>>)
      %dma_wait3A_310 = arith.constant 0 : i32
      %dma_wait3A_311 = arith.constant 0 : i32
      %dma_wait3A_312 = arith.constant 0 : i32
      %dma_wait3A_313 = tpu.memref_slice %arg9[%dma_wait3A_310, %dma_wait3A_311, %dma_wait3A_312] : memref<2x400x64xf32, #tpu.memory_space<vmem>> -> memref<1x400x64xf32, #tpu.memory_space<vmem>>
      %dma_wait3A_314 = tpu.memref_squeeze %dma_wait3A_313 : memref<1x400x64xf32, #tpu.memory_space<vmem>> -> memref<400x64xf32, #tpu.memory_space<vmem>>
      %dma_wait3A_315 = arith.constant 0 : i32
      %dma_wait3A_316 = arith.constant 0 : i32
      %dma_wait3A_317 = tpu.memref_slice %arg4[%dma_wait3A_315, %dma_wait3A_316] : memref<1000000x64xf32, #tpu.memory_space<hbm>> -> memref<400x64xf32, #tpu.memory_space<hbm>>
      %dma_wait3A_318 = arith.constant 0 : i32
      %dma_wait3A_319 = arith.constant 0 : i32
      %dma_wait3A_320 = tpu.memref_slice %arg9[%dma_wait3A_310, %dma_wait3A_318, %dma_wait3A_319] : memref<2x400x64xf32, #tpu.memory_space<vmem>> -> memref<1x400x64xf32, #tpu.memory_space<vmem>>
      %dma_wait3A_321 = tpu.memref_squeeze %dma_wait3A_320 : memref<1x400x64xf32, #tpu.memory_space<vmem>> -> memref<400x64xf32, #tpu.memory_space<vmem>>
      %dma_wait3A_322 = arith.constant 0 : i32
      %dma_wait3A_323 = arith.constant 0 : i32
      %dma_wait3A_324 = tpu.memref_slice %arg4[%dma_wait3A_322, %dma_wait3A_323] : memref<1000000x64xf32, #tpu.memory_space<hbm>> -> memref<400x64xf32, #tpu.memory_space<hbm>>
      tpu.wait_dma2 semaphore(%arg11 : memref<!tpu.dma_semaphore, #tpu.memory_space<semaphore_mem>>) src(%dma_wait3A_324 : memref<400x64xf32, #tpu.memory_space<hbm>>) dst(%dma_wait3A_321 : memref<400x64xf32, #tpu.memory_space<vmem>>)
      %scan3A_325 = arith.constant 0 : i32
      %scan3A_326 = arith.constant 0 : i32
      %scan3A_327 = arith.constant 0 : i32
      %scan3A_328 = arith.constant 25 : i32
      %scan3A_329 = arith.addi %scan3A_327, %scan3A_328 : i32
      %scan3A_330 = arith.constant 1 : i32
      scf.for %scan3A_454 = %scan3A_327 to %scan3A_329 step %scan3A_330  : i32 {
        %mul3A_455 = arith.constant 16 : i32
        %mul3A_456 = arith.muli %scan3A_454, %mul3A_455 : i32
        %get3A = arith.constant 0 : i32
        %get3A_457 = arith.index_cast %get3A : i32 to index
        %get3A_458 = arith.index_cast %mul3A_456 : i32 to index
        %get3A_459 = tpu.vector_load %arg8[%get3A_457, %get3A_458] {strides = array<i32>} : memref<2x400xi32, #tpu.memory_space<vmem>>, vector<16xi32>,
        %mul3A_460 = arith.constant 16 : i32
        %mul3A_461 = arith.muli %scan3A_454, %mul3A_460 : i32
        %add3A_462 = arith.constant 0 : i32
        %add3A_463 = vector.broadcast %add3A_462 : i32 to vector<16xi32>
        %add3A_464 = arith.addi %iota3A, %add3A_463 : vector<16xi32>
        %and3A = arith.constant 15 : i32
        %and3A_465 = vector.broadcast %and3A : i32 to vector<16xi32>
        %and3A_466 = arith.andi %add3A_464, %and3A_465 : vector<16xi32>
        %add3A_467 = arith.constant 0 : i32
        %add3A_468 = vector.broadcast %add3A_467 : i32 to vector<16xi32>
        %add3A_469 = arith.addi %and3A_466, %add3A_468 : vector<16xi32>
        %gather3A = tpu.vector_load_idx %arg10[%get3A_459, %add3A_469] : memref<252x64xf32, #tpu.memory_space<vmem>>[vector<16xi32>, vector<16xi32>], vector<16xf32>,
        %scatter3A = arith.constant 0 : i32
        %scatter3A_470 = arith.constant 0 : i32
        %scatter3A_471 = tpu.memref_slice %arg9[%scan3A_326, %scatter3A, %scatter3A_470] : memref<2x400x64xf32, #tpu.memory_space<vmem>> -> memref<1x400x64xf32, #tpu.memory_space<vmem>>
        %scatter3A_472 = tpu.memref_squeeze %scatter3A_471 : memref<1x400x64xf32, #tpu.memory_space<vmem>> -> memref<400x64xf32, #tpu.memory_space<vmem>>
        %scatter3A_473 = arith.constant 0 : i32
        %scatter3A_474 = tpu.memref_slice %scatter3A_472[%mul3A_461, %scatter3A_473] : memref<400x64xf32, #tpu.memory_space<vmem>> -> memref<16x64xf32, #tpu.memory_space<vmem>>
        tpu.vector_store_idx %scatter3A_474[%iota3A, %add3A_469], %gather3A {add = true} : memref<16x64xf32, #tpu.memory_space<vmem>>[vector<16xi32>, vector<16xi32>], vector<16xf32>,
        %add3A_475 = arith.constant 16 : i32
        %add3A_476 = vector.broadcast %add3A_475 : i32 to vector<16xi32>
        %add3A_477 = arith.addi %and3A_466, %add3A_476 : vector<16xi32>
        %gather3A_478 = tpu.vector_load_idx %arg10[%get3A_459, %add3A_477] : memref<252x64xf32, #tpu.memory_space<vmem>>[vector<16xi32>, vector<16xi32>], vector<16xf32>,
        %scatter3A_479 = arith.constant 0 : i32
        %scatter3A_480 = arith.constant 0 : i32
        %scatter3A_481 = tpu.memref_slice %arg9[%scan3A_326, %scatter3A_479, %scatter3A_480] : memref<2x400x64xf32, #tpu.memory_space<vmem>> -> memref<1x400x64xf32, #tpu.memory_space<vmem>>
        %scatter3A_482 = tpu.memref_squeeze %scatter3A_481 : memref<1x400x64xf32, #tpu.memory_space<vmem>> -> memref<400x64xf32, #tpu.memory_space<vmem>>
        %scatter3A_483 = arith.constant 0 : i32
        %scatter3A_484 = tpu.memref_slice %scatter3A_482[%mul3A_461, %scatter3A_483] : memref<400x64xf32, #tpu.memory_space<vmem>> -> memref<16x64xf32, #tpu.memory_space<vmem>>
        tpu.vector_store_idx %scatter3A_484[%iota3A, %add3A_477], %gather3A_478 {add = true} : memref<16x64xf32, #tpu.memory_space<vmem>>[vector<16xi32>, vector<16xi32>], vector<16xf32>,
        %add3A_485 = arith.constant 32 : i32
        %add3A_486 = vector.broadcast %add3A_485 : i32 to vector<16xi32>
        %add3A_487 = arith.addi %and3A_466, %add3A_486 : vector<16xi32>
        %gather3A_488 = tpu.vector_load_idx %arg10[%get3A_459, %add3A_487] : memref<252x64xf32, #tpu.memory_space<vmem>>[vector<16xi32>, vector<16xi32>], vector<16xf32>,
        %scatter3A_489 = arith.constant 0 : i32
        %scatter3A_490 = arith.constant 0 : i32
        %scatter3A_491 = tpu.memref_slice %arg9[%scan3A_326, %scatter3A_489, %scatter3A_490] : memref<2x400x64xf32, #tpu.memory_space<vmem>> -> memref<1x400x64xf32, #tpu.memory_space<vmem>>
        %scatter3A_492 = tpu.memref_squeeze %scatter3A_491 : memref<1x400x64xf32, #tpu.memory_space<vmem>> -> memref<400x64xf32, #tpu.memory_space<vmem>>
        %scatter3A_493 = arith.constant 0 : i32
        %scatter3A_494 = tpu.memref_slice %scatter3A_492[%mul3A_461, %scatter3A_493] : memref<400x64xf32, #tpu.memory_space<vmem>> -> memref<16x64xf32, #tpu.memory_space<vmem>>
        tpu.vector_store_idx %scatter3A_494[%iota3A, %add3A_487], %gather3A_488 {add = true} : memref<16x64xf32, #tpu.memory_space<vmem>>[vector<16xi32>, vector<16xi32>], vector<16xf32>,
        %add3A_495 = arith.constant 48 : i32
        %add3A_496 = vector.broadcast %add3A_495 : i32 to vector<16xi32>
        %add3A_497 = arith.addi %and3A_466, %add3A_496 : vector<16xi32>
        %gather3A_498 = tpu.vector_load_idx %arg10[%get3A_459, %add3A_497] : memref<252x64xf32, #tpu.memory_space<vmem>>[vector<16xi32>, vector<16xi32>], vector<16xf32>,
        %scatter3A_499 = arith.constant 0 : i32
        %scatter3A_500 = arith.constant 0 : i32
        %scatter3A_501 = tpu.memref_slice %arg9[%scan3A_326, %scatter3A_499, %scatter3A_500] : memref<2x400x64xf32, #tpu.memory_space<vmem>> -> memref<1x400x64xf32, #tpu.memory_space<vmem>>
        %scatter3A_502 = tpu.memref_squeeze %scatter3A_501 : memref<1x400x64xf32, #tpu.memory_space<vmem>> -> memref<400x64xf32, #tpu.memory_space<vmem>>
        %scatter3A_503 = arith.constant 0 : i32
        %scatter3A_504 = tpu.memref_slice %scatter3A_502[%mul3A_461, %scatter3A_503] : memref<400x64xf32, #tpu.memory_space<vmem>> -> memref<16x64xf32, #tpu.memory_space<vmem>>
        tpu.vector_store_idx %scatter3A_504[%iota3A, %add3A_497], %gather3A_498 {add = true} : memref<16x64xf32, #tpu.memory_space<vmem>>[vector<16xi32>, vector<16xi32>], vector<16xf32>,
        %add3A_505 = arith.constant 1 : i32
        %add3A_506 = vector.broadcast %add3A_505 : i32 to vector<16xi32>
        %add3A_507 = arith.addi %iota3A, %add3A_506 : vector<16xi32>
        %and3A_508 = arith.constant 15 : i32
        %and3A_509 = vector.broadcast %and3A_508 : i32 to vector<16xi32>
        %and3A_510 = arith.andi %add3A_507, %and3A_509 : vector<16xi32>
        %add3A_511 = arith.constant 0 : i32
        %add3A_512 = vector.broadcast %add3A_511 : i32 to vector<16xi32>
        %add3A_513 = arith.addi %and3A_510, %add3A_512 : vector<16xi32>
        %gather3A_514 = tpu.vector_load_idx %arg10[%get3A_459, %add3A_513] : memref<252x64xf32, #tpu.memory_space<vmem>>[vector<16xi32>, vector<16xi32>], vector<16xf32>,
        %scatter3A_515 = arith.constant 0 : i32
        %scatter3A_516 = arith.constant 0 : i32
        %scatter3A_517 = tpu.memref_slice %arg9[%scan3A_326, %scatter3A_515, %scatter3A_516] : memref<2x400x64xf32, #tpu.memory_space<vmem>> -> memref<1x400x64xf32, #tpu.memory_space<vmem>>
        %scatter3A_518 = tpu.memref_squeeze %scatter3A_517 : memref<1x400x64xf32, #tpu.memory_space<vmem>> -> memref<400x64xf32, #tpu.memory_space<vmem>>
        %scatter3A_519 = arith.constant 0 : i32
        %scatter3A_520 = tpu.memref_slice %scatter3A_518[%mul3A_461, %scatter3A_519] : memref<400x64xf32, #tpu.memory_space<vmem>> -> memref<16x64xf32, #tpu.memory_space<vmem>>
        tpu.vector_store_idx %scatter3A_520[%iota3A, %add3A_513], %gather3A_514 {add = true} : memref<16x64xf32, #tpu.memory_space<vmem>>[vector<16xi32>, vector<16xi32>], vector<16xf32>,
        %add3A_521 = arith.constant 16 : i32
        %add3A_522 = vector.broadcast %add3A_521 : i32 to vector<16xi32>
        %add3A_523 = arith.addi %and3A_510, %add3A_522 : vector<16xi32>
        %gather3A_524 = tpu.vector_load_idx %arg10[%get3A_459, %add3A_523] : memref<252x64xf32, #tpu.memory_space<vmem>>[vector<16xi32>, vector<16xi32>], vector<16xf32>,
        %scatter3A_525 = arith.constant 0 : i32
        %scatter3A_526 = arith.constant 0 : i32
        %scatter3A_527 = tpu.memref_slice %arg9[%scan3A_326, %scatter3A_525, %scatter3A_526] : memref<2x400x64xf32, #tpu.memory_space<vmem>> -> memref<1x400x64xf32, #tpu.memory_space<vmem>>
        %scatter3A_528 = tpu.memref_squeeze %scatter3A_527 : memref<1x400x64xf32, #tpu.memory_space<vmem>> -> memref<400x64xf32, #tpu.memory_space<vmem>>
        %scatter3A_529 = arith.constant 0 : i32
        %scatter3A_530 = tpu.memref_slice %scatter3A_528[%mul3A_461, %scatter3A_529] : memref<400x64xf32, #tpu.memory_space<vmem>> -> memref<16x64xf32, #tpu.memory_space<vmem>>
        tpu.vector_store_idx %scatter3A_530[%iota3A, %add3A_523], %gather3A_524 {add = true} : memref<16x64xf32, #tpu.memory_space<vmem>>[vector<16xi32>, vector<16xi32>], vector<16xf32>,
        %add3A_531 = arith.constant 32 : i32
        %add3A_532 = vector.broadcast %add3A_531 : i32 to vector<16xi32>
        %add3A_533 = arith.addi %and3A_510, %add3A_532 : vector<16xi32>
        %gather3A_534 = tpu.vector_load_idx %arg10[%get3A_459, %add3A_533] : memref<252x64xf32, #tpu.memory_space<vmem>>[vector<16xi32>, vector<16xi32>], vector<16xf32>,
        %scatter3A_535 = arith.constant 0 : i32
        %scatter3A_536 = arith.constant 0 : i32
        %scatter3A_537 = tpu.memref_slice %arg9[%scan3A_326, %scatter3A_535, %scatter3A_536] : memref<2x400x64xf32, #tpu.memory_space<vmem>> -> memref<1x400x64xf32, #tpu.memory_space<vmem>>
        %scatter3A_538 = tpu.memref_squeeze %scatter3A_537 : memref<1x400x64xf32, #tpu.memory_space<vmem>> -> memref<400x64xf32, #tpu.memory_space<vmem>>
        %scatter3A_539 = arith.constant 0 : i32
        %scatter3A_540 = tpu.memref_slice %scatter3A_538[%mul3A_461, %scatter3A_539] : memref<400x64xf32, #tpu.memory_space<vmem>> -> memref<16x64xf32, #tpu.memory_space<vmem>>
        tpu.vector_store_idx %scatter3A_540[%iota3A, %add3A_533], %gather3A_534 {add = true} : memref<16x64xf32, #tpu.memory_space<vmem>>[vector<16xi32>, vector<16xi32>], vector<16xf32>,
        %add3A_541 = arith.constant 48 : i32
        %add3A_542 = vector.broadcast %add3A_541 : i32 to vector<16xi32>
        %add3A_543 = arith.addi %and3A_510, %add3A_542 : vector<16xi32>
        %gather3A_544 = tpu.vector_load_idx %arg10[%get3A_459, %add3A_543] : memref<252x64xf32, #tpu.memory_space<vmem>>[vector<16xi32>, vector<16xi32>], vector<16xf32>,
        %scatter3A_545 = arith.constant 0 : i32
        %scatter3A_546 = arith.constant 0 : i32
        %scatter3A_547 = tpu.memref_slice %arg9[%scan3A_326, %scatter3A_545, %scatter3A_546] : memref<2x400x64xf32, #tpu.memory_space<vmem>> -> memref<1x400x64xf32, #tpu.memory_space<vmem>>
        %scatter3A_548 = tpu.memref_squeeze %scatter3A_547 : memref<1x400x64xf32, #tpu.memory_space<vmem>> -> memref<400x64xf32, #tpu.memory_space<vmem>>
        %scatter3A_549 = arith.constant 0 : i32
        %scatter3A_550 = tpu.memref_slice %scatter3A_548[%mul3A_461, %scatter3A_549] : memref<400x64xf32, #tpu.memory_space<vmem>> -> memref<16x64xf32, #tpu.memory_space<vmem>>
        tpu.vector_store_idx %scatter3A_550[%iota3A, %add3A_543], %gather3A_544 {add = true} : memref<16x64xf32, #tpu.memory_space<vmem>>[vector<16xi32>, vector<16xi32>], vector<16xf32>,
        %add3A_551 = arith.constant 2 : i32
        %add3A_552 = vector.broadcast %add3A_551 : i32 to vector<16xi32>
        %add3A_553 = arith.addi %iota3A, %add3A_552 : vector<16xi32>
        %and3A_554 = arith.constant 15 : i32
        %and3A_555 = vector.broadcast %and3A_554 : i32 to vector<16xi32>
        %and3A_556 = arith.andi %add3A_553, %and3A_555 : vector<16xi32>
        %add3A_557 = arith.constant 0 : i32
        %add3A_558 = vector.broadcast %add3A_557 : i32 to vector<16xi32>
        %add3A_559 = arith.addi %and3A_556, %add3A_558 : vector<16xi32>
        %gather3A_560 = tpu.vector_load_idx %arg10[%get3A_459, %add3A_559] : memref<252x64xf32, #tpu.memory_space<vmem>>[vector<16xi32>, vector<16xi32>], vector<16xf32>,
        %scatter3A_561 = arith.constant 0 : i32
        %scatter3A_562 = arith.constant 0 : i32
        %scatter3A_563 = tpu.memref_slice %arg9[%scan3A_326, %scatter3A_561, %scatter3A_562] : memref<2x400x64xf32, #tpu.memory_space<vmem>> -> memref<1x400x64xf32, #tpu.memory_space<vmem>>
        %scatter3A_564 = tpu.memref_squeeze %scatter3A_563 : memref<1x400x64xf32, #tpu.memory_space<vmem>> -> memref<400x64xf32, #tpu.memory_space<vmem>>
        %scatter3A_565 = arith.constant 0 : i32
        %scatter3A_566 = tpu.memref_slice %scatter3A_564[%mul3A_461, %scatter3A_565] : memref<400x64xf32, #tpu.memory_space<vmem>> -> memref<16x64xf32, #tpu.memory_space<vmem>>
        tpu.vector_store_idx %scatter3A_566[%iota3A, %add3A_559], %gather3A_560 {add = true} : memref<16x64xf32, #tpu.memory_space<vmem>>[vector<16xi32>, vector<16xi32>], vector<16xf32>,
        %add3A_567 = arith.constant 16 : i32
        %add3A_568 = vector.broadcast %add3A_567 : i32 to vector<16xi32>
        %add3A_569 = arith.addi %and3A_556, %add3A_568 : vector<16xi32>
        %gather3A_570 = tpu.vector_load_idx %arg10[%get3A_459, %add3A_569] : memref<252x64xf32, #tpu.memory_space<vmem>>[vector<16xi32>, vector<16xi32>], vector<16xf32>,
        %scatter3A_571 = arith.constant 0 : i32
        %scatter3A_572 = arith.constant 0 : i32
        %scatter3A_573 = tpu.memref_slice %arg9[%scan3A_326, %scatter3A_571, %scatter3A_572] : memref<2x400x64xf32, #tpu.memory_space<vmem>> -> memref<1x400x64xf32, #tpu.memory_space<vmem>>
        %scatter3A_574 = tpu.memref_squeeze %scatter3A_573 : memref<1x400x64xf32, #tpu.memory_space<vmem>> -> memref<400x64xf32, #tpu.memory_space<vmem>>
        %scatter3A_575 = arith.constant 0 : i32
        %scatter3A_576 = tpu.memref_slice %scatter3A_574[%mul3A_461, %scatter3A_575] : memref<400x64xf32, #tpu.memory_space<vmem>> -> memref<16x64xf32, #tpu.memory_space<vmem>>
        tpu.vector_store_idx %scatter3A_576[%iota3A, %add3A_569], %gather3A_570 {add = true} : memref<16x64xf32, #tpu.memory_space<vmem>>[vector<16xi32>, vector<16xi32>], vector<16xf32>,
        %add3A_577 = arith.constant 32 : i32
        %add3A_578 = vector.broadcast %add3A_577 : i32 to vector<16xi32>
        %add3A_579 = arith.addi %and3A_556, %add3A_578 : vector<16xi32>
        %gather3A_580 = tpu.vector_load_idx %arg10[%get3A_459, %add3A_579] : memref<252x64xf32, #tpu.memory_space<vmem>>[vector<16xi32>, vector<16xi32>], vector<16xf32>,
        %scatter3A_581 = arith.constant 0 : i32
        %scatter3A_582 = arith.constant 0 : i32
        %scatter3A_583 = tpu.memref_slice %arg9[%scan3A_326, %scatter3A_581, %scatter3A_582] : memref<2x400x64xf32, #tpu.memory_space<vmem>> -> memref<1x400x64xf32, #tpu.memory_space<vmem>>
        %scatter3A_584 = tpu.memref_squeeze %scatter3A_583 : memref<1x400x64xf32, #tpu.memory_space<vmem>> -> memref<400x64xf32, #tpu.memory_space<vmem>>
        %scatter3A_585 = arith.constant 0 : i32
        %scatter3A_586 = tpu.memref_slice %scatter3A_584[%mul3A_461, %scatter3A_585] : memref<400x64xf32, #tpu.memory_space<vmem>> -> memref<16x64xf32, #tpu.memory_space<vmem>>
        tpu.vector_store_idx %scatter3A_586[%iota3A, %add3A_579], %gather3A_580 {add = true} : memref<16x64xf32, #tpu.memory_space<vmem>>[vector<16xi32>, vector<16xi32>], vector<16xf32>,
        %add3A_587 = arith.constant 48 : i32
        %add3A_588 = vector.broadcast %add3A_587 : i32 to vector<16xi32>
        %add3A_589 = arith.addi %and3A_556, %add3A_588 : vector<16xi32>
        %gather3A_590 = tpu.vector_load_idx %arg10[%get3A_459, %add3A_589] : memref<252x64xf32, #tpu.memory_space<vmem>>[vector<16xi32>, vector<16xi32>], vector<16xf32>,
        %scatter3A_591 = arith.constant 0 : i32
        %scatter3A_592 = arith.constant 0 : i32
        %scatter3A_593 = tpu.memref_slice %arg9[%scan3A_326, %scatter3A_591, %scatter3A_592] : memref<2x400x64xf32, #tpu.memory_space<vmem>> -> memref<1x400x64xf32, #tpu.memory_space<vmem>>
        %scatter3A_594 = tpu.memref_squeeze %scatter3A_593 : memref<1x400x64xf32, #tpu.memory_space<vmem>> -> memref<400x64xf32, #tpu.memory_space<vmem>>
        %scatter3A_595 = arith.constant 0 : i32
        %scatter3A_596 = tpu.memref_slice %scatter3A_594[%mul3A_461, %scatter3A_595] : memref<400x64xf32, #tpu.memory_space<vmem>> -> memref<16x64xf32, #tpu.memory_space<vmem>>
        tpu.vector_store_idx %scatter3A_596[%iota3A, %add3A_589], %gather3A_590 {add = true} : memref<16x64xf32, #tpu.memory_space<vmem>>[vector<16xi32>, vector<16xi32>], vector<16xf32>,
        %add3A_597 = arith.constant 3 : i32
        %add3A_598 = vector.broadcast %add3A_597 : i32 to vector<16xi32>
        %add3A_599 = arith.addi %iota3A, %add3A_598 : vector<16xi32>
        %and3A_600 = arith.constant 15 : i32
        %and3A_601 = vector.broadcast %and3A_600 : i32 to vector<16xi32>
        %and3A_602 = arith.andi %add3A_599, %and3A_601 : vector<16xi32>
        %add3A_603 = arith.constant 0 : i32
        %add3A_604 = vector.broadcast %add3A_603 : i32 to vector<16xi32>
        %add3A_605 = arith.addi %and3A_602, %add3A_604 : vector<16xi32>
        %gather3A_606 = tpu.vector_load_idx %arg10[%get3A_459, %add3A_605] : memref<252x64xf32, #tpu.memory_space<vmem>>[vector<16xi32>, vector<16xi32>], vector<16xf32>,
        %scatter3A_607 = arith.constant 0 : i32
        %scatter3A_608 = arith.constant 0 : i32
        %scatter3A_609 = tpu.memref_slice %arg9[%scan3A_326, %scatter3A_607, %scatter3A_608] : memref<2x400x64xf32, #tpu.memory_space<vmem>> -> memref<1x400x64xf32, #tpu.memory_space<vmem>>
        %scatter3A_610 = tpu.memref_squeeze %scatter3A_609 : memref<1x400x64xf32, #tpu.memory_space<vmem>> -> memref<400x64xf32, #tpu.memory_space<vmem>>
        %scatter3A_611 = arith.constant 0 : i32
        %scatter3A_612 = tpu.memref_slice %scatter3A_610[%mul3A_461, %scatter3A_611] : memref<400x64xf32, #tpu.memory_space<vmem>> -> memref<16x64xf32, #tpu.memory_space<vmem>>
        tpu.vector_store_idx %scatter3A_612[%iota3A, %add3A_605], %gather3A_606 {add = true} : memref<16x64xf32, #tpu.memory_space<vmem>>[vector<16xi32>, vector<16xi32>], vector<16xf32>,
        %add3A_613 = arith.constant 16 : i32
        %add3A_614 = vector.broadcast %add3A_613 : i32 to vector<16xi32>
        %add3A_615 = arith.addi %and3A_602, %add3A_614 : vector<16xi32>
        %gather3A_616 = tpu.vector_load_idx %arg10[%get3A_459, %add3A_615] : memref<252x64xf32, #tpu.memory_space<vmem>>[vector<16xi32>, vector<16xi32>], vector<16xf32>,
        %scatter3A_617 = arith.constant 0 : i32
        %scatter3A_618 = arith.constant 0 : i32
        %scatter3A_619 = tpu.memref_slice %arg9[%scan3A_326, %scatter3A_617, %scatter3A_618] : memref<2x400x64xf32, #tpu.memory_space<vmem>> -> memref<1x400x64xf32, #tpu.memory_space<vmem>>
        %scatter3A_620 = tpu.memref_squeeze %scatter3A_619 : memref<1x400x64xf32, #tpu.memory_space<vmem>> -> memref<400x64xf32, #tpu.memory_space<vmem>>
        %scatter3A_621 = arith.constant 0 : i32
        %scatter3A_622 = tpu.memref_slice %scatter3A_620[%mul3A_461, %scatter3A_621] : memref<400x64xf32, #tpu.memory_space<vmem>> -> memref<16x64xf32, #tpu.memory_space<vmem>>
        tpu.vector_store_idx %scatter3A_622[%iota3A, %add3A_615], %gather3A_616 {add = true} : memref<16x64xf32, #tpu.memory_space<vmem>>[vector<16xi32>, vector<16xi32>], vector<16xf32>,
        %add3A_623 = arith.constant 32 : i32
        %add3A_624 = vector.broadcast %add3A_623 : i32 to vector<16xi32>
        %add3A_625 = arith.addi %and3A_602, %add3A_624 : vector<16xi32>
        %gather3A_626 = tpu.vector_load_idx %arg10[%get3A_459, %add3A_625] : memref<252x64xf32, #tpu.memory_space<vmem>>[vector<16xi32>, vector<16xi32>], vector<16xf32>,
        %scatter3A_627 = arith.constant 0 : i32
        %scatter3A_628 = arith.constant 0 : i32
        %scatter3A_629 = tpu.memref_slice %arg9[%scan3A_326, %scatter3A_627, %scatter3A_628] : memref<2x400x64xf32, #tpu.memory_space<vmem>> -> memref<1x400x64xf32, #tpu.memory_space<vmem>>
        %scatter3A_630 = tpu.memref_squeeze %scatter3A_629 : memref<1x400x64xf32, #tpu.memory_space<vmem>> -> memref<400x64xf32, #tpu.memory_space<vmem>>
        %scatter3A_631 = arith.constant 0 : i32
        %scatter3A_632 = tpu.memref_slice %scatter3A_630[%mul3A_461, %scatter3A_631] : memref<400x64xf32, #tpu.memory_space<vmem>> -> memref<16x64xf32, #tpu.memory_space<vmem>>
        tpu.vector_store_idx %scatter3A_632[%iota3A, %add3A_625], %gather3A_626 {add = true} : memref<16x64xf32, #tpu.memory_space<vmem>>[vector<16xi32>, vector<16xi32>], vector<16xf32>,
        %add3A_633 = arith.constant 48 : i32
        %add3A_634 = vector.broadcast %add3A_633 : i32 to vector<16xi32>
        %add3A_635 = arith.addi %and3A_602, %add3A_634 : vector<16xi32>
        %gather3A_636 = tpu.vector_load_idx %arg10[%get3A_459, %add3A_635] : memref<252x64xf32, #tpu.memory_space<vmem>>[vector<16xi32>, vector<16xi32>], vector<16xf32>,
        %scatter3A_637 = arith.constant 0 : i32
        %scatter3A_638 = arith.constant 0 : i32
        %scatter3A_639 = tpu.memref_slice %arg9[%scan3A_326, %scatter3A_637, %scatter3A_638] : memref<2x400x64xf32, #tpu.memory_space<vmem>> -> memref<1x400x64xf32, #tpu.memory_space<vmem>>
        %scatter3A_640 = tpu.memref_squeeze %scatter3A_639 : memref<1x400x64xf32, #tpu.memory_space<vmem>> -> memref<400x64xf32, #tpu.memory_space<vmem>>
        %scatter3A_641 = arith.constant 0 : i32
        %scatter3A_642 = tpu.memref_slice %scatter3A_640[%mul3A_461, %scatter3A_641] : memref<400x64xf32, #tpu.memory_space<vmem>> -> memref<16x64xf32, #tpu.memory_space<vmem>>
        tpu.vector_store_idx %scatter3A_642[%iota3A, %add3A_635], %gather3A_636 {add = true} : memref<16x64xf32, #tpu.memory_space<vmem>>[vector<16xi32>, vector<16xi32>], vector<16xf32>,
        %add3A_643 = arith.constant 4 : i32
        %add3A_644 = vector.broadcast %add3A_643 : i32 to vector<16xi32>
        %add3A_645 = arith.addi %iota3A, %add3A_644 : vector<16xi32>
        %and3A_646 = arith.constant 15 : i32
        %and3A_647 = vector.broadcast %and3A_646 : i32 to vector<16xi32>
        %and3A_648 = arith.andi %add3A_645, %and3A_647 : vector<16xi32>
        %add3A_649 = arith.constant 0 : i32
        %add3A_650 = vector.broadcast %add3A_649 : i32 to vector<16xi32>
        %add3A_651 = arith.addi %and3A_648, %add3A_650 : vector<16xi32>
        %gather3A_652 = tpu.vector_load_idx %arg10[%get3A_459, %add3A_651] : memref<252x64xf32, #tpu.memory_space<vmem>>[vector<16xi32>, vector<16xi32>], vector<16xf32>,
        %scatter3A_653 = arith.constant 0 : i32
        %scatter3A_654 = arith.constant 0 : i32
        %scatter3A_655 = tpu.memref_slice %arg9[%scan3A_326, %scatter3A_653, %scatter3A_654] : memref<2x400x64xf32, #tpu.memory_space<vmem>> -> memref<1x400x64xf32, #tpu.memory_space<vmem>>
        %scatter3A_656 = tpu.memref_squeeze %scatter3A_655 : memref<1x400x64xf32, #tpu.memory_space<vmem>> -> memref<400x64xf32, #tpu.memory_space<vmem>>
        %scatter3A_657 = arith.constant 0 : i32
        %scatter3A_658 = tpu.memref_slice %scatter3A_656[%mul3A_461, %scatter3A_657] : memref<400x64xf32, #tpu.memory_space<vmem>> -> memref<16x64xf32, #tpu.memory_space<vmem>>
        tpu.vector_store_idx %scatter3A_658[%iota3A, %add3A_651], %gather3A_652 {add = true} : memref<16x64xf32, #tpu.memory_space<vmem>>[vector<16xi32>, vector<16xi32>], vector<16xf32>,
        %add3A_659 = arith.constant 16 : i32
        %add3A_660 = vector.broadcast %add3A_659 : i32 to vector<16xi32>
        %add3A_661 = arith.addi %and3A_648, %add3A_660 : vector<16xi32>
        %gather3A_662 = tpu.vector_load_idx %arg10[%get3A_459, %add3A_661] : memref<252x64xf32, #tpu.memory_space<vmem>>[vector<16xi32>, vector<16xi32>], vector<16xf32>,
        %scatter3A_663 = arith.constant 0 : i32
        %scatter3A_664 = arith.constant 0 : i32
        %scatter3A_665 = tpu.memref_slice %arg9[%scan3A_326, %scatter3A_663, %scatter3A_664] : memref<2x400x64xf32, #tpu.memory_space<vmem>> -> memref<1x400x64xf32, #tpu.memory_space<vmem>>
        %scatter3A_666 = tpu.memref_squeeze %scatter3A_665 : memref<1x400x64xf32, #tpu.memory_space<vmem>> -> memref<400x64xf32, #tpu.memory_space<vmem>>
        %scatter3A_667 = arith.constant 0 : i32
        %scatter3A_668 = tpu.memref_slice %scatter3A_666[%mul3A_461, %scatter3A_667] : memref<400x64xf32, #tpu.memory_space<vmem>> -> memref<16x64xf32, #tpu.memory_space<vmem>>
        tpu.vector_store_idx %scatter3A_668[%iota3A, %add3A_661], %gather3A_662 {add = true} : memref<16x64xf32, #tpu.memory_space<vmem>>[vector<16xi32>, vector<16xi32>], vector<16xf32>,
        %add3A_669 = arith.constant 32 : i32
        %add3A_670 = vector.broadcast %add3A_669 : i32 to vector<16xi32>
        %add3A_671 = arith.addi %and3A_648, %add3A_670 : vector<16xi32>
        %gather3A_672 = tpu.vector_load_idx %arg10[%get3A_459, %add3A_671] : memref<252x64xf32, #tpu.memory_space<vmem>>[vector<16xi32>, vector<16xi32>], vector<16xf32>,
        %scatter3A_673 = arith.constant 0 : i32
        %scatter3A_674 = arith.constant 0 : i32
        %scatter3A_675 = tpu.memref_slice %arg9[%scan3A_326, %scatter3A_673, %scatter3A_674] : memref<2x400x64xf32, #tpu.memory_space<vmem>> -> memref<1x400x64xf32, #tpu.memory_space<vmem>>
        %scatter3A_676 = tpu.memref_squeeze %scatter3A_675 : memref<1x400x64xf32, #tpu.memory_space<vmem>> -> memref<400x64xf32, #tpu.memory_space<vmem>>
        %scatter3A_677 = arith.constant 0 : i32
        %scatter3A_678 = tpu.memref_slice %scatter3A_676[%mul3A_461, %scatter3A_677] : memref<400x64xf32, #tpu.memory_space<vmem>> -> memref<16x64xf32, #tpu.memory_space<vmem>>
        tpu.vector_store_idx %scatter3A_678[%iota3A, %add3A_671], %gather3A_672 {add = true} : memref<16x64xf32, #tpu.memory_space<vmem>>[vector<16xi32>, vector<16xi32>], vector<16xf32>,
        %add3A_679 = arith.constant 48 : i32
        %add3A_680 = vector.broadcast %add3A_679 : i32 to vector<16xi32>
        %add3A_681 = arith.addi %and3A_648, %add3A_680 : vector<16xi32>
        %gather3A_682 = tpu.vector_load_idx %arg10[%get3A_459, %add3A_681] : memref<252x64xf32, #tpu.memory_space<vmem>>[vector<16xi32>, vector<16xi32>], vector<16xf32>,
        %scatter3A_683 = arith.constant 0 : i32
        %scatter3A_684 = arith.constant 0 : i32
        %scatter3A_685 = tpu.memref_slice %arg9[%scan3A_326, %scatter3A_683, %scatter3A_684] : memref<2x400x64xf32, #tpu.memory_space<vmem>> -> memref<1x400x64xf32, #tpu.memory_space<vmem>>
        %scatter3A_686 = tpu.memref_squeeze %scatter3A_685 : memref<1x400x64xf32, #tpu.memory_space<vmem>> -> memref<400x64xf32, #tpu.memory_space<vmem>>
        %scatter3A_687 = arith.constant 0 : i32
        %scatter3A_688 = tpu.memref_slice %scatter3A_686[%mul3A_461, %scatter3A_687] : memref<400x64xf32, #tpu.memory_space<vmem>> -> memref<16x64xf32, #tpu.memory_space<vmem>>
        tpu.vector_store_idx %scatter3A_688[%iota3A, %add3A_681], %gather3A_682 {add = true} : memref<16x64xf32, #tpu.memory_space<vmem>>[vector<16xi32>, vector<16xi32>], vector<16xf32>,
        %add3A_689 = arith.constant 5 : i32
        %add3A_690 = vector.broadcast %add3A_689 : i32 to vector<16xi32>
        %add3A_691 = arith.addi %iota3A, %add3A_690 : vector<16xi32>
        %and3A_692 = arith.constant 15 : i32
        %and3A_693 = vector.broadcast %and3A_692 : i32 to vector<16xi32>
        %and3A_694 = arith.andi %add3A_691, %and3A_693 : vector<16xi32>
        %add3A_695 = arith.constant 0 : i32
        %add3A_696 = vector.broadcast %add3A_695 : i32 to vector<16xi32>
        %add3A_697 = arith.addi %and3A_694, %add3A_696 : vector<16xi32>
        %gather3A_698 = tpu.vector_load_idx %arg10[%get3A_459, %add3A_697] : memref<252x64xf32, #tpu.memory_space<vmem>>[vector<16xi32>, vector<16xi32>], vector<16xf32>,
        %scatter3A_699 = arith.constant 0 : i32
        %scatter3A_700 = arith.constant 0 : i32
        %scatter3A_701 = tpu.memref_slice %arg9[%scan3A_326, %scatter3A_699, %scatter3A_700] : memref<2x400x64xf32, #tpu.memory_space<vmem>> -> memref<1x400x64xf32, #tpu.memory_space<vmem>>
        %scatter3A_702 = tpu.memref_squeeze %scatter3A_701 : memref<1x400x64xf32, #tpu.memory_space<vmem>> -> memref<400x64xf32, #tpu.memory_space<vmem>>
        %scatter3A_703 = arith.constant 0 : i32
        %scatter3A_704 = tpu.memref_slice %scatter3A_702[%mul3A_461, %scatter3A_703] : memref<400x64xf32, #tpu.memory_space<vmem>> -> memref<16x64xf32, #tpu.memory_space<vmem>>
        tpu.vector_store_idx %scatter3A_704[%iota3A, %add3A_697], %gather3A_698 {add = true} : memref<16x64xf32, #tpu.memory_space<vmem>>[vector<16xi32>, vector<16xi32>], vector<16xf32>,
        %add3A_705 = arith.constant 16 : i32
        %add3A_706 = vector.broadcast %add3A_705 : i32 to vector<16xi32>
        %add3A_707 = arith.addi %and3A_694, %add3A_706 : vector<16xi32>
        %gather3A_708 = tpu.vector_load_idx %arg10[%get3A_459, %add3A_707] : memref<252x64xf32, #tpu.memory_space<vmem>>[vector<16xi32>, vector<16xi32>], vector<16xf32>,
        %scatter3A_709 = arith.constant 0 : i32
        %scatter3A_710 = arith.constant 0 : i32
        %scatter3A_711 = tpu.memref_slice %arg9[%scan3A_326, %scatter3A_709, %scatter3A_710] : memref<2x400x64xf32, #tpu.memory_space<vmem>> -> memref<1x400x64xf32, #tpu.memory_space<vmem>>
        %scatter3A_712 = tpu.memref_squeeze %scatter3A_711 : memref<1x400x64xf32, #tpu.memory_space<vmem>> -> memref<400x64xf32, #tpu.memory_space<vmem>>
        %scatter3A_713 = arith.constant 0 : i32
        %scatter3A_714 = tpu.memref_slice %scatter3A_712[%mul3A_461, %scatter3A_713] : memref<400x64xf32, #tpu.memory_space<vmem>> -> memref<16x64xf32, #tpu.memory_space<vmem>>
        tpu.vector_store_idx %scatter3A_714[%iota3A, %add3A_707], %gather3A_708 {add = true} : memref<16x64xf32, #tpu.memory_space<vmem>>[vector<16xi32>, vector<16xi32>], vector<16xf32>,
        %add3A_715 = arith.constant 32 : i32
        %add3A_716 = vector.broadcast %add3A_715 : i32 to vector<16xi32>
        %add3A_717 = arith.addi %and3A_694, %add3A_716 : vector<16xi32>
        %gather3A_718 = tpu.vector_load_idx %arg10[%get3A_459, %add3A_717] : memref<252x64xf32, #tpu.memory_space<vmem>>[vector<16xi32>, vector<16xi32>], vector<16xf32>,
        %scatter3A_719 = arith.constant 0 : i32
        %scatter3A_720 = arith.constant 0 : i32
        %scatter3A_721 = tpu.memref_slice %arg9[%scan3A_326, %scatter3A_719, %scatter3A_720] : memref<2x400x64xf32, #tpu.memory_space<vmem>> -> memref<1x400x64xf32, #tpu.memory_space<vmem>>
        %scatter3A_722 = tpu.memref_squeeze %scatter3A_721 : memref<1x400x64xf32, #tpu.memory_space<vmem>> -> memref<400x64xf32, #tpu.memory_space<vmem>>
        %scatter3A_723 = arith.constant 0 : i32
        %scatter3A_724 = tpu.memref_slice %scatter3A_722[%mul3A_461, %scatter3A_723] : memref<400x64xf32, #tpu.memory_space<vmem>> -> memref<16x64xf32, #tpu.memory_space<vmem>>
        tpu.vector_store_idx %scatter3A_724[%iota3A, %add3A_717], %gather3A_718 {add = true} : memref<16x64xf32, #tpu.memory_space<vmem>>[vector<16xi32>, vector<16xi32>], vector<16xf32>,
        %add3A_725 = arith.constant 48 : i32
        %add3A_726 = vector.broadcast %add3A_725 : i32 to vector<16xi32>
        %add3A_727 = arith.addi %and3A_694, %add3A_726 : vector<16xi32>
        %gather3A_728 = tpu.vector_load_idx %arg10[%get3A_459, %add3A_727] : memref<252x64xf32, #tpu.memory_space<vmem>>[vector<16xi32>, vector<16xi32>], vector<16xf32>,
        %scatter3A_729 = arith.constant 0 : i32
        %scatter3A_730 = arith.constant 0 : i32
        %scatter3A_731 = tpu.memref_slice %arg9[%scan3A_326, %scatter3A_729, %scatter3A_730] : memref<2x400x64xf32, #tpu.memory_space<vmem>> -> memref<1x400x64xf32, #tpu.memory_space<vmem>>
        %scatter3A_732 = tpu.memref_squeeze %scatter3A_731 : memref<1x400x64xf32, #tpu.memory_space<vmem>> -> memref<400x64xf32, #tpu.memory_space<vmem>>
        %scatter3A_733 = arith.constant 0 : i32
        %scatter3A_734 = tpu.memref_slice %scatter3A_732[%mul3A_461, %scatter3A_733] : memref<400x64xf32, #tpu.memory_space<vmem>> -> memref<16x64xf32, #tpu.memory_space<vmem>>
        tpu.vector_store_idx %scatter3A_734[%iota3A, %add3A_727], %gather3A_728 {add = true} : memref<16x64xf32, #tpu.memory_space<vmem>>[vector<16xi32>, vector<16xi32>], vector<16xf32>,
        %add3A_735 = arith.constant 6 : i32
        %add3A_736 = vector.broadcast %add3A_735 : i32 to vector<16xi32>
        %add3A_737 = arith.addi %iota3A, %add3A_736 : vector<16xi32>
        %and3A_738 = arith.constant 15 : i32
        %and3A_739 = vector.broadcast %and3A_738 : i32 to vector<16xi32>
        %and3A_740 = arith.andi %add3A_737, %and3A_739 : vector<16xi32>
        %add3A_741 = arith.constant 0 : i32
        %add3A_742 = vector.broadcast %add3A_741 : i32 to vector<16xi32>
        %add3A_743 = arith.addi %and3A_740, %add3A_742 : vector<16xi32>
        %gather3A_744 = tpu.vector_load_idx %arg10[%get3A_459, %add3A_743] : memref<252x64xf32, #tpu.memory_space<vmem>>[vector<16xi32>, vector<16xi32>], vector<16xf32>,
        %scatter3A_745 = arith.constant 0 : i32
        %scatter3A_746 = arith.constant 0 : i32
        %scatter3A_747 = tpu.memref_slice %arg9[%scan3A_326, %scatter3A_745, %scatter3A_746] : memref<2x400x64xf32, #tpu.memory_space<vmem>> -> memref<1x400x64xf32, #tpu.memory_space<vmem>>
        %scatter3A_748 = tpu.memref_squeeze %scatter3A_747 : memref<1x400x64xf32, #tpu.memory_space<vmem>> -> memref<400x64xf32, #tpu.memory_space<vmem>>
        %scatter3A_749 = arith.constant 0 : i32
        %scatter3A_750 = tpu.memref_slice %scatter3A_748[%mul3A_461, %scatter3A_749] : memref<400x64xf32, #tpu.memory_space<vmem>> -> memref<16x64xf32, #tpu.memory_space<vmem>>
        tpu.vector_store_idx %scatter3A_750[%iota3A, %add3A_743], %gather3A_744 {add = true} : memref<16x64xf32, #tpu.memory_space<vmem>>[vector<16xi32>, vector<16xi32>], vector<16xf32>,
        %add3A_751 = arith.constant 16 : i32
        %add3A_752 = vector.broadcast %add3A_751 : i32 to vector<16xi32>
        %add3A_753 = arith.addi %and3A_740, %add3A_752 : vector<16xi32>
        %gather3A_754 = tpu.vector_load_idx %arg10[%get3A_459, %add3A_753] : memref<252x64xf32, #tpu.memory_space<vmem>>[vector<16xi32>, vector<16xi32>], vector<16xf32>,
        %scatter3A_755 = arith.constant 0 : i32
        %scatter3A_756 = arith.constant 0 : i32
        %scatter3A_757 = tpu.memref_slice %arg9[%scan3A_326, %scatter3A_755, %scatter3A_756] : memref<2x400x64xf32, #tpu.memory_space<vmem>> -> memref<1x400x64xf32, #tpu.memory_space<vmem>>
        %scatter3A_758 = tpu.memref_squeeze %scatter3A_757 : memref<1x400x64xf32, #tpu.memory_space<vmem>> -> memref<400x64xf32, #tpu.memory_space<vmem>>
        %scatter3A_759 = arith.constant 0 : i32
        %scatter3A_760 = tpu.memref_slice %scatter3A_758[%mul3A_461, %scatter3A_759] : memref<400x64xf32, #tpu.memory_space<vmem>> -> memref<16x64xf32, #tpu.memory_space<vmem>>
        tpu.vector_store_idx %scatter3A_760[%iota3A, %add3A_753], %gather3A_754 {add = true} : memref<16x64xf32, #tpu.memory_space<vmem>>[vector<16xi32>, vector<16xi32>], vector<16xf32>,
        %add3A_761 = arith.constant 32 : i32
        %add3A_762 = vector.broadcast %add3A_761 : i32 to vector<16xi32>
        %add3A_763 = arith.addi %and3A_740, %add3A_762 : vector<16xi32>
        %gather3A_764 = tpu.vector_load_idx %arg10[%get3A_459, %add3A_763] : memref<252x64xf32, #tpu.memory_space<vmem>>[vector<16xi32>, vector<16xi32>], vector<16xf32>,
        %scatter3A_765 = arith.constant 0 : i32
        %scatter3A_766 = arith.constant 0 : i32
        %scatter3A_767 = tpu.memref_slice %arg9[%scan3A_326, %scatter3A_765, %scatter3A_766] : memref<2x400x64xf32, #tpu.memory_space<vmem>> -> memref<1x400x64xf32, #tpu.memory_space<vmem>>
        %scatter3A_768 = tpu.memref_squeeze %scatter3A_767 : memref<1x400x64xf32, #tpu.memory_space<vmem>> -> memref<400x64xf32, #tpu.memory_space<vmem>>
        %scatter3A_769 = arith.constant 0 : i32
        %scatter3A_770 = tpu.memref_slice %scatter3A_768[%mul3A_461, %scatter3A_769] : memref<400x64xf32, #tpu.memory_space<vmem>> -> memref<16x64xf32, #tpu.memory_space<vmem>>
        tpu.vector_store_idx %scatter3A_770[%iota3A, %add3A_763], %gather3A_764 {add = true} : memref<16x64xf32, #tpu.memory_space<vmem>>[vector<16xi32>, vector<16xi32>], vector<16xf32>,
        %add3A_771 = arith.constant 48 : i32
        %add3A_772 = vector.broadcast %add3A_771 : i32 to vector<16xi32>
        %add3A_773 = arith.addi %and3A_740, %add3A_772 : vector<16xi32>
        %gather3A_774 = tpu.vector_load_idx %arg10[%get3A_459, %add3A_773] : memref<252x64xf32, #tpu.memory_space<vmem>>[vector<16xi32>, vector<16xi32>], vector<16xf32>,
        %scatter3A_775 = arith.constant 0 : i32
        %scatter3A_776 = arith.constant 0 : i32
        %scatter3A_777 = tpu.memref_slice %arg9[%scan3A_326, %scatter3A_775, %scatter3A_776] : memref<2x400x64xf32, #tpu.memory_space<vmem>> -> memref<1x400x64xf32, #tpu.memory_space<vmem>>
        %scatter3A_778 = tpu.memref_squeeze %scatter3A_777 : memref<1x400x64xf32, #tpu.memory_space<vmem>> -> memref<400x64xf32, #tpu.memory_space<vmem>>
        %scatter3A_779 = arith.constant 0 : i32
        %scatter3A_780 = tpu.memref_slice %scatter3A_778[%mul3A_461, %scatter3A_779] : memref<400x64xf32, #tpu.memory_space<vmem>> -> memref<16x64xf32, #tpu.memory_space<vmem>>
        tpu.vector_store_idx %scatter3A_780[%iota3A, %add3A_773], %gather3A_774 {add = true} : memref<16x64xf32, #tpu.memory_space<vmem>>[vector<16xi32>, vector<16xi32>], vector<16xf32>,
        %add3A_781 = arith.constant 7 : i32
        %add3A_782 = vector.broadcast %add3A_781 : i32 to vector<16xi32>
        %add3A_783 = arith.addi %iota3A, %add3A_782 : vector<16xi32>
        %and3A_784 = arith.constant 15 : i32
        %and3A_785 = vector.broadcast %and3A_784 : i32 to vector<16xi32>
        %and3A_786 = arith.andi %add3A_783, %and3A_785 : vector<16xi32>
        %add3A_787 = arith.constant 0 : i32
        %add3A_788 = vector.broadcast %add3A_787 : i32 to vector<16xi32>
        %add3A_789 = arith.addi %and3A_786, %add3A_788 : vector<16xi32>
        %gather3A_790 = tpu.vector_load_idx %arg10[%get3A_459, %add3A_789] : memref<252x64xf32, #tpu.memory_space<vmem>>[vector<16xi32>, vector<16xi32>], vector<16xf32>,
        %scatter3A_791 = arith.constant 0 : i32
        %scatter3A_792 = arith.constant 0 : i32
        %scatter3A_793 = tpu.memref_slice %arg9[%scan3A_326, %scatter3A_791, %scatter3A_792] : memref<2x400x64xf32, #tpu.memory_space<vmem>> -> memref<1x400x64xf32, #tpu.memory_space<vmem>>
        %scatter3A_794 = tpu.memref_squeeze %scatter3A_793 : memref<1x400x64xf32, #tpu.memory_space<vmem>> -> memref<400x64xf32, #tpu.memory_space<vmem>>
        %scatter3A_795 = arith.constant 0 : i32
        %scatter3A_796 = tpu.memref_slice %scatter3A_794[%mul3A_461, %scatter3A_795] : memref<400x64xf32, #tpu.memory_space<vmem>> -> memref<16x64xf32, #tpu.memory_space<vmem>>
        tpu.vector_store_idx %scatter3A_796[%iota3A, %add3A_789], %gather3A_790 {add = true} : memref<16x64xf32, #tpu.memory_space<vmem>>[vector<16xi32>, vector<16xi32>], vector<16xf32>,
        %add3A_797 = arith.constant 16 : i32
        %add3A_798 = vector.broadcast %add3A_797 : i32 to vector<16xi32>
        %add3A_799 = arith.addi %and3A_786, %add3A_798 : vector<16xi32>
        %gather3A_800 = tpu.vector_load_idx %arg10[%get3A_459, %add3A_799] : memref<252x64xf32, #tpu.memory_space<vmem>>[vector<16xi32>, vector<16xi32>], vector<16xf32>,
        %scatter3A_801 = arith.constant 0 : i32
        %scatter3A_802 = arith.constant 0 : i32
        %scatter3A_803 = tpu.memref_slice %arg9[%scan3A_326, %scatter3A_801, %scatter3A_802] : memref<2x400x64xf32, #tpu.memory_space<vmem>> -> memref<1x400x64xf32, #tpu.memory_space<vmem>>
        %scatter3A_804 = tpu.memref_squeeze %scatter3A_803 : memref<1x400x64xf32, #tpu.memory_space<vmem>> -> memref<400x64xf32, #tpu.memory_space<vmem>>
        %scatter3A_805 = arith.constant 0 : i32
        %scatter3A_806 = tpu.memref_slice %scatter3A_804[%mul3A_461, %scatter3A_805] : memref<400x64xf32, #tpu.memory_space<vmem>> -> memref<16x64xf32, #tpu.memory_space<vmem>>
        tpu.vector_store_idx %scatter3A_806[%iota3A, %add3A_799], %gather3A_800 {add = true} : memref<16x64xf32, #tpu.memory_space<vmem>>[vector<16xi32>, vector<16xi32>], vector<16xf32>,
        %add3A_807 = arith.constant 32 : i32
        %add3A_808 = vector.broadcast %add3A_807 : i32 to vector<16xi32>
        %add3A_809 = arith.addi %and3A_786, %add3A_808 : vector<16xi32>
        %gather3A_810 = tpu.vector_load_idx %arg10[%get3A_459, %add3A_809] : memref<252x64xf32, #tpu.memory_space<vmem>>[vector<16xi32>, vector<16xi32>], vector<16xf32>,
        %scatter3A_811 = arith.constant 0 : i32
        %scatter3A_812 = arith.constant 0 : i32
        %scatter3A_813 = tpu.memref_slice %arg9[%scan3A_326, %scatter3A_811, %scatter3A_812] : memref<2x400x64xf32, #tpu.memory_space<vmem>> -> memref<1x400x64xf32, #tpu.memory_space<vmem>>
        %scatter3A_814 = tpu.memref_squeeze %scatter3A_813 : memref<1x400x64xf32, #tpu.memory_space<vmem>> -> memref<400x64xf32, #tpu.memory_space<vmem>>
        %scatter3A_815 = arith.constant 0 : i32
        %scatter3A_816 = tpu.memref_slice %scatter3A_814[%mul3A_461, %scatter3A_815] : memref<400x64xf32, #tpu.memory_space<vmem>> -> memref<16x64xf32, #tpu.memory_space<vmem>>
        tpu.vector_store_idx %scatter3A_816[%iota3A, %add3A_809], %gather3A_810 {add = true} : memref<16x64xf32, #tpu.memory_space<vmem>>[vector<16xi32>, vector<16xi32>], vector<16xf32>,
        %add3A_817 = arith.constant 48 : i32
        %add3A_818 = vector.broadcast %add3A_817 : i32 to vector<16xi32>
        %add3A_819 = arith.addi %and3A_786, %add3A_818 : vector<16xi32>
        %gather3A_820 = tpu.vector_load_idx %arg10[%get3A_459, %add3A_819] : memref<252x64xf32, #tpu.memory_space<vmem>>[vector<16xi32>, vector<16xi32>], vector<16xf32>,
        %scatter3A_821 = arith.constant 0 : i32
        %scatter3A_822 = arith.constant 0 : i32
        %scatter3A_823 = tpu.memref_slice %arg9[%scan3A_326, %scatter3A_821, %scatter3A_822] : memref<2x400x64xf32, #tpu.memory_space<vmem>> -> memref<1x400x64xf32, #tpu.memory_space<vmem>>
        %scatter3A_824 = tpu.memref_squeeze %scatter3A_823 : memref<1x400x64xf32, #tpu.memory_space<vmem>> -> memref<400x64xf32, #tpu.memory_space<vmem>>
        %scatter3A_825 = arith.constant 0 : i32
        %scatter3A_826 = tpu.memref_slice %scatter3A_824[%mul3A_461, %scatter3A_825] : memref<400x64xf32, #tpu.memory_space<vmem>> -> memref<16x64xf32, #tpu.memory_space<vmem>>
        tpu.vector_store_idx %scatter3A_826[%iota3A, %add3A_819], %gather3A_820 {add = true} : memref<16x64xf32, #tpu.memory_space<vmem>>[vector<16xi32>, vector<16xi32>], vector<16xf32>,
        %add3A_827 = arith.constant 8 : i32
        %add3A_828 = vector.broadcast %add3A_827 : i32 to vector<16xi32>
        %add3A_829 = arith.addi %iota3A, %add3A_828 : vector<16xi32>
        %and3A_830 = arith.constant 15 : i32
        %and3A_831 = vector.broadcast %and3A_830 : i32 to vector<16xi32>
        %and3A_832 = arith.andi %add3A_829, %and3A_831 : vector<16xi32>
        %add3A_833 = arith.constant 0 : i32
        %add3A_834 = vector.broadcast %add3A_833 : i32 to vector<16xi32>
        %add3A_835 = arith.addi %and3A_832, %add3A_834 : vector<16xi32>
        %gather3A_836 = tpu.vector_load_idx %arg10[%get3A_459, %add3A_835] : memref<252x64xf32, #tpu.memory_space<vmem>>[vector<16xi32>, vector<16xi32>], vector<16xf32>,
        %scatter3A_837 = arith.constant 0 : i32
        %scatter3A_838 = arith.constant 0 : i32
        %scatter3A_839 = tpu.memref_slice %arg9[%scan3A_326, %scatter3A_837, %scatter3A_838] : memref<2x400x64xf32, #tpu.memory_space<vmem>> -> memref<1x400x64xf32, #tpu.memory_space<vmem>>
        %scatter3A_840 = tpu.memref_squeeze %scatter3A_839 : memref<1x400x64xf32, #tpu.memory_space<vmem>> -> memref<400x64xf32, #tpu.memory_space<vmem>>
        %scatter3A_841 = arith.constant 0 : i32
        %scatter3A_842 = tpu.memref_slice %scatter3A_840[%mul3A_461, %scatter3A_841] : memref<400x64xf32, #tpu.memory_space<vmem>> -> memref<16x64xf32, #tpu.memory_space<vmem>>
        tpu.vector_store_idx %scatter3A_842[%iota3A, %add3A_835], %gather3A_836 {add = true} : memref<16x64xf32, #tpu.memory_space<vmem>>[vector<16xi32>, vector<16xi32>], vector<16xf32>,
        %add3A_843 = arith.constant 16 : i32
        %add3A_844 = vector.broadcast %add3A_843 : i32 to vector<16xi32>
        %add3A_845 = arith.addi %and3A_832, %add3A_844 : vector<16xi32>
        %gather3A_846 = tpu.vector_load_idx %arg10[%get3A_459, %add3A_845] : memref<252x64xf32, #tpu.memory_space<vmem>>[vector<16xi32>, vector<16xi32>], vector<16xf32>,
        %scatter3A_847 = arith.constant 0 : i32
        %scatter3A_848 = arith.constant 0 : i32
        %scatter3A_849 = tpu.memref_slice %arg9[%scan3A_326, %scatter3A_847, %scatter3A_848] : memref<2x400x64xf32, #tpu.memory_space<vmem>> -> memref<1x400x64xf32, #tpu.memory_space<vmem>>
        %scatter3A_850 = tpu.memref_squeeze %scatter3A_849 : memref<1x400x64xf32, #tpu.memory_space<vmem>> -> memref<400x64xf32, #tpu.memory_space<vmem>>
        %scatter3A_851 = arith.constant 0 : i32
        %scatter3A_852 = tpu.memref_slice %scatter3A_850[%mul3A_461, %scatter3A_851] : memref<400x64xf32, #tpu.memory_space<vmem>> -> memref<16x64xf32, #tpu.memory_space<vmem>>
        tpu.vector_store_idx %scatter3A_852[%iota3A, %add3A_845], %gather3A_846 {add = true} : memref<16x64xf32, #tpu.memory_space<vmem>>[vector<16xi32>, vector<16xi32>], vector<16xf32>,
        %add3A_853 = arith.constant 32 : i32
        %add3A_854 = vector.broadcast %add3A_853 : i32 to vector<16xi32>
        %add3A_855 = arith.addi %and3A_832, %add3A_854 : vector<16xi32>
        %gather3A_856 = tpu.vector_load_idx %arg10[%get3A_459, %add3A_855] : memref<252x64xf32, #tpu.memory_space<vmem>>[vector<16xi32>, vector<16xi32>], vector<16xf32>,
        %scatter3A_857 = arith.constant 0 : i32
        %scatter3A_858 = arith.constant 0 : i32
        %scatter3A_859 = tpu.memref_slice %arg9[%scan3A_326, %scatter3A_857, %scatter3A_858] : memref<2x400x64xf32, #tpu.memory_space<vmem>> -> memref<1x400x64xf32, #tpu.memory_space<vmem>>
        %scatter3A_860 = tpu.memref_squeeze %scatter3A_859 : memref<1x400x64xf32, #tpu.memory_space<vmem>> -> memref<400x64xf32, #tpu.memory_space<vmem>>
        %scatter3A_861 = arith.constant 0 : i32
        %scatter3A_862 = tpu.memref_slice %scatter3A_860[%mul3A_461, %scatter3A_861] : memref<400x64xf32, #tpu.memory_space<vmem>> -> memref<16x64xf32, #tpu.memory_space<vmem>>
        tpu.vector_store_idx %scatter3A_862[%iota3A, %add3A_855], %gather3A_856 {add = true} : memref<16x64xf32, #tpu.memory_space<vmem>>[vector<16xi32>, vector<16xi32>], vector<16xf32>,
        %add3A_863 = arith.constant 48 : i32
        %add3A_864 = vector.broadcast %add3A_863 : i32 to vector<16xi32>
        %add3A_865 = arith.addi %and3A_832, %add3A_864 : vector<16xi32>
        %gather3A_866 = tpu.vector_load_idx %arg10[%get3A_459, %add3A_865] : memref<252x64xf32, #tpu.memory_space<vmem>>[vector<16xi32>, vector<16xi32>], vector<16xf32>,
        %scatter3A_867 = arith.constant 0 : i32
        %scatter3A_868 = arith.constant 0 : i32
        %scatter3A_869 = tpu.memref_slice %arg9[%scan3A_326, %scatter3A_867, %scatter3A_868] : memref<2x400x64xf32, #tpu.memory_space<vmem>> -> memref<1x400x64xf32, #tpu.memory_space<vmem>>
        %scatter3A_870 = tpu.memref_squeeze %scatter3A_869 : memref<1x400x64xf32, #tpu.memory_space<vmem>> -> memref<400x64xf32, #tpu.memory_space<vmem>>
        %scatter3A_871 = arith.constant 0 : i32
        %scatter3A_872 = tpu.memref_slice %scatter3A_870[%mul3A_461, %scatter3A_871] : memref<400x64xf32, #tpu.memory_space<vmem>> -> memref<16x64xf32, #tpu.memory_space<vmem>>
        tpu.vector_store_idx %scatter3A_872[%iota3A, %add3A_865], %gather3A_866 {add = true} : memref<16x64xf32, #tpu.memory_space<vmem>>[vector<16xi32>, vector<16xi32>], vector<16xf32>,
        %add3A_873 = arith.constant 9 : i32
        %add3A_874 = vector.broadcast %add3A_873 : i32 to vector<16xi32>
        %add3A_875 = arith.addi %iota3A, %add3A_874 : vector<16xi32>
        %and3A_876 = arith.constant 15 : i32
        %and3A_877 = vector.broadcast %and3A_876 : i32 to vector<16xi32>
        %and3A_878 = arith.andi %add3A_875, %and3A_877 : vector<16xi32>
        %add3A_879 = arith.constant 0 : i32
        %add3A_880 = vector.broadcast %add3A_879 : i32 to vector<16xi32>
        %add3A_881 = arith.addi %and3A_878, %add3A_880 : vector<16xi32>
        %gather3A_882 = tpu.vector_load_idx %arg10[%get3A_459, %add3A_881] : memref<252x64xf32, #tpu.memory_space<vmem>>[vector<16xi32>, vector<16xi32>], vector<16xf32>,
        %scatter3A_883 = arith.constant 0 : i32
        %scatter3A_884 = arith.constant 0 : i32
        %scatter3A_885 = tpu.memref_slice %arg9[%scan3A_326, %scatter3A_883, %scatter3A_884] : memref<2x400x64xf32, #tpu.memory_space<vmem>> -> memref<1x400x64xf32, #tpu.memory_space<vmem>>
        %scatter3A_886 = tpu.memref_squeeze %scatter3A_885 : memref<1x400x64xf32, #tpu.memory_space<vmem>> -> memref<400x64xf32, #tpu.memory_space<vmem>>
        %scatter3A_887 = arith.constant 0 : i32
        %scatter3A_888 = tpu.memref_slice %scatter3A_886[%mul3A_461, %scatter3A_887] : memref<400x64xf32, #tpu.memory_space<vmem>> -> memref<16x64xf32, #tpu.memory_space<vmem>>
        tpu.vector_store_idx %scatter3A_888[%iota3A, %add3A_881], %gather3A_882 {add = true} : memref<16x64xf32, #tpu.memory_space<vmem>>[vector<16xi32>, vector<16xi32>], vector<16xf32>,
        %add3A_889 = arith.constant 16 : i32
        %add3A_890 = vector.broadcast %add3A_889 : i32 to vector<16xi32>
        %add3A_891 = arith.addi %and3A_878, %add3A_890 : vector<16xi32>
        %gather3A_892 = tpu.vector_load_idx %arg10[%get3A_459, %add3A_891] : memref<252x64xf32, #tpu.memory_space<vmem>>[vector<16xi32>, vector<16xi32>], vector<16xf32>,
        %scatter3A_893 = arith.constant 0 : i32
        %scatter3A_894 = arith.constant 0 : i32
        %scatter3A_895 = tpu.memref_slice %arg9[%scan3A_326, %scatter3A_893, %scatter3A_894] : memref<2x400x64xf32, #tpu.memory_space<vmem>> -> memref<1x400x64xf32, #tpu.memory_space<vmem>>
        %scatter3A_896 = tpu.memref_squeeze %scatter3A_895 : memref<1x400x64xf32, #tpu.memory_space<vmem>> -> memref<400x64xf32, #tpu.memory_space<vmem>>
        %scatter3A_897 = arith.constant 0 : i32
        %scatter3A_898 = tpu.memref_slice %scatter3A_896[%mul3A_461, %scatter3A_897] : memref<400x64xf32, #tpu.memory_space<vmem>> -> memref<16x64xf32, #tpu.memory_space<vmem>>
        tpu.vector_store_idx %scatter3A_898[%iota3A, %add3A_891], %gather3A_892 {add = true} : memref<16x64xf32, #tpu.memory_space<vmem>>[vector<16xi32>, vector<16xi32>], vector<16xf32>,
        %add3A_899 = arith.constant 32 : i32
        %add3A_900 = vector.broadcast %add3A_899 : i32 to vector<16xi32>
        %add3A_901 = arith.addi %and3A_878, %add3A_900 : vector<16xi32>
        %gather3A_902 = tpu.vector_load_idx %arg10[%get3A_459, %add3A_901] : memref<252x64xf32, #tpu.memory_space<vmem>>[vector<16xi32>, vector<16xi32>], vector<16xf32>,
        %scatter3A_903 = arith.constant 0 : i32
        %scatter3A_904 = arith.constant 0 : i32
        %scatter3A_905 = tpu.memref_slice %arg9[%scan3A_326, %scatter3A_903, %scatter3A_904] : memref<2x400x64xf32, #tpu.memory_space<vmem>> -> memref<1x400x64xf32, #tpu.memory_space<vmem>>
        %scatter3A_906 = tpu.memref_squeeze %scatter3A_905 : memref<1x400x64xf32, #tpu.memory_space<vmem>> -> memref<400x64xf32, #tpu.memory_space<vmem>>
        %scatter3A_907 = arith.constant 0 : i32
        %scatter3A_908 = tpu.memref_slice %scatter3A_906[%mul3A_461, %scatter3A_907] : memref<400x64xf32, #tpu.memory_space<vmem>> -> memref<16x64xf32, #tpu.memory_space<vmem>>
        tpu.vector_store_idx %scatter3A_908[%iota3A, %add3A_901], %gather3A_902 {add = true} : memref<16x64xf32, #tpu.memory_space<vmem>>[vector<16xi32>, vector<16xi32>], vector<16xf32>,
        %add3A_909 = arith.constant 48 : i32
        %add3A_910 = vector.broadcast %add3A_909 : i32 to vector<16xi32>
        %add3A_911 = arith.addi %and3A_878, %add3A_910 : vector<16xi32>
        %gather3A_912 = tpu.vector_load_idx %arg10[%get3A_459, %add3A_911] : memref<252x64xf32, #tpu.memory_space<vmem>>[vector<16xi32>, vector<16xi32>], vector<16xf32>,
        %scatter3A_913 = arith.constant 0 : i32
        %scatter3A_914 = arith.constant 0 : i32
        %scatter3A_915 = tpu.memref_slice %arg9[%scan3A_326, %scatter3A_913, %scatter3A_914] : memref<2x400x64xf32, #tpu.memory_space<vmem>> -> memref<1x400x64xf32, #tpu.memory_space<vmem>>
        %scatter3A_916 = tpu.memref_squeeze %scatter3A_915 : memref<1x400x64xf32, #tpu.memory_space<vmem>> -> memref<400x64xf32, #tpu.memory_space<vmem>>
        %scatter3A_917 = arith.constant 0 : i32
        %scatter3A_918 = tpu.memref_slice %scatter3A_916[%mul3A_461, %scatter3A_917] : memref<400x64xf32, #tpu.memory_space<vmem>> -> memref<16x64xf32, #tpu.memory_space<vmem>>
        tpu.vector_store_idx %scatter3A_918[%iota3A, %add3A_911], %gather3A_912 {add = true} : memref<16x64xf32, #tpu.memory_space<vmem>>[vector<16xi32>, vector<16xi32>], vector<16xf32>,
        %add3A_919 = arith.constant 10 : i32
        %add3A_920 = vector.broadcast %add3A_919 : i32 to vector<16xi32>
        %add3A_921 = arith.addi %iota3A, %add3A_920 : vector<16xi32>
        %and3A_922 = arith.constant 15 : i32
        %and3A_923 = vector.broadcast %and3A_922 : i32 to vector<16xi32>
        %and3A_924 = arith.andi %add3A_921, %and3A_923 : vector<16xi32>
        %add3A_925 = arith.constant 0 : i32
        %add3A_926 = vector.broadcast %add3A_925 : i32 to vector<16xi32>
        %add3A_927 = arith.addi %and3A_924, %add3A_926 : vector<16xi32>
        %gather3A_928 = tpu.vector_load_idx %arg10[%get3A_459, %add3A_927] : memref<252x64xf32, #tpu.memory_space<vmem>>[vector<16xi32>, vector<16xi32>], vector<16xf32>,
        %scatter3A_929 = arith.constant 0 : i32
        %scatter3A_930 = arith.constant 0 : i32
        %scatter3A_931 = tpu.memref_slice %arg9[%scan3A_326, %scatter3A_929, %scatter3A_930] : memref<2x400x64xf32, #tpu.memory_space<vmem>> -> memref<1x400x64xf32, #tpu.memory_space<vmem>>
        %scatter3A_932 = tpu.memref_squeeze %scatter3A_931 : memref<1x400x64xf32, #tpu.memory_space<vmem>> -> memref<400x64xf32, #tpu.memory_space<vmem>>
        %scatter3A_933 = arith.constant 0 : i32
        %scatter3A_934 = tpu.memref_slice %scatter3A_932[%mul3A_461, %scatter3A_933] : memref<400x64xf32, #tpu.memory_space<vmem>> -> memref<16x64xf32, #tpu.memory_space<vmem>>
        tpu.vector_store_idx %scatter3A_934[%iota3A, %add3A_927], %gather3A_928 {add = true} : memref<16x64xf32, #tpu.memory_space<vmem>>[vector<16xi32>, vector<16xi32>], vector<16xf32>,
        %add3A_935 = arith.constant 16 : i32
        %add3A_936 = vector.broadcast %add3A_935 : i32 to vector<16xi32>
        %add3A_937 = arith.addi %and3A_924, %add3A_936 : vector<16xi32>
        %gather3A_938 = tpu.vector_load_idx %arg10[%get3A_459, %add3A_937] : memref<252x64xf32, #tpu.memory_space<vmem>>[vector<16xi32>, vector<16xi32>], vector<16xf32>,
        %scatter3A_939 = arith.constant 0 : i32
        %scatter3A_940 = arith.constant 0 : i32
        %scatter3A_941 = tpu.memref_slice %arg9[%scan3A_326, %scatter3A_939, %scatter3A_940] : memref<2x400x64xf32, #tpu.memory_space<vmem>> -> memref<1x400x64xf32, #tpu.memory_space<vmem>>
        %scatter3A_942 = tpu.memref_squeeze %scatter3A_941 : memref<1x400x64xf32, #tpu.memory_space<vmem>> -> memref<400x64xf32, #tpu.memory_space<vmem>>
        %scatter3A_943 = arith.constant 0 : i32
        %scatter3A_944 = tpu.memref_slice %scatter3A_942[%mul3A_461, %scatter3A_943] : memref<400x64xf32, #tpu.memory_space<vmem>> -> memref<16x64xf32, #tpu.memory_space<vmem>>
        tpu.vector_store_idx %scatter3A_944[%iota3A, %add3A_937], %gather3A_938 {add = true} : memref<16x64xf32, #tpu.memory_space<vmem>>[vector<16xi32>, vector<16xi32>], vector<16xf32>,
        %add3A_945 = arith.constant 32 : i32
        %add3A_946 = vector.broadcast %add3A_945 : i32 to vector<16xi32>
        %add3A_947 = arith.addi %and3A_924, %add3A_946 : vector<16xi32>
        %gather3A_948 = tpu.vector_load_idx %arg10[%get3A_459, %add3A_947] : memref<252x64xf32, #tpu.memory_space<vmem>>[vector<16xi32>, vector<16xi32>], vector<16xf32>,
        %scatter3A_949 = arith.constant 0 : i32
        %scatter3A_950 = arith.constant 0 : i32
        %scatter3A_951 = tpu.memref_slice %arg9[%scan3A_326, %scatter3A_949, %scatter3A_950] : memref<2x400x64xf32, #tpu.memory_space<vmem>> -> memref<1x400x64xf32, #tpu.memory_space<vmem>>
        %scatter3A_952 = tpu.memref_squeeze %scatter3A_951 : memref<1x400x64xf32, #tpu.memory_space<vmem>> -> memref<400x64xf32, #tpu.memory_space<vmem>>
        %scatter3A_953 = arith.constant 0 : i32
        %scatter3A_954 = tpu.memref_slice %scatter3A_952[%mul3A_461, %scatter3A_953] : memref<400x64xf32, #tpu.memory_space<vmem>> -> memref<16x64xf32, #tpu.memory_space<vmem>>
        tpu.vector_store_idx %scatter3A_954[%iota3A, %add3A_947], %gather3A_948 {add = true} : memref<16x64xf32, #tpu.memory_space<vmem>>[vector<16xi32>, vector<16xi32>], vector<16xf32>,
        %add3A_955 = arith.constant 48 : i32
        %add3A_956 = vector.broadcast %add3A_955 : i32 to vector<16xi32>
        %add3A_957 = arith.addi %and3A_924, %add3A_956 : vector<16xi32>
        %gather3A_958 = tpu.vector_load_idx %arg10[%get3A_459, %add3A_957] : memref<252x64xf32, #tpu.memory_space<vmem>>[vector<16xi32>, vector<16xi32>], vector<16xf32>,
        %scatter3A_959 = arith.constant 0 : i32
        %scatter3A_960 = arith.constant 0 : i32
        %scatter3A_961 = tpu.memref_slice %arg9[%scan3A_326, %scatter3A_959, %scatter3A_960] : memref<2x400x64xf32, #tpu.memory_space<vmem>> -> memref<1x400x64xf32, #tpu.memory_space<vmem>>
        %scatter3A_962 = tpu.memref_squeeze %scatter3A_961 : memref<1x400x64xf32, #tpu.memory_space<vmem>> -> memref<400x64xf32, #tpu.memory_space<vmem>>
        %scatter3A_963 = arith.constant 0 : i32
        %scatter3A_964 = tpu.memref_slice %scatter3A_962[%mul3A_461, %scatter3A_963] : memref<400x64xf32, #tpu.memory_space<vmem>> -> memref<16x64xf32, #tpu.memory_space<vmem>>
        tpu.vector_store_idx %scatter3A_964[%iota3A, %add3A_957], %gather3A_958 {add = true} : memref<16x64xf32, #tpu.memory_space<vmem>>[vector<16xi32>, vector<16xi32>], vector<16xf32>,
        %add3A_965 = arith.constant 11 : i32
        %add3A_966 = vector.broadcast %add3A_965 : i32 to vector<16xi32>
        %add3A_967 = arith.addi %iota3A, %add3A_966 : vector<16xi32>
        %and3A_968 = arith.constant 15 : i32
        %and3A_969 = vector.broadcast %and3A_968 : i32 to vector<16xi32>
        %and3A_970 = arith.andi %add3A_967, %and3A_969 : vector<16xi32>
        %add3A_971 = arith.constant 0 : i32
        %add3A_972 = vector.broadcast %add3A_971 : i32 to vector<16xi32>
        %add3A_973 = arith.addi %and3A_970, %add3A_972 : vector<16xi32>
        %gather3A_974 = tpu.vector_load_idx %arg10[%get3A_459, %add3A_973] : memref<252x64xf32, #tpu.memory_space<vmem>>[vector<16xi32>, vector<16xi32>], vector<16xf32>,
        %scatter3A_975 = arith.constant 0 : i32
        %scatter3A_976 = arith.constant 0 : i32
        %scatter3A_977 = tpu.memref_slice %arg9[%scan3A_326, %scatter3A_975, %scatter3A_976] : memref<2x400x64xf32, #tpu.memory_space<vmem>> -> memref<1x400x64xf32, #tpu.memory_space<vmem>>
        %scatter3A_978 = tpu.memref_squeeze %scatter3A_977 : memref<1x400x64xf32, #tpu.memory_space<vmem>> -> memref<400x64xf32, #tpu.memory_space<vmem>>
        %scatter3A_979 = arith.constant 0 : i32
        %scatter3A_980 = tpu.memref_slice %scatter3A_978[%mul3A_461, %scatter3A_979] : memref<400x64xf32, #tpu.memory_space<vmem>> -> memref<16x64xf32, #tpu.memory_space<vmem>>
        tpu.vector_store_idx %scatter3A_980[%iota3A, %add3A_973], %gather3A_974 {add = true} : memref<16x64xf32, #tpu.memory_space<vmem>>[vector<16xi32>, vector<16xi32>], vector<16xf32>,
        %add3A_981 = arith.constant 16 : i32
        %add3A_982 = vector.broadcast %add3A_981 : i32 to vector<16xi32>
        %add3A_983 = arith.addi %and3A_970, %add3A_982 : vector<16xi32>
        %gather3A_984 = tpu.vector_load_idx %arg10[%get3A_459, %add3A_983] : memref<252x64xf32, #tpu.memory_space<vmem>>[vector<16xi32>, vector<16xi32>], vector<16xf32>,
        %scatter3A_985 = arith.constant 0 : i32
        %scatter3A_986 = arith.constant 0 : i32
        %scatter3A_987 = tpu.memref_slice %arg9[%scan3A_326, %scatter3A_985, %scatter3A_986] : memref<2x400x64xf32, #tpu.memory_space<vmem>> -> memref<1x400x64xf32, #tpu.memory_space<vmem>>
        %scatter3A_988 = tpu.memref_squeeze %scatter3A_987 : memref<1x400x64xf32, #tpu.memory_space<vmem>> -> memref<400x64xf32, #tpu.memory_space<vmem>>
        %scatter3A_989 = arith.constant 0 : i32
        %scatter3A_990 = tpu.memref_slice %scatter3A_988[%mul3A_461, %scatter3A_989] : memref<400x64xf32, #tpu.memory_space<vmem>> -> memref<16x64xf32, #tpu.memory_space<vmem>>
        tpu.vector_store_idx %scatter3A_990[%iota3A, %add3A_983], %gather3A_984 {add = true} : memref<16x64xf32, #tpu.memory_space<vmem>>[vector<16xi32>, vector<16xi32>], vector<16xf32>,
        %add3A_991 = arith.constant 32 : i32
        %add3A_992 = vector.broadcast %add3A_991 : i32 to vector<16xi32>
        %add3A_993 = arith.addi %and3A_970, %add3A_992 : vector<16xi32>
        %gather3A_994 = tpu.vector_load_idx %arg10[%get3A_459, %add3A_993] : memref<252x64xf32, #tpu.memory_space<vmem>>[vector<16xi32>, vector<16xi32>], vector<16xf32>,
        %scatter3A_995 = arith.constant 0 : i32
        %scatter3A_996 = arith.constant 0 : i32
        %scatter3A_997 = tpu.memref_slice %arg9[%scan3A_326, %scatter3A_995, %scatter3A_996] : memref<2x400x64xf32, #tpu.memory_space<vmem>> -> memref<1x400x64xf32, #tpu.memory_space<vmem>>
        %scatter3A_998 = tpu.memref_squeeze %scatter3A_997 : memref<1x400x64xf32, #tpu.memory_space<vmem>> -> memref<400x64xf32, #tpu.memory_space<vmem>>
        %scatter3A_999 = arith.constant 0 : i32
        %scatter3A_1000 = tpu.memref_slice %scatter3A_998[%mul3A_461, %scatter3A_999] : memref<400x64xf32, #tpu.memory_space<vmem>> -> memref<16x64xf32, #tpu.memory_space<vmem>>
        tpu.vector_store_idx %scatter3A_1000[%iota3A, %add3A_993], %gather3A_994 {add = true} : memref<16x64xf32, #tpu.memory_space<vmem>>[vector<16xi32>, vector<16xi32>], vector<16xf32>,
        %add3A_1001 = arith.constant 48 : i32
        %add3A_1002 = vector.broadcast %add3A_1001 : i32 to vector<16xi32>
        %add3A_1003 = arith.addi %and3A_970, %add3A_1002 : vector<16xi32>
        %gather3A_1004 = tpu.vector_load_idx %arg10[%get3A_459, %add3A_1003] : memref<252x64xf32, #tpu.memory_space<vmem>>[vector<16xi32>, vector<16xi32>], vector<16xf32>,
        %scatter3A_1005 = arith.constant 0 : i32
        %scatter3A_1006 = arith.constant 0 : i32
        %scatter3A_1007 = tpu.memref_slice %arg9[%scan3A_326, %scatter3A_1005, %scatter3A_1006] : memref<2x400x64xf32, #tpu.memory_space<vmem>> -> memref<1x400x64xf32, #tpu.memory_space<vmem>>
        %scatter3A_1008 = tpu.memref_squeeze %scatter3A_1007 : memref<1x400x64xf32, #tpu.memory_space<vmem>> -> memref<400x64xf32, #tpu.memory_space<vmem>>
        %scatter3A_1009 = arith.constant 0 : i32
        %scatter3A_1010 = tpu.memref_slice %scatter3A_1008[%mul3A_461, %scatter3A_1009] : memref<400x64xf32, #tpu.memory_space<vmem>> -> memref<16x64xf32, #tpu.memory_space<vmem>>
        tpu.vector_store_idx %scatter3A_1010[%iota3A, %add3A_1003], %gather3A_1004 {add = true} : memref<16x64xf32, #tpu.memory_space<vmem>>[vector<16xi32>, vector<16xi32>], vector<16xf32>,
        %add3A_1011 = arith.constant 12 : i32
        %add3A_1012 = vector.broadcast %add3A_1011 : i32 to vector<16xi32>
        %add3A_1013 = arith.addi %iota3A, %add3A_1012 : vector<16xi32>
        %and3A_1014 = arith.constant 15 : i32
        %and3A_1015 = vector.broadcast %and3A_1014 : i32 to vector<16xi32>
        %and3A_1016 = arith.andi %add3A_1013, %and3A_1015 : vector<16xi32>
        %add3A_1017 = arith.constant 0 : i32
        %add3A_1018 = vector.broadcast %add3A_1017 : i32 to vector<16xi32>
        %add3A_1019 = arith.addi %and3A_1016, %add3A_1018 : vector<16xi32>
        %gather3A_1020 = tpu.vector_load_idx %arg10[%get3A_459, %add3A_1019] : memref<252x64xf32, #tpu.memory_space<vmem>>[vector<16xi32>, vector<16xi32>], vector<16xf32>,
        %scatter3A_1021 = arith.constant 0 : i32
        %scatter3A_1022 = arith.constant 0 : i32
        %scatter3A_1023 = tpu.memref_slice %arg9[%scan3A_326, %scatter3A_1021, %scatter3A_1022] : memref<2x400x64xf32, #tpu.memory_space<vmem>> -> memref<1x400x64xf32, #tpu.memory_space<vmem>>
        %scatter3A_1024 = tpu.memref_squeeze %scatter3A_1023 : memref<1x400x64xf32, #tpu.memory_space<vmem>> -> memref<400x64xf32, #tpu.memory_space<vmem>>
        %scatter3A_1025 = arith.constant 0 : i32
        %scatter3A_1026 = tpu.memref_slice %scatter3A_1024[%mul3A_461, %scatter3A_1025] : memref<400x64xf32, #tpu.memory_space<vmem>> -> memref<16x64xf32, #tpu.memory_space<vmem>>
        tpu.vector_store_idx %scatter3A_1026[%iota3A, %add3A_1019], %gather3A_1020 {add = true} : memref<16x64xf32, #tpu.memory_space<vmem>>[vector<16xi32>, vector<16xi32>], vector<16xf32>,
        %add3A_1027 = arith.constant 16 : i32
        %add3A_1028 = vector.broadcast %add3A_1027 : i32 to vector<16xi32>
        %add3A_1029 = arith.addi %and3A_1016, %add3A_1028 : vector<16xi32>
        %gather3A_1030 = tpu.vector_load_idx %arg10[%get3A_459, %add3A_1029] : memref<252x64xf32, #tpu.memory_space<vmem>>[vector<16xi32>, vector<16xi32>], vector<16xf32>,
        %scatter3A_1031 = arith.constant 0 : i32
        %scatter3A_1032 = arith.constant 0 : i32
        %scatter3A_1033 = tpu.memref_slice %arg9[%scan3A_326, %scatter3A_1031, %scatter3A_1032] : memref<2x400x64xf32, #tpu.memory_space<vmem>> -> memref<1x400x64xf32, #tpu.memory_space<vmem>>
        %scatter3A_1034 = tpu.memref_squeeze %scatter3A_1033 : memref<1x400x64xf32, #tpu.memory_space<vmem>> -> memref<400x64xf32, #tpu.memory_space<vmem>>
        %scatter3A_1035 = arith.constant 0 : i32
        %scatter3A_1036 = tpu.memref_slice %scatter3A_1034[%mul3A_461, %scatter3A_1035] : memref<400x64xf32, #tpu.memory_space<vmem>> -> memref<16x64xf32, #tpu.memory_space<vmem>>
        tpu.vector_store_idx %scatter3A_1036[%iota3A, %add3A_1029], %gather3A_1030 {add = true} : memref<16x64xf32, #tpu.memory_space<vmem>>[vector<16xi32>, vector<16xi32>], vector<16xf32>,
        %add3A_1037 = arith.constant 32 : i32
        %add3A_1038 = vector.broadcast %add3A_1037 : i32 to vector<16xi32>
        %add3A_1039 = arith.addi %and3A_1016, %add3A_1038 : vector<16xi32>
        %gather3A_1040 = tpu.vector_load_idx %arg10[%get3A_459, %add3A_1039] : memref<252x64xf32, #tpu.memory_space<vmem>>[vector<16xi32>, vector<16xi32>], vector<16xf32>,
        %scatter3A_1041 = arith.constant 0 : i32
        %scatter3A_1042 = arith.constant 0 : i32
        %scatter3A_1043 = tpu.memref_slice %arg9[%scan3A_326, %scatter3A_1041, %scatter3A_1042] : memref<2x400x64xf32, #tpu.memory_space<vmem>> -> memref<1x400x64xf32, #tpu.memory_space<vmem>>
        %scatter3A_1044 = tpu.memref_squeeze %scatter3A_1043 : memref<1x400x64xf32, #tpu.memory_space<vmem>> -> memref<400x64xf32, #tpu.memory_space<vmem>>
        %scatter3A_1045 = arith.constant 0 : i32
        %scatter3A_1046 = tpu.memref_slice %scatter3A_1044[%mul3A_461, %scatter3A_1045] : memref<400x64xf32, #tpu.memory_space<vmem>> -> memref<16x64xf32, #tpu.memory_space<vmem>>
        tpu.vector_store_idx %scatter3A_1046[%iota3A, %add3A_1039], %gather3A_1040 {add = true} : memref<16x64xf32, #tpu.memory_space<vmem>>[vector<16xi32>, vector<16xi32>], vector<16xf32>,
        %add3A_1047 = arith.constant 48 : i32
        %add3A_1048 = vector.broadcast %add3A_1047 : i32 to vector<16xi32>
        %add3A_1049 = arith.addi %and3A_1016, %add3A_1048 : vector<16xi32>
        %gather3A_1050 = tpu.vector_load_idx %arg10[%get3A_459, %add3A_1049] : memref<252x64xf32, #tpu.memory_space<vmem>>[vector<16xi32>, vector<16xi32>], vector<16xf32>,
        %scatter3A_1051 = arith.constant 0 : i32
        %scatter3A_1052 = arith.constant 0 : i32
        %scatter3A_1053 = tpu.memref_slice %arg9[%scan3A_326, %scatter3A_1051, %scatter3A_1052] : memref<2x400x64xf32, #tpu.memory_space<vmem>> -> memref<1x400x64xf32, #tpu.memory_space<vmem>>
        %scatter3A_1054 = tpu.memref_squeeze %scatter3A_1053 : memref<1x400x64xf32, #tpu.memory_space<vmem>> -> memref<400x64xf32, #tpu.memory_space<vmem>>
        %scatter3A_1055 = arith.constant 0 : i32
        %scatter3A_1056 = tpu.memref_slice %scatter3A_1054[%mul3A_461, %scatter3A_1055] : memref<400x64xf32, #tpu.memory_space<vmem>> -> memref<16x64xf32, #tpu.memory_space<vmem>>
        tpu.vector_store_idx %scatter3A_1056[%iota3A, %add3A_1049], %gather3A_1050 {add = true} : memref<16x64xf32, #tpu.memory_space<vmem>>[vector<16xi32>, vector<16xi32>], vector<16xf32>,
        %add3A_1057 = arith.constant 13 : i32
        %add3A_1058 = vector.broadcast %add3A_1057 : i32 to vector<16xi32>
        %add3A_1059 = arith.addi %iota3A, %add3A_1058 : vector<16xi32>
        %and3A_1060 = arith.constant 15 : i32
        %and3A_1061 = vector.broadcast %and3A_1060 : i32 to vector<16xi32>
        %and3A_1062 = arith.andi %add3A_1059, %and3A_1061 : vector<16xi32>
        %add3A_1063 = arith.constant 0 : i32
        %add3A_1064 = vector.broadcast %add3A_1063 : i32 to vector<16xi32>
        %add3A_1065 = arith.addi %and3A_1062, %add3A_1064 : vector<16xi32>
        %gather3A_1066 = tpu.vector_load_idx %arg10[%get3A_459, %add3A_1065] : memref<252x64xf32, #tpu.memory_space<vmem>>[vector<16xi32>, vector<16xi32>], vector<16xf32>,
        %scatter3A_1067 = arith.constant 0 : i32
        %scatter3A_1068 = arith.constant 0 : i32
        %scatter3A_1069 = tpu.memref_slice %arg9[%scan3A_326, %scatter3A_1067, %scatter3A_1068] : memref<2x400x64xf32, #tpu.memory_space<vmem>> -> memref<1x400x64xf32, #tpu.memory_space<vmem>>
        %scatter3A_1070 = tpu.memref_squeeze %scatter3A_1069 : memref<1x400x64xf32, #tpu.memory_space<vmem>> -> memref<400x64xf32, #tpu.memory_space<vmem>>
        %scatter3A_1071 = arith.constant 0 : i32
        %scatter3A_1072 = tpu.memref_slice %scatter3A_1070[%mul3A_461, %scatter3A_1071] : memref<400x64xf32, #tpu.memory_space<vmem>> -> memref<16x64xf32, #tpu.memory_space<vmem>>
        tpu.vector_store_idx %scatter3A_1072[%iota3A, %add3A_1065], %gather3A_1066 {add = true} : memref<16x64xf32, #tpu.memory_space<vmem>>[vector<16xi32>, vector<16xi32>], vector<16xf32>,
        %add3A_1073 = arith.constant 16 : i32
        %add3A_1074 = vector.broadcast %add3A_1073 : i32 to vector<16xi32>
        %add3A_1075 = arith.addi %and3A_1062, %add3A_1074 : vector<16xi32>
        %gather3A_1076 = tpu.vector_load_idx %arg10[%get3A_459, %add3A_1075] : memref<252x64xf32, #tpu.memory_space<vmem>>[vector<16xi32>, vector<16xi32>], vector<16xf32>,
        %scatter3A_1077 = arith.constant 0 : i32
        %scatter3A_1078 = arith.constant 0 : i32
        %scatter3A_1079 = tpu.memref_slice %arg9[%scan3A_326, %scatter3A_1077, %scatter3A_1078] : memref<2x400x64xf32, #tpu.memory_space<vmem>> -> memref<1x400x64xf32, #tpu.memory_space<vmem>>
        %scatter3A_1080 = tpu.memref_squeeze %scatter3A_1079 : memref<1x400x64xf32, #tpu.memory_space<vmem>> -> memref<400x64xf32, #tpu.memory_space<vmem>>
        %scatter3A_1081 = arith.constant 0 : i32
        %scatter3A_1082 = tpu.memref_slice %scatter3A_1080[%mul3A_461, %scatter3A_1081] : memref<400x64xf32, #tpu.memory_space<vmem>> -> memref<16x64xf32, #tpu.memory_space<vmem>>
        tpu.vector_store_idx %scatter3A_1082[%iota3A, %add3A_1075], %gather3A_1076 {add = true} : memref<16x64xf32, #tpu.memory_space<vmem>>[vector<16xi32>, vector<16xi32>], vector<16xf32>,
        %add3A_1083 = arith.constant 32 : i32
        %add3A_1084 = vector.broadcast %add3A_1083 : i32 to vector<16xi32>
        %add3A_1085 = arith.addi %and3A_1062, %add3A_1084 : vector<16xi32>
        %gather3A_1086 = tpu.vector_load_idx %arg10[%get3A_459, %add3A_1085] : memref<252x64xf32, #tpu.memory_space<vmem>>[vector<16xi32>, vector<16xi32>], vector<16xf32>,
        %scatter3A_1087 = arith.constant 0 : i32
        %scatter3A_1088 = arith.constant 0 : i32
        %scatter3A_1089 = tpu.memref_slice %arg9[%scan3A_326, %scatter3A_1087, %scatter3A_1088] : memref<2x400x64xf32, #tpu.memory_space<vmem>> -> memref<1x400x64xf32, #tpu.memory_space<vmem>>
        %scatter3A_1090 = tpu.memref_squeeze %scatter3A_1089 : memref<1x400x64xf32, #tpu.memory_space<vmem>> -> memref<400x64xf32, #tpu.memory_space<vmem>>
        %scatter3A_1091 = arith.constant 0 : i32
        %scatter3A_1092 = tpu.memref_slice %scatter3A_1090[%mul3A_461, %scatter3A_1091] : memref<400x64xf32, #tpu.memory_space<vmem>> -> memref<16x64xf32, #tpu.memory_space<vmem>>
        tpu.vector_store_idx %scatter3A_1092[%iota3A, %add3A_1085], %gather3A_1086 {add = true} : memref<16x64xf32, #tpu.memory_space<vmem>>[vector<16xi32>, vector<16xi32>], vector<16xf32>,
        %add3A_1093 = arith.constant 48 : i32
        %add3A_1094 = vector.broadcast %add3A_1093 : i32 to vector<16xi32>
        %add3A_1095 = arith.addi %and3A_1062, %add3A_1094 : vector<16xi32>
        %gather3A_1096 = tpu.vector_load_idx %arg10[%get3A_459, %add3A_1095] : memref<252x64xf32, #tpu.memory_space<vmem>>[vector<16xi32>, vector<16xi32>], vector<16xf32>,
        %scatter3A_1097 = arith.constant 0 : i32
        %scatter3A_1098 = arith.constant 0 : i32
        %scatter3A_1099 = tpu.memref_slice %arg9[%scan3A_326, %scatter3A_1097, %scatter3A_1098] : memref<2x400x64xf32, #tpu.memory_space<vmem>> -> memref<1x400x64xf32, #tpu.memory_space<vmem>>
        %scatter3A_1100 = tpu.memref_squeeze %scatter3A_1099 : memref<1x400x64xf32, #tpu.memory_space<vmem>> -> memref<400x64xf32, #tpu.memory_space<vmem>>
        %scatter3A_1101 = arith.constant 0 : i32
        %scatter3A_1102 = tpu.memref_slice %scatter3A_1100[%mul3A_461, %scatter3A_1101] : memref<400x64xf32, #tpu.memory_space<vmem>> -> memref<16x64xf32, #tpu.memory_space<vmem>>
        tpu.vector_store_idx %scatter3A_1102[%iota3A, %add3A_1095], %gather3A_1096 {add = true} : memref<16x64xf32, #tpu.memory_space<vmem>>[vector<16xi32>, vector<16xi32>], vector<16xf32>,
        %add3A_1103 = arith.constant 14 : i32
        %add3A_1104 = vector.broadcast %add3A_1103 : i32 to vector<16xi32>
        %add3A_1105 = arith.addi %iota3A, %add3A_1104 : vector<16xi32>
        %and3A_1106 = arith.constant 15 : i32
        %and3A_1107 = vector.broadcast %and3A_1106 : i32 to vector<16xi32>
        %and3A_1108 = arith.andi %add3A_1105, %and3A_1107 : vector<16xi32>
        %add3A_1109 = arith.constant 0 : i32
        %add3A_1110 = vector.broadcast %add3A_1109 : i32 to vector<16xi32>
        %add3A_1111 = arith.addi %and3A_1108, %add3A_1110 : vector<16xi32>
        %gather3A_1112 = tpu.vector_load_idx %arg10[%get3A_459, %add3A_1111] : memref<252x64xf32, #tpu.memory_space<vmem>>[vector<16xi32>, vector<16xi32>], vector<16xf32>,
        %scatter3A_1113 = arith.constant 0 : i32
        %scatter3A_1114 = arith.constant 0 : i32
        %scatter3A_1115 = tpu.memref_slice %arg9[%scan3A_326, %scatter3A_1113, %scatter3A_1114] : memref<2x400x64xf32, #tpu.memory_space<vmem>> -> memref<1x400x64xf32, #tpu.memory_space<vmem>>
        %scatter3A_1116 = tpu.memref_squeeze %scatter3A_1115 : memref<1x400x64xf32, #tpu.memory_space<vmem>> -> memref<400x64xf32, #tpu.memory_space<vmem>>
        %scatter3A_1117 = arith.constant 0 : i32
        %scatter3A_1118 = tpu.memref_slice %scatter3A_1116[%mul3A_461, %scatter3A_1117] : memref<400x64xf32, #tpu.memory_space<vmem>> -> memref<16x64xf32, #tpu.memory_space<vmem>>
        tpu.vector_store_idx %scatter3A_1118[%iota3A, %add3A_1111], %gather3A_1112 {add = true} : memref<16x64xf32, #tpu.memory_space<vmem>>[vector<16xi32>, vector<16xi32>], vector<16xf32>,
        %add3A_1119 = arith.constant 16 : i32
        %add3A_1120 = vector.broadcast %add3A_1119 : i32 to vector<16xi32>
        %add3A_1121 = arith.addi %and3A_1108, %add3A_1120 : vector<16xi32>
        %gather3A_1122 = tpu.vector_load_idx %arg10[%get3A_459, %add3A_1121] : memref<252x64xf32, #tpu.memory_space<vmem>>[vector<16xi32>, vector<16xi32>], vector<16xf32>,
        %scatter3A_1123 = arith.constant 0 : i32
        %scatter3A_1124 = arith.constant 0 : i32
        %scatter3A_1125 = tpu.memref_slice %arg9[%scan3A_326, %scatter3A_1123, %scatter3A_1124] : memref<2x400x64xf32, #tpu.memory_space<vmem>> -> memref<1x400x64xf32, #tpu.memory_space<vmem>>
        %scatter3A_1126 = tpu.memref_squeeze %scatter3A_1125 : memref<1x400x64xf32, #tpu.memory_space<vmem>> -> memref<400x64xf32, #tpu.memory_space<vmem>>
        %scatter3A_1127 = arith.constant 0 : i32
        %scatter3A_1128 = tpu.memref_slice %scatter3A_1126[%mul3A_461, %scatter3A_1127] : memref<400x64xf32, #tpu.memory_space<vmem>> -> memref<16x64xf32, #tpu.memory_space<vmem>>
        tpu.vector_store_idx %scatter3A_1128[%iota3A, %add3A_1121], %gather3A_1122 {add = true} : memref<16x64xf32, #tpu.memory_space<vmem>>[vector<16xi32>, vector<16xi32>], vector<16xf32>,
        %add3A_1129 = arith.constant 32 : i32
        %add3A_1130 = vector.broadcast %add3A_1129 : i32 to vector<16xi32>
        %add3A_1131 = arith.addi %and3A_1108, %add3A_1130 : vector<16xi32>
        %gather3A_1132 = tpu.vector_load_idx %arg10[%get3A_459, %add3A_1131] : memref<252x64xf32, #tpu.memory_space<vmem>>[vector<16xi32>, vector<16xi32>], vector<16xf32>,
        %scatter3A_1133 = arith.constant 0 : i32
        %scatter3A_1134 = arith.constant 0 : i32
        %scatter3A_1135 = tpu.memref_slice %arg9[%scan3A_326, %scatter3A_1133, %scatter3A_1134] : memref<2x400x64xf32, #tpu.memory_space<vmem>> -> memref<1x400x64xf32, #tpu.memory_space<vmem>>
        %scatter3A_1136 = tpu.memref_squeeze %scatter3A_1135 : memref<1x400x64xf32, #tpu.memory_space<vmem>> -> memref<400x64xf32, #tpu.memory_space<vmem>>
        %scatter3A_1137 = arith.constant 0 : i32
        %scatter3A_1138 = tpu.memref_slice %scatter3A_1136[%mul3A_461, %scatter3A_1137] : memref<400x64xf32, #tpu.memory_space<vmem>> -> memref<16x64xf32, #tpu.memory_space<vmem>>
        tpu.vector_store_idx %scatter3A_1138[%iota3A, %add3A_1131], %gather3A_1132 {add = true} : memref<16x64xf32, #tpu.memory_space<vmem>>[vector<16xi32>, vector<16xi32>], vector<16xf32>,
        %add3A_1139 = arith.constant 48 : i32
        %add3A_1140 = vector.broadcast %add3A_1139 : i32 to vector<16xi32>
        %add3A_1141 = arith.addi %and3A_1108, %add3A_1140 : vector<16xi32>
        %gather3A_1142 = tpu.vector_load_idx %arg10[%get3A_459, %add3A_1141] : memref<252x64xf32, #tpu.memory_space<vmem>>[vector<16xi32>, vector<16xi32>], vector<16xf32>,
        %scatter3A_1143 = arith.constant 0 : i32
        %scatter3A_1144 = arith.constant 0 : i32
        %scatter3A_1145 = tpu.memref_slice %arg9[%scan3A_326, %scatter3A_1143, %scatter3A_1144] : memref<2x400x64xf32, #tpu.memory_space<vmem>> -> memref<1x400x64xf32, #tpu.memory_space<vmem>>
        %scatter3A_1146 = tpu.memref_squeeze %scatter3A_1145 : memref<1x400x64xf32, #tpu.memory_space<vmem>> -> memref<400x64xf32, #tpu.memory_space<vmem>>
        %scatter3A_1147 = arith.constant 0 : i32
        %scatter3A_1148 = tpu.memref_slice %scatter3A_1146[%mul3A_461, %scatter3A_1147] : memref<400x64xf32, #tpu.memory_space<vmem>> -> memref<16x64xf32, #tpu.memory_space<vmem>>
        tpu.vector_store_idx %scatter3A_1148[%iota3A, %add3A_1141], %gather3A_1142 {add = true} : memref<16x64xf32, #tpu.memory_space<vmem>>[vector<16xi32>, vector<16xi32>], vector<16xf32>,
        %add3A_1149 = arith.constant 15 : i32
        %add3A_1150 = vector.broadcast %add3A_1149 : i32 to vector<16xi32>
        %add3A_1151 = arith.addi %iota3A, %add3A_1150 : vector<16xi32>
        %and3A_1152 = arith.constant 15 : i32
        %and3A_1153 = vector.broadcast %and3A_1152 : i32 to vector<16xi32>
        %and3A_1154 = arith.andi %add3A_1151, %and3A_1153 : vector<16xi32>
        %add3A_1155 = arith.constant 0 : i32
        %add3A_1156 = vector.broadcast %add3A_1155 : i32 to vector<16xi32>
        %add3A_1157 = arith.addi %and3A_1154, %add3A_1156 : vector<16xi32>
        %gather3A_1158 = tpu.vector_load_idx %arg10[%get3A_459, %add3A_1157] : memref<252x64xf32, #tpu.memory_space<vmem>>[vector<16xi32>, vector<16xi32>], vector<16xf32>,
        %scatter3A_1159 = arith.constant 0 : i32
        %scatter3A_1160 = arith.constant 0 : i32
        %scatter3A_1161 = tpu.memref_slice %arg9[%scan3A_326, %scatter3A_1159, %scatter3A_1160] : memref<2x400x64xf32, #tpu.memory_space<vmem>> -> memref<1x400x64xf32, #tpu.memory_space<vmem>>
        %scatter3A_1162 = tpu.memref_squeeze %scatter3A_1161 : memref<1x400x64xf32, #tpu.memory_space<vmem>> -> memref<400x64xf32, #tpu.memory_space<vmem>>
        %scatter3A_1163 = arith.constant 0 : i32
        %scatter3A_1164 = tpu.memref_slice %scatter3A_1162[%mul3A_461, %scatter3A_1163] : memref<400x64xf32, #tpu.memory_space<vmem>> -> memref<16x64xf32, #tpu.memory_space<vmem>>
        tpu.vector_store_idx %scatter3A_1164[%iota3A, %add3A_1157], %gather3A_1158 {add = true} : memref<16x64xf32, #tpu.memory_space<vmem>>[vector<16xi32>, vector<16xi32>], vector<16xf32>,
        %add3A_1165 = arith.constant 16 : i32
        %add3A_1166 = vector.broadcast %add3A_1165 : i32 to vector<16xi32>
        %add3A_1167 = arith.addi %and3A_1154, %add3A_1166 : vector<16xi32>
        %gather3A_1168 = tpu.vector_load_idx %arg10[%get3A_459, %add3A_1167] : memref<252x64xf32, #tpu.memory_space<vmem>>[vector<16xi32>, vector<16xi32>], vector<16xf32>,
        %scatter3A_1169 = arith.constant 0 : i32
        %scatter3A_1170 = arith.constant 0 : i32
        %scatter3A_1171 = tpu.memref_slice %arg9[%scan3A_326, %scatter3A_1169, %scatter3A_1170] : memref<2x400x64xf32, #tpu.memory_space<vmem>> -> memref<1x400x64xf32, #tpu.memory_space<vmem>>
        %scatter3A_1172 = tpu.memref_squeeze %scatter3A_1171 : memref<1x400x64xf32, #tpu.memory_space<vmem>> -> memref<400x64xf32, #tpu.memory_space<vmem>>
        %scatter3A_1173 = arith.constant 0 : i32
        %scatter3A_1174 = tpu.memref_slice %scatter3A_1172[%mul3A_461, %scatter3A_1173] : memref<400x64xf32, #tpu.memory_space<vmem>> -> memref<16x64xf32, #tpu.memory_space<vmem>>
        tpu.vector_store_idx %scatter3A_1174[%iota3A, %add3A_1167], %gather3A_1168 {add = true} : memref<16x64xf32, #tpu.memory_space<vmem>>[vector<16xi32>, vector<16xi32>], vector<16xf32>,
        %add3A_1175 = arith.constant 32 : i32
        %add3A_1176 = vector.broadcast %add3A_1175 : i32 to vector<16xi32>
        %add3A_1177 = arith.addi %and3A_1154, %add3A_1176 : vector<16xi32>
        %gather3A_1178 = tpu.vector_load_idx %arg10[%get3A_459, %add3A_1177] : memref<252x64xf32, #tpu.memory_space<vmem>>[vector<16xi32>, vector<16xi32>], vector<16xf32>,
        %scatter3A_1179 = arith.constant 0 : i32
        %scatter3A_1180 = arith.constant 0 : i32
        %scatter3A_1181 = tpu.memref_slice %arg9[%scan3A_326, %scatter3A_1179, %scatter3A_1180] : memref<2x400x64xf32, #tpu.memory_space<vmem>> -> memref<1x400x64xf32, #tpu.memory_space<vmem>>
        %scatter3A_1182 = tpu.memref_squeeze %scatter3A_1181 : memref<1x400x64xf32, #tpu.memory_space<vmem>> -> memref<400x64xf32, #tpu.memory_space<vmem>>
        %scatter3A_1183 = arith.constant 0 : i32
        %scatter3A_1184 = tpu.memref_slice %scatter3A_1182[%mul3A_461, %scatter3A_1183] : memref<400x64xf32, #tpu.memory_space<vmem>> -> memref<16x64xf32, #tpu.memory_space<vmem>>
        tpu.vector_store_idx %scatter3A_1184[%iota3A, %add3A_1177], %gather3A_1178 {add = true} : memref<16x64xf32, #tpu.memory_space<vmem>>[vector<16xi32>, vector<16xi32>], vector<16xf32>,
        %add3A_1185 = arith.constant 48 : i32
        %add3A_1186 = vector.broadcast %add3A_1185 : i32 to vector<16xi32>
        %add3A_1187 = arith.addi %and3A_1154, %add3A_1186 : vector<16xi32>
        %gather3A_1188 = tpu.vector_load_idx %arg10[%get3A_459, %add3A_1187] : memref<252x64xf32, #tpu.memory_space<vmem>>[vector<16xi32>, vector<16xi32>], vector<16xf32>,
        %scatter3A_1189 = arith.constant 0 : i32
        %scatter3A_1190 = arith.constant 0 : i32
        %scatter3A_1191 = tpu.memref_slice %arg9[%scan3A_326, %scatter3A_1189, %scatter3A_1190] : memref<2x400x64xf32, #tpu.memory_space<vmem>> -> memref<1x400x64xf32, #tpu.memory_space<vmem>>
        %scatter3A_1192 = tpu.memref_squeeze %scatter3A_1191 : memref<1x400x64xf32, #tpu.memory_space<vmem>> -> memref<400x64xf32, #tpu.memory_space<vmem>>
        %scatter3A_1193 = arith.constant 0 : i32
        %scatter3A_1194 = tpu.memref_slice %scatter3A_1192[%mul3A_461, %scatter3A_1193] : memref<400x64xf32, #tpu.memory_space<vmem>> -> memref<16x64xf32, #tpu.memory_space<vmem>>
        tpu.vector_store_idx %scatter3A_1194[%iota3A, %add3A_1187], %gather3A_1188 {add = true} : memref<16x64xf32, #tpu.memory_space<vmem>>[vector<16xi32>, vector<16xi32>], vector<16xf32>,
      }
      %scan3A_331 = arith.constant 25 : i32
      %lt3A = arith.constant 31 : i32
      %lt3A_332 = arith.cmpi slt, %scan3A_199, %lt3A : i32
      %convert_element_type3A_333 = arith.extui %lt3A_332 : i1 to i32
      %cond3A_334 = arith.constant 0 : i32
      %cond3A_335 = arith.cmpi ne, %convert_element_type3A_333, %cond3A_334 : i32
      scf.if %cond3A_335 {
        %add3A_454 = arith.constant 2 : i32
        %add3A_455 = arith.addi %add3A_203, %add3A_454 : i32
        %mul3A_456 = arith.constant 2 : i32
        %mul3A_457 = arith.muli %add3A_455, %mul3A_456 : i32
        %add3A_458 = arith.addi %mul3A_2, %mul3A_457 : i32
        %add3A_459 = arith.constant 0 : i32
        %add3A_460 = arith.addi %add3A_458, %add3A_459 : i32
        %dma_start3A_461 = arith.constant 0 : i32
        %dma_start3A_462 = arith.constant 0 : i32
        %dma_start3A_463 = tpu.memref_slice %arg7[%dma_start3A_461, %dma_start3A_462] : memref<2x400xi32, #tpu.memory_space<vmem>> -> memref<1x200xi32, #tpu.memory_space<vmem>>
        %dma_start3A_464 = tpu.memref_squeeze %dma_start3A_463 : memref<1x200xi32, #tpu.memory_space<vmem>> -> memref<200xi32, #tpu.memory_space<vmem>>
        %dma_start3A_465 = arith.constant 0 : i32
        %dma_start3A_466 = tpu.memref_slice %arg2[%add3A_460, %dma_start3A_465] : memref<4096x200xi32, #tpu.memory_space<hbm>> -> memref<1x200xi32, #tpu.memory_space<hbm>>
        %dma_start3A_467 = tpu.memref_squeeze %dma_start3A_466 : memref<1x200xi32, #tpu.memory_space<hbm>> -> memref<200xi32, #tpu.memory_space<hbm>>
        %dma_start3A_468 = arith.constant 0 : i32
        %dma_start3A_469 = tpu.memref_slice %arg7[%dma_start3A_461, %dma_start3A_468] : memref<2x400xi32, #tpu.memory_space<vmem>> -> memref<1x200xi32, #tpu.memory_space<vmem>>
        %dma_start3A_470 = tpu.memref_squeeze %dma_start3A_469 : memref<1x200xi32, #tpu.memory_space<vmem>> -> memref<200xi32, #tpu.memory_space<vmem>>
        %dma_start3A_471 = arith.constant 0 : i32
        %dma_start3A_472 = tpu.memref_slice %arg2[%add3A_460, %dma_start3A_471] : memref<4096x200xi32, #tpu.memory_space<hbm>> -> memref<1x200xi32, #tpu.memory_space<hbm>>
        %dma_start3A_473 = tpu.memref_squeeze %dma_start3A_472 : memref<1x200xi32, #tpu.memory_space<hbm>> -> memref<200xi32, #tpu.memory_space<hbm>>
        tpu.enqueue_dma source(%dma_start3A_473 : memref<200xi32, #tpu.memory_space<hbm>>) target(%dma_start3A_470 : memref<200xi32, #tpu.memory_space<vmem>>) target_semaphore(%arg15 : memref<!tpu.dma_semaphore, #tpu.memory_space<semaphore_mem>>)
        %add3A_474 = arith.constant 0 : i32
        %add3A_475 = arith.addi %add3A_458, %add3A_474 : i32
        %dma_start3A_476 = arith.constant 0 : i32
        %dma_start3A_477 = arith.constant 0 : i32
        %dma_start3A_478 = tpu.memref_slice %arg8[%dma_start3A_476, %dma_start3A_477] : memref<2x400xi32, #tpu.memory_space<vmem>> -> memref<1x200xi32, #tpu.memory_space<vmem>>
        %dma_start3A_479 = tpu.memref_squeeze %dma_start3A_478 : memref<1x200xi32, #tpu.memory_space<vmem>> -> memref<200xi32, #tpu.memory_space<vmem>>
        %dma_start3A_480 = arith.constant 0 : i32
        %dma_start3A_481 = tpu.memref_slice %arg3[%add3A_475, %dma_start3A_480] : memref<4096x200xi32, #tpu.memory_space<hbm>> -> memref<1x200xi32, #tpu.memory_space<hbm>>
        %dma_start3A_482 = tpu.memref_squeeze %dma_start3A_481 : memref<1x200xi32, #tpu.memory_space<hbm>> -> memref<200xi32, #tpu.memory_space<hbm>>
        %dma_start3A_483 = arith.constant 0 : i32
        %dma_start3A_484 = tpu.memref_slice %arg8[%dma_start3A_476, %dma_start3A_483] : memref<2x400xi32, #tpu.memory_space<vmem>> -> memref<1x200xi32, #tpu.memory_space<vmem>>
        %dma_start3A_485 = tpu.memref_squeeze %dma_start3A_484 : memref<1x200xi32, #tpu.memory_space<vmem>> -> memref<200xi32, #tpu.memory_space<vmem>>
        %dma_start3A_486 = arith.constant 0 : i32
        %dma_start3A_487 = tpu.memref_slice %arg3[%add3A_475, %dma_start3A_486] : memref<4096x200xi32, #tpu.memory_space<hbm>> -> memref<1x200xi32, #tpu.memory_space<hbm>>
        %dma_start3A_488 = tpu.memref_squeeze %dma_start3A_487 : memref<1x200xi32, #tpu.memory_space<hbm>> -> memref<200xi32, #tpu.memory_space<hbm>>
        tpu.enqueue_dma source(%dma_start3A_488 : memref<200xi32, #tpu.memory_space<hbm>>) target(%dma_start3A_485 : memref<200xi32, #tpu.memory_space<vmem>>) target_semaphore(%arg15 : memref<!tpu.dma_semaphore, #tpu.memory_space<semaphore_mem>>)
        %add3A_489 = arith.constant 1 : i32
        %add3A_490 = arith.addi %add3A_458, %add3A_489 : i32
        %dma_start3A_491 = arith.constant 0 : i32
        %dma_start3A_492 = arith.constant 200 : i32
        %dma_start3A_493 = tpu.memref_slice %arg7[%dma_start3A_491, %dma_start3A_492] : memref<2x400xi32, #tpu.memory_space<vmem>> -> memref<1x200xi32, #tpu.memory_space<vmem>>
        %dma_start3A_494 = tpu.memref_squeeze %dma_start3A_493 : memref<1x200xi32, #tpu.memory_space<vmem>> -> memref<200xi32, #tpu.memory_space<vmem>>
        %dma_start3A_495 = arith.constant 0 : i32
        %dma_start3A_496 = tpu.memref_slice %arg2[%add3A_490, %dma_start3A_495] : memref<4096x200xi32, #tpu.memory_space<hbm>> -> memref<1x200xi32, #tpu.memory_space<hbm>>
        %dma_start3A_497 = tpu.memref_squeeze %dma_start3A_496 : memref<1x200xi32, #tpu.memory_space<hbm>> -> memref<200xi32, #tpu.memory_space<hbm>>
        %dma_start3A_498 = arith.constant 200 : i32
        %dma_start3A_499 = tpu.memref_slice %arg7[%dma_start3A_491, %dma_start3A_498] : memref<2x400xi32, #tpu.memory_space<vmem>> -> memref<1x200xi32, #tpu.memory_space<vmem>>
        %dma_start3A_500 = tpu.memref_squeeze %dma_start3A_499 : memref<1x200xi32, #tpu.memory_space<vmem>> -> memref<200xi32, #tpu.memory_space<vmem>>
        %dma_start3A_501 = arith.constant 0 : i32
        %dma_start3A_502 = tpu.memref_slice %arg2[%add3A_490, %dma_start3A_501] : memref<4096x200xi32, #tpu.memory_space<hbm>> -> memref<1x200xi32, #tpu.memory_space<hbm>>
        %dma_start3A_503 = tpu.memref_squeeze %dma_start3A_502 : memref<1x200xi32, #tpu.memory_space<hbm>> -> memref<200xi32, #tpu.memory_space<hbm>>
        tpu.enqueue_dma source(%dma_start3A_503 : memref<200xi32, #tpu.memory_space<hbm>>) target(%dma_start3A_500 : memref<200xi32, #tpu.memory_space<vmem>>) target_semaphore(%arg15 : memref<!tpu.dma_semaphore, #tpu.memory_space<semaphore_mem>>)
        %add3A_504 = arith.constant 1 : i32
        %add3A_505 = arith.addi %add3A_458, %add3A_504 : i32
        %dma_start3A_506 = arith.constant 0 : i32
        %dma_start3A_507 = arith.constant 200 : i32
        %dma_start3A_508 = tpu.memref_slice %arg8[%dma_start3A_506, %dma_start3A_507] : memref<2x400xi32, #tpu.memory_space<vmem>> -> memref<1x200xi32, #tpu.memory_space<vmem>>
        %dma_start3A_509 = tpu.memref_squeeze %dma_start3A_508 : memref<1x200xi32, #tpu.memory_space<vmem>> -> memref<200xi32, #tpu.memory_space<vmem>>
        %dma_start3A_510 = arith.constant 0 : i32
        %dma_start3A_511 = tpu.memref_slice %arg3[%add3A_505, %dma_start3A_510] : memref<4096x200xi32, #tpu.memory_space<hbm>> -> memref<1x200xi32, #tpu.memory_space<hbm>>
        %dma_start3A_512 = tpu.memref_squeeze %dma_start3A_511 : memref<1x200xi32, #tpu.memory_space<hbm>> -> memref<200xi32, #tpu.memory_space<hbm>>
        %dma_start3A_513 = arith.constant 200 : i32
        %dma_start3A_514 = tpu.memref_slice %arg8[%dma_start3A_506, %dma_start3A_513] : memref<2x400xi32, #tpu.memory_space<vmem>> -> memref<1x200xi32, #tpu.memory_space<vmem>>
        %dma_start3A_515 = tpu.memref_squeeze %dma_start3A_514 : memref<1x200xi32, #tpu.memory_space<vmem>> -> memref<200xi32, #tpu.memory_space<vmem>>
        %dma_start3A_516 = arith.constant 0 : i32
        %dma_start3A_517 = tpu.memref_slice %arg3[%add3A_505, %dma_start3A_516] : memref<4096x200xi32, #tpu.memory_space<hbm>> -> memref<1x200xi32, #tpu.memory_space<hbm>>
        %dma_start3A_518 = tpu.memref_squeeze %dma_start3A_517 : memref<1x200xi32, #tpu.memory_space<hbm>> -> memref<200xi32, #tpu.memory_space<hbm>>
        tpu.enqueue_dma source(%dma_start3A_518 : memref<200xi32, #tpu.memory_space<hbm>>) target(%dma_start3A_515 : memref<200xi32, #tpu.memory_space<vmem>>) target_semaphore(%arg15 : memref<!tpu.dma_semaphore, #tpu.memory_space<semaphore_mem>>)
      } else {
      }
      %mul3A_336 = arith.constant 2 : i32
      %mul3A_337 = arith.muli %add3A_203, %mul3A_336 : i32
      %add3A_338 = arith.addi %mul3A_2, %mul3A_337 : i32
      %add3A_339 = arith.constant 0 : i32
      %add3A_340 = arith.addi %add3A_338, %add3A_339 : i32
      %dma_start3A_341 = arith.constant 0 : i32
      %dma_start3A_342 = arith.constant 0 : i32
      %dma_start3A_343 = arith.constant 0 : i32
      %dma_start3A_344 = tpu.memref_slice %arg9[%dma_start3A_341, %dma_start3A_342, %dma_start3A_343] : memref<2x400x64xf32, #tpu.memory_space<vmem>> -> memref<1x200x64xf32, #tpu.memory_space<vmem>>
      %dma_start3A_345 = tpu.memref_squeeze %dma_start3A_344 : memref<1x200x64xf32, #tpu.memory_space<vmem>> -> memref<200x64xf32, #tpu.memory_space<vmem>>
      %dma_start3A_346 = arith.constant 0 : i32
      %dma_start3A_347 = arith.constant 0 : i32
      %dma_start3A_348 = tpu.memref_slice %arg6[%add3A_340, %dma_start3A_346, %dma_start3A_347] : memref<4096x200x64xf32, #tpu.memory_space<hbm>> -> memref<1x200x64xf32, #tpu.memory_space<hbm>>
      %dma_start3A_349 = tpu.memref_squeeze %dma_start3A_348 : memref<1x200x64xf32, #tpu.memory_space<hbm>> -> memref<200x64xf32, #tpu.memory_space<hbm>>
      %dma_start3A_350 = arith.constant 0 : i32
      %dma_start3A_351 = arith.constant 0 : i32
      %dma_start3A_352 = tpu.memref_slice %arg6[%add3A_340, %dma_start3A_350, %dma_start3A_351] : memref<4096x200x64xf32, #tpu.memory_space<hbm>> -> memref<1x200x64xf32, #tpu.memory_space<hbm>>
      %dma_start3A_353 = tpu.memref_squeeze %dma_start3A_352 : memref<1x200x64xf32, #tpu.memory_space<hbm>> -> memref<200x64xf32, #tpu.memory_space<hbm>>
      %dma_start3A_354 = arith.constant 0 : i32
      %dma_start3A_355 = arith.constant 0 : i32
      %dma_start3A_356 = tpu.memref_slice %arg9[%dma_start3A_341, %dma_start3A_354, %dma_start3A_355] : memref<2x400x64xf32, #tpu.memory_space<vmem>> -> memref<1x200x64xf32, #tpu.memory_space<vmem>>
      %dma_start3A_357 = tpu.memref_squeeze %dma_start3A_356 : memref<1x200x64xf32, #tpu.memory_space<vmem>> -> memref<200x64xf32, #tpu.memory_space<vmem>>
      tpu.enqueue_dma source(%dma_start3A_357 : memref<200x64xf32, #tpu.memory_space<vmem>>) target(%dma_start3A_353 : memref<200x64xf32, #tpu.memory_space<hbm>>) target_semaphore(%arg13 : memref<!tpu.dma_semaphore, #tpu.memory_space<semaphore_mem>>)
      %add3A_358 = arith.constant 1 : i32
      %add3A_359 = arith.addi %add3A_338, %add3A_358 : i32
      %dma_start3A_360 = arith.constant 0 : i32
      %dma_start3A_361 = arith.constant 200 : i32
      %dma_start3A_362 = arith.constant 0 : i32
      %dma_start3A_363 = tpu.memref_slice %arg9[%dma_start3A_360, %dma_start3A_361, %dma_start3A_362] : memref<2x400x64xf32, #tpu.memory_space<vmem>> -> memref<1x200x64xf32, #tpu.memory_space<vmem>>
      %dma_start3A_364 = tpu.memref_squeeze %dma_start3A_363 : memref<1x200x64xf32, #tpu.memory_space<vmem>> -> memref<200x64xf32, #tpu.memory_space<vmem>>
      %dma_start3A_365 = arith.constant 0 : i32
      %dma_start3A_366 = arith.constant 0 : i32
      %dma_start3A_367 = tpu.memref_slice %arg6[%add3A_359, %dma_start3A_365, %dma_start3A_366] : memref<4096x200x64xf32, #tpu.memory_space<hbm>> -> memref<1x200x64xf32, #tpu.memory_space<hbm>>
      %dma_start3A_368 = tpu.memref_squeeze %dma_start3A_367 : memref<1x200x64xf32, #tpu.memory_space<hbm>> -> memref<200x64xf32, #tpu.memory_space<hbm>>
      %dma_start3A_369 = arith.constant 0 : i32
      %dma_start3A_370 = arith.constant 0 : i32
      %dma_start3A_371 = tpu.memref_slice %arg6[%add3A_359, %dma_start3A_369, %dma_start3A_370] : memref<4096x200x64xf32, #tpu.memory_space<hbm>> -> memref<1x200x64xf32, #tpu.memory_space<hbm>>
      %dma_start3A_372 = tpu.memref_squeeze %dma_start3A_371 : memref<1x200x64xf32, #tpu.memory_space<hbm>> -> memref<200x64xf32, #tpu.memory_space<hbm>>
      %dma_start3A_373 = arith.constant 200 : i32
      %dma_start3A_374 = arith.constant 0 : i32
      %dma_start3A_375 = tpu.memref_slice %arg9[%dma_start3A_360, %dma_start3A_373, %dma_start3A_374] : memref<2x400x64xf32, #tpu.memory_space<vmem>> -> memref<1x200x64xf32, #tpu.memory_space<vmem>>
      %dma_start3A_376 = tpu.memref_squeeze %dma_start3A_375 : memref<1x200x64xf32, #tpu.memory_space<vmem>> -> memref<200x64xf32, #tpu.memory_space<vmem>>
      tpu.enqueue_dma source(%dma_start3A_376 : memref<200x64xf32, #tpu.memory_space<vmem>>) target(%dma_start3A_372 : memref<200x64xf32, #tpu.memory_space<hbm>>) target_semaphore(%arg13 : memref<!tpu.dma_semaphore, #tpu.memory_space<semaphore_mem>>)
      %mul3A_377 = arith.constant 2 : i32
      %mul3A_378 = arith.muli %mul3A_377, %scan3A_199 : i32
      %add3A_379 = arith.constant 1 : i32
      %add3A_380 = arith.addi %mul3A_378, %add3A_379 : i32
      %lt3A_381 = arith.constant 31 : i32
      %lt3A_382 = arith.cmpi slt, %scan3A_199, %lt3A_381 : i32
      %convert_element_type3A_383 = arith.extui %lt3A_382 : i1 to i32
      %cond3A_384 = arith.constant 0 : i32
      %cond3A_385 = arith.cmpi ne, %convert_element_type3A_383, %cond3A_384 : i32
      scf.if %cond3A_385 {
        %dma_wait3A_454 = arith.constant 0 : i32
        %dma_wait3A_455 = arith.constant 0 : i32
        %dma_wait3A_456 = arith.constant 0 : i32
        %dma_wait3A_457 = tpu.memref_slice %arg7[%dma_wait3A_455, %dma_wait3A_456] : memref<2x400xi32, #tpu.memory_space<vmem>> -> memref<1x200xi32, #tpu.memory_space<vmem>>
        %dma_wait3A_458 = tpu.memref_squeeze %dma_wait3A_457 : memref<1x200xi32, #tpu.memory_space<vmem>> -> memref<200xi32, #tpu.memory_space<vmem>>
        %dma_wait3A_459 = arith.constant 0 : i32
        %dma_wait3A_460 = tpu.memref_slice %arg2[%dma_wait3A_454, %dma_wait3A_459] : memref<4096x200xi32, #tpu.memory_space<hbm>> -> memref<1x200xi32, #tpu.memory_space<hbm>>
        %dma_wait3A_461 = tpu.memref_squeeze %dma_wait3A_460 : memref<1x200xi32, #tpu.memory_space<hbm>> -> memref<200xi32, #tpu.memory_space<hbm>>
        %dma_wait3A_462 = arith.constant 0 : i32
        %dma_wait3A_463 = tpu.memref_slice %arg7[%dma_wait3A_455, %dma_wait3A_462] : memref<2x400xi32, #tpu.memory_space<vmem>> -> memref<1x200xi32, #tpu.memory_space<vmem>>
        %dma_wait3A_464 = tpu.memref_squeeze %dma_wait3A_463 : memref<1x200xi32, #tpu.memory_space<vmem>> -> memref<200xi32, #tpu.memory_space<vmem>>
        %dma_wait3A_465 = arith.constant 0 : i32
        %dma_wait3A_466 = tpu.memref_slice %arg2[%dma_wait3A_454, %dma_wait3A_465] : memref<4096x200xi32, #tpu.memory_space<hbm>> -> memref<1x200xi32, #tpu.memory_space<hbm>>
        %dma_wait3A_467 = tpu.memref_squeeze %dma_wait3A_466 : memref<1x200xi32, #tpu.memory_space<hbm>> -> memref<200xi32, #tpu.memory_space<hbm>>
        tpu.wait_dma2 semaphore(%arg15 : memref<!tpu.dma_semaphore, #tpu.memory_space<semaphore_mem>>) src(%dma_wait3A_467 : memref<200xi32, #tpu.memory_space<hbm>>) dst(%dma_wait3A_464 : memref<200xi32, #tpu.memory_space<vmem>>)
        %dma_wait3A_468 = arith.constant 0 : i32
        %dma_wait3A_469 = arith.constant 0 : i32
        %dma_wait3A_470 = arith.constant 200 : i32
        %dma_wait3A_471 = tpu.memref_slice %arg7[%dma_wait3A_469, %dma_wait3A_470] : memref<2x400xi32, #tpu.memory_space<vmem>> -> memref<1x200xi32, #tpu.memory_space<vmem>>
        %dma_wait3A_472 = tpu.memref_squeeze %dma_wait3A_471 : memref<1x200xi32, #tpu.memory_space<vmem>> -> memref<200xi32, #tpu.memory_space<vmem>>
        %dma_wait3A_473 = arith.constant 0 : i32
        %dma_wait3A_474 = tpu.memref_slice %arg2[%dma_wait3A_468, %dma_wait3A_473] : memref<4096x200xi32, #tpu.memory_space<hbm>> -> memref<1x200xi32, #tpu.memory_space<hbm>>
        %dma_wait3A_475 = tpu.memref_squeeze %dma_wait3A_474 : memref<1x200xi32, #tpu.memory_space<hbm>> -> memref<200xi32, #tpu.memory_space<hbm>>
        %dma_wait3A_476 = arith.constant 200 : i32
        %dma_wait3A_477 = tpu.memref_slice %arg7[%dma_wait3A_469, %dma_wait3A_476] : memref<2x400xi32, #tpu.memory_space<vmem>> -> memref<1x200xi32, #tpu.memory_space<vmem>>
        %dma_wait3A_478 = tpu.memref_squeeze %dma_wait3A_477 : memref<1x200xi32, #tpu.memory_space<vmem>> -> memref<200xi32, #tpu.memory_space<vmem>>
        %dma_wait3A_479 = arith.constant 0 : i32
        %dma_wait3A_480 = tpu.memref_slice %arg2[%dma_wait3A_468, %dma_wait3A_479] : memref<4096x200xi32, #tpu.memory_space<hbm>> -> memref<1x200xi32, #tpu.memory_space<hbm>>
        %dma_wait3A_481 = tpu.memref_squeeze %dma_wait3A_480 : memref<1x200xi32, #tpu.memory_space<hbm>> -> memref<200xi32, #tpu.memory_space<hbm>>
        tpu.wait_dma2 semaphore(%arg15 : memref<!tpu.dma_semaphore, #tpu.memory_space<semaphore_mem>>) src(%dma_wait3A_481 : memref<200xi32, #tpu.memory_space<hbm>>) dst(%dma_wait3A_478 : memref<200xi32, #tpu.memory_space<vmem>>)
        %dma_wait3A_482 = arith.constant 0 : i32
        %dma_wait3A_483 = arith.constant 0 : i32
        %dma_wait3A_484 = arith.constant 0 : i32
        %dma_wait3A_485 = tpu.memref_slice %arg8[%dma_wait3A_483, %dma_wait3A_484] : memref<2x400xi32, #tpu.memory_space<vmem>> -> memref<1x200xi32, #tpu.memory_space<vmem>>
        %dma_wait3A_486 = tpu.memref_squeeze %dma_wait3A_485 : memref<1x200xi32, #tpu.memory_space<vmem>> -> memref<200xi32, #tpu.memory_space<vmem>>
        %dma_wait3A_487 = arith.constant 0 : i32
        %dma_wait3A_488 = tpu.memref_slice %arg2[%dma_wait3A_482, %dma_wait3A_487] : memref<4096x200xi32, #tpu.memory_space<hbm>> -> memref<1x200xi32, #tpu.memory_space<hbm>>
        %dma_wait3A_489 = tpu.memref_squeeze %dma_wait3A_488 : memref<1x200xi32, #tpu.memory_space<hbm>> -> memref<200xi32, #tpu.memory_space<hbm>>
        %dma_wait3A_490 = arith.constant 0 : i32
        %dma_wait3A_491 = tpu.memref_slice %arg8[%dma_wait3A_483, %dma_wait3A_490] : memref<2x400xi32, #tpu.memory_space<vmem>> -> memref<1x200xi32, #tpu.memory_space<vmem>>
        %dma_wait3A_492 = tpu.memref_squeeze %dma_wait3A_491 : memref<1x200xi32, #tpu.memory_space<vmem>> -> memref<200xi32, #tpu.memory_space<vmem>>
        %dma_wait3A_493 = arith.constant 0 : i32
        %dma_wait3A_494 = tpu.memref_slice %arg2[%dma_wait3A_482, %dma_wait3A_493] : memref<4096x200xi32, #tpu.memory_space<hbm>> -> memref<1x200xi32, #tpu.memory_space<hbm>>
        %dma_wait3A_495 = tpu.memref_squeeze %dma_wait3A_494 : memref<1x200xi32, #tpu.memory_space<hbm>> -> memref<200xi32, #tpu.memory_space<hbm>>
        tpu.wait_dma2 semaphore(%arg15 : memref<!tpu.dma_semaphore, #tpu.memory_space<semaphore_mem>>) src(%dma_wait3A_495 : memref<200xi32, #tpu.memory_space<hbm>>) dst(%dma_wait3A_492 : memref<200xi32, #tpu.memory_space<vmem>>)
        %dma_wait3A_496 = arith.constant 0 : i32
        %dma_wait3A_497 = arith.constant 0 : i32
        %dma_wait3A_498 = arith.constant 200 : i32
        %dma_wait3A_499 = tpu.memref_slice %arg8[%dma_wait3A_497, %dma_wait3A_498] : memref<2x400xi32, #tpu.memory_space<vmem>> -> memref<1x200xi32, #tpu.memory_space<vmem>>
        %dma_wait3A_500 = tpu.memref_squeeze %dma_wait3A_499 : memref<1x200xi32, #tpu.memory_space<vmem>> -> memref<200xi32, #tpu.memory_space<vmem>>
        %dma_wait3A_501 = arith.constant 0 : i32
        %dma_wait3A_502 = tpu.memref_slice %arg2[%dma_wait3A_496, %dma_wait3A_501] : memref<4096x200xi32, #tpu.memory_space<hbm>> -> memref<1x200xi32, #tpu.memory_space<hbm>>
        %dma_wait3A_503 = tpu.memref_squeeze %dma_wait3A_502 : memref<1x200xi32, #tpu.memory_space<hbm>> -> memref<200xi32, #tpu.memory_space<hbm>>
        %dma_wait3A_504 = arith.constant 200 : i32
        %dma_wait3A_505 = tpu.memref_slice %arg8[%dma_wait3A_497, %dma_wait3A_504] : memref<2x400xi32, #tpu.memory_space<vmem>> -> memref<1x200xi32, #tpu.memory_space<vmem>>
        %dma_wait3A_506 = tpu.memref_squeeze %dma_wait3A_505 : memref<1x200xi32, #tpu.memory_space<vmem>> -> memref<200xi32, #tpu.memory_space<vmem>>
        %dma_wait3A_507 = arith.constant 0 : i32
        %dma_wait3A_508 = tpu.memref_slice %arg2[%dma_wait3A_496, %dma_wait3A_507] : memref<4096x200xi32, #tpu.memory_space<hbm>> -> memref<1x200xi32, #tpu.memory_space<hbm>>
        %dma_wait3A_509 = tpu.memref_squeeze %dma_wait3A_508 : memref<1x200xi32, #tpu.memory_space<hbm>> -> memref<200xi32, #tpu.memory_space<hbm>>
        tpu.wait_dma2 semaphore(%arg15 : memref<!tpu.dma_semaphore, #tpu.memory_space<semaphore_mem>>) src(%dma_wait3A_509 : memref<200xi32, #tpu.memory_space<hbm>>) dst(%dma_wait3A_506 : memref<200xi32, #tpu.memory_space<vmem>>)
        %dma_wait3A_510 = arith.constant 0 : i32
        %dma_wait3A_511 = arith.constant 0 : i32
        %dma_wait3A_512 = arith.constant 0 : i32
        %dma_wait3A_513 = arith.constant 0 : i32
        %dma_wait3A_514 = tpu.memref_slice %arg9[%dma_wait3A_510, %dma_wait3A_512, %dma_wait3A_513] : memref<2x400x64xf32, #tpu.memory_space<vmem>> -> memref<1x200x64xf32, #tpu.memory_space<vmem>>
        %dma_wait3A_515 = tpu.memref_squeeze %dma_wait3A_514 : memref<1x200x64xf32, #tpu.memory_space<vmem>> -> memref<200x64xf32, #tpu.memory_space<vmem>>
        %dma_wait3A_516 = arith.constant 0 : i32
        %dma_wait3A_517 = arith.constant 0 : i32
        %dma_wait3A_518 = tpu.memref_slice %arg6[%dma_wait3A_511, %dma_wait3A_516, %dma_wait3A_517] : memref<4096x200x64xf32, #tpu.memory_space<hbm>> -> memref<1x200x64xf32, #tpu.memory_space<hbm>>
        %dma_wait3A_519 = tpu.memref_squeeze %dma_wait3A_518 : memref<1x200x64xf32, #tpu.memory_space<hbm>> -> memref<200x64xf32, #tpu.memory_space<hbm>>
        %dma_wait3A_520 = arith.constant 0 : i32
        %dma_wait3A_521 = arith.constant 0 : i32
        %dma_wait3A_522 = tpu.memref_slice %arg6[%dma_wait3A_511, %dma_wait3A_520, %dma_wait3A_521] : memref<4096x200x64xf32, #tpu.memory_space<hbm>> -> memref<1x200x64xf32, #tpu.memory_space<hbm>>
        %dma_wait3A_523 = tpu.memref_squeeze %dma_wait3A_522 : memref<1x200x64xf32, #tpu.memory_space<hbm>> -> memref<200x64xf32, #tpu.memory_space<hbm>>
        %dma_wait3A_524 = arith.constant 0 : i32
        %dma_wait3A_525 = arith.constant 0 : i32
        %dma_wait3A_526 = tpu.memref_slice %arg9[%dma_wait3A_510, %dma_wait3A_524, %dma_wait3A_525] : memref<2x400x64xf32, #tpu.memory_space<vmem>> -> memref<1x200x64xf32, #tpu.memory_space<vmem>>
        %dma_wait3A_527 = tpu.memref_squeeze %dma_wait3A_526 : memref<1x200x64xf32, #tpu.memory_space<vmem>> -> memref<200x64xf32, #tpu.memory_space<vmem>>
        tpu.wait_dma2 semaphore(%arg13 : memref<!tpu.dma_semaphore, #tpu.memory_space<semaphore_mem>>) src(%dma_wait3A_527 : memref<200x64xf32, #tpu.memory_space<vmem>>) dst(%dma_wait3A_523 : memref<200x64xf32, #tpu.memory_space<hbm>>)
        %dma_wait3A_528 = arith.constant 0 : i32
        %dma_wait3A_529 = arith.constant 0 : i32
        %dma_wait3A_530 = arith.constant 200 : i32
        %dma_wait3A_531 = arith.constant 0 : i32
        %dma_wait3A_532 = tpu.memref_slice %arg9[%dma_wait3A_528, %dma_wait3A_530, %dma_wait3A_531] : memref<2x400x64xf32, #tpu.memory_space<vmem>> -> memref<1x200x64xf32, #tpu.memory_space<vmem>>
        %dma_wait3A_533 = tpu.memref_squeeze %dma_wait3A_532 : memref<1x200x64xf32, #tpu.memory_space<vmem>> -> memref<200x64xf32, #tpu.memory_space<vmem>>
        %dma_wait3A_534 = arith.constant 0 : i32
        %dma_wait3A_535 = arith.constant 0 : i32
        %dma_wait3A_536 = tpu.memref_slice %arg6[%dma_wait3A_529, %dma_wait3A_534, %dma_wait3A_535] : memref<4096x200x64xf32, #tpu.memory_space<hbm>> -> memref<1x200x64xf32, #tpu.memory_space<hbm>>
        %dma_wait3A_537 = tpu.memref_squeeze %dma_wait3A_536 : memref<1x200x64xf32, #tpu.memory_space<hbm>> -> memref<200x64xf32, #tpu.memory_space<hbm>>
        %dma_wait3A_538 = arith.constant 0 : i32
        %dma_wait3A_539 = arith.constant 0 : i32
        %dma_wait3A_540 = tpu.memref_slice %arg6[%dma_wait3A_529, %dma_wait3A_538, %dma_wait3A_539] : memref<4096x200x64xf32, #tpu.memory_space<hbm>> -> memref<1x200x64xf32, #tpu.memory_space<hbm>>
        %dma_wait3A_541 = tpu.memref_squeeze %dma_wait3A_540 : memref<1x200x64xf32, #tpu.memory_space<hbm>> -> memref<200x64xf32, #tpu.memory_space<hbm>>
        %dma_wait3A_542 = arith.constant 200 : i32
        %dma_wait3A_543 = arith.constant 0 : i32
        %dma_wait3A_544 = tpu.memref_slice %arg9[%dma_wait3A_528, %dma_wait3A_542, %dma_wait3A_543] : memref<2x400x64xf32, #tpu.memory_space<vmem>> -> memref<1x200x64xf32, #tpu.memory_space<vmem>>
        %dma_wait3A_545 = tpu.memref_squeeze %dma_wait3A_544 : memref<1x200x64xf32, #tpu.memory_space<vmem>> -> memref<200x64xf32, #tpu.memory_space<vmem>>
        tpu.wait_dma2 semaphore(%arg13 : memref<!tpu.dma_semaphore, #tpu.memory_space<semaphore_mem>>) src(%dma_wait3A_545 : memref<200x64xf32, #tpu.memory_space<vmem>>) dst(%dma_wait3A_541 : memref<200x64xf32, #tpu.memory_space<hbm>>)
        %dma_start3A_546 = arith.constant 0 : i32
        %dma_start3A_547 = arith.constant 0 : i32
        %dma_start3A_548 = arith.constant 0 : i32
        %dma_start3A_549 = arith.constant 0 : i32
        %dma_start3A_550 = tpu.memref_slice %arg9[%dma_start3A_547, %dma_start3A_548, %dma_start3A_549] : memref<2x400x64xf32, #tpu.memory_space<vmem>> -> memref<1x128x64xf32, #tpu.memory_space<vmem>>
        %dma_start3A_551 = tpu.memref_squeeze %dma_start3A_550 : memref<1x128x64xf32, #tpu.memory_space<vmem>> -> memref<128x64xf32, #tpu.memory_space<vmem>>
        %dma_start3A_552 = arith.constant 0 : i32
        %dma_start3A_553 = tpu.memref_slice %arg7[%dma_start3A_546, %dma_start3A_552] : memref<2x400xi32, #tpu.memory_space<vmem>> -> memref<1x128xi32, #tpu.memory_space<vmem>>
        %dma_start3A_554 = tpu.memref_squeeze %dma_start3A_553 : memref<1x128xi32, #tpu.memory_space<vmem>> -> memref<128xi32, #tpu.memory_space<vmem>>
        %dma_start3A_555 = arith.constant 0 : i32
        %dma_start3A_556 = arith.constant 0 : i32
        %dma_start3A_557 = tpu.memref_slice %arg4[%dma_start3A_555, %dma_start3A_556] : memref<1000000x64xf32, #tpu.memory_space<hbm>> -> memref<1000000x64xf32, #tpu.memory_space<hbm>>
        tpu.enqueue_indirect_dma source(%dma_start3A_557 : memref<1000000x64xf32, #tpu.memory_space<hbm>>) target(%dma_start3A_551 : memref<128x64xf32, #tpu.memory_space<vmem>>) offsets(%dma_start3A_554 : memref<128xi32, #tpu.memory_space<vmem>>) semaphore(%arg11 : memref<!tpu.dma_semaphore, #tpu.memory_space<semaphore_mem>>)
        %dma_start3A_558 = arith.constant 0 : i32
        %dma_start3A_559 = arith.constant 0 : i32
        %dma_start3A_560 = arith.constant 128 : i32
        %dma_start3A_561 = arith.constant 0 : i32
        %dma_start3A_562 = tpu.memref_slice %arg9[%dma_start3A_559, %dma_start3A_560, %dma_start3A_561] : memref<2x400x64xf32, #tpu.memory_space<vmem>> -> memref<1x72x64xf32, #tpu.memory_space<vmem>>
        %dma_start3A_563 = tpu.memref_squeeze %dma_start3A_562 : memref<1x72x64xf32, #tpu.memory_space<vmem>> -> memref<72x64xf32, #tpu.memory_space<vmem>>
        %dma_start3A_564 = arith.constant 128 : i32
        %dma_start3A_565 = tpu.memref_slice %arg7[%dma_start3A_558, %dma_start3A_564] : memref<2x400xi32, #tpu.memory_space<vmem>> -> memref<1x72xi32, #tpu.memory_space<vmem>>
        %dma_start3A_566 = tpu.memref_squeeze %dma_start3A_565 : memref<1x72xi32, #tpu.memory_space<vmem>> -> memref<72xi32, #tpu.memory_space<vmem>>
        %dma_start3A_567 = arith.constant 0 : i32
        %dma_start3A_568 = arith.constant 0 : i32
        %dma_start3A_569 = tpu.memref_slice %arg4[%dma_start3A_567, %dma_start3A_568] : memref<1000000x64xf32, #tpu.memory_space<hbm>> -> memref<1000000x64xf32, #tpu.memory_space<hbm>>
        tpu.enqueue_indirect_dma source(%dma_start3A_569 : memref<1000000x64xf32, #tpu.memory_space<hbm>>) target(%dma_start3A_563 : memref<72x64xf32, #tpu.memory_space<vmem>>) offsets(%dma_start3A_566 : memref<72xi32, #tpu.memory_space<vmem>>) semaphore(%arg11 : memref<!tpu.dma_semaphore, #tpu.memory_space<semaphore_mem>>)
        %dma_start3A_570 = arith.constant 0 : i32
        %dma_start3A_571 = arith.constant 0 : i32
        %dma_start3A_572 = arith.constant 200 : i32
        %dma_start3A_573 = arith.constant 0 : i32
        %dma_start3A_574 = tpu.memref_slice %arg9[%dma_start3A_571, %dma_start3A_572, %dma_start3A_573] : memref<2x400x64xf32, #tpu.memory_space<vmem>> -> memref<1x128x64xf32, #tpu.memory_space<vmem>>
        %dma_start3A_575 = tpu.memref_squeeze %dma_start3A_574 : memref<1x128x64xf32, #tpu.memory_space<vmem>> -> memref<128x64xf32, #tpu.memory_space<vmem>>
        %dma_start3A_576 = arith.constant 200 : i32
        %dma_start3A_577 = tpu.memref_slice %arg7[%dma_start3A_570, %dma_start3A_576] : memref<2x400xi32, #tpu.memory_space<vmem>> -> memref<1x128xi32, #tpu.memory_space<vmem>>
        %dma_start3A_578 = tpu.memref_squeeze %dma_start3A_577 : memref<1x128xi32, #tpu.memory_space<vmem>> -> memref<128xi32, #tpu.memory_space<vmem>>
        %dma_start3A_579 = arith.constant 0 : i32
        %dma_start3A_580 = arith.constant 0 : i32
        %dma_start3A_581 = tpu.memref_slice %arg4[%dma_start3A_579, %dma_start3A_580] : memref<1000000x64xf32, #tpu.memory_space<hbm>> -> memref<1000000x64xf32, #tpu.memory_space<hbm>>
        tpu.enqueue_indirect_dma source(%dma_start3A_581 : memref<1000000x64xf32, #tpu.memory_space<hbm>>) target(%dma_start3A_575 : memref<128x64xf32, #tpu.memory_space<vmem>>) offsets(%dma_start3A_578 : memref<128xi32, #tpu.memory_space<vmem>>) semaphore(%arg11 : memref<!tpu.dma_semaphore, #tpu.memory_space<semaphore_mem>>)
        %dma_start3A_582 = arith.constant 0 : i32
        %dma_start3A_583 = arith.constant 0 : i32
        %dma_start3A_584 = arith.constant 328 : i32
        %dma_start3A_585 = arith.constant 0 : i32
        %dma_start3A_586 = tpu.memref_slice %arg9[%dma_start3A_583, %dma_start3A_584, %dma_start3A_585] : memref<2x400x64xf32, #tpu.memory_space<vmem>> -> memref<1x72x64xf32, #tpu.memory_space<vmem>>
        %dma_start3A_587 = tpu.memref_squeeze %dma_start3A_586 : memref<1x72x64xf32, #tpu.memory_space<vmem>> -> memref<72x64xf32, #tpu.memory_space<vmem>>
        %dma_start3A_588 = arith.constant 328 : i32
        %dma_start3A_589 = tpu.memref_slice %arg7[%dma_start3A_582, %dma_start3A_588] : memref<2x400xi32, #tpu.memory_space<vmem>> -> memref<1x72xi32, #tpu.memory_space<vmem>>
        %dma_start3A_590 = tpu.memref_squeeze %dma_start3A_589 : memref<1x72xi32, #tpu.memory_space<vmem>> -> memref<72xi32, #tpu.memory_space<vmem>>
        %dma_start3A_591 = arith.constant 0 : i32
        %dma_start3A_592 = arith.constant 0 : i32
        %dma_start3A_593 = tpu.memref_slice %arg4[%dma_start3A_591, %dma_start3A_592] : memref<1000000x64xf32, #tpu.memory_space<hbm>> -> memref<1000000x64xf32, #tpu.memory_space<hbm>>
        tpu.enqueue_indirect_dma source(%dma_start3A_593 : memref<1000000x64xf32, #tpu.memory_space<hbm>>) target(%dma_start3A_587 : memref<72x64xf32, #tpu.memory_space<vmem>>) offsets(%dma_start3A_590 : memref<72xi32, #tpu.memory_space<vmem>>) semaphore(%arg11 : memref<!tpu.dma_semaphore, #tpu.memory_space<semaphore_mem>>)
      } else {
      }
      %dma_wait3A_386 = arith.constant 1 : i32
      %dma_wait3A_387 = arith.constant 0 : i32
      %dma_wait3A_388 = arith.constant 0 : i32
      %dma_wait3A_389 = tpu.memref_slice %arg9[%dma_wait3A_386, %dma_wait3A_387, %dma_wait3A_388] : memref<2x400x64xf32, #tpu.memory_space<vmem>> -> memref<1x400x64xf32, #tpu.memory_space<vmem>>
      %dma_wait3A_390 = tpu.memref_squeeze %dma_wait3A_389 : memref<1x400x64xf32, #tpu.memory_space<vmem>> -> memref<400x64xf32, #tpu.memory_space<vmem>>
      %dma_wait3A_391 = arith.constant 0 : i32
      %dma_wait3A_392 = arith.constant 0 : i32
      %dma_wait3A_393 = tpu.memref_slice %arg4[%dma_wait3A_391, %dma_wait3A_392] : memref<1000000x64xf32, #tpu.memory_space<hbm>> -> memref<400x64xf32, #tpu.memory_space<hbm>>
      %dma_wait3A_394 = arith.constant 0 : i32
      %dma_wait3A_395 = arith.constant 0 : i32
      %dma_wait3A_396 = tpu.memref_slice %arg9[%dma_wait3A_386, %dma_wait3A_394, %dma_wait3A_395] : memref<2x400x64xf32, #tpu.memory_space<vmem>> -> memref<1x400x64xf32, #tpu.memory_space<vmem>>
      %dma_wait3A_397 = tpu.memref_squeeze %dma_wait3A_396 : memref<1x400x64xf32, #tpu.memory_space<vmem>> -> memref<400x64xf32, #tpu.memory_space<vmem>>
      %dma_wait3A_398 = arith.constant 0 : i32
      %dma_wait3A_399 = arith.constant 0 : i32
      %dma_wait3A_400 = tpu.memref_slice %arg4[%dma_wait3A_398, %dma_wait3A_399] : memref<1000000x64xf32, #tpu.memory_space<hbm>> -> memref<400x64xf32, #tpu.memory_space<hbm>>
      tpu.wait_dma2 semaphore(%arg12 : memref<!tpu.dma_semaphore, #tpu.memory_space<semaphore_mem>>) src(%dma_wait3A_400 : memref<400x64xf32, #tpu.memory_space<hbm>>) dst(%dma_wait3A_397 : memref<400x64xf32, #tpu.memory_space<vmem>>)
      %scan3A_401 = arith.constant 0 : i32
      %scan3A_402 = arith.constant 1 : i32
      %scan3A_403 = arith.constant 0 : i32
      %scan3A_404 = arith.constant 25 : i32
      %scan3A_405 = arith.addi %scan3A_403, %scan3A_404 : i32
      %scan3A_406 = arith.constant 1 : i32
      scf.for %scan3A_454 = %scan3A_403 to %scan3A_405 step %scan3A_406  : i32 {
        %mul3A_455 = arith.constant 16 : i32
        %mul3A_456 = arith.muli %scan3A_454, %mul3A_455 : i32
        %get3A = arith.constant 1 : i32
        %get3A_457 = arith.index_cast %get3A : i32 to index
        %get3A_458 = arith.index_cast %mul3A_456 : i32 to index
        %get3A_459 = tpu.vector_load %arg8[%get3A_457, %get3A_458] {strides = array<i32>} : memref<2x400xi32, #tpu.memory_space<vmem>>, vector<16xi32>,
        %mul3A_460 = arith.constant 16 : i32
        %mul3A_461 = arith.muli %scan3A_454, %mul3A_460 : i32
        %add3A_462 = arith.constant 0 : i32
        %add3A_463 = vector.broadcast %add3A_462 : i32 to vector<16xi32>
        %add3A_464 = arith.addi %iota3A, %add3A_463 : vector<16xi32>
        %and3A = arith.constant 15 : i32
        %and3A_465 = vector.broadcast %and3A : i32 to vector<16xi32>
        %and3A_466 = arith.andi %add3A_464, %and3A_465 : vector<16xi32>
        %add3A_467 = arith.constant 0 : i32
        %add3A_468 = vector.broadcast %add3A_467 : i32 to vector<16xi32>
        %add3A_469 = arith.addi %and3A_466, %add3A_468 : vector<16xi32>
        %gather3A = tpu.vector_load_idx %arg10[%get3A_459, %add3A_469] : memref<252x64xf32, #tpu.memory_space<vmem>>[vector<16xi32>, vector<16xi32>], vector<16xf32>,
        %scatter3A = arith.constant 0 : i32
        %scatter3A_470 = arith.constant 0 : i32
        %scatter3A_471 = tpu.memref_slice %arg9[%scan3A_402, %scatter3A, %scatter3A_470] : memref<2x400x64xf32, #tpu.memory_space<vmem>> -> memref<1x400x64xf32, #tpu.memory_space<vmem>>
        %scatter3A_472 = tpu.memref_squeeze %scatter3A_471 : memref<1x400x64xf32, #tpu.memory_space<vmem>> -> memref<400x64xf32, #tpu.memory_space<vmem>>
        %scatter3A_473 = arith.constant 0 : i32
        %scatter3A_474 = tpu.memref_slice %scatter3A_472[%mul3A_461, %scatter3A_473] : memref<400x64xf32, #tpu.memory_space<vmem>> -> memref<16x64xf32, #tpu.memory_space<vmem>>
        tpu.vector_store_idx %scatter3A_474[%iota3A, %add3A_469], %gather3A {add = true} : memref<16x64xf32, #tpu.memory_space<vmem>>[vector<16xi32>, vector<16xi32>], vector<16xf32>,
        %add3A_475 = arith.constant 16 : i32
        %add3A_476 = vector.broadcast %add3A_475 : i32 to vector<16xi32>
        %add3A_477 = arith.addi %and3A_466, %add3A_476 : vector<16xi32>
        %gather3A_478 = tpu.vector_load_idx %arg10[%get3A_459, %add3A_477] : memref<252x64xf32, #tpu.memory_space<vmem>>[vector<16xi32>, vector<16xi32>], vector<16xf32>,
        %scatter3A_479 = arith.constant 0 : i32
        %scatter3A_480 = arith.constant 0 : i32
        %scatter3A_481 = tpu.memref_slice %arg9[%scan3A_402, %scatter3A_479, %scatter3A_480] : memref<2x400x64xf32, #tpu.memory_space<vmem>> -> memref<1x400x64xf32, #tpu.memory_space<vmem>>
        %scatter3A_482 = tpu.memref_squeeze %scatter3A_481 : memref<1x400x64xf32, #tpu.memory_space<vmem>> -> memref<400x64xf32, #tpu.memory_space<vmem>>
        %scatter3A_483 = arith.constant 0 : i32
        %scatter3A_484 = tpu.memref_slice %scatter3A_482[%mul3A_461, %scatter3A_483] : memref<400x64xf32, #tpu.memory_space<vmem>> -> memref<16x64xf32, #tpu.memory_space<vmem>>
        tpu.vector_store_idx %scatter3A_484[%iota3A, %add3A_477], %gather3A_478 {add = true} : memref<16x64xf32, #tpu.memory_space<vmem>>[vector<16xi32>, vector<16xi32>], vector<16xf32>,
        %add3A_485 = arith.constant 32 : i32
        %add3A_486 = vector.broadcast %add3A_485 : i32 to vector<16xi32>
        %add3A_487 = arith.addi %and3A_466, %add3A_486 : vector<16xi32>
        %gather3A_488 = tpu.vector_load_idx %arg10[%get3A_459, %add3A_487] : memref<252x64xf32, #tpu.memory_space<vmem>>[vector<16xi32>, vector<16xi32>], vector<16xf32>,
        %scatter3A_489 = arith.constant 0 : i32
        %scatter3A_490 = arith.constant 0 : i32
        %scatter3A_491 = tpu.memref_slice %arg9[%scan3A_402, %scatter3A_489, %scatter3A_490] : memref<2x400x64xf32, #tpu.memory_space<vmem>> -> memref<1x400x64xf32, #tpu.memory_space<vmem>>
        %scatter3A_492 = tpu.memref_squeeze %scatter3A_491 : memref<1x400x64xf32, #tpu.memory_space<vmem>> -> memref<400x64xf32, #tpu.memory_space<vmem>>
        %scatter3A_493 = arith.constant 0 : i32
        %scatter3A_494 = tpu.memref_slice %scatter3A_492[%mul3A_461, %scatter3A_493] : memref<400x64xf32, #tpu.memory_space<vmem>> -> memref<16x64xf32, #tpu.memory_space<vmem>>
        tpu.vector_store_idx %scatter3A_494[%iota3A, %add3A_487], %gather3A_488 {add = true} : memref<16x64xf32, #tpu.memory_space<vmem>>[vector<16xi32>, vector<16xi32>], vector<16xf32>,
        %add3A_495 = arith.constant 48 : i32
        %add3A_496 = vector.broadcast %add3A_495 : i32 to vector<16xi32>
        %add3A_497 = arith.addi %and3A_466, %add3A_496 : vector<16xi32>
        %gather3A_498 = tpu.vector_load_idx %arg10[%get3A_459, %add3A_497] : memref<252x64xf32, #tpu.memory_space<vmem>>[vector<16xi32>, vector<16xi32>], vector<16xf32>,
        %scatter3A_499 = arith.constant 0 : i32
        %scatter3A_500 = arith.constant 0 : i32
        %scatter3A_501 = tpu.memref_slice %arg9[%scan3A_402, %scatter3A_499, %scatter3A_500] : memref<2x400x64xf32, #tpu.memory_space<vmem>> -> memref<1x400x64xf32, #tpu.memory_space<vmem>>
        %scatter3A_502 = tpu.memref_squeeze %scatter3A_501 : memref<1x400x64xf32, #tpu.memory_space<vmem>> -> memref<400x64xf32, #tpu.memory_space<vmem>>
        %scatter3A_503 = arith.constant 0 : i32
        %scatter3A_504 = tpu.memref_slice %scatter3A_502[%mul3A_461, %scatter3A_503] : memref<400x64xf32, #tpu.memory_space<vmem>> -> memref<16x64xf32, #tpu.memory_space<vmem>>
        tpu.vector_store_idx %scatter3A_504[%iota3A, %add3A_497], %gather3A_498 {add = true} : memref<16x64xf32, #tpu.memory_space<vmem>>[vector<16xi32>, vector<16xi32>], vector<16xf32>,
        %add3A_505 = arith.constant 1 : i32
        %add3A_506 = vector.broadcast %add3A_505 : i32 to vector<16xi32>
        %add3A_507 = arith.addi %iota3A, %add3A_506 : vector<16xi32>
        %and3A_508 = arith.constant 15 : i32
        %and3A_509 = vector.broadcast %and3A_508 : i32 to vector<16xi32>
        %and3A_510 = arith.andi %add3A_507, %and3A_509 : vector<16xi32>
        %add3A_511 = arith.constant 0 : i32
        %add3A_512 = vector.broadcast %add3A_511 : i32 to vector<16xi32>
        %add3A_513 = arith.addi %and3A_510, %add3A_512 : vector<16xi32>
        %gather3A_514 = tpu.vector_load_idx %arg10[%get3A_459, %add3A_513] : memref<252x64xf32, #tpu.memory_space<vmem>>[vector<16xi32>, vector<16xi32>], vector<16xf32>,
        %scatter3A_515 = arith.constant 0 : i32
        %scatter3A_516 = arith.constant 0 : i32
        %scatter3A_517 = tpu.memref_slice %arg9[%scan3A_402, %scatter3A_515, %scatter3A_516] : memref<2x400x64xf32, #tpu.memory_space<vmem>> -> memref<1x400x64xf32, #tpu.memory_space<vmem>>
        %scatter3A_518 = tpu.memref_squeeze %scatter3A_517 : memref<1x400x64xf32, #tpu.memory_space<vmem>> -> memref<400x64xf32, #tpu.memory_space<vmem>>
        %scatter3A_519 = arith.constant 0 : i32
        %scatter3A_520 = tpu.memref_slice %scatter3A_518[%mul3A_461, %scatter3A_519] : memref<400x64xf32, #tpu.memory_space<vmem>> -> memref<16x64xf32, #tpu.memory_space<vmem>>
        tpu.vector_store_idx %scatter3A_520[%iota3A, %add3A_513], %gather3A_514 {add = true} : memref<16x64xf32, #tpu.memory_space<vmem>>[vector<16xi32>, vector<16xi32>], vector<16xf32>,
        %add3A_521 = arith.constant 16 : i32
        %add3A_522 = vector.broadcast %add3A_521 : i32 to vector<16xi32>
        %add3A_523 = arith.addi %and3A_510, %add3A_522 : vector<16xi32>
        %gather3A_524 = tpu.vector_load_idx %arg10[%get3A_459, %add3A_523] : memref<252x64xf32, #tpu.memory_space<vmem>>[vector<16xi32>, vector<16xi32>], vector<16xf32>,
        %scatter3A_525 = arith.constant 0 : i32
        %scatter3A_526 = arith.constant 0 : i32
        %scatter3A_527 = tpu.memref_slice %arg9[%scan3A_402, %scatter3A_525, %scatter3A_526] : memref<2x400x64xf32, #tpu.memory_space<vmem>> -> memref<1x400x64xf32, #tpu.memory_space<vmem>>
        %scatter3A_528 = tpu.memref_squeeze %scatter3A_527 : memref<1x400x64xf32, #tpu.memory_space<vmem>> -> memref<400x64xf32, #tpu.memory_space<vmem>>
        %scatter3A_529 = arith.constant 0 : i32
        %scatter3A_530 = tpu.memref_slice %scatter3A_528[%mul3A_461, %scatter3A_529] : memref<400x64xf32, #tpu.memory_space<vmem>> -> memref<16x64xf32, #tpu.memory_space<vmem>>
        tpu.vector_store_idx %scatter3A_530[%iota3A, %add3A_523], %gather3A_524 {add = true} : memref<16x64xf32, #tpu.memory_space<vmem>>[vector<16xi32>, vector<16xi32>], vector<16xf32>,
        %add3A_531 = arith.constant 32 : i32
        %add3A_532 = vector.broadcast %add3A_531 : i32 to vector<16xi32>
        %add3A_533 = arith.addi %and3A_510, %add3A_532 : vector<16xi32>
        %gather3A_534 = tpu.vector_load_idx %arg10[%get3A_459, %add3A_533] : memref<252x64xf32, #tpu.memory_space<vmem>>[vector<16xi32>, vector<16xi32>], vector<16xf32>,
        %scatter3A_535 = arith.constant 0 : i32
        %scatter3A_536 = arith.constant 0 : i32
        %scatter3A_537 = tpu.memref_slice %arg9[%scan3A_402, %scatter3A_535, %scatter3A_536] : memref<2x400x64xf32, #tpu.memory_space<vmem>> -> memref<1x400x64xf32, #tpu.memory_space<vmem>>
        %scatter3A_538 = tpu.memref_squeeze %scatter3A_537 : memref<1x400x64xf32, #tpu.memory_space<vmem>> -> memref<400x64xf32, #tpu.memory_space<vmem>>
        %scatter3A_539 = arith.constant 0 : i32
        %scatter3A_540 = tpu.memref_slice %scatter3A_538[%mul3A_461, %scatter3A_539] : memref<400x64xf32, #tpu.memory_space<vmem>> -> memref<16x64xf32, #tpu.memory_space<vmem>>
        tpu.vector_store_idx %scatter3A_540[%iota3A, %add3A_533], %gather3A_534 {add = true} : memref<16x64xf32, #tpu.memory_space<vmem>>[vector<16xi32>, vector<16xi32>], vector<16xf32>,
        %add3A_541 = arith.constant 48 : i32
        %add3A_542 = vector.broadcast %add3A_541 : i32 to vector<16xi32>
        %add3A_543 = arith.addi %and3A_510, %add3A_542 : vector<16xi32>
        %gather3A_544 = tpu.vector_load_idx %arg10[%get3A_459, %add3A_543] : memref<252x64xf32, #tpu.memory_space<vmem>>[vector<16xi32>, vector<16xi32>], vector<16xf32>,
        %scatter3A_545 = arith.constant 0 : i32
        %scatter3A_546 = arith.constant 0 : i32
        %scatter3A_547 = tpu.memref_slice %arg9[%scan3A_402, %scatter3A_545, %scatter3A_546] : memref<2x400x64xf32, #tpu.memory_space<vmem>> -> memref<1x400x64xf32, #tpu.memory_space<vmem>>
        %scatter3A_548 = tpu.memref_squeeze %scatter3A_547 : memref<1x400x64xf32, #tpu.memory_space<vmem>> -> memref<400x64xf32, #tpu.memory_space<vmem>>
        %scatter3A_549 = arith.constant 0 : i32
        %scatter3A_550 = tpu.memref_slice %scatter3A_548[%mul3A_461, %scatter3A_549] : memref<400x64xf32, #tpu.memory_space<vmem>> -> memref<16x64xf32, #tpu.memory_space<vmem>>
        tpu.vector_store_idx %scatter3A_550[%iota3A, %add3A_543], %gather3A_544 {add = true} : memref<16x64xf32, #tpu.memory_space<vmem>>[vector<16xi32>, vector<16xi32>], vector<16xf32>,
        %add3A_551 = arith.constant 2 : i32
        %add3A_552 = vector.broadcast %add3A_551 : i32 to vector<16xi32>
        %add3A_553 = arith.addi %iota3A, %add3A_552 : vector<16xi32>
        %and3A_554 = arith.constant 15 : i32
        %and3A_555 = vector.broadcast %and3A_554 : i32 to vector<16xi32>
        %and3A_556 = arith.andi %add3A_553, %and3A_555 : vector<16xi32>
        %add3A_557 = arith.constant 0 : i32
        %add3A_558 = vector.broadcast %add3A_557 : i32 to vector<16xi32>
        %add3A_559 = arith.addi %and3A_556, %add3A_558 : vector<16xi32>
        %gather3A_560 = tpu.vector_load_idx %arg10[%get3A_459, %add3A_559] : memref<252x64xf32, #tpu.memory_space<vmem>>[vector<16xi32>, vector<16xi32>], vector<16xf32>,
        %scatter3A_561 = arith.constant 0 : i32
        %scatter3A_562 = arith.constant 0 : i32
        %scatter3A_563 = tpu.memref_slice %arg9[%scan3A_402, %scatter3A_561, %scatter3A_562] : memref<2x400x64xf32, #tpu.memory_space<vmem>> -> memref<1x400x64xf32, #tpu.memory_space<vmem>>
        %scatter3A_564 = tpu.memref_squeeze %scatter3A_563 : memref<1x400x64xf32, #tpu.memory_space<vmem>> -> memref<400x64xf32, #tpu.memory_space<vmem>>
        %scatter3A_565 = arith.constant 0 : i32
        %scatter3A_566 = tpu.memref_slice %scatter3A_564[%mul3A_461, %scatter3A_565] : memref<400x64xf32, #tpu.memory_space<vmem>> -> memref<16x64xf32, #tpu.memory_space<vmem>>
        tpu.vector_store_idx %scatter3A_566[%iota3A, %add3A_559], %gather3A_560 {add = true} : memref<16x64xf32, #tpu.memory_space<vmem>>[vector<16xi32>, vector<16xi32>], vector<16xf32>,
        %add3A_567 = arith.constant 16 : i32
        %add3A_568 = vector.broadcast %add3A_567 : i32 to vector<16xi32>
        %add3A_569 = arith.addi %and3A_556, %add3A_568 : vector<16xi32>
        %gather3A_570 = tpu.vector_load_idx %arg10[%get3A_459, %add3A_569] : memref<252x64xf32, #tpu.memory_space<vmem>>[vector<16xi32>, vector<16xi32>], vector<16xf32>,
        %scatter3A_571 = arith.constant 0 : i32
        %scatter3A_572 = arith.constant 0 : i32
        %scatter3A_573 = tpu.memref_slice %arg9[%scan3A_402, %scatter3A_571, %scatter3A_572] : memref<2x400x64xf32, #tpu.memory_space<vmem>> -> memref<1x400x64xf32, #tpu.memory_space<vmem>>
        %scatter3A_574 = tpu.memref_squeeze %scatter3A_573 : memref<1x400x64xf32, #tpu.memory_space<vmem>> -> memref<400x64xf32, #tpu.memory_space<vmem>>
        %scatter3A_575 = arith.constant 0 : i32
        %scatter3A_576 = tpu.memref_slice %scatter3A_574[%mul3A_461, %scatter3A_575] : memref<400x64xf32, #tpu.memory_space<vmem>> -> memref<16x64xf32, #tpu.memory_space<vmem>>
        tpu.vector_store_idx %scatter3A_576[%iota3A, %add3A_569], %gather3A_570 {add = true} : memref<16x64xf32, #tpu.memory_space<vmem>>[vector<16xi32>, vector<16xi32>], vector<16xf32>,
        %add3A_577 = arith.constant 32 : i32
        %add3A_578 = vector.broadcast %add3A_577 : i32 to vector<16xi32>
        %add3A_579 = arith.addi %and3A_556, %add3A_578 : vector<16xi32>
        %gather3A_580 = tpu.vector_load_idx %arg10[%get3A_459, %add3A_579] : memref<252x64xf32, #tpu.memory_space<vmem>>[vector<16xi32>, vector<16xi32>], vector<16xf32>,
        %scatter3A_581 = arith.constant 0 : i32
        %scatter3A_582 = arith.constant 0 : i32
        %scatter3A_583 = tpu.memref_slice %arg9[%scan3A_402, %scatter3A_581, %scatter3A_582] : memref<2x400x64xf32, #tpu.memory_space<vmem>> -> memref<1x400x64xf32, #tpu.memory_space<vmem>>
        %scatter3A_584 = tpu.memref_squeeze %scatter3A_583 : memref<1x400x64xf32, #tpu.memory_space<vmem>> -> memref<400x64xf32, #tpu.memory_space<vmem>>
        %scatter3A_585 = arith.constant 0 : i32
        %scatter3A_586 = tpu.memref_slice %scatter3A_584[%mul3A_461, %scatter3A_585] : memref<400x64xf32, #tpu.memory_space<vmem>> -> memref<16x64xf32, #tpu.memory_space<vmem>>
        tpu.vector_store_idx %scatter3A_586[%iota3A, %add3A_579], %gather3A_580 {add = true} : memref<16x64xf32, #tpu.memory_space<vmem>>[vector<16xi32>, vector<16xi32>], vector<16xf32>,
        %add3A_587 = arith.constant 48 : i32
        %add3A_588 = vector.broadcast %add3A_587 : i32 to vector<16xi32>
        %add3A_589 = arith.addi %and3A_556, %add3A_588 : vector<16xi32>
        %gather3A_590 = tpu.vector_load_idx %arg10[%get3A_459, %add3A_589] : memref<252x64xf32, #tpu.memory_space<vmem>>[vector<16xi32>, vector<16xi32>], vector<16xf32>,
        %scatter3A_591 = arith.constant 0 : i32
        %scatter3A_592 = arith.constant 0 : i32
        %scatter3A_593 = tpu.memref_slice %arg9[%scan3A_402, %scatter3A_591, %scatter3A_592] : memref<2x400x64xf32, #tpu.memory_space<vmem>> -> memref<1x400x64xf32, #tpu.memory_space<vmem>>
        %scatter3A_594 = tpu.memref_squeeze %scatter3A_593 : memref<1x400x64xf32, #tpu.memory_space<vmem>> -> memref<400x64xf32, #tpu.memory_space<vmem>>
        %scatter3A_595 = arith.constant 0 : i32
        %scatter3A_596 = tpu.memref_slice %scatter3A_594[%mul3A_461, %scatter3A_595] : memref<400x64xf32, #tpu.memory_space<vmem>> -> memref<16x64xf32, #tpu.memory_space<vmem>>
        tpu.vector_store_idx %scatter3A_596[%iota3A, %add3A_589], %gather3A_590 {add = true} : memref<16x64xf32, #tpu.memory_space<vmem>>[vector<16xi32>, vector<16xi32>], vector<16xf32>,
        %add3A_597 = arith.constant 3 : i32
        %add3A_598 = vector.broadcast %add3A_597 : i32 to vector<16xi32>
        %add3A_599 = arith.addi %iota3A, %add3A_598 : vector<16xi32>
        %and3A_600 = arith.constant 15 : i32
        %and3A_601 = vector.broadcast %and3A_600 : i32 to vector<16xi32>
        %and3A_602 = arith.andi %add3A_599, %and3A_601 : vector<16xi32>
        %add3A_603 = arith.constant 0 : i32
        %add3A_604 = vector.broadcast %add3A_603 : i32 to vector<16xi32>
        %add3A_605 = arith.addi %and3A_602, %add3A_604 : vector<16xi32>
        %gather3A_606 = tpu.vector_load_idx %arg10[%get3A_459, %add3A_605] : memref<252x64xf32, #tpu.memory_space<vmem>>[vector<16xi32>, vector<16xi32>], vector<16xf32>,
        %scatter3A_607 = arith.constant 0 : i32
        %scatter3A_608 = arith.constant 0 : i32
        %scatter3A_609 = tpu.memref_slice %arg9[%scan3A_402, %scatter3A_607, %scatter3A_608] : memref<2x400x64xf32, #tpu.memory_space<vmem>> -> memref<1x400x64xf32, #tpu.memory_space<vmem>>
        %scatter3A_610 = tpu.memref_squeeze %scatter3A_609 : memref<1x400x64xf32, #tpu.memory_space<vmem>> -> memref<400x64xf32, #tpu.memory_space<vmem>>
        %scatter3A_611 = arith.constant 0 : i32
        %scatter3A_612 = tpu.memref_slice %scatter3A_610[%mul3A_461, %scatter3A_611] : memref<400x64xf32, #tpu.memory_space<vmem>> -> memref<16x64xf32, #tpu.memory_space<vmem>>
        tpu.vector_store_idx %scatter3A_612[%iota3A, %add3A_605], %gather3A_606 {add = true} : memref<16x64xf32, #tpu.memory_space<vmem>>[vector<16xi32>, vector<16xi32>], vector<16xf32>,
        %add3A_613 = arith.constant 16 : i32
        %add3A_614 = vector.broadcast %add3A_613 : i32 to vector<16xi32>
        %add3A_615 = arith.addi %and3A_602, %add3A_614 : vector<16xi32>
        %gather3A_616 = tpu.vector_load_idx %arg10[%get3A_459, %add3A_615] : memref<252x64xf32, #tpu.memory_space<vmem>>[vector<16xi32>, vector<16xi32>], vector<16xf32>,
        %scatter3A_617 = arith.constant 0 : i32
        %scatter3A_618 = arith.constant 0 : i32
        %scatter3A_619 = tpu.memref_slice %arg9[%scan3A_402, %scatter3A_617, %scatter3A_618] : memref<2x400x64xf32, #tpu.memory_space<vmem>> -> memref<1x400x64xf32, #tpu.memory_space<vmem>>
        %scatter3A_620 = tpu.memref_squeeze %scatter3A_619 : memref<1x400x64xf32, #tpu.memory_space<vmem>> -> memref<400x64xf32, #tpu.memory_space<vmem>>
        %scatter3A_621 = arith.constant 0 : i32
        %scatter3A_622 = tpu.memref_slice %scatter3A_620[%mul3A_461, %scatter3A_621] : memref<400x64xf32, #tpu.memory_space<vmem>> -> memref<16x64xf32, #tpu.memory_space<vmem>>
        tpu.vector_store_idx %scatter3A_622[%iota3A, %add3A_615], %gather3A_616 {add = true} : memref<16x64xf32, #tpu.memory_space<vmem>>[vector<16xi32>, vector<16xi32>], vector<16xf32>,
        %add3A_623 = arith.constant 32 : i32
        %add3A_624 = vector.broadcast %add3A_623 : i32 to vector<16xi32>
        %add3A_625 = arith.addi %and3A_602, %add3A_624 : vector<16xi32>
        %gather3A_626 = tpu.vector_load_idx %arg10[%get3A_459, %add3A_625] : memref<252x64xf32, #tpu.memory_space<vmem>>[vector<16xi32>, vector<16xi32>], vector<16xf32>,
        %scatter3A_627 = arith.constant 0 : i32
        %scatter3A_628 = arith.constant 0 : i32
        %scatter3A_629 = tpu.memref_slice %arg9[%scan3A_402, %scatter3A_627, %scatter3A_628] : memref<2x400x64xf32, #tpu.memory_space<vmem>> -> memref<1x400x64xf32, #tpu.memory_space<vmem>>
        %scatter3A_630 = tpu.memref_squeeze %scatter3A_629 : memref<1x400x64xf32, #tpu.memory_space<vmem>> -> memref<400x64xf32, #tpu.memory_space<vmem>>
        %scatter3A_631 = arith.constant 0 : i32
        %scatter3A_632 = tpu.memref_slice %scatter3A_630[%mul3A_461, %scatter3A_631] : memref<400x64xf32, #tpu.memory_space<vmem>> -> memref<16x64xf32, #tpu.memory_space<vmem>>
        tpu.vector_store_idx %scatter3A_632[%iota3A, %add3A_625], %gather3A_626 {add = true} : memref<16x64xf32, #tpu.memory_space<vmem>>[vector<16xi32>, vector<16xi32>], vector<16xf32>,
        %add3A_633 = arith.constant 48 : i32
        %add3A_634 = vector.broadcast %add3A_633 : i32 to vector<16xi32>
        %add3A_635 = arith.addi %and3A_602, %add3A_634 : vector<16xi32>
        %gather3A_636 = tpu.vector_load_idx %arg10[%get3A_459, %add3A_635] : memref<252x64xf32, #tpu.memory_space<vmem>>[vector<16xi32>, vector<16xi32>], vector<16xf32>,
        %scatter3A_637 = arith.constant 0 : i32
        %scatter3A_638 = arith.constant 0 : i32
        %scatter3A_639 = tpu.memref_slice %arg9[%scan3A_402, %scatter3A_637, %scatter3A_638] : memref<2x400x64xf32, #tpu.memory_space<vmem>> -> memref<1x400x64xf32, #tpu.memory_space<vmem>>
        %scatter3A_640 = tpu.memref_squeeze %scatter3A_639 : memref<1x400x64xf32, #tpu.memory_space<vmem>> -> memref<400x64xf32, #tpu.memory_space<vmem>>
        %scatter3A_641 = arith.constant 0 : i32
        %scatter3A_642 = tpu.memref_slice %scatter3A_640[%mul3A_461, %scatter3A_641] : memref<400x64xf32, #tpu.memory_space<vmem>> -> memref<16x64xf32, #tpu.memory_space<vmem>>
        tpu.vector_store_idx %scatter3A_642[%iota3A, %add3A_635], %gather3A_636 {add = true} : memref<16x64xf32, #tpu.memory_space<vmem>>[vector<16xi32>, vector<16xi32>], vector<16xf32>,
        %add3A_643 = arith.constant 4 : i32
        %add3A_644 = vector.broadcast %add3A_643 : i32 to vector<16xi32>
        %add3A_645 = arith.addi %iota3A, %add3A_644 : vector<16xi32>
        %and3A_646 = arith.constant 15 : i32
        %and3A_647 = vector.broadcast %and3A_646 : i32 to vector<16xi32>
        %and3A_648 = arith.andi %add3A_645, %and3A_647 : vector<16xi32>
        %add3A_649 = arith.constant 0 : i32
        %add3A_650 = vector.broadcast %add3A_649 : i32 to vector<16xi32>
        %add3A_651 = arith.addi %and3A_648, %add3A_650 : vector<16xi32>
        %gather3A_652 = tpu.vector_load_idx %arg10[%get3A_459, %add3A_651] : memref<252x64xf32, #tpu.memory_space<vmem>>[vector<16xi32>, vector<16xi32>], vector<16xf32>,
        %scatter3A_653 = arith.constant 0 : i32
        %scatter3A_654 = arith.constant 0 : i32
        %scatter3A_655 = tpu.memref_slice %arg9[%scan3A_402, %scatter3A_653, %scatter3A_654] : memref<2x400x64xf32, #tpu.memory_space<vmem>> -> memref<1x400x64xf32, #tpu.memory_space<vmem>>
        %scatter3A_656 = tpu.memref_squeeze %scatter3A_655 : memref<1x400x64xf32, #tpu.memory_space<vmem>> -> memref<400x64xf32, #tpu.memory_space<vmem>>
        %scatter3A_657 = arith.constant 0 : i32
        %scatter3A_658 = tpu.memref_slice %scatter3A_656[%mul3A_461, %scatter3A_657] : memref<400x64xf32, #tpu.memory_space<vmem>> -> memref<16x64xf32, #tpu.memory_space<vmem>>
        tpu.vector_store_idx %scatter3A_658[%iota3A, %add3A_651], %gather3A_652 {add = true} : memref<16x64xf32, #tpu.memory_space<vmem>>[vector<16xi32>, vector<16xi32>], vector<16xf32>,
        %add3A_659 = arith.constant 16 : i32
        %add3A_660 = vector.broadcast %add3A_659 : i32 to vector<16xi32>
        %add3A_661 = arith.addi %and3A_648, %add3A_660 : vector<16xi32>
        %gather3A_662 = tpu.vector_load_idx %arg10[%get3A_459, %add3A_661] : memref<252x64xf32, #tpu.memory_space<vmem>>[vector<16xi32>, vector<16xi32>], vector<16xf32>,
        %scatter3A_663 = arith.constant 0 : i32
        %scatter3A_664 = arith.constant 0 : i32
        %scatter3A_665 = tpu.memref_slice %arg9[%scan3A_402, %scatter3A_663, %scatter3A_664] : memref<2x400x64xf32, #tpu.memory_space<vmem>> -> memref<1x400x64xf32, #tpu.memory_space<vmem>>
        %scatter3A_666 = tpu.memref_squeeze %scatter3A_665 : memref<1x400x64xf32, #tpu.memory_space<vmem>> -> memref<400x64xf32, #tpu.memory_space<vmem>>
        %scatter3A_667 = arith.constant 0 : i32
        %scatter3A_668 = tpu.memref_slice %scatter3A_666[%mul3A_461, %scatter3A_667] : memref<400x64xf32, #tpu.memory_space<vmem>> -> memref<16x64xf32, #tpu.memory_space<vmem>>
        tpu.vector_store_idx %scatter3A_668[%iota3A, %add3A_661], %gather3A_662 {add = true} : memref<16x64xf32, #tpu.memory_space<vmem>>[vector<16xi32>, vector<16xi32>], vector<16xf32>,
        %add3A_669 = arith.constant 32 : i32
        %add3A_670 = vector.broadcast %add3A_669 : i32 to vector<16xi32>
        %add3A_671 = arith.addi %and3A_648, %add3A_670 : vector<16xi32>
        %gather3A_672 = tpu.vector_load_idx %arg10[%get3A_459, %add3A_671] : memref<252x64xf32, #tpu.memory_space<vmem>>[vector<16xi32>, vector<16xi32>], vector<16xf32>,
        %scatter3A_673 = arith.constant 0 : i32
        %scatter3A_674 = arith.constant 0 : i32
        %scatter3A_675 = tpu.memref_slice %arg9[%scan3A_402, %scatter3A_673, %scatter3A_674] : memref<2x400x64xf32, #tpu.memory_space<vmem>> -> memref<1x400x64xf32, #tpu.memory_space<vmem>>
        %scatter3A_676 = tpu.memref_squeeze %scatter3A_675 : memref<1x400x64xf32, #tpu.memory_space<vmem>> -> memref<400x64xf32, #tpu.memory_space<vmem>>
        %scatter3A_677 = arith.constant 0 : i32
        %scatter3A_678 = tpu.memref_slice %scatter3A_676[%mul3A_461, %scatter3A_677] : memref<400x64xf32, #tpu.memory_space<vmem>> -> memref<16x64xf32, #tpu.memory_space<vmem>>
        tpu.vector_store_idx %scatter3A_678[%iota3A, %add3A_671], %gather3A_672 {add = true} : memref<16x64xf32, #tpu.memory_space<vmem>>[vector<16xi32>, vector<16xi32>], vector<16xf32>,
        %add3A_679 = arith.constant 48 : i32
        %add3A_680 = vector.broadcast %add3A_679 : i32 to vector<16xi32>
        %add3A_681 = arith.addi %and3A_648, %add3A_680 : vector<16xi32>
        %gather3A_682 = tpu.vector_load_idx %arg10[%get3A_459, %add3A_681] : memref<252x64xf32, #tpu.memory_space<vmem>>[vector<16xi32>, vector<16xi32>], vector<16xf32>,
        %scatter3A_683 = arith.constant 0 : i32
        %scatter3A_684 = arith.constant 0 : i32
        %scatter3A_685 = tpu.memref_slice %arg9[%scan3A_402, %scatter3A_683, %scatter3A_684] : memref<2x400x64xf32, #tpu.memory_space<vmem>> -> memref<1x400x64xf32, #tpu.memory_space<vmem>>
        %scatter3A_686 = tpu.memref_squeeze %scatter3A_685 : memref<1x400x64xf32, #tpu.memory_space<vmem>> -> memref<400x64xf32, #tpu.memory_space<vmem>>
        %scatter3A_687 = arith.constant 0 : i32
        %scatter3A_688 = tpu.memref_slice %scatter3A_686[%mul3A_461, %scatter3A_687] : memref<400x64xf32, #tpu.memory_space<vmem>> -> memref<16x64xf32, #tpu.memory_space<vmem>>
        tpu.vector_store_idx %scatter3A_688[%iota3A, %add3A_681], %gather3A_682 {add = true} : memref<16x64xf32, #tpu.memory_space<vmem>>[vector<16xi32>, vector<16xi32>], vector<16xf32>,
        %add3A_689 = arith.constant 5 : i32
        %add3A_690 = vector.broadcast %add3A_689 : i32 to vector<16xi32>
        %add3A_691 = arith.addi %iota3A, %add3A_690 : vector<16xi32>
        %and3A_692 = arith.constant 15 : i32
        %and3A_693 = vector.broadcast %and3A_692 : i32 to vector<16xi32>
        %and3A_694 = arith.andi %add3A_691, %and3A_693 : vector<16xi32>
        %add3A_695 = arith.constant 0 : i32
        %add3A_696 = vector.broadcast %add3A_695 : i32 to vector<16xi32>
        %add3A_697 = arith.addi %and3A_694, %add3A_696 : vector<16xi32>
        %gather3A_698 = tpu.vector_load_idx %arg10[%get3A_459, %add3A_697] : memref<252x64xf32, #tpu.memory_space<vmem>>[vector<16xi32>, vector<16xi32>], vector<16xf32>,
        %scatter3A_699 = arith.constant 0 : i32
        %scatter3A_700 = arith.constant 0 : i32
        %scatter3A_701 = tpu.memref_slice %arg9[%scan3A_402, %scatter3A_699, %scatter3A_700] : memref<2x400x64xf32, #tpu.memory_space<vmem>> -> memref<1x400x64xf32, #tpu.memory_space<vmem>>
        %scatter3A_702 = tpu.memref_squeeze %scatter3A_701 : memref<1x400x64xf32, #tpu.memory_space<vmem>> -> memref<400x64xf32, #tpu.memory_space<vmem>>
        %scatter3A_703 = arith.constant 0 : i32
        %scatter3A_704 = tpu.memref_slice %scatter3A_702[%mul3A_461, %scatter3A_703] : memref<400x64xf32, #tpu.memory_space<vmem>> -> memref<16x64xf32, #tpu.memory_space<vmem>>
        tpu.vector_store_idx %scatter3A_704[%iota3A, %add3A_697], %gather3A_698 {add = true} : memref<16x64xf32, #tpu.memory_space<vmem>>[vector<16xi32>, vector<16xi32>], vector<16xf32>,
        %add3A_705 = arith.constant 16 : i32
        %add3A_706 = vector.broadcast %add3A_705 : i32 to vector<16xi32>
        %add3A_707 = arith.addi %and3A_694, %add3A_706 : vector<16xi32>
        %gather3A_708 = tpu.vector_load_idx %arg10[%get3A_459, %add3A_707] : memref<252x64xf32, #tpu.memory_space<vmem>>[vector<16xi32>, vector<16xi32>], vector<16xf32>,
        %scatter3A_709 = arith.constant 0 : i32
        %scatter3A_710 = arith.constant 0 : i32
        %scatter3A_711 = tpu.memref_slice %arg9[%scan3A_402, %scatter3A_709, %scatter3A_710] : memref<2x400x64xf32, #tpu.memory_space<vmem>> -> memref<1x400x64xf32, #tpu.memory_space<vmem>>
        %scatter3A_712 = tpu.memref_squeeze %scatter3A_711 : memref<1x400x64xf32, #tpu.memory_space<vmem>> -> memref<400x64xf32, #tpu.memory_space<vmem>>
        %scatter3A_713 = arith.constant 0 : i32
        %scatter3A_714 = tpu.memref_slice %scatter3A_712[%mul3A_461, %scatter3A_713] : memref<400x64xf32, #tpu.memory_space<vmem>> -> memref<16x64xf32, #tpu.memory_space<vmem>>
        tpu.vector_store_idx %scatter3A_714[%iota3A, %add3A_707], %gather3A_708 {add = true} : memref<16x64xf32, #tpu.memory_space<vmem>>[vector<16xi32>, vector<16xi32>], vector<16xf32>,
        %add3A_715 = arith.constant 32 : i32
        %add3A_716 = vector.broadcast %add3A_715 : i32 to vector<16xi32>
        %add3A_717 = arith.addi %and3A_694, %add3A_716 : vector<16xi32>
        %gather3A_718 = tpu.vector_load_idx %arg10[%get3A_459, %add3A_717] : memref<252x64xf32, #tpu.memory_space<vmem>>[vector<16xi32>, vector<16xi32>], vector<16xf32>,
        %scatter3A_719 = arith.constant 0 : i32
        %scatter3A_720 = arith.constant 0 : i32
        %scatter3A_721 = tpu.memref_slice %arg9[%scan3A_402, %scatter3A_719, %scatter3A_720] : memref<2x400x64xf32, #tpu.memory_space<vmem>> -> memref<1x400x64xf32, #tpu.memory_space<vmem>>
        %scatter3A_722 = tpu.memref_squeeze %scatter3A_721 : memref<1x400x64xf32, #tpu.memory_space<vmem>> -> memref<400x64xf32, #tpu.memory_space<vmem>>
        %scatter3A_723 = arith.constant 0 : i32
        %scatter3A_724 = tpu.memref_slice %scatter3A_722[%mul3A_461, %scatter3A_723] : memref<400x64xf32, #tpu.memory_space<vmem>> -> memref<16x64xf32, #tpu.memory_space<vmem>>
        tpu.vector_store_idx %scatter3A_724[%iota3A, %add3A_717], %gather3A_718 {add = true} : memref<16x64xf32, #tpu.memory_space<vmem>>[vector<16xi32>, vector<16xi32>], vector<16xf32>,
        %add3A_725 = arith.constant 48 : i32
        %add3A_726 = vector.broadcast %add3A_725 : i32 to vector<16xi32>
        %add3A_727 = arith.addi %and3A_694, %add3A_726 : vector<16xi32>
        %gather3A_728 = tpu.vector_load_idx %arg10[%get3A_459, %add3A_727] : memref<252x64xf32, #tpu.memory_space<vmem>>[vector<16xi32>, vector<16xi32>], vector<16xf32>,
        %scatter3A_729 = arith.constant 0 : i32
        %scatter3A_730 = arith.constant 0 : i32
        %scatter3A_731 = tpu.memref_slice %arg9[%scan3A_402, %scatter3A_729, %scatter3A_730] : memref<2x400x64xf32, #tpu.memory_space<vmem>> -> memref<1x400x64xf32, #tpu.memory_space<vmem>>
        %scatter3A_732 = tpu.memref_squeeze %scatter3A_731 : memref<1x400x64xf32, #tpu.memory_space<vmem>> -> memref<400x64xf32, #tpu.memory_space<vmem>>
        %scatter3A_733 = arith.constant 0 : i32
        %scatter3A_734 = tpu.memref_slice %scatter3A_732[%mul3A_461, %scatter3A_733] : memref<400x64xf32, #tpu.memory_space<vmem>> -> memref<16x64xf32, #tpu.memory_space<vmem>>
        tpu.vector_store_idx %scatter3A_734[%iota3A, %add3A_727], %gather3A_728 {add = true} : memref<16x64xf32, #tpu.memory_space<vmem>>[vector<16xi32>, vector<16xi32>], vector<16xf32>,
        %add3A_735 = arith.constant 6 : i32
        %add3A_736 = vector.broadcast %add3A_735 : i32 to vector<16xi32>
        %add3A_737 = arith.addi %iota3A, %add3A_736 : vector<16xi32>
        %and3A_738 = arith.constant 15 : i32
        %and3A_739 = vector.broadcast %and3A_738 : i32 to vector<16xi32>
        %and3A_740 = arith.andi %add3A_737, %and3A_739 : vector<16xi32>
        %add3A_741 = arith.constant 0 : i32
        %add3A_742 = vector.broadcast %add3A_741 : i32 to vector<16xi32>
        %add3A_743 = arith.addi %and3A_740, %add3A_742 : vector<16xi32>
        %gather3A_744 = tpu.vector_load_idx %arg10[%get3A_459, %add3A_743] : memref<252x64xf32, #tpu.memory_space<vmem>>[vector<16xi32>, vector<16xi32>], vector<16xf32>,
        %scatter3A_745 = arith.constant 0 : i32
        %scatter3A_746 = arith.constant 0 : i32
        %scatter3A_747 = tpu.memref_slice %arg9[%scan3A_402, %scatter3A_745, %scatter3A_746] : memref<2x400x64xf32, #tpu.memory_space<vmem>> -> memref<1x400x64xf32, #tpu.memory_space<vmem>>
        %scatter3A_748 = tpu.memref_squeeze %scatter3A_747 : memref<1x400x64xf32, #tpu.memory_space<vmem>> -> memref<400x64xf32, #tpu.memory_space<vmem>>
        %scatter3A_749 = arith.constant 0 : i32
        %scatter3A_750 = tpu.memref_slice %scatter3A_748[%mul3A_461, %scatter3A_749] : memref<400x64xf32, #tpu.memory_space<vmem>> -> memref<16x64xf32, #tpu.memory_space<vmem>>
        tpu.vector_store_idx %scatter3A_750[%iota3A, %add3A_743], %gather3A_744 {add = true} : memref<16x64xf32, #tpu.memory_space<vmem>>[vector<16xi32>, vector<16xi32>], vector<16xf32>,
        %add3A_751 = arith.constant 16 : i32
        %add3A_752 = vector.broadcast %add3A_751 : i32 to vector<16xi32>
        %add3A_753 = arith.addi %and3A_740, %add3A_752 : vector<16xi32>
        %gather3A_754 = tpu.vector_load_idx %arg10[%get3A_459, %add3A_753] : memref<252x64xf32, #tpu.memory_space<vmem>>[vector<16xi32>, vector<16xi32>], vector<16xf32>,
        %scatter3A_755 = arith.constant 0 : i32
        %scatter3A_756 = arith.constant 0 : i32
        %scatter3A_757 = tpu.memref_slice %arg9[%scan3A_402, %scatter3A_755, %scatter3A_756] : memref<2x400x64xf32, #tpu.memory_space<vmem>> -> memref<1x400x64xf32, #tpu.memory_space<vmem>>
        %scatter3A_758 = tpu.memref_squeeze %scatter3A_757 : memref<1x400x64xf32, #tpu.memory_space<vmem>> -> memref<400x64xf32, #tpu.memory_space<vmem>>
        %scatter3A_759 = arith.constant 0 : i32
        %scatter3A_760 = tpu.memref_slice %scatter3A_758[%mul3A_461, %scatter3A_759] : memref<400x64xf32, #tpu.memory_space<vmem>> -> memref<16x64xf32, #tpu.memory_space<vmem>>
        tpu.vector_store_idx %scatter3A_760[%iota3A, %add3A_753], %gather3A_754 {add = true} : memref<16x64xf32, #tpu.memory_space<vmem>>[vector<16xi32>, vector<16xi32>], vector<16xf32>,
        %add3A_761 = arith.constant 32 : i32
        %add3A_762 = vector.broadcast %add3A_761 : i32 to vector<16xi32>
        %add3A_763 = arith.addi %and3A_740, %add3A_762 : vector<16xi32>
        %gather3A_764 = tpu.vector_load_idx %arg10[%get3A_459, %add3A_763] : memref<252x64xf32, #tpu.memory_space<vmem>>[vector<16xi32>, vector<16xi32>], vector<16xf32>,
        %scatter3A_765 = arith.constant 0 : i32
        %scatter3A_766 = arith.constant 0 : i32
        %scatter3A_767 = tpu.memref_slice %arg9[%scan3A_402, %scatter3A_765, %scatter3A_766] : memref<2x400x64xf32, #tpu.memory_space<vmem>> -> memref<1x400x64xf32, #tpu.memory_space<vmem>>
        %scatter3A_768 = tpu.memref_squeeze %scatter3A_767 : memref<1x400x64xf32, #tpu.memory_space<vmem>> -> memref<400x64xf32, #tpu.memory_space<vmem>>
        %scatter3A_769 = arith.constant 0 : i32
        %scatter3A_770 = tpu.memref_slice %scatter3A_768[%mul3A_461, %scatter3A_769] : memref<400x64xf32, #tpu.memory_space<vmem>> -> memref<16x64xf32, #tpu.memory_space<vmem>>
        tpu.vector_store_idx %scatter3A_770[%iota3A, %add3A_763], %gather3A_764 {add = true} : memref<16x64xf32, #tpu.memory_space<vmem>>[vector<16xi32>, vector<16xi32>], vector<16xf32>,
        %add3A_771 = arith.constant 48 : i32
        %add3A_772 = vector.broadcast %add3A_771 : i32 to vector<16xi32>
        %add3A_773 = arith.addi %and3A_740, %add3A_772 : vector<16xi32>
        %gather3A_774 = tpu.vector_load_idx %arg10[%get3A_459, %add3A_773] : memref<252x64xf32, #tpu.memory_space<vmem>>[vector<16xi32>, vector<16xi32>], vector<16xf32>,
        %scatter3A_775 = arith.constant 0 : i32
        %scatter3A_776 = arith.constant 0 : i32
        %scatter3A_777 = tpu.memref_slice %arg9[%scan3A_402, %scatter3A_775, %scatter3A_776] : memref<2x400x64xf32, #tpu.memory_space<vmem>> -> memref<1x400x64xf32, #tpu.memory_space<vmem>>
        %scatter3A_778 = tpu.memref_squeeze %scatter3A_777 : memref<1x400x64xf32, #tpu.memory_space<vmem>> -> memref<400x64xf32, #tpu.memory_space<vmem>>
        %scatter3A_779 = arith.constant 0 : i32
        %scatter3A_780 = tpu.memref_slice %scatter3A_778[%mul3A_461, %scatter3A_779] : memref<400x64xf32, #tpu.memory_space<vmem>> -> memref<16x64xf32, #tpu.memory_space<vmem>>
        tpu.vector_store_idx %scatter3A_780[%iota3A, %add3A_773], %gather3A_774 {add = true} : memref<16x64xf32, #tpu.memory_space<vmem>>[vector<16xi32>, vector<16xi32>], vector<16xf32>,
        %add3A_781 = arith.constant 7 : i32
        %add3A_782 = vector.broadcast %add3A_781 : i32 to vector<16xi32>
        %add3A_783 = arith.addi %iota3A, %add3A_782 : vector<16xi32>
        %and3A_784 = arith.constant 15 : i32
        %and3A_785 = vector.broadcast %and3A_784 : i32 to vector<16xi32>
        %and3A_786 = arith.andi %add3A_783, %and3A_785 : vector<16xi32>
        %add3A_787 = arith.constant 0 : i32
        %add3A_788 = vector.broadcast %add3A_787 : i32 to vector<16xi32>
        %add3A_789 = arith.addi %and3A_786, %add3A_788 : vector<16xi32>
        %gather3A_790 = tpu.vector_load_idx %arg10[%get3A_459, %add3A_789] : memref<252x64xf32, #tpu.memory_space<vmem>>[vector<16xi32>, vector<16xi32>], vector<16xf32>,
        %scatter3A_791 = arith.constant 0 : i32
        %scatter3A_792 = arith.constant 0 : i32
        %scatter3A_793 = tpu.memref_slice %arg9[%scan3A_402, %scatter3A_791, %scatter3A_792] : memref<2x400x64xf32, #tpu.memory_space<vmem>> -> memref<1x400x64xf32, #tpu.memory_space<vmem>>
        %scatter3A_794 = tpu.memref_squeeze %scatter3A_793 : memref<1x400x64xf32, #tpu.memory_space<vmem>> -> memref<400x64xf32, #tpu.memory_space<vmem>>
        %scatter3A_795 = arith.constant 0 : i32
        %scatter3A_796 = tpu.memref_slice %scatter3A_794[%mul3A_461, %scatter3A_795] : memref<400x64xf32, #tpu.memory_space<vmem>> -> memref<16x64xf32, #tpu.memory_space<vmem>>
        tpu.vector_store_idx %scatter3A_796[%iota3A, %add3A_789], %gather3A_790 {add = true} : memref<16x64xf32, #tpu.memory_space<vmem>>[vector<16xi32>, vector<16xi32>], vector<16xf32>,
        %add3A_797 = arith.constant 16 : i32
        %add3A_798 = vector.broadcast %add3A_797 : i32 to vector<16xi32>
        %add3A_799 = arith.addi %and3A_786, %add3A_798 : vector<16xi32>
        %gather3A_800 = tpu.vector_load_idx %arg10[%get3A_459, %add3A_799] : memref<252x64xf32, #tpu.memory_space<vmem>>[vector<16xi32>, vector<16xi32>], vector<16xf32>,
        %scatter3A_801 = arith.constant 0 : i32
        %scatter3A_802 = arith.constant 0 : i32
        %scatter3A_803 = tpu.memref_slice %arg9[%scan3A_402, %scatter3A_801, %scatter3A_802] : memref<2x400x64xf32, #tpu.memory_space<vmem>> -> memref<1x400x64xf32, #tpu.memory_space<vmem>>
        %scatter3A_804 = tpu.memref_squeeze %scatter3A_803 : memref<1x400x64xf32, #tpu.memory_space<vmem>> -> memref<400x64xf32, #tpu.memory_space<vmem>>
        %scatter3A_805 = arith.constant 0 : i32
        %scatter3A_806 = tpu.memref_slice %scatter3A_804[%mul3A_461, %scatter3A_805] : memref<400x64xf32, #tpu.memory_space<vmem>> -> memref<16x64xf32, #tpu.memory_space<vmem>>
        tpu.vector_store_idx %scatter3A_806[%iota3A, %add3A_799], %gather3A_800 {add = true} : memref<16x64xf32, #tpu.memory_space<vmem>>[vector<16xi32>, vector<16xi32>], vector<16xf32>,
        %add3A_807 = arith.constant 32 : i32
        %add3A_808 = vector.broadcast %add3A_807 : i32 to vector<16xi32>
        %add3A_809 = arith.addi %and3A_786, %add3A_808 : vector<16xi32>
        %gather3A_810 = tpu.vector_load_idx %arg10[%get3A_459, %add3A_809] : memref<252x64xf32, #tpu.memory_space<vmem>>[vector<16xi32>, vector<16xi32>], vector<16xf32>,
        %scatter3A_811 = arith.constant 0 : i32
        %scatter3A_812 = arith.constant 0 : i32
        %scatter3A_813 = tpu.memref_slice %arg9[%scan3A_402, %scatter3A_811, %scatter3A_812] : memref<2x400x64xf32, #tpu.memory_space<vmem>> -> memref<1x400x64xf32, #tpu.memory_space<vmem>>
        %scatter3A_814 = tpu.memref_squeeze %scatter3A_813 : memref<1x400x64xf32, #tpu.memory_space<vmem>> -> memref<400x64xf32, #tpu.memory_space<vmem>>
        %scatter3A_815 = arith.constant 0 : i32
        %scatter3A_816 = tpu.memref_slice %scatter3A_814[%mul3A_461, %scatter3A_815] : memref<400x64xf32, #tpu.memory_space<vmem>> -> memref<16x64xf32, #tpu.memory_space<vmem>>
        tpu.vector_store_idx %scatter3A_816[%iota3A, %add3A_809], %gather3A_810 {add = true} : memref<16x64xf32, #tpu.memory_space<vmem>>[vector<16xi32>, vector<16xi32>], vector<16xf32>,
        %add3A_817 = arith.constant 48 : i32
        %add3A_818 = vector.broadcast %add3A_817 : i32 to vector<16xi32>
        %add3A_819 = arith.addi %and3A_786, %add3A_818 : vector<16xi32>
        %gather3A_820 = tpu.vector_load_idx %arg10[%get3A_459, %add3A_819] : memref<252x64xf32, #tpu.memory_space<vmem>>[vector<16xi32>, vector<16xi32>], vector<16xf32>,
        %scatter3A_821 = arith.constant 0 : i32
        %scatter3A_822 = arith.constant 0 : i32
        %scatter3A_823 = tpu.memref_slice %arg9[%scan3A_402, %scatter3A_821, %scatter3A_822] : memref<2x400x64xf32, #tpu.memory_space<vmem>> -> memref<1x400x64xf32, #tpu.memory_space<vmem>>
        %scatter3A_824 = tpu.memref_squeeze %scatter3A_823 : memref<1x400x64xf32, #tpu.memory_space<vmem>> -> memref<400x64xf32, #tpu.memory_space<vmem>>
        %scatter3A_825 = arith.constant 0 : i32
        %scatter3A_826 = tpu.memref_slice %scatter3A_824[%mul3A_461, %scatter3A_825] : memref<400x64xf32, #tpu.memory_space<vmem>> -> memref<16x64xf32, #tpu.memory_space<vmem>>
        tpu.vector_store_idx %scatter3A_826[%iota3A, %add3A_819], %gather3A_820 {add = true} : memref<16x64xf32, #tpu.memory_space<vmem>>[vector<16xi32>, vector<16xi32>], vector<16xf32>,
        %add3A_827 = arith.constant 8 : i32
        %add3A_828 = vector.broadcast %add3A_827 : i32 to vector<16xi32>
        %add3A_829 = arith.addi %iota3A, %add3A_828 : vector<16xi32>
        %and3A_830 = arith.constant 15 : i32
        %and3A_831 = vector.broadcast %and3A_830 : i32 to vector<16xi32>
        %and3A_832 = arith.andi %add3A_829, %and3A_831 : vector<16xi32>
        %add3A_833 = arith.constant 0 : i32
        %add3A_834 = vector.broadcast %add3A_833 : i32 to vector<16xi32>
        %add3A_835 = arith.addi %and3A_832, %add3A_834 : vector<16xi32>
        %gather3A_836 = tpu.vector_load_idx %arg10[%get3A_459, %add3A_835] : memref<252x64xf32, #tpu.memory_space<vmem>>[vector<16xi32>, vector<16xi32>], vector<16xf32>,
        %scatter3A_837 = arith.constant 0 : i32
        %scatter3A_838 = arith.constant 0 : i32
        %scatter3A_839 = tpu.memref_slice %arg9[%scan3A_402, %scatter3A_837, %scatter3A_838] : memref<2x400x64xf32, #tpu.memory_space<vmem>> -> memref<1x400x64xf32, #tpu.memory_space<vmem>>
        %scatter3A_840 = tpu.memref_squeeze %scatter3A_839 : memref<1x400x64xf32, #tpu.memory_space<vmem>> -> memref<400x64xf32, #tpu.memory_space<vmem>>
        %scatter3A_841 = arith.constant 0 : i32
        %scatter3A_842 = tpu.memref_slice %scatter3A_840[%mul3A_461, %scatter3A_841] : memref<400x64xf32, #tpu.memory_space<vmem>> -> memref<16x64xf32, #tpu.memory_space<vmem>>
        tpu.vector_store_idx %scatter3A_842[%iota3A, %add3A_835], %gather3A_836 {add = true} : memref<16x64xf32, #tpu.memory_space<vmem>>[vector<16xi32>, vector<16xi32>], vector<16xf32>,
        %add3A_843 = arith.constant 16 : i32
        %add3A_844 = vector.broadcast %add3A_843 : i32 to vector<16xi32>
        %add3A_845 = arith.addi %and3A_832, %add3A_844 : vector<16xi32>
        %gather3A_846 = tpu.vector_load_idx %arg10[%get3A_459, %add3A_845] : memref<252x64xf32, #tpu.memory_space<vmem>>[vector<16xi32>, vector<16xi32>], vector<16xf32>,
        %scatter3A_847 = arith.constant 0 : i32
        %scatter3A_848 = arith.constant 0 : i32
        %scatter3A_849 = tpu.memref_slice %arg9[%scan3A_402, %scatter3A_847, %scatter3A_848] : memref<2x400x64xf32, #tpu.memory_space<vmem>> -> memref<1x400x64xf32, #tpu.memory_space<vmem>>
        %scatter3A_850 = tpu.memref_squeeze %scatter3A_849 : memref<1x400x64xf32, #tpu.memory_space<vmem>> -> memref<400x64xf32, #tpu.memory_space<vmem>>
        %scatter3A_851 = arith.constant 0 : i32
        %scatter3A_852 = tpu.memref_slice %scatter3A_850[%mul3A_461, %scatter3A_851] : memref<400x64xf32, #tpu.memory_space<vmem>> -> memref<16x64xf32, #tpu.memory_space<vmem>>
        tpu.vector_store_idx %scatter3A_852[%iota3A, %add3A_845], %gather3A_846 {add = true} : memref<16x64xf32, #tpu.memory_space<vmem>>[vector<16xi32>, vector<16xi32>], vector<16xf32>,
        %add3A_853 = arith.constant 32 : i32
        %add3A_854 = vector.broadcast %add3A_853 : i32 to vector<16xi32>
        %add3A_855 = arith.addi %and3A_832, %add3A_854 : vector<16xi32>
        %gather3A_856 = tpu.vector_load_idx %arg10[%get3A_459, %add3A_855] : memref<252x64xf32, #tpu.memory_space<vmem>>[vector<16xi32>, vector<16xi32>], vector<16xf32>,
        %scatter3A_857 = arith.constant 0 : i32
        %scatter3A_858 = arith.constant 0 : i32
        %scatter3A_859 = tpu.memref_slice %arg9[%scan3A_402, %scatter3A_857, %scatter3A_858] : memref<2x400x64xf32, #tpu.memory_space<vmem>> -> memref<1x400x64xf32, #tpu.memory_space<vmem>>
        %scatter3A_860 = tpu.memref_squeeze %scatter3A_859 : memref<1x400x64xf32, #tpu.memory_space<vmem>> -> memref<400x64xf32, #tpu.memory_space<vmem>>
        %scatter3A_861 = arith.constant 0 : i32
        %scatter3A_862 = tpu.memref_slice %scatter3A_860[%mul3A_461, %scatter3A_861] : memref<400x64xf32, #tpu.memory_space<vmem>> -> memref<16x64xf32, #tpu.memory_space<vmem>>
        tpu.vector_store_idx %scatter3A_862[%iota3A, %add3A_855], %gather3A_856 {add = true} : memref<16x64xf32, #tpu.memory_space<vmem>>[vector<16xi32>, vector<16xi32>], vector<16xf32>,
        %add3A_863 = arith.constant 48 : i32
        %add3A_864 = vector.broadcast %add3A_863 : i32 to vector<16xi32>
        %add3A_865 = arith.addi %and3A_832, %add3A_864 : vector<16xi32>
        %gather3A_866 = tpu.vector_load_idx %arg10[%get3A_459, %add3A_865] : memref<252x64xf32, #tpu.memory_space<vmem>>[vector<16xi32>, vector<16xi32>], vector<16xf32>,
        %scatter3A_867 = arith.constant 0 : i32
        %scatter3A_868 = arith.constant 0 : i32
        %scatter3A_869 = tpu.memref_slice %arg9[%scan3A_402, %scatter3A_867, %scatter3A_868] : memref<2x400x64xf32, #tpu.memory_space<vmem>> -> memref<1x400x64xf32, #tpu.memory_space<vmem>>
        %scatter3A_870 = tpu.memref_squeeze %scatter3A_869 : memref<1x400x64xf32, #tpu.memory_space<vmem>> -> memref<400x64xf32, #tpu.memory_space<vmem>>
        %scatter3A_871 = arith.constant 0 : i32
        %scatter3A_872 = tpu.memref_slice %scatter3A_870[%mul3A_461, %scatter3A_871] : memref<400x64xf32, #tpu.memory_space<vmem>> -> memref<16x64xf32, #tpu.memory_space<vmem>>
        tpu.vector_store_idx %scatter3A_872[%iota3A, %add3A_865], %gather3A_866 {add = true} : memref<16x64xf32, #tpu.memory_space<vmem>>[vector<16xi32>, vector<16xi32>], vector<16xf32>,
        %add3A_873 = arith.constant 9 : i32
        %add3A_874 = vector.broadcast %add3A_873 : i32 to vector<16xi32>
        %add3A_875 = arith.addi %iota3A, %add3A_874 : vector<16xi32>
        %and3A_876 = arith.constant 15 : i32
        %and3A_877 = vector.broadcast %and3A_876 : i32 to vector<16xi32>
        %and3A_878 = arith.andi %add3A_875, %and3A_877 : vector<16xi32>
        %add3A_879 = arith.constant 0 : i32
        %add3A_880 = vector.broadcast %add3A_879 : i32 to vector<16xi32>
        %add3A_881 = arith.addi %and3A_878, %add3A_880 : vector<16xi32>
        %gather3A_882 = tpu.vector_load_idx %arg10[%get3A_459, %add3A_881] : memref<252x64xf32, #tpu.memory_space<vmem>>[vector<16xi32>, vector<16xi32>], vector<16xf32>,
        %scatter3A_883 = arith.constant 0 : i32
        %scatter3A_884 = arith.constant 0 : i32
        %scatter3A_885 = tpu.memref_slice %arg9[%scan3A_402, %scatter3A_883, %scatter3A_884] : memref<2x400x64xf32, #tpu.memory_space<vmem>> -> memref<1x400x64xf32, #tpu.memory_space<vmem>>
        %scatter3A_886 = tpu.memref_squeeze %scatter3A_885 : memref<1x400x64xf32, #tpu.memory_space<vmem>> -> memref<400x64xf32, #tpu.memory_space<vmem>>
        %scatter3A_887 = arith.constant 0 : i32
        %scatter3A_888 = tpu.memref_slice %scatter3A_886[%mul3A_461, %scatter3A_887] : memref<400x64xf32, #tpu.memory_space<vmem>> -> memref<16x64xf32, #tpu.memory_space<vmem>>
        tpu.vector_store_idx %scatter3A_888[%iota3A, %add3A_881], %gather3A_882 {add = true} : memref<16x64xf32, #tpu.memory_space<vmem>>[vector<16xi32>, vector<16xi32>], vector<16xf32>,
        %add3A_889 = arith.constant 16 : i32
        %add3A_890 = vector.broadcast %add3A_889 : i32 to vector<16xi32>
        %add3A_891 = arith.addi %and3A_878, %add3A_890 : vector<16xi32>
        %gather3A_892 = tpu.vector_load_idx %arg10[%get3A_459, %add3A_891] : memref<252x64xf32, #tpu.memory_space<vmem>>[vector<16xi32>, vector<16xi32>], vector<16xf32>,
        %scatter3A_893 = arith.constant 0 : i32
        %scatter3A_894 = arith.constant 0 : i32
        %scatter3A_895 = tpu.memref_slice %arg9[%scan3A_402, %scatter3A_893, %scatter3A_894] : memref<2x400x64xf32, #tpu.memory_space<vmem>> -> memref<1x400x64xf32, #tpu.memory_space<vmem>>
        %scatter3A_896 = tpu.memref_squeeze %scatter3A_895 : memref<1x400x64xf32, #tpu.memory_space<vmem>> -> memref<400x64xf32, #tpu.memory_space<vmem>>
        %scatter3A_897 = arith.constant 0 : i32
        %scatter3A_898 = tpu.memref_slice %scatter3A_896[%mul3A_461, %scatter3A_897] : memref<400x64xf32, #tpu.memory_space<vmem>> -> memref<16x64xf32, #tpu.memory_space<vmem>>
        tpu.vector_store_idx %scatter3A_898[%iota3A, %add3A_891], %gather3A_892 {add = true} : memref<16x64xf32, #tpu.memory_space<vmem>>[vector<16xi32>, vector<16xi32>], vector<16xf32>,
        %add3A_899 = arith.constant 32 : i32
        %add3A_900 = vector.broadcast %add3A_899 : i32 to vector<16xi32>
        %add3A_901 = arith.addi %and3A_878, %add3A_900 : vector<16xi32>
        %gather3A_902 = tpu.vector_load_idx %arg10[%get3A_459, %add3A_901] : memref<252x64xf32, #tpu.memory_space<vmem>>[vector<16xi32>, vector<16xi32>], vector<16xf32>,
        %scatter3A_903 = arith.constant 0 : i32
        %scatter3A_904 = arith.constant 0 : i32
        %scatter3A_905 = tpu.memref_slice %arg9[%scan3A_402, %scatter3A_903, %scatter3A_904] : memref<2x400x64xf32, #tpu.memory_space<vmem>> -> memref<1x400x64xf32, #tpu.memory_space<vmem>>
        %scatter3A_906 = tpu.memref_squeeze %scatter3A_905 : memref<1x400x64xf32, #tpu.memory_space<vmem>> -> memref<400x64xf32, #tpu.memory_space<vmem>>
        %scatter3A_907 = arith.constant 0 : i32
        %scatter3A_908 = tpu.memref_slice %scatter3A_906[%mul3A_461, %scatter3A_907] : memref<400x64xf32, #tpu.memory_space<vmem>> -> memref<16x64xf32, #tpu.memory_space<vmem>>
        tpu.vector_store_idx %scatter3A_908[%iota3A, %add3A_901], %gather3A_902 {add = true} : memref<16x64xf32, #tpu.memory_space<vmem>>[vector<16xi32>, vector<16xi32>], vector<16xf32>,
        %add3A_909 = arith.constant 48 : i32
        %add3A_910 = vector.broadcast %add3A_909 : i32 to vector<16xi32>
        %add3A_911 = arith.addi %and3A_878, %add3A_910 : vector<16xi32>
        %gather3A_912 = tpu.vector_load_idx %arg10[%get3A_459, %add3A_911] : memref<252x64xf32, #tpu.memory_space<vmem>>[vector<16xi32>, vector<16xi32>], vector<16xf32>,
        %scatter3A_913 = arith.constant 0 : i32
        %scatter3A_914 = arith.constant 0 : i32
        %scatter3A_915 = tpu.memref_slice %arg9[%scan3A_402, %scatter3A_913, %scatter3A_914] : memref<2x400x64xf32, #tpu.memory_space<vmem>> -> memref<1x400x64xf32, #tpu.memory_space<vmem>>
        %scatter3A_916 = tpu.memref_squeeze %scatter3A_915 : memref<1x400x64xf32, #tpu.memory_space<vmem>> -> memref<400x64xf32, #tpu.memory_space<vmem>>
        %scatter3A_917 = arith.constant 0 : i32
        %scatter3A_918 = tpu.memref_slice %scatter3A_916[%mul3A_461, %scatter3A_917] : memref<400x64xf32, #tpu.memory_space<vmem>> -> memref<16x64xf32, #tpu.memory_space<vmem>>
        tpu.vector_store_idx %scatter3A_918[%iota3A, %add3A_911], %gather3A_912 {add = true} : memref<16x64xf32, #tpu.memory_space<vmem>>[vector<16xi32>, vector<16xi32>], vector<16xf32>,
        %add3A_919 = arith.constant 10 : i32
        %add3A_920 = vector.broadcast %add3A_919 : i32 to vector<16xi32>
        %add3A_921 = arith.addi %iota3A, %add3A_920 : vector<16xi32>
        %and3A_922 = arith.constant 15 : i32
        %and3A_923 = vector.broadcast %and3A_922 : i32 to vector<16xi32>
        %and3A_924 = arith.andi %add3A_921, %and3A_923 : vector<16xi32>
        %add3A_925 = arith.constant 0 : i32
        %add3A_926 = vector.broadcast %add3A_925 : i32 to vector<16xi32>
        %add3A_927 = arith.addi %and3A_924, %add3A_926 : vector<16xi32>
        %gather3A_928 = tpu.vector_load_idx %arg10[%get3A_459, %add3A_927] : memref<252x64xf32, #tpu.memory_space<vmem>>[vector<16xi32>, vector<16xi32>], vector<16xf32>,
        %scatter3A_929 = arith.constant 0 : i32
        %scatter3A_930 = arith.constant 0 : i32
        %scatter3A_931 = tpu.memref_slice %arg9[%scan3A_402, %scatter3A_929, %scatter3A_930] : memref<2x400x64xf32, #tpu.memory_space<vmem>> -> memref<1x400x64xf32, #tpu.memory_space<vmem>>
        %scatter3A_932 = tpu.memref_squeeze %scatter3A_931 : memref<1x400x64xf32, #tpu.memory_space<vmem>> -> memref<400x64xf32, #tpu.memory_space<vmem>>
        %scatter3A_933 = arith.constant 0 : i32
        %scatter3A_934 = tpu.memref_slice %scatter3A_932[%mul3A_461, %scatter3A_933] : memref<400x64xf32, #tpu.memory_space<vmem>> -> memref<16x64xf32, #tpu.memory_space<vmem>>
        tpu.vector_store_idx %scatter3A_934[%iota3A, %add3A_927], %gather3A_928 {add = true} : memref<16x64xf32, #tpu.memory_space<vmem>>[vector<16xi32>, vector<16xi32>], vector<16xf32>,
        %add3A_935 = arith.constant 16 : i32
        %add3A_936 = vector.broadcast %add3A_935 : i32 to vector<16xi32>
        %add3A_937 = arith.addi %and3A_924, %add3A_936 : vector<16xi32>
        %gather3A_938 = tpu.vector_load_idx %arg10[%get3A_459, %add3A_937] : memref<252x64xf32, #tpu.memory_space<vmem>>[vector<16xi32>, vector<16xi32>], vector<16xf32>,
        %scatter3A_939 = arith.constant 0 : i32
        %scatter3A_940 = arith.constant 0 : i32
        %scatter3A_941 = tpu.memref_slice %arg9[%scan3A_402, %scatter3A_939, %scatter3A_940] : memref<2x400x64xf32, #tpu.memory_space<vmem>> -> memref<1x400x64xf32, #tpu.memory_space<vmem>>
        %scatter3A_942 = tpu.memref_squeeze %scatter3A_941 : memref<1x400x64xf32, #tpu.memory_space<vmem>> -> memref<400x64xf32, #tpu.memory_space<vmem>>
        %scatter3A_943 = arith.constant 0 : i32
        %scatter3A_944 = tpu.memref_slice %scatter3A_942[%mul3A_461, %scatter3A_943] : memref<400x64xf32, #tpu.memory_space<vmem>> -> memref<16x64xf32, #tpu.memory_space<vmem>>
        tpu.vector_store_idx %scatter3A_944[%iota3A, %add3A_937], %gather3A_938 {add = true} : memref<16x64xf32, #tpu.memory_space<vmem>>[vector<16xi32>, vector<16xi32>], vector<16xf32>,
        %add3A_945 = arith.constant 32 : i32
        %add3A_946 = vector.broadcast %add3A_945 : i32 to vector<16xi32>
        %add3A_947 = arith.addi %and3A_924, %add3A_946 : vector<16xi32>
        %gather3A_948 = tpu.vector_load_idx %arg10[%get3A_459, %add3A_947] : memref<252x64xf32, #tpu.memory_space<vmem>>[vector<16xi32>, vector<16xi32>], vector<16xf32>,
        %scatter3A_949 = arith.constant 0 : i32
        %scatter3A_950 = arith.constant 0 : i32
        %scatter3A_951 = tpu.memref_slice %arg9[%scan3A_402, %scatter3A_949, %scatter3A_950] : memref<2x400x64xf32, #tpu.memory_space<vmem>> -> memref<1x400x64xf32, #tpu.memory_space<vmem>>
        %scatter3A_952 = tpu.memref_squeeze %scatter3A_951 : memref<1x400x64xf32, #tpu.memory_space<vmem>> -> memref<400x64xf32, #tpu.memory_space<vmem>>
        %scatter3A_953 = arith.constant 0 : i32
        %scatter3A_954 = tpu.memref_slice %scatter3A_952[%mul3A_461, %scatter3A_953] : memref<400x64xf32, #tpu.memory_space<vmem>> -> memref<16x64xf32, #tpu.memory_space<vmem>>
        tpu.vector_store_idx %scatter3A_954[%iota3A, %add3A_947], %gather3A_948 {add = true} : memref<16x64xf32, #tpu.memory_space<vmem>>[vector<16xi32>, vector<16xi32>], vector<16xf32>,
        %add3A_955 = arith.constant 48 : i32
        %add3A_956 = vector.broadcast %add3A_955 : i32 to vector<16xi32>
        %add3A_957 = arith.addi %and3A_924, %add3A_956 : vector<16xi32>
        %gather3A_958 = tpu.vector_load_idx %arg10[%get3A_459, %add3A_957] : memref<252x64xf32, #tpu.memory_space<vmem>>[vector<16xi32>, vector<16xi32>], vector<16xf32>,
        %scatter3A_959 = arith.constant 0 : i32
        %scatter3A_960 = arith.constant 0 : i32
        %scatter3A_961 = tpu.memref_slice %arg9[%scan3A_402, %scatter3A_959, %scatter3A_960] : memref<2x400x64xf32, #tpu.memory_space<vmem>> -> memref<1x400x64xf32, #tpu.memory_space<vmem>>
        %scatter3A_962 = tpu.memref_squeeze %scatter3A_961 : memref<1x400x64xf32, #tpu.memory_space<vmem>> -> memref<400x64xf32, #tpu.memory_space<vmem>>
        %scatter3A_963 = arith.constant 0 : i32
        %scatter3A_964 = tpu.memref_slice %scatter3A_962[%mul3A_461, %scatter3A_963] : memref<400x64xf32, #tpu.memory_space<vmem>> -> memref<16x64xf32, #tpu.memory_space<vmem>>
        tpu.vector_store_idx %scatter3A_964[%iota3A, %add3A_957], %gather3A_958 {add = true} : memref<16x64xf32, #tpu.memory_space<vmem>>[vector<16xi32>, vector<16xi32>], vector<16xf32>,
        %add3A_965 = arith.constant 11 : i32
        %add3A_966 = vector.broadcast %add3A_965 : i32 to vector<16xi32>
        %add3A_967 = arith.addi %iota3A, %add3A_966 : vector<16xi32>
        %and3A_968 = arith.constant 15 : i32
        %and3A_969 = vector.broadcast %and3A_968 : i32 to vector<16xi32>
        %and3A_970 = arith.andi %add3A_967, %and3A_969 : vector<16xi32>
        %add3A_971 = arith.constant 0 : i32
        %add3A_972 = vector.broadcast %add3A_971 : i32 to vector<16xi32>
        %add3A_973 = arith.addi %and3A_970, %add3A_972 : vector<16xi32>
        %gather3A_974 = tpu.vector_load_idx %arg10[%get3A_459, %add3A_973] : memref<252x64xf32, #tpu.memory_space<vmem>>[vector<16xi32>, vector<16xi32>], vector<16xf32>,
        %scatter3A_975 = arith.constant 0 : i32
        %scatter3A_976 = arith.constant 0 : i32
        %scatter3A_977 = tpu.memref_slice %arg9[%scan3A_402, %scatter3A_975, %scatter3A_976] : memref<2x400x64xf32, #tpu.memory_space<vmem>> -> memref<1x400x64xf32, #tpu.memory_space<vmem>>
        %scatter3A_978 = tpu.memref_squeeze %scatter3A_977 : memref<1x400x64xf32, #tpu.memory_space<vmem>> -> memref<400x64xf32, #tpu.memory_space<vmem>>
        %scatter3A_979 = arith.constant 0 : i32
        %scatter3A_980 = tpu.memref_slice %scatter3A_978[%mul3A_461, %scatter3A_979] : memref<400x64xf32, #tpu.memory_space<vmem>> -> memref<16x64xf32, #tpu.memory_space<vmem>>
        tpu.vector_store_idx %scatter3A_980[%iota3A, %add3A_973], %gather3A_974 {add = true} : memref<16x64xf32, #tpu.memory_space<vmem>>[vector<16xi32>, vector<16xi32>], vector<16xf32>,
        %add3A_981 = arith.constant 16 : i32
        %add3A_982 = vector.broadcast %add3A_981 : i32 to vector<16xi32>
        %add3A_983 = arith.addi %and3A_970, %add3A_982 : vector<16xi32>
        %gather3A_984 = tpu.vector_load_idx %arg10[%get3A_459, %add3A_983] : memref<252x64xf32, #tpu.memory_space<vmem>>[vector<16xi32>, vector<16xi32>], vector<16xf32>,
        %scatter3A_985 = arith.constant 0 : i32
        %scatter3A_986 = arith.constant 0 : i32
        %scatter3A_987 = tpu.memref_slice %arg9[%scan3A_402, %scatter3A_985, %scatter3A_986] : memref<2x400x64xf32, #tpu.memory_space<vmem>> -> memref<1x400x64xf32, #tpu.memory_space<vmem>>
        %scatter3A_988 = tpu.memref_squeeze %scatter3A_987 : memref<1x400x64xf32, #tpu.memory_space<vmem>> -> memref<400x64xf32, #tpu.memory_space<vmem>>
        %scatter3A_989 = arith.constant 0 : i32
        %scatter3A_990 = tpu.memref_slice %scatter3A_988[%mul3A_461, %scatter3A_989] : memref<400x64xf32, #tpu.memory_space<vmem>> -> memref<16x64xf32, #tpu.memory_space<vmem>>
        tpu.vector_store_idx %scatter3A_990[%iota3A, %add3A_983], %gather3A_984 {add = true} : memref<16x64xf32, #tpu.memory_space<vmem>>[vector<16xi32>, vector<16xi32>], vector<16xf32>,
        %add3A_991 = arith.constant 32 : i32
        %add3A_992 = vector.broadcast %add3A_991 : i32 to vector<16xi32>
        %add3A_993 = arith.addi %and3A_970, %add3A_992 : vector<16xi32>
        %gather3A_994 = tpu.vector_load_idx %arg10[%get3A_459, %add3A_993] : memref<252x64xf32, #tpu.memory_space<vmem>>[vector<16xi32>, vector<16xi32>], vector<16xf32>,
        %scatter3A_995 = arith.constant 0 : i32
        %scatter3A_996 = arith.constant 0 : i32
        %scatter3A_997 = tpu.memref_slice %arg9[%scan3A_402, %scatter3A_995, %scatter3A_996] : memref<2x400x64xf32, #tpu.memory_space<vmem>> -> memref<1x400x64xf32, #tpu.memory_space<vmem>>
        %scatter3A_998 = tpu.memref_squeeze %scatter3A_997 : memref<1x400x64xf32, #tpu.memory_space<vmem>> -> memref<400x64xf32, #tpu.memory_space<vmem>>
        %scatter3A_999 = arith.constant 0 : i32
        %scatter3A_1000 = tpu.memref_slice %scatter3A_998[%mul3A_461, %scatter3A_999] : memref<400x64xf32, #tpu.memory_space<vmem>> -> memref<16x64xf32, #tpu.memory_space<vmem>>
        tpu.vector_store_idx %scatter3A_1000[%iota3A, %add3A_993], %gather3A_994 {add = true} : memref<16x64xf32, #tpu.memory_space<vmem>>[vector<16xi32>, vector<16xi32>], vector<16xf32>,
        %add3A_1001 = arith.constant 48 : i32
        %add3A_1002 = vector.broadcast %add3A_1001 : i32 to vector<16xi32>
        %add3A_1003 = arith.addi %and3A_970, %add3A_1002 : vector<16xi32>
        %gather3A_1004 = tpu.vector_load_idx %arg10[%get3A_459, %add3A_1003] : memref<252x64xf32, #tpu.memory_space<vmem>>[vector<16xi32>, vector<16xi32>], vector<16xf32>,
        %scatter3A_1005 = arith.constant 0 : i32
        %scatter3A_1006 = arith.constant 0 : i32
        %scatter3A_1007 = tpu.memref_slice %arg9[%scan3A_402, %scatter3A_1005, %scatter3A_1006] : memref<2x400x64xf32, #tpu.memory_space<vmem>> -> memref<1x400x64xf32, #tpu.memory_space<vmem>>
        %scatter3A_1008 = tpu.memref_squeeze %scatter3A_1007 : memref<1x400x64xf32, #tpu.memory_space<vmem>> -> memref<400x64xf32, #tpu.memory_space<vmem>>
        %scatter3A_1009 = arith.constant 0 : i32
        %scatter3A_1010 = tpu.memref_slice %scatter3A_1008[%mul3A_461, %scatter3A_1009] : memref<400x64xf32, #tpu.memory_space<vmem>> -> memref<16x64xf32, #tpu.memory_space<vmem>>
        tpu.vector_store_idx %scatter3A_1010[%iota3A, %add3A_1003], %gather3A_1004 {add = true} : memref<16x64xf32, #tpu.memory_space<vmem>>[vector<16xi32>, vector<16xi32>], vector<16xf32>,
        %add3A_1011 = arith.constant 12 : i32
        %add3A_1012 = vector.broadcast %add3A_1011 : i32 to vector<16xi32>
        %add3A_1013 = arith.addi %iota3A, %add3A_1012 : vector<16xi32>
        %and3A_1014 = arith.constant 15 : i32
        %and3A_1015 = vector.broadcast %and3A_1014 : i32 to vector<16xi32>
        %and3A_1016 = arith.andi %add3A_1013, %and3A_1015 : vector<16xi32>
        %add3A_1017 = arith.constant 0 : i32
        %add3A_1018 = vector.broadcast %add3A_1017 : i32 to vector<16xi32>
        %add3A_1019 = arith.addi %and3A_1016, %add3A_1018 : vector<16xi32>
        %gather3A_1020 = tpu.vector_load_idx %arg10[%get3A_459, %add3A_1019] : memref<252x64xf32, #tpu.memory_space<vmem>>[vector<16xi32>, vector<16xi32>], vector<16xf32>,
        %scatter3A_1021 = arith.constant 0 : i32
        %scatter3A_1022 = arith.constant 0 : i32
        %scatter3A_1023 = tpu.memref_slice %arg9[%scan3A_402, %scatter3A_1021, %scatter3A_1022] : memref<2x400x64xf32, #tpu.memory_space<vmem>> -> memref<1x400x64xf32, #tpu.memory_space<vmem>>
        %scatter3A_1024 = tpu.memref_squeeze %scatter3A_1023 : memref<1x400x64xf32, #tpu.memory_space<vmem>> -> memref<400x64xf32, #tpu.memory_space<vmem>>
        %scatter3A_1025 = arith.constant 0 : i32
        %scatter3A_1026 = tpu.memref_slice %scatter3A_1024[%mul3A_461, %scatter3A_1025] : memref<400x64xf32, #tpu.memory_space<vmem>> -> memref<16x64xf32, #tpu.memory_space<vmem>>
        tpu.vector_store_idx %scatter3A_1026[%iota3A, %add3A_1019], %gather3A_1020 {add = true} : memref<16x64xf32, #tpu.memory_space<vmem>>[vector<16xi32>, vector<16xi32>], vector<16xf32>,
        %add3A_1027 = arith.constant 16 : i32
        %add3A_1028 = vector.broadcast %add3A_1027 : i32 to vector<16xi32>
        %add3A_1029 = arith.addi %and3A_1016, %add3A_1028 : vector<16xi32>
        %gather3A_1030 = tpu.vector_load_idx %arg10[%get3A_459, %add3A_1029] : memref<252x64xf32, #tpu.memory_space<vmem>>[vector<16xi32>, vector<16xi32>], vector<16xf32>,
        %scatter3A_1031 = arith.constant 0 : i32
        %scatter3A_1032 = arith.constant 0 : i32
        %scatter3A_1033 = tpu.memref_slice %arg9[%scan3A_402, %scatter3A_1031, %scatter3A_1032] : memref<2x400x64xf32, #tpu.memory_space<vmem>> -> memref<1x400x64xf32, #tpu.memory_space<vmem>>
        %scatter3A_1034 = tpu.memref_squeeze %scatter3A_1033 : memref<1x400x64xf32, #tpu.memory_space<vmem>> -> memref<400x64xf32, #tpu.memory_space<vmem>>
        %scatter3A_1035 = arith.constant 0 : i32
        %scatter3A_1036 = tpu.memref_slice %scatter3A_1034[%mul3A_461, %scatter3A_1035] : memref<400x64xf32, #tpu.memory_space<vmem>> -> memref<16x64xf32, #tpu.memory_space<vmem>>
        tpu.vector_store_idx %scatter3A_1036[%iota3A, %add3A_1029], %gather3A_1030 {add = true} : memref<16x64xf32, #tpu.memory_space<vmem>>[vector<16xi32>, vector<16xi32>], vector<16xf32>,
        %add3A_1037 = arith.constant 32 : i32
        %add3A_1038 = vector.broadcast %add3A_1037 : i32 to vector<16xi32>
        %add3A_1039 = arith.addi %and3A_1016, %add3A_1038 : vector<16xi32>
        %gather3A_1040 = tpu.vector_load_idx %arg10[%get3A_459, %add3A_1039] : memref<252x64xf32, #tpu.memory_space<vmem>>[vector<16xi32>, vector<16xi32>], vector<16xf32>,
        %scatter3A_1041 = arith.constant 0 : i32
        %scatter3A_1042 = arith.constant 0 : i32
        %scatter3A_1043 = tpu.memref_slice %arg9[%scan3A_402, %scatter3A_1041, %scatter3A_1042] : memref<2x400x64xf32, #tpu.memory_space<vmem>> -> memref<1x400x64xf32, #tpu.memory_space<vmem>>
        %scatter3A_1044 = tpu.memref_squeeze %scatter3A_1043 : memref<1x400x64xf32, #tpu.memory_space<vmem>> -> memref<400x64xf32, #tpu.memory_space<vmem>>
        %scatter3A_1045 = arith.constant 0 : i32
        %scatter3A_1046 = tpu.memref_slice %scatter3A_1044[%mul3A_461, %scatter3A_1045] : memref<400x64xf32, #tpu.memory_space<vmem>> -> memref<16x64xf32, #tpu.memory_space<vmem>>
        tpu.vector_store_idx %scatter3A_1046[%iota3A, %add3A_1039], %gather3A_1040 {add = true} : memref<16x64xf32, #tpu.memory_space<vmem>>[vector<16xi32>, vector<16xi32>], vector<16xf32>,
        %add3A_1047 = arith.constant 48 : i32
        %add3A_1048 = vector.broadcast %add3A_1047 : i32 to vector<16xi32>
        %add3A_1049 = arith.addi %and3A_1016, %add3A_1048 : vector<16xi32>
        %gather3A_1050 = tpu.vector_load_idx %arg10[%get3A_459, %add3A_1049] : memref<252x64xf32, #tpu.memory_space<vmem>>[vector<16xi32>, vector<16xi32>], vector<16xf32>,
        %scatter3A_1051 = arith.constant 0 : i32
        %scatter3A_1052 = arith.constant 0 : i32
        %scatter3A_1053 = tpu.memref_slice %arg9[%scan3A_402, %scatter3A_1051, %scatter3A_1052] : memref<2x400x64xf32, #tpu.memory_space<vmem>> -> memref<1x400x64xf32, #tpu.memory_space<vmem>>
        %scatter3A_1054 = tpu.memref_squeeze %scatter3A_1053 : memref<1x400x64xf32, #tpu.memory_space<vmem>> -> memref<400x64xf32, #tpu.memory_space<vmem>>
        %scatter3A_1055 = arith.constant 0 : i32
        %scatter3A_1056 = tpu.memref_slice %scatter3A_1054[%mul3A_461, %scatter3A_1055] : memref<400x64xf32, #tpu.memory_space<vmem>> -> memref<16x64xf32, #tpu.memory_space<vmem>>
        tpu.vector_store_idx %scatter3A_1056[%iota3A, %add3A_1049], %gather3A_1050 {add = true} : memref<16x64xf32, #tpu.memory_space<vmem>>[vector<16xi32>, vector<16xi32>], vector<16xf32>,
        %add3A_1057 = arith.constant 13 : i32
        %add3A_1058 = vector.broadcast %add3A_1057 : i32 to vector<16xi32>
        %add3A_1059 = arith.addi %iota3A, %add3A_1058 : vector<16xi32>
        %and3A_1060 = arith.constant 15 : i32
        %and3A_1061 = vector.broadcast %and3A_1060 : i32 to vector<16xi32>
        %and3A_1062 = arith.andi %add3A_1059, %and3A_1061 : vector<16xi32>
        %add3A_1063 = arith.constant 0 : i32
        %add3A_1064 = vector.broadcast %add3A_1063 : i32 to vector<16xi32>
        %add3A_1065 = arith.addi %and3A_1062, %add3A_1064 : vector<16xi32>
        %gather3A_1066 = tpu.vector_load_idx %arg10[%get3A_459, %add3A_1065] : memref<252x64xf32, #tpu.memory_space<vmem>>[vector<16xi32>, vector<16xi32>], vector<16xf32>,
        %scatter3A_1067 = arith.constant 0 : i32
        %scatter3A_1068 = arith.constant 0 : i32
        %scatter3A_1069 = tpu.memref_slice %arg9[%scan3A_402, %scatter3A_1067, %scatter3A_1068] : memref<2x400x64xf32, #tpu.memory_space<vmem>> -> memref<1x400x64xf32, #tpu.memory_space<vmem>>
        %scatter3A_1070 = tpu.memref_squeeze %scatter3A_1069 : memref<1x400x64xf32, #tpu.memory_space<vmem>> -> memref<400x64xf32, #tpu.memory_space<vmem>>
        %scatter3A_1071 = arith.constant 0 : i32
        %scatter3A_1072 = tpu.memref_slice %scatter3A_1070[%mul3A_461, %scatter3A_1071] : memref<400x64xf32, #tpu.memory_space<vmem>> -> memref<16x64xf32, #tpu.memory_space<vmem>>
        tpu.vector_store_idx %scatter3A_1072[%iota3A, %add3A_1065], %gather3A_1066 {add = true} : memref<16x64xf32, #tpu.memory_space<vmem>>[vector<16xi32>, vector<16xi32>], vector<16xf32>,
        %add3A_1073 = arith.constant 16 : i32
        %add3A_1074 = vector.broadcast %add3A_1073 : i32 to vector<16xi32>
        %add3A_1075 = arith.addi %and3A_1062, %add3A_1074 : vector<16xi32>
        %gather3A_1076 = tpu.vector_load_idx %arg10[%get3A_459, %add3A_1075] : memref<252x64xf32, #tpu.memory_space<vmem>>[vector<16xi32>, vector<16xi32>], vector<16xf32>,
        %scatter3A_1077 = arith.constant 0 : i32
        %scatter3A_1078 = arith.constant 0 : i32
        %scatter3A_1079 = tpu.memref_slice %arg9[%scan3A_402, %scatter3A_1077, %scatter3A_1078] : memref<2x400x64xf32, #tpu.memory_space<vmem>> -> memref<1x400x64xf32, #tpu.memory_space<vmem>>
        %scatter3A_1080 = tpu.memref_squeeze %scatter3A_1079 : memref<1x400x64xf32, #tpu.memory_space<vmem>> -> memref<400x64xf32, #tpu.memory_space<vmem>>
        %scatter3A_1081 = arith.constant 0 : i32
        %scatter3A_1082 = tpu.memref_slice %scatter3A_1080[%mul3A_461, %scatter3A_1081] : memref<400x64xf32, #tpu.memory_space<vmem>> -> memref<16x64xf32, #tpu.memory_space<vmem>>
        tpu.vector_store_idx %scatter3A_1082[%iota3A, %add3A_1075], %gather3A_1076 {add = true} : memref<16x64xf32, #tpu.memory_space<vmem>>[vector<16xi32>, vector<16xi32>], vector<16xf32>,
        %add3A_1083 = arith.constant 32 : i32
        %add3A_1084 = vector.broadcast %add3A_1083 : i32 to vector<16xi32>
        %add3A_1085 = arith.addi %and3A_1062, %add3A_1084 : vector<16xi32>
        %gather3A_1086 = tpu.vector_load_idx %arg10[%get3A_459, %add3A_1085] : memref<252x64xf32, #tpu.memory_space<vmem>>[vector<16xi32>, vector<16xi32>], vector<16xf32>,
        %scatter3A_1087 = arith.constant 0 : i32
        %scatter3A_1088 = arith.constant 0 : i32
        %scatter3A_1089 = tpu.memref_slice %arg9[%scan3A_402, %scatter3A_1087, %scatter3A_1088] : memref<2x400x64xf32, #tpu.memory_space<vmem>> -> memref<1x400x64xf32, #tpu.memory_space<vmem>>
        %scatter3A_1090 = tpu.memref_squeeze %scatter3A_1089 : memref<1x400x64xf32, #tpu.memory_space<vmem>> -> memref<400x64xf32, #tpu.memory_space<vmem>>
        %scatter3A_1091 = arith.constant 0 : i32
        %scatter3A_1092 = tpu.memref_slice %scatter3A_1090[%mul3A_461, %scatter3A_1091] : memref<400x64xf32, #tpu.memory_space<vmem>> -> memref<16x64xf32, #tpu.memory_space<vmem>>
        tpu.vector_store_idx %scatter3A_1092[%iota3A, %add3A_1085], %gather3A_1086 {add = true} : memref<16x64xf32, #tpu.memory_space<vmem>>[vector<16xi32>, vector<16xi32>], vector<16xf32>,
        %add3A_1093 = arith.constant 48 : i32
        %add3A_1094 = vector.broadcast %add3A_1093 : i32 to vector<16xi32>
        %add3A_1095 = arith.addi %and3A_1062, %add3A_1094 : vector<16xi32>
        %gather3A_1096 = tpu.vector_load_idx %arg10[%get3A_459, %add3A_1095] : memref<252x64xf32, #tpu.memory_space<vmem>>[vector<16xi32>, vector<16xi32>], vector<16xf32>,
        %scatter3A_1097 = arith.constant 0 : i32
        %scatter3A_1098 = arith.constant 0 : i32
        %scatter3A_1099 = tpu.memref_slice %arg9[%scan3A_402, %scatter3A_1097, %scatter3A_1098] : memref<2x400x64xf32, #tpu.memory_space<vmem>> -> memref<1x400x64xf32, #tpu.memory_space<vmem>>
        %scatter3A_1100 = tpu.memref_squeeze %scatter3A_1099 : memref<1x400x64xf32, #tpu.memory_space<vmem>> -> memref<400x64xf32, #tpu.memory_space<vmem>>
        %scatter3A_1101 = arith.constant 0 : i32
        %scatter3A_1102 = tpu.memref_slice %scatter3A_1100[%mul3A_461, %scatter3A_1101] : memref<400x64xf32, #tpu.memory_space<vmem>> -> memref<16x64xf32, #tpu.memory_space<vmem>>
        tpu.vector_store_idx %scatter3A_1102[%iota3A, %add3A_1095], %gather3A_1096 {add = true} : memref<16x64xf32, #tpu.memory_space<vmem>>[vector<16xi32>, vector<16xi32>], vector<16xf32>,
        %add3A_1103 = arith.constant 14 : i32
        %add3A_1104 = vector.broadcast %add3A_1103 : i32 to vector<16xi32>
        %add3A_1105 = arith.addi %iota3A, %add3A_1104 : vector<16xi32>
        %and3A_1106 = arith.constant 15 : i32
        %and3A_1107 = vector.broadcast %and3A_1106 : i32 to vector<16xi32>
        %and3A_1108 = arith.andi %add3A_1105, %and3A_1107 : vector<16xi32>
        %add3A_1109 = arith.constant 0 : i32
        %add3A_1110 = vector.broadcast %add3A_1109 : i32 to vector<16xi32>
        %add3A_1111 = arith.addi %and3A_1108, %add3A_1110 : vector<16xi32>
        %gather3A_1112 = tpu.vector_load_idx %arg10[%get3A_459, %add3A_1111] : memref<252x64xf32, #tpu.memory_space<vmem>>[vector<16xi32>, vector<16xi32>], vector<16xf32>,
        %scatter3A_1113 = arith.constant 0 : i32
        %scatter3A_1114 = arith.constant 0 : i32
        %scatter3A_1115 = tpu.memref_slice %arg9[%scan3A_402, %scatter3A_1113, %scatter3A_1114] : memref<2x400x64xf32, #tpu.memory_space<vmem>> -> memref<1x400x64xf32, #tpu.memory_space<vmem>>
        %scatter3A_1116 = tpu.memref_squeeze %scatter3A_1115 : memref<1x400x64xf32, #tpu.memory_space<vmem>> -> memref<400x64xf32, #tpu.memory_space<vmem>>
        %scatter3A_1117 = arith.constant 0 : i32
        %scatter3A_1118 = tpu.memref_slice %scatter3A_1116[%mul3A_461, %scatter3A_1117] : memref<400x64xf32, #tpu.memory_space<vmem>> -> memref<16x64xf32, #tpu.memory_space<vmem>>
        tpu.vector_store_idx %scatter3A_1118[%iota3A, %add3A_1111], %gather3A_1112 {add = true} : memref<16x64xf32, #tpu.memory_space<vmem>>[vector<16xi32>, vector<16xi32>], vector<16xf32>,
        %add3A_1119 = arith.constant 16 : i32
        %add3A_1120 = vector.broadcast %add3A_1119 : i32 to vector<16xi32>
        %add3A_1121 = arith.addi %and3A_1108, %add3A_1120 : vector<16xi32>
        %gather3A_1122 = tpu.vector_load_idx %arg10[%get3A_459, %add3A_1121] : memref<252x64xf32, #tpu.memory_space<vmem>>[vector<16xi32>, vector<16xi32>], vector<16xf32>,
        %scatter3A_1123 = arith.constant 0 : i32
        %scatter3A_1124 = arith.constant 0 : i32
        %scatter3A_1125 = tpu.memref_slice %arg9[%scan3A_402, %scatter3A_1123, %scatter3A_1124] : memref<2x400x64xf32, #tpu.memory_space<vmem>> -> memref<1x400x64xf32, #tpu.memory_space<vmem>>
        %scatter3A_1126 = tpu.memref_squeeze %scatter3A_1125 : memref<1x400x64xf32, #tpu.memory_space<vmem>> -> memref<400x64xf32, #tpu.memory_space<vmem>>
        %scatter3A_1127 = arith.constant 0 : i32
        %scatter3A_1128 = tpu.memref_slice %scatter3A_1126[%mul3A_461, %scatter3A_1127] : memref<400x64xf32, #tpu.memory_space<vmem>> -> memref<16x64xf32, #tpu.memory_space<vmem>>
        tpu.vector_store_idx %scatter3A_1128[%iota3A, %add3A_1121], %gather3A_1122 {add = true} : memref<16x64xf32, #tpu.memory_space<vmem>>[vector<16xi32>, vector<16xi32>], vector<16xf32>,
        %add3A_1129 = arith.constant 32 : i32
        %add3A_1130 = vector.broadcast %add3A_1129 : i32 to vector<16xi32>
        %add3A_1131 = arith.addi %and3A_1108, %add3A_1130 : vector<16xi32>
        %gather3A_1132 = tpu.vector_load_idx %arg10[%get3A_459, %add3A_1131] : memref<252x64xf32, #tpu.memory_space<vmem>>[vector<16xi32>, vector<16xi32>], vector<16xf32>,
        %scatter3A_1133 = arith.constant 0 : i32
        %scatter3A_1134 = arith.constant 0 : i32
        %scatter3A_1135 = tpu.memref_slice %arg9[%scan3A_402, %scatter3A_1133, %scatter3A_1134] : memref<2x400x64xf32, #tpu.memory_space<vmem>> -> memref<1x400x64xf32, #tpu.memory_space<vmem>>
        %scatter3A_1136 = tpu.memref_squeeze %scatter3A_1135 : memref<1x400x64xf32, #tpu.memory_space<vmem>> -> memref<400x64xf32, #tpu.memory_space<vmem>>
        %scatter3A_1137 = arith.constant 0 : i32
        %scatter3A_1138 = tpu.memref_slice %scatter3A_1136[%mul3A_461, %scatter3A_1137] : memref<400x64xf32, #tpu.memory_space<vmem>> -> memref<16x64xf32, #tpu.memory_space<vmem>>
        tpu.vector_store_idx %scatter3A_1138[%iota3A, %add3A_1131], %gather3A_1132 {add = true} : memref<16x64xf32, #tpu.memory_space<vmem>>[vector<16xi32>, vector<16xi32>], vector<16xf32>,
        %add3A_1139 = arith.constant 48 : i32
        %add3A_1140 = vector.broadcast %add3A_1139 : i32 to vector<16xi32>
        %add3A_1141 = arith.addi %and3A_1108, %add3A_1140 : vector<16xi32>
        %gather3A_1142 = tpu.vector_load_idx %arg10[%get3A_459, %add3A_1141] : memref<252x64xf32, #tpu.memory_space<vmem>>[vector<16xi32>, vector<16xi32>], vector<16xf32>,
        %scatter3A_1143 = arith.constant 0 : i32
        %scatter3A_1144 = arith.constant 0 : i32
        %scatter3A_1145 = tpu.memref_slice %arg9[%scan3A_402, %scatter3A_1143, %scatter3A_1144] : memref<2x400x64xf32, #tpu.memory_space<vmem>> -> memref<1x400x64xf32, #tpu.memory_space<vmem>>
        %scatter3A_1146 = tpu.memref_squeeze %scatter3A_1145 : memref<1x400x64xf32, #tpu.memory_space<vmem>> -> memref<400x64xf32, #tpu.memory_space<vmem>>
        %scatter3A_1147 = arith.constant 0 : i32
        %scatter3A_1148 = tpu.memref_slice %scatter3A_1146[%mul3A_461, %scatter3A_1147] : memref<400x64xf32, #tpu.memory_space<vmem>> -> memref<16x64xf32, #tpu.memory_space<vmem>>
        tpu.vector_store_idx %scatter3A_1148[%iota3A, %add3A_1141], %gather3A_1142 {add = true} : memref<16x64xf32, #tpu.memory_space<vmem>>[vector<16xi32>, vector<16xi32>], vector<16xf32>,
        %add3A_1149 = arith.constant 15 : i32
        %add3A_1150 = vector.broadcast %add3A_1149 : i32 to vector<16xi32>
        %add3A_1151 = arith.addi %iota3A, %add3A_1150 : vector<16xi32>
        %and3A_1152 = arith.constant 15 : i32
        %and3A_1153 = vector.broadcast %and3A_1152 : i32 to vector<16xi32>
        %and3A_1154 = arith.andi %add3A_1151, %and3A_1153 : vector<16xi32>
        %add3A_1155 = arith.constant 0 : i32
        %add3A_1156 = vector.broadcast %add3A_1155 : i32 to vector<16xi32>
        %add3A_1157 = arith.addi %and3A_1154, %add3A_1156 : vector<16xi32>
        %gather3A_1158 = tpu.vector_load_idx %arg10[%get3A_459, %add3A_1157] : memref<252x64xf32, #tpu.memory_space<vmem>>[vector<16xi32>, vector<16xi32>], vector<16xf32>,
        %scatter3A_1159 = arith.constant 0 : i32
        %scatter3A_1160 = arith.constant 0 : i32
        %scatter3A_1161 = tpu.memref_slice %arg9[%scan3A_402, %scatter3A_1159, %scatter3A_1160] : memref<2x400x64xf32, #tpu.memory_space<vmem>> -> memref<1x400x64xf32, #tpu.memory_space<vmem>>
        %scatter3A_1162 = tpu.memref_squeeze %scatter3A_1161 : memref<1x400x64xf32, #tpu.memory_space<vmem>> -> memref<400x64xf32, #tpu.memory_space<vmem>>
        %scatter3A_1163 = arith.constant 0 : i32
        %scatter3A_1164 = tpu.memref_slice %scatter3A_1162[%mul3A_461, %scatter3A_1163] : memref<400x64xf32, #tpu.memory_space<vmem>> -> memref<16x64xf32, #tpu.memory_space<vmem>>
        tpu.vector_store_idx %scatter3A_1164[%iota3A, %add3A_1157], %gather3A_1158 {add = true} : memref<16x64xf32, #tpu.memory_space<vmem>>[vector<16xi32>, vector<16xi32>], vector<16xf32>,
        %add3A_1165 = arith.constant 16 : i32
        %add3A_1166 = vector.broadcast %add3A_1165 : i32 to vector<16xi32>
        %add3A_1167 = arith.addi %and3A_1154, %add3A_1166 : vector<16xi32>
        %gather3A_1168 = tpu.vector_load_idx %arg10[%get3A_459, %add3A_1167] : memref<252x64xf32, #tpu.memory_space<vmem>>[vector<16xi32>, vector<16xi32>], vector<16xf32>,
        %scatter3A_1169 = arith.constant 0 : i32
        %scatter3A_1170 = arith.constant 0 : i32
        %scatter3A_1171 = tpu.memref_slice %arg9[%scan3A_402, %scatter3A_1169, %scatter3A_1170] : memref<2x400x64xf32, #tpu.memory_space<vmem>> -> memref<1x400x64xf32, #tpu.memory_space<vmem>>
        %scatter3A_1172 = tpu.memref_squeeze %scatter3A_1171 : memref<1x400x64xf32, #tpu.memory_space<vmem>> -> memref<400x64xf32, #tpu.memory_space<vmem>>
        %scatter3A_1173 = arith.constant 0 : i32
        %scatter3A_1174 = tpu.memref_slice %scatter3A_1172[%mul3A_461, %scatter3A_1173] : memref<400x64xf32, #tpu.memory_space<vmem>> -> memref<16x64xf32, #tpu.memory_space<vmem>>
        tpu.vector_store_idx %scatter3A_1174[%iota3A, %add3A_1167], %gather3A_1168 {add = true} : memref<16x64xf32, #tpu.memory_space<vmem>>[vector<16xi32>, vector<16xi32>], vector<16xf32>,
        %add3A_1175 = arith.constant 32 : i32
        %add3A_1176 = vector.broadcast %add3A_1175 : i32 to vector<16xi32>
        %add3A_1177 = arith.addi %and3A_1154, %add3A_1176 : vector<16xi32>
        %gather3A_1178 = tpu.vector_load_idx %arg10[%get3A_459, %add3A_1177] : memref<252x64xf32, #tpu.memory_space<vmem>>[vector<16xi32>, vector<16xi32>], vector<16xf32>,
        %scatter3A_1179 = arith.constant 0 : i32
        %scatter3A_1180 = arith.constant 0 : i32
        %scatter3A_1181 = tpu.memref_slice %arg9[%scan3A_402, %scatter3A_1179, %scatter3A_1180] : memref<2x400x64xf32, #tpu.memory_space<vmem>> -> memref<1x400x64xf32, #tpu.memory_space<vmem>>
        %scatter3A_1182 = tpu.memref_squeeze %scatter3A_1181 : memref<1x400x64xf32, #tpu.memory_space<vmem>> -> memref<400x64xf32, #tpu.memory_space<vmem>>
        %scatter3A_1183 = arith.constant 0 : i32
        %scatter3A_1184 = tpu.memref_slice %scatter3A_1182[%mul3A_461, %scatter3A_1183] : memref<400x64xf32, #tpu.memory_space<vmem>> -> memref<16x64xf32, #tpu.memory_space<vmem>>
        tpu.vector_store_idx %scatter3A_1184[%iota3A, %add3A_1177], %gather3A_1178 {add = true} : memref<16x64xf32, #tpu.memory_space<vmem>>[vector<16xi32>, vector<16xi32>], vector<16xf32>,
        %add3A_1185 = arith.constant 48 : i32
        %add3A_1186 = vector.broadcast %add3A_1185 : i32 to vector<16xi32>
        %add3A_1187 = arith.addi %and3A_1154, %add3A_1186 : vector<16xi32>
        %gather3A_1188 = tpu.vector_load_idx %arg10[%get3A_459, %add3A_1187] : memref<252x64xf32, #tpu.memory_space<vmem>>[vector<16xi32>, vector<16xi32>], vector<16xf32>,
        %scatter3A_1189 = arith.constant 0 : i32
        %scatter3A_1190 = arith.constant 0 : i32
        %scatter3A_1191 = tpu.memref_slice %arg9[%scan3A_402, %scatter3A_1189, %scatter3A_1190] : memref<2x400x64xf32, #tpu.memory_space<vmem>> -> memref<1x400x64xf32, #tpu.memory_space<vmem>>
        %scatter3A_1192 = tpu.memref_squeeze %scatter3A_1191 : memref<1x400x64xf32, #tpu.memory_space<vmem>> -> memref<400x64xf32, #tpu.memory_space<vmem>>
        %scatter3A_1193 = arith.constant 0 : i32
        %scatter3A_1194 = tpu.memref_slice %scatter3A_1192[%mul3A_461, %scatter3A_1193] : memref<400x64xf32, #tpu.memory_space<vmem>> -> memref<16x64xf32, #tpu.memory_space<vmem>>
        tpu.vector_store_idx %scatter3A_1194[%iota3A, %add3A_1187], %gather3A_1188 {add = true} : memref<16x64xf32, #tpu.memory_space<vmem>>[vector<16xi32>, vector<16xi32>], vector<16xf32>,
      }
      %scan3A_407 = arith.constant 25 : i32
      %lt3A_408 = arith.constant 31 : i32
      %lt3A_409 = arith.cmpi slt, %scan3A_199, %lt3A_408 : i32
      %convert_element_type3A_410 = arith.extui %lt3A_409 : i1 to i32
      %cond3A_411 = arith.constant 0 : i32
      %cond3A_412 = arith.cmpi ne, %convert_element_type3A_410, %cond3A_411 : i32
      scf.if %cond3A_412 {
        %add3A_454 = arith.constant 2 : i32
        %add3A_455 = arith.addi %add3A_380, %add3A_454 : i32
        %mul3A_456 = arith.constant 2 : i32
        %mul3A_457 = arith.muli %add3A_455, %mul3A_456 : i32
        %add3A_458 = arith.addi %mul3A_2, %mul3A_457 : i32
        %add3A_459 = arith.constant 0 : i32
        %add3A_460 = arith.addi %add3A_458, %add3A_459 : i32
        %dma_start3A_461 = arith.constant 1 : i32
        %dma_start3A_462 = arith.constant 0 : i32
        %dma_start3A_463 = tpu.memref_slice %arg7[%dma_start3A_461, %dma_start3A_462] : memref<2x400xi32, #tpu.memory_space<vmem>> -> memref<1x200xi32, #tpu.memory_space<vmem>>
        %dma_start3A_464 = tpu.memref_squeeze %dma_start3A_463 : memref<1x200xi32, #tpu.memory_space<vmem>> -> memref<200xi32, #tpu.memory_space<vmem>>
        %dma_start3A_465 = arith.constant 0 : i32
        %dma_start3A_466 = tpu.memref_slice %arg2[%add3A_460, %dma_start3A_465] : memref<4096x200xi32, #tpu.memory_space<hbm>> -> memref<1x200xi32, #tpu.memory_space<hbm>>
        %dma_start3A_467 = tpu.memref_squeeze %dma_start3A_466 : memref<1x200xi32, #tpu.memory_space<hbm>> -> memref<200xi32, #tpu.memory_space<hbm>>
        %dma_start3A_468 = arith.constant 0 : i32
        %dma_start3A_469 = tpu.memref_slice %arg7[%dma_start3A_461, %dma_start3A_468] : memref<2x400xi32, #tpu.memory_space<vmem>> -> memref<1x200xi32, #tpu.memory_space<vmem>>
        %dma_start3A_470 = tpu.memref_squeeze %dma_start3A_469 : memref<1x200xi32, #tpu.memory_space<vmem>> -> memref<200xi32, #tpu.memory_space<vmem>>
        %dma_start3A_471 = arith.constant 0 : i32
        %dma_start3A_472 = tpu.memref_slice %arg2[%add3A_460, %dma_start3A_471] : memref<4096x200xi32, #tpu.memory_space<hbm>> -> memref<1x200xi32, #tpu.memory_space<hbm>>
        %dma_start3A_473 = tpu.memref_squeeze %dma_start3A_472 : memref<1x200xi32, #tpu.memory_space<hbm>> -> memref<200xi32, #tpu.memory_space<hbm>>
        tpu.enqueue_dma source(%dma_start3A_473 : memref<200xi32, #tpu.memory_space<hbm>>) target(%dma_start3A_470 : memref<200xi32, #tpu.memory_space<vmem>>) target_semaphore(%arg16 : memref<!tpu.dma_semaphore, #tpu.memory_space<semaphore_mem>>)
        %add3A_474 = arith.constant 0 : i32
        %add3A_475 = arith.addi %add3A_458, %add3A_474 : i32
        %dma_start3A_476 = arith.constant 1 : i32
        %dma_start3A_477 = arith.constant 0 : i32
        %dma_start3A_478 = tpu.memref_slice %arg8[%dma_start3A_476, %dma_start3A_477] : memref<2x400xi32, #tpu.memory_space<vmem>> -> memref<1x200xi32, #tpu.memory_space<vmem>>
        %dma_start3A_479 = tpu.memref_squeeze %dma_start3A_478 : memref<1x200xi32, #tpu.memory_space<vmem>> -> memref<200xi32, #tpu.memory_space<vmem>>
        %dma_start3A_480 = arith.constant 0 : i32
        %dma_start3A_481 = tpu.memref_slice %arg3[%add3A_475, %dma_start3A_480] : memref<4096x200xi32, #tpu.memory_space<hbm>> -> memref<1x200xi32, #tpu.memory_space<hbm>>
        %dma_start3A_482 = tpu.memref_squeeze %dma_start3A_481 : memref<1x200xi32, #tpu.memory_space<hbm>> -> memref<200xi32, #tpu.memory_space<hbm>>
        %dma_start3A_483 = arith.constant 0 : i32
        %dma_start3A_484 = tpu.memref_slice %arg8[%dma_start3A_476, %dma_start3A_483] : memref<2x400xi32, #tpu.memory_space<vmem>> -> memref<1x200xi32, #tpu.memory_space<vmem>>
        %dma_start3A_485 = tpu.memref_squeeze %dma_start3A_484 : memref<1x200xi32, #tpu.memory_space<vmem>> -> memref<200xi32, #tpu.memory_space<vmem>>
        %dma_start3A_486 = arith.constant 0 : i32
        %dma_start3A_487 = tpu.memref_slice %arg3[%add3A_475, %dma_start3A_486] : memref<4096x200xi32, #tpu.memory_space<hbm>> -> memref<1x200xi32, #tpu.memory_space<hbm>>
        %dma_start3A_488 = tpu.memref_squeeze %dma_start3A_487 : memref<1x200xi32, #tpu.memory_space<hbm>> -> memref<200xi32, #tpu.memory_space<hbm>>
        tpu.enqueue_dma source(%dma_start3A_488 : memref<200xi32, #tpu.memory_space<hbm>>) target(%dma_start3A_485 : memref<200xi32, #tpu.memory_space<vmem>>) target_semaphore(%arg16 : memref<!tpu.dma_semaphore, #tpu.memory_space<semaphore_mem>>)
        %add3A_489 = arith.constant 1 : i32
        %add3A_490 = arith.addi %add3A_458, %add3A_489 : i32
        %dma_start3A_491 = arith.constant 1 : i32
        %dma_start3A_492 = arith.constant 200 : i32
        %dma_start3A_493 = tpu.memref_slice %arg7[%dma_start3A_491, %dma_start3A_492] : memref<2x400xi32, #tpu.memory_space<vmem>> -> memref<1x200xi32, #tpu.memory_space<vmem>>
        %dma_start3A_494 = tpu.memref_squeeze %dma_start3A_493 : memref<1x200xi32, #tpu.memory_space<vmem>> -> memref<200xi32, #tpu.memory_space<vmem>>
        %dma_start3A_495 = arith.constant 0 : i32
        %dma_start3A_496 = tpu.memref_slice %arg2[%add3A_490, %dma_start3A_495] : memref<4096x200xi32, #tpu.memory_space<hbm>> -> memref<1x200xi32, #tpu.memory_space<hbm>>
        %dma_start3A_497 = tpu.memref_squeeze %dma_start3A_496 : memref<1x200xi32, #tpu.memory_space<hbm>> -> memref<200xi32, #tpu.memory_space<hbm>>
        %dma_start3A_498 = arith.constant 200 : i32
        %dma_start3A_499 = tpu.memref_slice %arg7[%dma_start3A_491, %dma_start3A_498] : memref<2x400xi32, #tpu.memory_space<vmem>> -> memref<1x200xi32, #tpu.memory_space<vmem>>
        %dma_start3A_500 = tpu.memref_squeeze %dma_start3A_499 : memref<1x200xi32, #tpu.memory_space<vmem>> -> memref<200xi32, #tpu.memory_space<vmem>>
        %dma_start3A_501 = arith.constant 0 : i32
        %dma_start3A_502 = tpu.memref_slice %arg2[%add3A_490, %dma_start3A_501] : memref<4096x200xi32, #tpu.memory_space<hbm>> -> memref<1x200xi32, #tpu.memory_space<hbm>>
        %dma_start3A_503 = tpu.memref_squeeze %dma_start3A_502 : memref<1x200xi32, #tpu.memory_space<hbm>> -> memref<200xi32, #tpu.memory_space<hbm>>
        tpu.enqueue_dma source(%dma_start3A_503 : memref<200xi32, #tpu.memory_space<hbm>>) target(%dma_start3A_500 : memref<200xi32, #tpu.memory_space<vmem>>) target_semaphore(%arg16 : memref<!tpu.dma_semaphore, #tpu.memory_space<semaphore_mem>>)
        %add3A_504 = arith.constant 1 : i32
        %add3A_505 = arith.addi %add3A_458, %add3A_504 : i32
        %dma_start3A_506 = arith.constant 1 : i32
        %dma_start3A_507 = arith.constant 200 : i32
        %dma_start3A_508 = tpu.memref_slice %arg8[%dma_start3A_506, %dma_start3A_507] : memref<2x400xi32, #tpu.memory_space<vmem>> -> memref<1x200xi32, #tpu.memory_space<vmem>>
        %dma_start3A_509 = tpu.memref_squeeze %dma_start3A_508 : memref<1x200xi32, #tpu.memory_space<vmem>> -> memref<200xi32, #tpu.memory_space<vmem>>
        %dma_start3A_510 = arith.constant 0 : i32
        %dma_start3A_511 = tpu.memref_slice %arg3[%add3A_505, %dma_start3A_510] : memref<4096x200xi32, #tpu.memory_space<hbm>> -> memref<1x200xi32, #tpu.memory_space<hbm>>
        %dma_start3A_512 = tpu.memref_squeeze %dma_start3A_511 : memref<1x200xi32, #tpu.memory_space<hbm>> -> memref<200xi32, #tpu.memory_space<hbm>>
        %dma_start3A_513 = arith.constant 200 : i32
        %dma_start3A_514 = tpu.memref_slice %arg8[%dma_start3A_506, %dma_start3A_513] : memref<2x400xi32, #tpu.memory_space<vmem>> -> memref<1x200xi32, #tpu.memory_space<vmem>>
        %dma_start3A_515 = tpu.memref_squeeze %dma_start3A_514 : memref<1x200xi32, #tpu.memory_space<vmem>> -> memref<200xi32, #tpu.memory_space<vmem>>
        %dma_start3A_516 = arith.constant 0 : i32
        %dma_start3A_517 = tpu.memref_slice %arg3[%add3A_505, %dma_start3A_516] : memref<4096x200xi32, #tpu.memory_space<hbm>> -> memref<1x200xi32, #tpu.memory_space<hbm>>
        %dma_start3A_518 = tpu.memref_squeeze %dma_start3A_517 : memref<1x200xi32, #tpu.memory_space<hbm>> -> memref<200xi32, #tpu.memory_space<hbm>>
        tpu.enqueue_dma source(%dma_start3A_518 : memref<200xi32, #tpu.memory_space<hbm>>) target(%dma_start3A_515 : memref<200xi32, #tpu.memory_space<vmem>>) target_semaphore(%arg16 : memref<!tpu.dma_semaphore, #tpu.memory_space<semaphore_mem>>)
      } else {
      }
      %mul3A_413 = arith.constant 2 : i32
      %mul3A_414 = arith.muli %add3A_380, %mul3A_413 : i32
      %add3A_415 = arith.addi %mul3A_2, %mul3A_414 : i32
      %add3A_416 = arith.constant 0 : i32
      %add3A_417 = arith.addi %add3A_415, %add3A_416 : i32
      %dma_start3A_418 = arith.constant 1 : i32
      %dma_start3A_419 = arith.constant 0 : i32
      %dma_start3A_420 = arith.constant 0 : i32
      %dma_start3A_421 = tpu.memref_slice %arg9[%dma_start3A_418, %dma_start3A_419, %dma_start3A_420] : memref<2x400x64xf32, #tpu.memory_space<vmem>> -> memref<1x200x64xf32, #tpu.memory_space<vmem>>
      %dma_start3A_422 = tpu.memref_squeeze %dma_start3A_421 : memref<1x200x64xf32, #tpu.memory_space<vmem>> -> memref<200x64xf32, #tpu.memory_space<vmem>>
      %dma_start3A_423 = arith.constant 0 : i32
      %dma_start3A_424 = arith.constant 0 : i32
      %dma_start3A_425 = tpu.memref_slice %arg6[%add3A_417, %dma_start3A_423, %dma_start3A_424] : memref<4096x200x64xf32, #tpu.memory_space<hbm>> -> memref<1x200x64xf32, #tpu.memory_space<hbm>>
      %dma_start3A_426 = tpu.memref_squeeze %dma_start3A_425 : memref<1x200x64xf32, #tpu.memory_space<hbm>> -> memref<200x64xf32, #tpu.memory_space<hbm>>
      %dma_start3A_427 = arith.constant 0 : i32
      %dma_start3A_428 = arith.constant 0 : i32
      %dma_start3A_429 = tpu.memref_slice %arg6[%add3A_417, %dma_start3A_427, %dma_start3A_428] : memref<4096x200x64xf32, #tpu.memory_space<hbm>> -> memref<1x200x64xf32, #tpu.memory_space<hbm>>
      %dma_start3A_430 = tpu.memref_squeeze %dma_start3A_429 : memref<1x200x64xf32, #tpu.memory_space<hbm>> -> memref<200x64xf32, #tpu.memory_space<hbm>>
      %dma_start3A_431 = arith.constant 0 : i32
      %dma_start3A_432 = arith.constant 0 : i32
      %dma_start3A_433 = tpu.memref_slice %arg9[%dma_start3A_418, %dma_start3A_431, %dma_start3A_432] : memref<2x400x64xf32, #tpu.memory_space<vmem>> -> memref<1x200x64xf32, #tpu.memory_space<vmem>>
      %dma_start3A_434 = tpu.memref_squeeze %dma_start3A_433 : memref<1x200x64xf32, #tpu.memory_space<vmem>> -> memref<200x64xf32, #tpu.memory_space<vmem>>
      tpu.enqueue_dma source(%dma_start3A_434 : memref<200x64xf32, #tpu.memory_space<vmem>>) target(%dma_start3A_430 : memref<200x64xf32, #tpu.memory_space<hbm>>) target_semaphore(%arg14 : memref<!tpu.dma_semaphore, #tpu.memory_space<semaphore_mem>>)
      %add3A_435 = arith.constant 1 : i32
      %add3A_436 = arith.addi %add3A_415, %add3A_435 : i32
      %dma_start3A_437 = arith.constant 1 : i32
      %dma_start3A_438 = arith.constant 200 : i32
      %dma_start3A_439 = arith.constant 0 : i32
      %dma_start3A_440 = tpu.memref_slice %arg9[%dma_start3A_437, %dma_start3A_438, %dma_start3A_439] : memref<2x400x64xf32, #tpu.memory_space<vmem>> -> memref<1x200x64xf32, #tpu.memory_space<vmem>>
      %dma_start3A_441 = tpu.memref_squeeze %dma_start3A_440 : memref<1x200x64xf32, #tpu.memory_space<vmem>> -> memref<200x64xf32, #tpu.memory_space<vmem>>
      %dma_start3A_442 = arith.constant 0 : i32
      %dma_start3A_443 = arith.constant 0 : i32
      %dma_start3A_444 = tpu.memref_slice %arg6[%add3A_436, %dma_start3A_442, %dma_start3A_443] : memref<4096x200x64xf32, #tpu.memory_space<hbm>> -> memref<1x200x64xf32, #tpu.memory_space<hbm>>
      %dma_start3A_445 = tpu.memref_squeeze %dma_start3A_444 : memref<1x200x64xf32, #tpu.memory_space<hbm>> -> memref<200x64xf32, #tpu.memory_space<hbm>>
      %dma_start3A_446 = arith.constant 0 : i32
      %dma_start3A_447 = arith.constant 0 : i32
      %dma_start3A_448 = tpu.memref_slice %arg6[%add3A_436, %dma_start3A_446, %dma_start3A_447] : memref<4096x200x64xf32, #tpu.memory_space<hbm>> -> memref<1x200x64xf32, #tpu.memory_space<hbm>>
      %dma_start3A_449 = tpu.memref_squeeze %dma_start3A_448 : memref<1x200x64xf32, #tpu.memory_space<hbm>> -> memref<200x64xf32, #tpu.memory_space<hbm>>
      %dma_start3A_450 = arith.constant 200 : i32
      %dma_start3A_451 = arith.constant 0 : i32
      %dma_start3A_452 = tpu.memref_slice %arg9[%dma_start3A_437, %dma_start3A_450, %dma_start3A_451] : memref<2x400x64xf32, #tpu.memory_space<vmem>> -> memref<1x200x64xf32, #tpu.memory_space<vmem>>
      %dma_start3A_453 = tpu.memref_squeeze %dma_start3A_452 : memref<1x200x64xf32, #tpu.memory_space<vmem>> -> memref<200x64xf32, #tpu.memory_space<vmem>>
      tpu.enqueue_dma source(%dma_start3A_453 : memref<200x64xf32, #tpu.memory_space<vmem>>) target(%dma_start3A_449 : memref<200x64xf32, #tpu.memory_space<hbm>>) target_semaphore(%arg14 : memref<!tpu.dma_semaphore, #tpu.memory_space<semaphore_mem>>)
    }
    %scan3A_127 = arith.constant 32 : i32
    %dma_wait3A = arith.constant 0 : i32
    %dma_wait3A_128 = arith.constant 0 : i32
    %dma_wait3A_129 = arith.constant 0 : i32
    %dma_wait3A_130 = arith.constant 0 : i32
    %dma_wait3A_131 = tpu.memref_slice %arg9[%dma_wait3A, %dma_wait3A_129, %dma_wait3A_130] : memref<2x400x64xf32, #tpu.memory_space<vmem>> -> memref<1x200x64xf32, #tpu.memory_space<vmem>>
    %dma_wait3A_132 = tpu.memref_squeeze %dma_wait3A_131 : memref<1x200x64xf32, #tpu.memory_space<vmem>> -> memref<200x64xf32, #tpu.memory_space<vmem>>
    %dma_wait3A_133 = arith.constant 0 : i32
    %dma_wait3A_134 = arith.constant 0 : i32
    %dma_wait3A_135 = tpu.memref_slice %arg6[%dma_wait3A_128, %dma_wait3A_133, %dma_wait3A_134] : memref<4096x200x64xf32, #tpu.memory_space<hbm>> -> memref<1x200x64xf32, #tpu.memory_space<hbm>>
    %dma_wait3A_136 = tpu.memref_squeeze %dma_wait3A_135 : memref<1x200x64xf32, #tpu.memory_space<hbm>> -> memref<200x64xf32, #tpu.memory_space<hbm>>
    %dma_wait3A_137 = arith.constant 0 : i32
    %dma_wait3A_138 = arith.constant 0 : i32
    %dma_wait3A_139 = tpu.memref_slice %arg6[%dma_wait3A_128, %dma_wait3A_137, %dma_wait3A_138] : memref<4096x200x64xf32, #tpu.memory_space<hbm>> -> memref<1x200x64xf32, #tpu.memory_space<hbm>>
    %dma_wait3A_140 = tpu.memref_squeeze %dma_wait3A_139 : memref<1x200x64xf32, #tpu.memory_space<hbm>> -> memref<200x64xf32, #tpu.memory_space<hbm>>
    %dma_wait3A_141 = arith.constant 0 : i32
    %dma_wait3A_142 = arith.constant 0 : i32
    %dma_wait3A_143 = tpu.memref_slice %arg9[%dma_wait3A, %dma_wait3A_141, %dma_wait3A_142] : memref<2x400x64xf32, #tpu.memory_space<vmem>> -> memref<1x200x64xf32, #tpu.memory_space<vmem>>
    %dma_wait3A_144 = tpu.memref_squeeze %dma_wait3A_143 : memref<1x200x64xf32, #tpu.memory_space<vmem>> -> memref<200x64xf32, #tpu.memory_space<vmem>>
    tpu.wait_dma2 semaphore(%arg13 : memref<!tpu.dma_semaphore, #tpu.memory_space<semaphore_mem>>) src(%dma_wait3A_144 : memref<200x64xf32, #tpu.memory_space<vmem>>) dst(%dma_wait3A_140 : memref<200x64xf32, #tpu.memory_space<hbm>>)
    %dma_wait3A_145 = arith.constant 0 : i32
    %dma_wait3A_146 = arith.constant 0 : i32
    %dma_wait3A_147 = arith.constant 200 : i32
    %dma_wait3A_148 = arith.constant 0 : i32
    %dma_wait3A_149 = tpu.memref_slice %arg9[%dma_wait3A_145, %dma_wait3A_147, %dma_wait3A_148] : memref<2x400x64xf32, #tpu.memory_space<vmem>> -> memref<1x200x64xf32, #tpu.memory_space<vmem>>
    %dma_wait3A_150 = tpu.memref_squeeze %dma_wait3A_149 : memref<1x200x64xf32, #tpu.memory_space<vmem>> -> memref<200x64xf32, #tpu.memory_space<vmem>>
    %dma_wait3A_151 = arith.constant 0 : i32
    %dma_wait3A_152 = arith.constant 0 : i32
    %dma_wait3A_153 = tpu.memref_slice %arg6[%dma_wait3A_146, %dma_wait3A_151, %dma_wait3A_152] : memref<4096x200x64xf32, #tpu.memory_space<hbm>> -> memref<1x200x64xf32, #tpu.memory_space<hbm>>
    %dma_wait3A_154 = tpu.memref_squeeze %dma_wait3A_153 : memref<1x200x64xf32, #tpu.memory_space<hbm>> -> memref<200x64xf32, #tpu.memory_space<hbm>>
    %dma_wait3A_155 = arith.constant 0 : i32
    %dma_wait3A_156 = arith.constant 0 : i32
    %dma_wait3A_157 = tpu.memref_slice %arg6[%dma_wait3A_146, %dma_wait3A_155, %dma_wait3A_156] : memref<4096x200x64xf32, #tpu.memory_space<hbm>> -> memref<1x200x64xf32, #tpu.memory_space<hbm>>
    %dma_wait3A_158 = tpu.memref_squeeze %dma_wait3A_157 : memref<1x200x64xf32, #tpu.memory_space<hbm>> -> memref<200x64xf32, #tpu.memory_space<hbm>>
    %dma_wait3A_159 = arith.constant 200 : i32
    %dma_wait3A_160 = arith.constant 0 : i32
    %dma_wait3A_161 = tpu.memref_slice %arg9[%dma_wait3A_145, %dma_wait3A_159, %dma_wait3A_160] : memref<2x400x64xf32, #tpu.memory_space<vmem>> -> memref<1x200x64xf32, #tpu.memory_space<vmem>>
    %dma_wait3A_162 = tpu.memref_squeeze %dma_wait3A_161 : memref<1x200x64xf32, #tpu.memory_space<vmem>> -> memref<200x64xf32, #tpu.memory_space<vmem>>
    tpu.wait_dma2 semaphore(%arg13 : memref<!tpu.dma_semaphore, #tpu.memory_space<semaphore_mem>>) src(%dma_wait3A_162 : memref<200x64xf32, #tpu.memory_space<vmem>>) dst(%dma_wait3A_158 : memref<200x64xf32, #tpu.memory_space<hbm>>)
    %dma_wait3A_163 = arith.constant 1 : i32
    %dma_wait3A_164 = arith.constant 0 : i32
    %dma_wait3A_165 = arith.constant 0 : i32
    %dma_wait3A_166 = arith.constant 0 : i32
    %dma_wait3A_167 = tpu.memref_slice %arg9[%dma_wait3A_163, %dma_wait3A_165, %dma_wait3A_166] : memref<2x400x64xf32, #tpu.memory_space<vmem>> -> memref<1x200x64xf32, #tpu.memory_space<vmem>>
    %dma_wait3A_168 = tpu.memref_squeeze %dma_wait3A_167 : memref<1x200x64xf32, #tpu.memory_space<vmem>> -> memref<200x64xf32, #tpu.memory_space<vmem>>
    %dma_wait3A_169 = arith.constant 0 : i32
    %dma_wait3A_170 = arith.constant 0 : i32
    %dma_wait3A_171 = tpu.memref_slice %arg6[%dma_wait3A_164, %dma_wait3A_169, %dma_wait3A_170] : memref<4096x200x64xf32, #tpu.memory_space<hbm>> -> memref<1x200x64xf32, #tpu.memory_space<hbm>>
    %dma_wait3A_172 = tpu.memref_squeeze %dma_wait3A_171 : memref<1x200x64xf32, #tpu.memory_space<hbm>> -> memref<200x64xf32, #tpu.memory_space<hbm>>
    %dma_wait3A_173 = arith.constant 0 : i32
    %dma_wait3A_174 = arith.constant 0 : i32
    %dma_wait3A_175 = tpu.memref_slice %arg6[%dma_wait3A_164, %dma_wait3A_173, %dma_wait3A_174] : memref<4096x200x64xf32, #tpu.memory_space<hbm>> -> memref<1x200x64xf32, #tpu.memory_space<hbm>>
    %dma_wait3A_176 = tpu.memref_squeeze %dma_wait3A_175 : memref<1x200x64xf32, #tpu.memory_space<hbm>> -> memref<200x64xf32, #tpu.memory_space<hbm>>
    %dma_wait3A_177 = arith.constant 0 : i32
    %dma_wait3A_178 = arith.constant 0 : i32
    %dma_wait3A_179 = tpu.memref_slice %arg9[%dma_wait3A_163, %dma_wait3A_177, %dma_wait3A_178] : memref<2x400x64xf32, #tpu.memory_space<vmem>> -> memref<1x200x64xf32, #tpu.memory_space<vmem>>
    %dma_wait3A_180 = tpu.memref_squeeze %dma_wait3A_179 : memref<1x200x64xf32, #tpu.memory_space<vmem>> -> memref<200x64xf32, #tpu.memory_space<vmem>>
    tpu.wait_dma2 semaphore(%arg14 : memref<!tpu.dma_semaphore, #tpu.memory_space<semaphore_mem>>) src(%dma_wait3A_180 : memref<200x64xf32, #tpu.memory_space<vmem>>) dst(%dma_wait3A_176 : memref<200x64xf32, #tpu.memory_space<hbm>>)
    %dma_wait3A_181 = arith.constant 1 : i32
    %dma_wait3A_182 = arith.constant 0 : i32
    %dma_wait3A_183 = arith.constant 200 : i32
    %dma_wait3A_184 = arith.constant 0 : i32
    %dma_wait3A_185 = tpu.memref_slice %arg9[%dma_wait3A_181, %dma_wait3A_183, %dma_wait3A_184] : memref<2x400x64xf32, #tpu.memory_space<vmem>> -> memref<1x200x64xf32, #tpu.memory_space<vmem>>
    %dma_wait3A_186 = tpu.memref_squeeze %dma_wait3A_185 : memref<1x200x64xf32, #tpu.memory_space<vmem>> -> memref<200x64xf32, #tpu.memory_space<vmem>>
    %dma_wait3A_187 = arith.constant 0 : i32
    %dma_wait3A_188 = arith.constant 0 : i32
    %dma_wait3A_189 = tpu.memref_slice %arg6[%dma_wait3A_182, %dma_wait3A_187, %dma_wait3A_188] : memref<4096x200x64xf32, #tpu.memory_space<hbm>> -> memref<1x200x64xf32, #tpu.memory_space<hbm>>
    %dma_wait3A_190 = tpu.memref_squeeze %dma_wait3A_189 : memref<1x200x64xf32, #tpu.memory_space<hbm>> -> memref<200x64xf32, #tpu.memory_space<hbm>>
    %dma_wait3A_191 = arith.constant 0 : i32
    %dma_wait3A_192 = arith.constant 0 : i32
    %dma_wait3A_193 = tpu.memref_slice %arg6[%dma_wait3A_182, %dma_wait3A_191, %dma_wait3A_192] : memref<4096x200x64xf32, #tpu.memory_space<hbm>> -> memref<1x200x64xf32, #tpu.memory_space<hbm>>
    %dma_wait3A_194 = tpu.memref_squeeze %dma_wait3A_193 : memref<1x200x64xf32, #tpu.memory_space<hbm>> -> memref<200x64xf32, #tpu.memory_space<hbm>>
    %dma_wait3A_195 = arith.constant 200 : i32
    %dma_wait3A_196 = arith.constant 0 : i32
    %dma_wait3A_197 = tpu.memref_slice %arg9[%dma_wait3A_181, %dma_wait3A_195, %dma_wait3A_196] : memref<2x400x64xf32, #tpu.memory_space<vmem>> -> memref<1x200x64xf32, #tpu.memory_space<vmem>>
    %dma_wait3A_198 = tpu.memref_squeeze %dma_wait3A_197 : memref<1x200x64xf32, #tpu.memory_space<vmem>> -> memref<200x64xf32, #tpu.memory_space<vmem>>
    tpu.wait_dma2 semaphore(%arg14 : memref<!tpu.dma_semaphore, #tpu.memory_space<semaphore_mem>>) src(%dma_wait3A_198 : memref<200x64xf32, #tpu.memory_space<vmem>>) dst(%dma_wait3A_194 : memref<200x64xf32, #tpu.memory_space<hbm>>)
    return
  }
}

</mosaic_0001>

<sc_bundles>
// kernel: kernel.3.cloned.1.call-start
scs
__scs_entry_jumppad:
0x0: {  	(pc) =	sbr.rel $0x88, $3  }
0x1: {  	(tag) =	ssettag $0x0;
	lr =	simm.s32 $0x1  }
0x2: {  	[smem:$0x3F9D] =	sst lr;
	_ =	strace $0xD0000000  }
0x3: {  	_ = 	snop  }
0x4: {  	_ = 	snop  }
0x5: {  	_ = 	snop  }
0x6: {  	_ = 	snop  }
0x7: {  	_ = 	snop  }
__scs_overlays_trampoline_lowered:
0x8: {  	[smem:$0x3FAC] =	sst s0  }
0x9: {  	[smem:$0x3FAD] =	sst s1  }
0xa: {  	[smem:$0x3FAE] =	sst s2  }
0xb: {  	[smem:$0x3FAF] =	sst s3  }
0xc: {  	[smem:$0x3FB0] =	sst s4  }
0xd: {  	[smem:$0x3FB1] =	sst s5  }
0xe: {  	[smem:$0x3FB2] =	sst s6  }
0xf: {  	[smem:$0x3FB3] =	sst s7  }
0x10: {  	[smem:$0x3FB4] =	sst s8  }
0x11: {  	[smem:$0x3FB5] =	sst s9;
	s0 =	simm.s32 @!p0 $0x0  }
0x12: {  	s1 =	sld [smem:$0x3F9B];
	s0 =	simm.s32 @p0 $0x1  }
0x13: {  	[smem:$0x3FB6] =	sst s0;
	s0 =	simm.s32 @!p1 $0x0  }
0x14: {  	s2 =	sld [smem:$0x3F9A];
	s0 =	simm.s32 @p1 $0x1  }
0x15: {  	[smem:$0x3FB7] =	sst s0;
	s0 =	simm.s32 @!p2 $0x0  }
0x16: {  	s3 =	sld [smem:$0x3FDB];
	s0 =	simm.s32 @p2 $0x1  }
0x17: {  	s4 =	simm.s32 $0x1BF5;
	[smem:$0x3FB9] =	sst s0  }
0x18: {  	s0 =	sld [smem:$0x3F9C];
	_ =	swait.ge [sflag:s4], $0x0  }
0x19: {  	s7 =	sld [smem:$0x3F9D]  }
0x1a: {  	s8 =	sadd.s32 $0xFFFFE003, lr  }
0x1b: {  	s9 =	sadd.s32 $0xFFFFFEF7, lr;
	s5 =	simm.s32 $0xFFFFFFFF;
	p2 =	slt.u32 s8, $0xFFFFF086  }
0x1c: {  	p1 =	slt.u32 s9, $0xF7A;
	s5 =	simm.s32 @!p2 $0x0  }
0x1d: {  	s5 =	simm.s32 @p1 $0x1;
	p0 =	seq.s32 s7, s2  }
0x1e: {  	s7 =	smul.u32 @!p0 $0xF7A, s2;
	p2 =	seq.s32 @!p0 s5, $0x0  }
0x1f: {  	s9 =	smul.u32 $0xF7A, s1;
	s8 =	simm.s32 @!p0 $0x1BF5;
	p2 =	por !p2, p0  }
0x20: {  	[sflag:s8] =	ssyncset.s32 @!p0 $0xFFFFF086;
	s6 =	sadd.s32 @!p0 s3, s7;
	s7 =	simm.s32 @!p0 $0x108  }
0x21: {  	s3 =	sadd.s32 s3, s9;
	s6 =	sadd.s32 @!p0 $0x88, s6;
	s7 =	simm.s32 @p2 $0x1082  }
0x22: {  	[simem:s7], [sflag:s8] =	dma.local @!p0 [hbm:s6], $0xF7A  }
0x23: {  	s9 =	sor.u32 $0xD0000000, s2;
	s6 =	simm.s32 $0x108;
	_ =	swait.ge @!p0 [sflag:s8], $0x0  }
0x24: {  	s3 =	sadd.s32 $0x88, s3;
	s6 =	simm.s32 @!p1 $0x1082;
	[sflag:s4] =	ssyncset.s32 $0xFFFFF086  }
0x25: {  	[simem:s6], [sflag:s4] =	dma.local [hbm:s3], $0xF7A  }
0x26: {  	[smem:$0x3F9D] =	sst s1;
	(tag) =	ssettag s2;
	_ =	strace s9  }
0x27: {  	s1 =	sld [smem:$0x3FAD]  }
0x28: {  	s2 =	sld [smem:$0x3FAE]  }
0x29: {  	s4 =	sld [smem:$0x3FB0]  }
0x2a: {  	p0 =	seq.s32 s5, $0x0;
	s5 =	sld [smem:$0x3FB1]  }
0x2b: {  	s6 =	sld [smem:$0x3FB2]  }
0x2c: {  	s7 =	sld [smem:$0x3FB3]  }
0x2d: {  	s3 =	simm.s32 $0x108;
	s8 =	sld [smem:$0x3FB4]  }
0x2e: {  	s3 =	simm.s32 @!p0 $0x1082;
	s9 =	sld [smem:$0x3FB5]  }
0x2f: {  	lr =	sadd.s32 s0, s3;
	s0 =	sld [smem:$0x3FAC]  }
0x30: {  	s3 =	sld [smem:$0x3FAF]  }
0x31: {  	[smem:$0x3FB8] =	sst s10  }
0x32: {  	s10 =	sld [smem:$0x3FB6];
	_ =	sdelay $0x3  }
0x33: {  	p0 =	seq.s32 s10, $0x1;
	s10 =	sld [smem:$0x3FB8];
	_ =	sdelay $0x3  }
0x34: {  	[smem:$0x3FB8] =	sst s10  }
0x35: {  	s10 =	sld [smem:$0x3FB7];
	_ =	sdelay $0x3  }
0x36: {  	p1 =	seq.s32 s10, $0x1;
	s10 =	sld [smem:$0x3FB8];
	_ =	sdelay $0x3  }
0x37: {  	[smem:$0x3FB8] =	sst s10  }
0x38: {  	s10 =	sld [smem:$0x3FB9]  }
0x39: {  	_ = 	snop;
	(pc) =	sbr.ind lr, $3  }
0x3a: {  	_ = 	snop  }
0x3b: {  	_ = 	snop  }
0x3c: {  	p2 =	seq.s32 s10, $0x1;
	s10 =	sld [smem:$0x3FB8]  }
0x3d: {  	_ =	shalt  }
0x3e: {  	_ =	shalt  }
0x3f: {  	_ =	shalt  }
0x40: {  	_ =	shalt  }
0x41: {  	_ =	shalt  }
0x42: {  	_ =	shalt  }
0x43: {  	_ =	shalt  }
0x44: {  	_ =	shalt  }
0x45: {  	_ =	shalt  }
0x46: {  	_ =	shalt  }
0x47: {  	_ =	shalt  }
0x48: {  	_ =	shalt  }
0x49: {  	_ =	shalt  }
0x4a: {  	_ =	shalt  }
0x4b: {  	_ =	shalt  }
0x4c: {  	_ =	shalt  }
0x4d: {  	_ =	shalt  }
0x4e: {  	_ =	shalt  }
0x4f: {  	_ =	shalt  }
0x50: {  	_ =	shalt  }
0x51: {  	_ =	shalt  }
0x52: {  	_ =	shalt  }
0x53: {  	_ =	shalt  }
0x54: {  	_ =	shalt  }
0x55: {  	_ =	shalt  }
0x56: {  	_ =	shalt  }
0x57: {  	_ =	shalt  }
0x58: {  	_ =	shalt  }
0x59: {  	_ =	shalt  }
0x5a: {  	_ =	shalt  }
0x5b: {  	_ =	shalt  }
0x5c: {  	_ =	shalt  }
0x5d: {  	_ =	shalt  }
0x5e: {  	_ =	shalt  }
0x5f: {  	_ =	shalt  }
0x60: {  	_ =	shalt  }
0x61: {  	_ =	shalt  }
0x62: {  	_ =	shalt  }
0x63: {  	_ =	shalt  }
0x64: {  	_ =	shalt  }
0x65: {  	_ =	shalt  }
0x66: {  	_ =	shalt  }
0x67: {  	_ =	shalt  }
0x68: {  	_ =	shalt  }
0x69: {  	_ =	shalt  }
0x6a: {  	_ =	shalt  }
0x6b: {  	_ =	shalt  }
0x6c: {  	_ =	shalt  }
0x6d: {  	_ =	shalt  }
0x6e: {  	_ =	shalt  }
0x6f: {  	_ =	shalt  }
0x70: {  	_ =	shalt  }
0x71: {  	_ =	shalt  }
0x72: {  	_ =	shalt  }
0x73: {  	_ =	shalt  }
0x74: {  	_ =	shalt  }
0x75: {  	_ =	shalt  }
0x76: {  	_ =	shalt  }
0x77: {  	_ =	shalt  }
0x78: {  	_ =	shalt  }
0x79: {  	_ =	shalt  }
0x7a: {  	_ =	shalt  }
0x7b: {  	_ =	shalt  }
0x7c: {  	_ =	shalt  }
0x7d: {  	_ =	shalt  }
0x7e: {  	_ =	shalt  }
0x7f: {  	_ =	shalt  }
0x80: {  	_ =	shalt  }
0x81: {  	_ =	shalt  }
0x82: {  	_ =	shalt  }
0x83: {  	_ =	shalt  }
0x84: {  	_ =	shalt  }
0x85: {  	_ =	shalt  }
0x86: {  	_ =	shalt  }
0x87: {  	_ =	shalt  }
.Lfunc_end0:
.L_simem_size_0:
called_computation.1_lowered:
.L_overlay_start_0:
0x88: {  	s2 =	sld [smem:$0x3FD9]  }
0x89: {  	s3 =	sld [smem:$0x3FFE];
	_ =	sdelay $0x1  }
0x8a: {  	s1 =	srdreg.scid  }
0x8b: {  	s0 =	sand.u32 $0x1, s1  }
0x8c: {  	s17 =	sshll.u32 s0, $0xA;
	s2 =	sadd.s32 s3, s2  }
0x8d: {  	s2 =	sadd.s32 s2, s17  }
0x8e: {  	[smem:$0x3FC4] =	sst s2  }
0x8f: {  	_ = 	snop  }
0x90: {  	s2 =	sld [smem:$0x3FD0];
	(tm) =	ssettm $0x1  }
0x91: {  	s18 =	sld [smem:$0x3FFB];
	_ =	sdelay $0x3  }
0x92: {  	_ =	strace s18  }
0x93: {  	s3 =	sld [smem:$0x3FFC];
	_ =	sdelay $0x3  }
0x94: {  	_ =	strace s3  }
0x95: {  	s3 =	sld [smem:$0x3FFD];
	_ =	sdelay $0x3  }
0x96: {  	_ =	strace s3  }
0x97: {  	_ =	strace $0x8FFFFFFF  }
0x98: {  	s19 =	sld [smem:$0x3FDB];
	_ =	sdelay $0x1  }
0x99: {  	s4 =	simm.s32 $_scs_section_size  }
0x9a: {  	s5 =	simm.s32 $_size__tile_overlayer_lowered;
	s6 =	simm.s32 $_tile_overlayer_lowered  }
0x9b: {  	s22 =	simm.s32 $0x1BFF;
	s21 =	sshll.u32 s6, $0x1;
	s3 =	sadd.s32 s4, s19  }
0x9c: {  	s7 =	simm.s32 $0x0;
	s20 =	sshll.u32 s5, $0x1;
	s5 =	sadd.s32 s21, s3  }
0x9d: {  	[timem:s7], [sflag:s22] =	dma.local [hbm:s5], s20  }
0x9e: {  	_ =	swait.ge [sflag:s22], s20  }
0x9f: {  	s4 =	ssub.s32 $0x0, s20;
	[sflag:s22] =	ssyncset.done $0x0  }
0xa0: {  	[sflag:s22] =	ssyncadd.s32 s4;
	_ =	sdelay $0x1  }
0xa1: {  	s23 =	simm.s32 $0x1B8B  }
0xa2: {  	_ =	swait.ge [sflag:s23], $0x1  }
0xa3: {  	[sflag:s23] =	ssyncset.done $0x0  }
0xa4: {  	s25 =	simm.s32 $0x1B8E;
	s24 =	sld [smem:$0x3FFE];
	[sflag:s23] =	ssyncadd.s32 $0xFFFFFFFF  }
0xa5: {  	s26 =	simm.s32 $execute0_lowered;
	[smem:$0x3FD2] =	sst s25  }
0xa6: {  	s5 =	sshll.u32 s26, $0x1;
	_ =	strace $0x80000046;
	[dreg:$0x1] =	wrdreg $0xFFFFFFFF  }
0xa7: {  	s28 =	simm.s32 $_size_execute0_lowered;
	s3 =	sadd.s32 s3, s5;
	[dreg:$0x0] =	wrdreg $0x0  }
0xa8: {  	s5 =	sshll.u32 s28, $0x1;
	[dreg:$0x2] =	wrdreg s3  }
0xa9: {  	[dreg:$0x3] =	wrdreg s5  }
0xaa: {  	[dreg:$0x4] =	wrdreg $0xC0  }
0xab: {  	_ =	task [dreg:s7], $0x5FFFF  }
0xac: {  	[dreg:$0x1] =	wrdreg $0xFFFFFFFF  }
0xad: {  	[dreg:$0x0] =	wrdreg $0x60  }
0xae: {  	[dreg:$0x2] =	wrdreg s24  }
0xaf: {  	[dreg:$0x3] =	wrdreg s2  }
0xb0: {  	[dreg:$0x4] =	wrdreg $0x9  }
0xb1: {  	_ =	task.clear_ibuf [dreg:s7], $0x5FFFF;
	_ =	strace $0x90000046  }
0xb2: {  	s29 =	simm.s32 $0x9;
	_ =	strace $0x80000048  }
0xb3: {  	_ =	swait.ge [sflag:s29], $0x1  }
0xb4: {  	[sflag:s29] =	ssyncadd.s32 $0xFFFFFFFF  }
0xb5: {  	_ =	strace $0x90000048  }
0xb6: {  	_ =	sfence  }
0xb7: {  	s30 =	sld [smem:$0x0];
	_ =	sdelay $0x2  }
0xb8: {  	s31 =	sshll.u32 s1, $0xD;
	s1 =	sshrl.u32 s1, $0x2  }
0xb9: {  	s3 =	sand.u32 $0x4000, s31;
	s1 =	sadd.s32 s1, s30  }
0xba: {  	s0 =	sor.u32 s3, s0;
	s1 =	sshll.u32 s1, $0x11  }
0xbb: {  	s0 =	sor.u32 s1, s0  }
0xbc: {  	s0 =	sadd.s32 $0x8F2B, s0  }
0xbd: {  	[sflag:s0] =	ssyncadd.remote.s32 $0x1  }
0xbe: {  	_ =	sfence.sel $0xFFFF  }
0xbf: {  	[dreg:$0x0] =	wrdreg $0xFFFFFFFF;
	(pc) =	sbr.abs _section_cstart, $3  }
0xc0: {  	[dreg:$0x1] =	wrdreg $0xFFFFFFFF  }
0xc1: {  	_ =	task.clear_ibuf [dreg:s7], $0x2FFFF;
	_ =	strace $0x9FFFFFFF  }
0xc2: {  	(tm) =	ssettm $0x7FFFFFFF  }
0xc3: {  	_ =	shalt  }
tec
execute0_lowered:
.L_overlay_start_1:
0x0: {  	(tag) =	ssettag $0x1  }
0x1: {  	v0 =	vimm.s32 $0xC4834201  }
0x2: {  	v1 =	vimm.s32 $0xFEDCBA9;
	vm11 =	vcmask $0xF00;
	v2 =	vimm.s32 $0x87654321  }
0x3: {  	vm10 =	vcmask $0x1310;
	vm9 =	vcmask $0x1714;
	vm8 =	vcmask $0x1B18  }
0x4: {  	vm6 =	vcmask $0x1F1C;
	vm7 =	vcmask $0x2320;
	vm5 =	vcmask $0x2724  }
0x5: {  	vm3 =	vcmask $0x2B28;
	vm4 =	vcmask $0x2F2C;
	vm2 =	vcmask $0x3330  }
0x6: {  	vm1 =	vcmask $0x3734;
	vm0 =	vcmask $0x3B38;
	v4 =	vimm.s32 $0x38373635  }
0x7: {  	v6 =	vimm.s32 $0xF6B57433;
	v8 =	vimm.s32 $0xD7965514;
	v9 =	vimm.s32 $0xF7B67534  }
0x8: {  	v10 =	vimm.s32 $0xC8874605;
	v11 =	vimm.s32 $0xD8975615;
	v12 =	vimm.s32 $0xE8A76625  }
0x9: {  	v13 =	vimm.s32 $0xF8B77635;
	v14 =	vimm.s32 $0xC9884706;
	v15 =	vimm.s32 $0xD9985716  }
0xa: {  	v16 =	vimm.s32 $0xE9A86726;
	v17 =	vimm.s32 $0xF9B87736;
	v18 =	vimm.s32 $0xCA894807  }
0xb: {  	v19 =	vimm.s32 $0xDA995817;
	v20 =	vimm.s32 $0xEAA96827;
	v21 =	vimm.s32 $0xFEDCBA98  }
0xc: {  	v22 =	vimm.s32 $0xFAB97837;
	v23 =	vimm.s32 $0x76543210;
	v59 =	vimm.s32 $0xEBAA6928  }
0xd: {  	v60 =	vimm.s32 $0xFBBA7938;
	v26 =	vimm.s32 $0xCC8B4A09;
	v27 =	vimm.s32 $0xDC9B5A19  }
0xe: {  	v28 =	vimm.s32 $0xECAB6A29;
	v29 =	vimm.s32 $0xFCBB7A39;
	v30 =	vimm.s32 $0xCD8C4B0A  }
0xf: {  	v31 =	vimm.s32 $0xDD9C5B1A;
	v32 =	vimm.s32 $0xEDAC6B2A;
	v33 =	vimm.s32 $0xFDBC7B3A  }
0x10: {  	v34 =	vimm.s32 $0xCE8D4C0B;
	v35 =	vimm.s32 $0xDE9D5C1B;
	v36 =	vimm.s32 $0xEEAD6C2B  }
0x11: {  	v37 =	vimm.s32 $0xFEBD7C3B;
	v38 =	vimm.s32 $0xCF8E4D0C;
	v39 =	vimm.s32 $0xDF9E5D1C  }
0x12: {  	v40 =	vimm.s32 $0xEFAE6D2C;
	v41 =	vimm.s32 $0xFFBE7D3C;
	v42 =	vimm.s32 $0xC08F4E0D  }
0x13: {  	v43 =	vimm.s32 $0xD09F5E1D;
	v44 =	vimm.s32 $0xE0AF6E2D;
	v45 =	vimm.s32 $0xF0BF7E3D  }
0x14: {  	v46 =	vimm.s32 $0xC1804F0E;
	v47 =	vimm.s32 $0xD1905F1E;
	v48 =	vimm.s32 $0xE1A06F2E  }
0x15: {  	v49 =	vimm.s32 $0xF1B07F3E;
	v50 =	vimm.s32 $0xC281400F;
	v51 =	vimm.s32 $0xD291501F  }
0x16: {  	v52 =	vimm.s32 $0xE2A1602F;
	v53 =	vimm.s32 $0xF2B1703F;
	v54 =	vimm.s32 $0x2D2C2B2A  }
0x17: {  	v55 =	vimm.s32 $0x21202F2E;
	v62 =	vimm.s32 $0x25242322;
	v56 =	vimm.s32 $0x3D3C3B3A  }
0x18: {  	v0 =	vunpack.c.0.s8.s32 v0;
	v1 =	vunpack.c.l.s4.s8 v1;
	v2 =	vunpack.c.l.s4.s8 v2  }
0x19: {  	v4 =	vunpack.c.0.s8.s32 v4;
	v9 =	vunpack.c.0.s8.s32 v9;
	v10 =	vunpack.c.0.s8.s32 v10  }
0x1a: {  	v11 =	vunpack.c.0.s8.s32 v11;
	v12 =	vunpack.c.0.s8.s32 v12;
	v13 =	vunpack.c.0.s8.s32 v13  }
0x1b: {  	v14 =	vunpack.c.0.s8.s32 v14;
	v15 =	vunpack.c.0.s8.s32 v15;
	v16 =	vunpack.c.0.s8.s32 v16  }
0x1c: {  	v17 =	vunpack.c.0.s8.s32 v17;
	v18 =	vunpack.c.0.s8.s32 v18;
	v19 =	vunpack.c.0.s8.s32 v19  }
0x1d: {  	v20 =	vunpack.c.0.s8.s32 v20;
	v21 =	vunpack.c.l.s4.s8 v21;
	v22 =	vunpack.c.0.s8.s32 v22  }
0x1e: {  	v23 =	vunpack.c.l.s4.s8 v23;
	v26 =	vunpack.c.0.s8.s32 v26;
	v27 =	vunpack.c.0.s8.s32 v27  }
0x1f: {  	v28 =	vunpack.c.0.s8.s32 v28;
	v29 =	vunpack.c.0.s8.s32 v29;
	v30 =	vunpack.c.0.s8.s32 v30  }
0x20: {  	v31 =	vunpack.c.0.s8.s32 v31;
	v32 =	vunpack.c.0.s8.s32 v32;
	v33 =	vunpack.c.0.s8.s32 v33  }
0x21: {  	v34 =	vunpack.c.0.s8.s32 v34;
	v35 =	vunpack.c.0.s8.s32 v35;
	v36 =	vunpack.c.0.s8.s32 v36  }
0x22: {  	v37 =	vunpack.c.0.s8.s32 v37;
	v38 =	vunpack.c.0.s8.s32 v38;
	v39 =	vunpack.c.0.s8.s32 v39  }
0x23: {  	v40 =	vunpack.c.0.s8.s32 v40;
	v41 =	vunpack.c.0.s8.s32 v41;
	v42 =	vunpack.c.0.s8.s32 v42  }
0x24: {  	v43 =	vunpack.c.0.s8.s32 v43;
	v44 =	vunpack.c.0.s8.s32 v44;
	v45 =	vunpack.c.0.s8.s32 v45  }
0x25: {  	v46 =	vunpack.c.0.s8.s32 v46;
	v47 =	vunpack.c.0.s8.s32 v47;
	v48 =	vunpack.c.0.s8.s32 v48  }
0x26: {  	v49 =	vunpack.c.0.s8.s32 v49;
	v50 =	vunpack.c.0.s8.s32 v50;
	v51 =	vunpack.c.0.s8.s32 v51  }
0x27: {  	v52 =	vunpack.c.0.s8.s32 v52;
	v53 =	vunpack.c.0.s8.s32 v53;
	v54 =	vunpack.c.0.s8.s32 v54  }
0x28: {  	v61 =	vunpack.c.0.s8.s32 v55;
	v58 =	vunpack.c.0.s8.s32 v62;
	v0 =	vand.u32 $0xFF, v0  }
0x29: {  	v3 =	vunpack.c.0.s8.s32 v1;
	v2 =	vunpack.c.0.s8.s32 v2;
	v1 =	vimm.s32 $0xD4935211  }
0x2a: {  	[tilespmem:$0x1F9A0] =	vst v4;
	v4 =	vimm.s32 $0xD6955413;
	v9 =	vand.u32 $0xFF, v9;
	v10 =	vand.u32 $0xFF, v10  }
0x2b: {  	v11 =	vand.u32 $0xFF, v11;
	v12 =	vand.u32 $0xFF, v12;
	v13 =	vand.u32 $0xFF, v13  }
0x2c: {  	v14 =	vand.u32 $0xFF, v14;
	v15 =	vand.u32 $0xFF, v15;
	v16 =	vand.u32 $0xFF, v16  }
0x2d: {  	v17 =	vand.u32 $0xFF, v17;
	v18 =	vand.u32 $0xFF, v18;
	v19 =	vand.u32 $0xFF, v19  }
0x2e: {  	v20 =	vand.u32 $0xFF, v20;
	v24 =	vunpack.c.0.s8.s32 v21;
	v21 =	vimm.s32 $0xCB8A4908  }
0x2f: {  	v22 =	vand.u32 $0xFF, v22;
	v23 =	vunpack.c.0.s8.s32 v23;
	v26 =	vand.u32 $0xFF, v26  }
0x30: {  	v27 =	vand.u32 $0xFF, v27;
	v28 =	vand.u32 $0xFF, v28;
	v29 =	vand.u32 $0xFF, v29  }
0x31: {  	v30 =	vand.u32 $0xFF, v30;
	v31 =	vand.u32 $0xFF, v31;
	v32 =	vand.u32 $0xFF, v32  }
0x32: {  	v33 =	vand.u32 $0xFF, v33;
	v34 =	vand.u32 $0xFF, v34;
	v35 =	vand.u32 $0xFF, v35  }
0x33: {  	v36 =	vand.u32 $0xFF, v36;
	v37 =	vand.u32 $0xFF, v37;
	v38 =	vand.u32 $0xFF, v38  }
0x34: {  	v39 =	vand.u32 $0xFF, v39;
	v40 =	vand.u32 $0xFF, v40;
	v41 =	vand.u32 $0xFF, v41  }
0x35: {  	v42 =	vand.u32 $0xFF, v42;
	v43 =	vand.u32 $0xFF, v43;
	v44 =	vand.u32 $0xFF, v44  }
0x36: {  	v45 =	vand.u32 $0xFF, v45;
	v46 =	vand.u32 $0xFF, v46;
	v47 =	vand.u32 $0xFF, v47  }
0x37: {  	v48 =	vand.u32 $0xFF, v48;
	v49 =	vand.u32 $0xFF, v49;
	v50 =	vand.u32 $0xFF, v50  }
0x38: {  	v51 =	vand.u32 $0xFF, v51;
	v52 =	vand.u32 $0xFF, v52;
	v53 =	vand.u32 $0xFF, v53  }
0x39: {  	v0 =	vnsel vm11, $0x3C0, v0;
	v1 =	vunpack.c.0.s8.s32 v1;
	v4 =	vunpack.c.0.s8.s32 v4  }
0x3a: {  	v9 =	vnsel vm11, $0x3F3, v9;
	v10 =	vnsel vm11, $0x3C4, v10;
	v11 =	vnsel vm11, $0x3D4, v11  }
0x3b: {  	v12 =	vnsel vm11, $0x3E4, v12;
	v13 =	vnsel vm11, $0x3F4, v13;
	v14 =	vnsel vm11, $0x3C5, v14  }
0x3c: {  	v15 =	vnsel vm11, $0x3D5, v15;
	v16 =	vnsel vm11, $0x3E5, v16;
	v17 =	vnsel vm11, $0x3F5, v17  }
0x3d: {  	v18 =	vnsel vm11, $0x3C6, v18;
	v19 =	vnsel vm11, $0x3D6, v19;
	v25 =	vunpack.c.0.s8.s32 v21  }
0x3e: {  	v20 =	vnsel vm11, $0x3E6, v20;
	v21 =	vnsel vm11, $0x3F6, v22;
	v26 =	vnsel vm11, $0x3C8, v26  }
0x3f: {  	v27 =	vnsel vm11, $0x3D8, v27;
	v28 =	vnsel vm11, $0x3E8, v28;
	v29 =	vnsel vm11, $0x3F8, v29  }
0x40: {  	v30 =	vnsel vm11, $0x3C9, v30;
	v31 =	vnsel vm11, $0x3D9, v31;
	v32 =	vnsel vm11, $0x3E9, v32  }
0x41: {  	v33 =	vnsel vm11, $0x3F9, v33;
	v34 =	vnsel vm11, $0x3CA, v34;
	v35 =	vnsel vm11, $0x3DA, v35  }
0x42: {  	v36 =	vnsel vm11, $0x3EA, v36;
	v37 =	vnsel vm11, $0x3FA, v37;
	v38 =	vnsel vm11, $0x3CB, v38  }
0x43: {  	v39 =	vnsel vm11, $0x3DB, v39;
	v40 =	vnsel vm11, $0x3EB, v40;
	v41 =	vnsel vm11, $0x3FB, v41  }
0x44: {  	v42 =	vnsel vm11, $0x3CC, v42;
	v43 =	vnsel vm11, $0x3DC, v43;
	v44 =	vnsel vm11, $0x3EC, v44  }
0x45: {  	v45 =	vnsel vm11, $0x3FC, v45;
	v46 =	vnsel vm11, $0x3CD, v46;
	v47 =	vnsel vm11, $0x3DD, v47  }
0x46: {  	v48 =	vnsel vm11, $0x3ED, v48;
	v49 =	vnsel vm11, $0x3FD, v49;
	v50 =	vnsel vm11, $0x3CE, v50  }
0x47: {  	v51 =	vnsel vm11, $0x3DE, v51;
	v52 =	vnsel vm11, $0x3EE, v52;
	v53 =	vnsel vm11, $0x3FE, v53;
	[tilespmem:$0x1F6A0] =	vst v3  }
0x48: {  	v0 =	vsel vm10, $0x105, v0;
	[tilespmem:$0x1F6B0] =	vst v2;
	v2 =	vcombine.low v2, v3;
	v3 =	vimm.s32 $0x1C1B1A19  }
0x49: {  	v22 =	vand.u32 $0xF, v24;
	v24 =	vunpack.c.0.s8.s32 v59;
	v9 =	vsel vm10, $0x138, v9  }
0x4a: {  	v10 =	vsel vm10, $0x109, v10;
	v11 =	vsel vm10, $0x119, v11;
	v12 =	vsel vm10, $0x129, v12  }
0x4b: {  	v13 =	vsel vm10, $0x139, v13;
	v14 =	vsel vm10, $0x10A, v14;
	v15 =	vsel vm10, $0x11A, v15  }
0x4c: {  	v16 =	vsel vm10, $0x12A, v16;
	v17 =	vsel vm10, $0x13A, v17;
	v18 =	vsel vm10, $0x10B, v18  }
0x4d: {  	v19 =	vsel vm10, $0x11B, v19;
	v20 =	vsel vm10, $0x12B, v20;
	v21 =	vsel vm10, $0x13B, v21  }
0x4e: {  	v26 =	vsel vm10, $0x10D, v26;
	v27 =	vsel vm10, $0x11D, v27;
	v28 =	vsel vm10, $0x12D, v28  }
0x4f: {  	v29 =	vsel vm10, $0x13D, v29;
	v30 =	vsel vm10, $0x10E, v30;
	v31 =	vsel vm10, $0x11E, v31  }
0x50: {  	v32 =	vsel vm10, $0x12E, v32;
	v33 =	vsel vm10, $0x13E, v33;
	v34 =	vsel vm10, $0x10F, v34  }
0x51: {  	v35 =	vsel vm10, $0x11F, v35;
	v36 =	vsel vm10, $0x12F, v36;
	v37 =	vsel vm10, $0x13F, v37  }
0x52: {  	v38 =	vsel vm10, $0x100, v38;
	v39 =	vsel vm10, $0x110, v39;
	v40 =	vsel vm10, $0x120, v40  }
0x53: {  	v41 =	vsel vm10, $0x130, v41;
	v42 =	vsel vm10, $0x101, v42;
	v43 =	vsel vm10, $0x111, v43  }
0x54: {  	v44 =	vsel vm10, $0x121, v44;
	v45 =	vsel vm10, $0x131, v45;
	v46 =	vsel vm10, $0x102, v46  }
0x55: {  	v47 =	vsel vm10, $0x112, v47;
	v48 =	vsel vm10, $0x122, v48;
	v49 =	vsel vm10, $0x132, v49  }
0x56: {  	v50 =	vsel vm10, $0x103, v50;
	v51 =	vsel vm10, $0x113, v51;
	v52 =	vsel vm10, $0x123, v52  }
0x57: {  	v53 =	vsel vm10, $0x133, v53;
	v0 =	vsel vm9, $0x146, v0;
	v1 =	vand.u32 $0xFF, v1  }
0x58: {  	v22 =	vcombine.low v22, v23;
	v23 =	vimm.s32 $0xDB9A5918;
	v9 =	vsel vm9, $0x179, v9  }
0x59: {  	v10 =	vsel vm9, $0x14A, v10;
	v11 =	vsel vm9, $0x15A, v11;
	v12 =	vsel vm9, $0x16A, v12  }
0x5a: {  	v13 =	vsel vm9, $0x17A, v13;
	v14 =	vsel vm9, $0x14B, v14;
	v15 =	vsel vm9, $0x15B, v15  }
0x5b: {  	v16 =	vsel vm9, $0x16B, v16;
	v17 =	vsel vm9, $0x17B, v17;
	v18 =	vsel vm9, $0x14C, v18  }
0x5c: {  	v19 =	vsel vm9, $0x15C, v19;
	v20 =	vsel vm9, $0x16C, v20;
	v21 =	vsel vm9, $0x17C, v21  }
0x5d: {  	v26 =	vsel vm9, $0x14E, v26;
	v27 =	vsel vm9, $0x15E, v27;
	v28 =	vsel vm9, $0x16E, v28  }
0x5e: {  	v29 =	vsel vm9, $0x17E, v29;
	v30 =	vsel vm9, $0x14F, v30;
	v31 =	vsel vm9, $0x15F, v31  }
0x5f: {  	v32 =	vsel vm9, $0x16F, v32;
	v33 =	vsel vm9, $0x17F, v33;
	v34 =	vsel vm9, $0x140, v34  }
0x60: {  	v35 =	vsel vm9, $0x150, v35;
	v36 =	vsel vm9, $0x160, v36;
	v37 =	vsel vm9, $0x170, v37  }
0x61: {  	v38 =	vsel vm9, $0x141, v38;
	v39 =	vsel vm9, $0x151, v39;
	v40 =	vsel vm9, $0x161, v40  }
0x62: {  	v41 =	vsel vm9, $0x171, v41;
	v42 =	vsel vm9, $0x142, v42;
	v43 =	vsel vm9, $0x152, v43  }
0x63: {  	v44 =	vsel vm9, $0x162, v44;
	v45 =	vsel vm9, $0x172, v45;
	v46 =	vsel vm9, $0x143, v46  }
0x64: {  	v47 =	vsel vm9, $0x153, v47;
	v48 =	vsel vm9, $0x163, v48;
	v0 =	vsel vm8, $0x187, v0  }
0x65: {  	v49 =	vsel vm9, $0x173, v49;
	v50 =	vsel vm9, $0x144, v50;
	v0 =	vsel vm6, $0x1C8, v0  }
0x66: {  	v51 =	vsel vm9, $0x154, v51;
	v52 =	vsel vm9, $0x164, v52;
	v0 =	vsel vm7, $0x209, v0  }
0x67: {  	v53 =	vsel vm9, $0x174, v53;
	v1 =	vnsel vm11, $0x3D0, v1;
	v0 =	vsel vm5, $0x24A, v0  }
0x68: {  	v2 =	vand.u32 $0xF, v2;
	v23 =	vunpack.c.0.s8.s32 v23;
	v0 =	vsel vm3, $0x28B, v0  }
0x69: {  	v24 =	vand.u32 $0xFF, v24;
	v57 =	vsel vm8, $0x1B4, v49;
	v0 =	vsel vm4, $0x2CC, v0  }
0x6a: {  	[tilespmem:$0x1FAF0] =	vst v61;
	v59 =	vsel vm8, $0x185, v50;
	v61 =	vsel vm8, $0x1A5, v52;
	v0 =	vsel vm2, $0x30D, v0  }
0x6b: {  	v62 =	vsel vm8, $0x1B5, v53;
	v1 =	vsel vm10, $0x115, v1;
	v0 =	vsel vm1, $0x34E, v0  }
0x6c: {  	v53 =	vunpack.c.0.s8.s32 v56;
	[tilespmem:$0x1F6C0] =	vst v2;
	v1 =	vsel vm9, $0x156, v1;
	v0 =	vsel vm0, $0x38F, v0  }
0x6d: {  	v2 =	vimm.s32 $0xE4A36221;
	v1 =	vsel vm8, $0x197, v1;
	[tilespmem:$0x1F6D0] =	vst v0;
	v0 =	vunpack.c.0.s8.s32 v3  }
0x6e: {  	[tilespmem:$0x1F700] =	vst v22;
	v22 =	vand.u32 $0xFF, v25;
	v25 =	vunpack.c.0.s8.s32 v60;
	v1 =	vsel vm6, $0x1D8, v1  }
0x6f: {  	v2 =	vunpack.c.0.s8.s32 v2;
	[tilespmem:$0x1F7B0] =	vst v0;
	v0 =	vsel vm7, $0x219, v1;
	v1 =	vimm.s32 $0x101F1E1D  }
0x70: {  	v24 =	vnsel vm11, $0x3E7, v24;
	v0 =	vsel vm5, $0x25A, v0;
	v1 =	vunpack.c.0.s8.s32 v1  }
0x71: {  	v60 =	vsel vm8, $0x195, v51;
	v2 =	vand.u32 $0xFF, v2;
	v0 =	vsel vm3, $0x29B, v0  }
0x72: {  	v49 =	vsel vm6, $0x1C6, v59;
	[tilespmem:$0x1F7D0] =	vst v1;
	v1 =	vnsel vm11, $0x3E0, v2;
	v0 =	vsel vm4, $0x2DC, v0  }
0x73: {  	v51 =	vsel vm6, $0x1E6, v61;
	v1 =	vsel vm10, $0x125, v1;
	v0 =	vsel vm2, $0x31D, v0  }
0x74: {  	v2 =	vimm.s32 $0x14131211;
	v1 =	vsel vm9, $0x166, v1;
	v0 =	vsel vm1, $0x35E, v0  }
0x75: {  	v2 =	vunpack.c.0.s8.s32 v2;
	v1 =	vsel vm8, $0x1A7, v1;
	v0 =	vsel vm0, $0x39F, v0  }
0x76: {  	v52 =	vsel vm6, $0x1F6, v62;
	[tilespmem:$0x1F840] =	vst v0;
	v0 =	vsel vm6, $0x1E8, v1;
	v1 =	vimm.s32 $0x2C2B2A29  }
0x77: {  	v59 =	vimm.s32 $0x35343332;
	[tilespmem:$0x1F7F0] =	vst v2;
	v2 =	vimm.s32 $0x18171615;
	v1 =	vunpack.c.0.s8.s32 v1  }
0x78: {  	v62 =	vimm.s32 $0x39383736;
	v3 =	vimm.s32 $0x202F2E2D;
	v2 =	vunpack.c.0.s8.s32 v2  }
0x79: {  	v22 =	vnsel vm11, $0x3C7, v22;
	v0 =	vsel vm7, $0x229, v0;
	[tilespmem:$0x1F860] =	vst v1;
	v1 =	vunpack.c.0.s8.s32 v3  }
0x7a: {  	v23 =	vand.u32 $0xFF, v23;
	[tilespmem:$0x1F810] =	vst v2;
	v2 =	vimm.s32 $0xF4B37231;
	v0 =	vsel vm5, $0x26A, v0  }
0x7b: {  	v2 =	vunpack.c.0.s8.s32 v2;
	v0 =	vsel vm3, $0x2AB, v0;
	[tilespmem:$0x1F880] =	vst v1;
	v1 =	vimm.s32 $0x24232221  }
0x7c: {  	v24 =	vsel vm10, $0x12C, v24;
	v0 =	vsel vm4, $0x2EC, v0;
	v1 =	vunpack.c.0.s8.s32 v1  }
0x7d: {  	v49 =	vsel vm7, $0x207, v49;
	v2 =	vand.u32 $0xFF, v2;
	v0 =	vsel vm2, $0x32D, v0  }
0x7e: {  	v50 =	vsel vm6, $0x1D6, v60;
	v0 =	vsel vm1, $0x36E, v0;
	[tilespmem:$0x1F8A0] =	vst v1;
	v1 =	vnsel vm11, $0x3F0, v2  }
0x7f: {  	v51 =	vsel vm7, $0x227, v51;
	v0 =	vsel vm0, $0x3AF, v0;
	v1 =	vsel vm10, $0x135, v1  }
0x80: {  	v52 =	vsel vm7, $0x237, v52;
	[tilespmem:$0x1F900] =	vst v0;
	v0 =	vsel vm9, $0x176, v1;
	v1 =	vimm.s32 $0x3C3B3A39  }
0x81: {  	v61 =	vunpack.c.0.s8.s32 v59;
	v2 =	vimm.s32 $0x28272625;
	v1 =	vunpack.c.0.s8.s32 v1  }
0x82: {  	v60 =	vimm.s32 $0x210FEDCB;
	v3 =	vimm.s32 $0x303F3E3D;
	v2 =	vunpack.c.0.s8.s32 v2  }
0x83: {  	v23 =	vnsel vm11, $0x3D7, v23;
	v25 =	vand.u32 $0xFF, v25;
	[tilespmem:$0x1F930] =	vst v1;
	v1 =	vunpack.c.0.s8.s32 v3  }
0x84: {  	v22 =	vsel vm10, $0x10C, v22;
	[tilespmem:$0x1F8D0] =	vst v2;
	v0 =	vsel vm8, $0x1B7, v0;
	v2 =	vimm.s32 $0xC5844302  }
0x85: {  	v0 =	vsel vm6, $0x1F8, v0;
	v2 =	vunpack.c.0.s8.s32 v2;
	[tilespmem:$0x1F960] =	vst v1;
	v1 =	vimm.s32 $0x34333231  }
0x86: {  	v24 =	vsel vm9, $0x16D, v24;
	v0 =	vsel vm7, $0x239, v0;
	v1 =	vunpack.c.0.s8.s32 v1  }
0x87: {  	v3 =	vimm.s32 $0x98765432;
	v0 =	vsel vm5, $0x27A, v0;
	v2 =	vand.u32 $0xFF, v2  }
0x88: {  	v3 =	vunpack.c.l.s4.s8 v3;
	[tilespmem:$0x1F980] =	vst v1;
	v1 =	vnsel vm11, $0x3C1, v2;
	v2 =	vimm.s32 $0x10FEDCBA  }
0x89: {  	v0 =	vsel vm3, $0x2BB, v0;
	v1 =	vsel vm10, $0x106, v1;
	v2 =	vunpack.c.l.s4.s8 v2  }
0x8a: {  	v50 =	vsel vm7, $0x217, v50;
	v0 =	vsel vm4, $0x2FC, v0;
	v1 =	vsel vm9, $0x147, v1  }
0x8b: {  	v3 =	vunpack.c.0.s8.s32 v3;
	v1 =	vsel vm8, $0x188, v1;
	v2 =	vunpack.c.0.s8.s32 v2  }
0x8c: {  	v49 =	vsel vm5, $0x248, v49;
	v0 =	vsel vm2, $0x33D, v0;
	v1 =	vsel vm6, $0x1C9, v1  }
0x8d: {  	v0 =	vsel vm1, $0x37E, v0;
	v1 =	vsel vm7, $0x20A, v1;
	[tilespmem:$0x1F6E0] =	vst v2;
	v2 =	vcombine.low v3, v2  }
0x8e: {  	v51 =	vsel vm5, $0x268, v51;
	v0 =	vsel vm0, $0x3BF, v0;
	v1 =	vsel vm5, $0x24B, v1  }
0x8f: {  	v52 =	vsel vm5, $0x278, v52;
	[tilespmem:$0x1F9F0] =	vst v0;
	v1 =	vsel vm3, $0x28C, v1;
	v0 =	vand.u32 $0xF, v2  }
0x90: {  	v25 =	vnsel vm11, $0x3F7, v25;
	v23 =	vsel vm10, $0x11C, v23;
	[tilespmem:$0x1FA10] =	vst v0;
	v0 =	vsel vm4, $0x2CD, v1  }
0x91: {  	v22 =	vsel vm9, $0x14D, v22;
	[tilespmem:$0x1F6F0] =	vst v3;
	v3 =	vimm.s32 $0xD5945312;
	v0 =	vsel vm2, $0x30E, v0  }
0x92: {  	v50 =	vsel vm5, $0x258, v50;
	v3 =	vunpack.c.0.s8.s32 v3;
	v0 =	vsel vm1, $0x34F, v0  }
0x93: {  	v49 =	vsel vm3, $0x289, v49;
	v51 =	vsel vm3, $0x2A9, v51;
	v0 =	vsel vm0, $0x380, v0  }
0x94: {  	v2 =	vimm.s32 $0xE5A46322;
	v1 =	vand.u32 $0xFF, v3;
	[tilespmem:$0x1F8F0] =	vst v0;
	v0 =	vimm.s32 $0x1D1C1B1A  }
0x95: {  	v2 =	vunpack.c.0.s8.s32 v2;
	v1 =	vnsel vm11, $0x3D1, v1;
	v0 =	vunpack.c.0.s8.s32 v0  }
0x96: {  	v52 =	vsel vm3, $0x2B9, v52;
	v25 =	vsel vm10, $0x13C, v25;
	v1 =	vsel vm10, $0x116, v1  }
0x97: {  	[tilespmem:$0x1F920] =	vst v0;
	v0 =	vsel vm9, $0x157, v1;
	v1 =	vand.u32 $0xFF, v2;
	v2 =	vimm.s32 $0x11101F1E  }
0x98: {  	v23 =	vsel vm9, $0x15D, v23;
	v49 =	vsel vm4, $0x2CA, v49;
	v2 =	vunpack.c.0.s8.s32 v2  }
0x99: {  	v50 =	vsel vm3, $0x299, v50;
	v51 =	vsel vm4, $0x2EA, v51;
	v0 =	vsel vm8, $0x198, v0  }
0x9a: {  	v1 =	vnsel vm11, $0x3E1, v1;
	v0 =	vsel vm6, $0x1D9, v0;
	[tilespmem:$0x1F950] =	vst v2;
	v2 =	vimm.s32 $0x15141312  }
0x9b: {  	v1 =	vsel vm10, $0x126, v1;
	v0 =	vsel vm7, $0x21A, v0;
	v2 =	vunpack.c.0.s8.s32 v2  }
0x9c: {  	v52 =	vsel vm4, $0x2FA, v52;
	v1 =	vsel vm9, $0x167, v1;
	v0 =	vsel vm5, $0x25B, v0  }
0x9d: {  	v1 =	vsel vm8, $0x1A8, v1;
	v0 =	vsel vm3, $0x29C, v0;
	[tilespmem:$0x1FA80] =	vst v2;
	v2 =	vimm.s32 $0x19181716  }
0x9e: {  	v1 =	vsel vm6, $0x1E9, v1;
	v0 =	vsel vm4, $0x2DD, v0;
	v2 =	vunpack.c.0.s8.s32 v2  }
0x9f: {  	v25 =	vsel vm9, $0x17D, v25;
	v1 =	vsel vm7, $0x22A, v1;
	v0 =	vsel vm2, $0x31E, v0  }
0xa0: {  	v1 =	vsel vm5, $0x26B, v1;
	v0 =	vsel vm1, $0x35F, v0;
	[tilespmem:$0x1FA30] =	vst v2;
	v2 =	vimm.s32 $0xF5B47332  }
0xa1: {  	v1 =	vsel vm3, $0x2AC, v1;
	v0 =	vsel vm0, $0x390, v0;
	v2 =	vunpack.c.0.s8.s32 v2  }
0xa2: {  	v50 =	vsel vm4, $0x2DA, v50;
	[tilespmem:$0x1FDE0] =	vst v0;
	v0 =	vsel vm4, $0x2ED, v1;
	v1 =	vimm.s32 $0xC6854403  }
0xa3: {  	v3 =	vunpack.c.0.s8.s32 v1;
	v0 =	vsel vm2, $0x32E, v0;
	v2 =	vand.u32 $0xFF, v2  }
0xa4: {  	v0 =	vsel vm1, $0x36F, v0;
	v1 =	vnsel vm11, $0x3F1, v2;
	v2 =	vimm.s32 $0xE6A56423  }
0xa5: {  	v3 =	vand.u32 $0xFF, v3;
	v0 =	vsel vm0, $0x3A0, v0;
	v5 =	vunpack.c.0.s8.s32 v2  }
0xa6: {  	v2 =	vnsel vm11, $0x3C2, v3;
	v3 =	vand.u32 $0xFF, v4;
	v4 =	vunpack.c.0.s8.s32 v6  }
0xa7: {  	v6 =	vimm.s32 $0xC7864504;
	v1 =	vsel vm10, $0x136, v1;
	v3 =	vnsel vm11, $0x3D2, v3  }
0xa8: {  	v6 =	vunpack.c.0.s8.s32 v6;
	v2 =	vsel vm10, $0x107, v2;
	v1 =	vsel vm9, $0x177, v1  }
0xa9: {  	v5 =	vand.u32 $0xFF, v5;
	v7 =	vand.u32 $0xFF, v4;
	v3 =	vsel vm10, $0x117, v3  }
0xaa: {  	v1 =	vsel vm8, $0x1B8, v1;
	v2 =	vsel vm9, $0x148, v2;
	v4 =	vnsel vm11, $0x3E2, v5  }
0xab: {  	v5 =	vnsel vm11, $0x3F2, v7;
	v7 =	vunpack.c.0.s8.s32 v8;
	v6 =	vand.u32 $0xFF, v6  }
0xac: {  	[tilespmem:$0x1FB30] =	vst v0;
	v8 =	vimm.s32 $0xE7A66524;
	v3 =	vsel vm9, $0x158, v3;
	v0 =	vsel vm6, $0x1F9, v1  }
0xad: {  	v1 =	vsel vm8, $0x189, v2;
	v8 =	vunpack.c.0.s8.s32 v8;
	v6 =	vnsel vm11, $0x3C3, v6  }
0xae: {  	v4 =	vsel vm10, $0x127, v4;
	v5 =	vsel vm10, $0x137, v5;
	v0 =	vsel vm7, $0x23A, v0  }
0xaf: {  	v2 =	vsel vm8, $0x199, v3;
	v1 =	vsel vm6, $0x1CA, v1;
	v7 =	vand.u32 $0xFF, v7  }
0xb0: {  	v6 =	vsel vm10, $0x108, v6;
	v4 =	vsel vm9, $0x168, v4;
	v5 =	vsel vm9, $0x178, v5  }
0xb1: {  	v0 =	vsel vm5, $0x27B, v0;
	v1 =	vsel vm7, $0x20B, v1;
	v2 =	vsel vm6, $0x1DA, v2  }
0xb2: {  	v7 =	vnsel vm11, $0x3D3, v7;
	v8 =	vand.u32 $0xFF, v8;
	v6 =	vsel vm9, $0x149, v6  }
0xb3: {  	v3 =	vsel vm8, $0x1A9, v4;
	v4 =	vsel vm8, $0x1B9, v5;
	v2 =	vsel vm7, $0x21B, v2  }
0xb4: {  	v0 =	vsel vm3, $0x2BC, v0;
	v1 =	vsel vm5, $0x24C, v1;
	v8 =	vnsel vm11, $0x3E3, v8  }
0xb5: {  	v7 =	vsel vm10, $0x118, v7;
	v5 =	vsel vm8, $0x18A, v6;
	v3 =	vsel vm6, $0x1EA, v3  }
0xb6: {  	v4 =	vsel vm6, $0x1FA, v4;
	v0 =	vsel vm4, $0x2FD, v0;
	v2 =	vsel vm5, $0x25C, v2  }
0xb7: {  	v1 =	vsel vm3, $0x28D, v1;
	v8 =	vsel vm10, $0x128, v8;
	v7 =	vsel vm9, $0x159, v7  }
0xb8: {  	v3 =	vsel vm7, $0x22B, v3;
	v4 =	vsel vm7, $0x23B, v4;
	v5 =	vsel vm6, $0x1CB, v5  }
0xb9: {  	v0 =	vsel vm2, $0x33E, v0;
	v1 =	vsel vm4, $0x2CE, v1;
	v2 =	vsel vm3, $0x29D, v2  }
0xba: {  	v8 =	vsel vm9, $0x169, v8;
	v6 =	vsel vm8, $0x19A, v7;
	v5 =	vsel vm7, $0x20C, v5  }
0xbb: {  	v3 =	vsel vm5, $0x26C, v3;
	v4 =	vsel vm5, $0x27C, v4;
	v2 =	vsel vm4, $0x2DE, v2  }
0xbc: {  	v0 =	vsel vm1, $0x37F, v0;
	v7 =	vsel vm8, $0x1AA, v8;
	v8 =	vsel vm8, $0x1BA, v9  }
0xbd: {  	v9 =	vsel vm8, $0x18B, v10;
	v10 =	vsel vm8, $0x19B, v11;
	v11 =	vsel vm8, $0x1AB, v12  }
0xbe: {  	v12 =	vsel vm8, $0x1BB, v13;
	v13 =	vsel vm8, $0x18C, v14;
	v14 =	vsel vm8, $0x19C, v15  }
0xbf: {  	v15 =	vsel vm8, $0x1AC, v16;
	v16 =	vsel vm8, $0x1BC, v17;
	v17 =	vsel vm8, $0x18D, v18  }
0xc0: {  	v18 =	vsel vm8, $0x19D, v19;
	v19 =	vsel vm8, $0x1AD, v20;
	v20 =	vsel vm8, $0x1BD, v21  }
0xc1: {  	v21 =	vsel vm8, $0x18E, v22;
	v22 =	vsel vm8, $0x19E, v23;
	v23 =	vsel vm8, $0x1AE, v24  }
0xc2: {  	v24 =	vsel vm8, $0x1BE, v25;
	v25 =	vsel vm8, $0x18F, v26;
	v26 =	vsel vm8, $0x19F, v27  }
0xc3: {  	v27 =	vsel vm8, $0x1AF, v28;
	v28 =	vsel vm8, $0x1BF, v29;
	v29 =	vsel vm8, $0x180, v30  }
0xc4: {  	v30 =	vsel vm8, $0x190, v31;
	v31 =	vsel vm8, $0x1A0, v32;
	v32 =	vsel vm8, $0x1B0, v33  }
0xc5: {  	v33 =	vsel vm8, $0x181, v34;
	v34 =	vsel vm8, $0x191, v35;
	v35 =	vsel vm8, $0x1A1, v36  }
0xc6: {  	v36 =	vsel vm8, $0x1B1, v37;
	v37 =	vsel vm8, $0x182, v38;
	v38 =	vsel vm8, $0x192, v39  }
0xc7: {  	v39 =	vsel vm8, $0x1A2, v40;
	v40 =	vsel vm8, $0x1B2, v41;
	v41 =	vsel vm8, $0x183, v42  }
0xc8: {  	v42 =	vsel vm8, $0x193, v43;
	v43 =	vsel vm8, $0x1A3, v44;
	v44 =	vsel vm8, $0x1B3, v45  }
0xc9: {  	v45 =	vsel vm8, $0x184, v46;
	v46 =	vsel vm8, $0x194, v47;
	v47 =	vsel vm8, $0x1A4, v48  }
0xca: {  	v6 =	vsel vm6, $0x1DB, v6;
	v48 =	vsel vm6, $0x1F5, v57;
	v57 =	vimm.s32 $0x31303F3E  }
0xcb: {  	v5 =	vsel vm5, $0x24D, v5;
	v3 =	vsel vm3, $0x2AD, v3;
	v4 =	vsel vm3, $0x2BD, v4  }
0xcc: {  	v0 =	vsel vm0, $0x3B0, v0;
	v6 =	vsel vm7, $0x21C, v6;
	v7 =	vsel vm6, $0x1EB, v7  }
0xcd: {  	v8 =	vsel vm6, $0x1FB, v8;
	v9 =	vsel vm6, $0x1CC, v9;
	v10 =	vsel vm6, $0x1DC, v10  }
0xce: {  	v11 =	vsel vm6, $0x1EC, v11;
	v12 =	vsel vm6, $0x1FC, v12;
	v13 =	vsel vm6, $0x1CD, v13  }
0xcf: {  	v14 =	vsel vm6, $0x1DD, v14;
	v15 =	vsel vm6, $0x1ED, v15;
	v16 =	vsel vm6, $0x1FD, v16  }
0xd0: {  	v17 =	vsel vm6, $0x1CE, v17;
	v18 =	vsel vm6, $0x1DE, v18;
	v19 =	vsel vm6, $0x1EE, v19  }
0xd1: {  	v20 =	vsel vm6, $0x1FE, v20;
	v21 =	vsel vm6, $0x1CF, v21;
	v22 =	vsel vm6, $0x1DF, v22  }
0xd2: {  	v23 =	vsel vm6, $0x1EF, v23;
	v24 =	vsel vm6, $0x1FF, v24;
	v25 =	vsel vm6, $0x1C0, v25  }
0xd3: {  	v26 =	vsel vm6, $0x1D0, v26;
	v27 =	vsel vm6, $0x1E0, v27;
	v28 =	vsel vm6, $0x1F0, v28  }
0xd4: {  	v29 =	vsel vm6, $0x1C1, v29;
	v30 =	vsel vm6, $0x1D1, v30;
	v31 =	vsel vm6, $0x1E1, v31  }
0xd5: {  	v32 =	vsel vm6, $0x1F1, v32;
	v33 =	vsel vm6, $0x1C2, v33;
	v34 =	vsel vm6, $0x1D2, v34  }
0xd6: {  	v35 =	vsel vm6, $0x1E2, v35;
	v36 =	vsel vm6, $0x1F2, v36;
	v37 =	vsel vm6, $0x1C3, v37  }
0xd7: {  	v38 =	vsel vm6, $0x1D3, v38;
	v39 =	vsel vm6, $0x1E3, v39;
	v40 =	vsel vm6, $0x1F3, v40  }
0xd8: {  	v41 =	vsel vm6, $0x1C4, v41;
	v42 =	vsel vm6, $0x1D4, v42;
	v43 =	vsel vm6, $0x1E4, v43  }
0xd9: {  	v44 =	vsel vm6, $0x1F4, v44;
	v45 =	vsel vm6, $0x1C5, v45;
	v46 =	vsel vm6, $0x1D5, v46  }
0xda: {  	[tilespmem:$0x1FF20] =	vst v53;
	v47 =	vsel vm6, $0x1E5, v47;
	v48 =	vsel vm7, $0x236, v48;
	v53 =	vunpack.c.0.s8.s32 v57  }
0xdb: {  	v3 =	vsel vm4, $0x2EE, v3;
	v4 =	vsel vm4, $0x2FE, v4;
	v5 =	vsel vm3, $0x28E, v5  }
0xdc: {  	v57 =	vimm.s32 $0xA9876543;
	v7 =	vsel vm7, $0x22C, v7;
	v8 =	vsel vm7, $0x23C, v8  }
0xdd: {  	v9 =	vsel vm7, $0x20D, v9;
	v10 =	vsel vm7, $0x21D, v10;
	v11 =	vsel vm7, $0x22D, v11  }
0xde: {  	v12 =	vsel vm7, $0x23D, v12;
	v13 =	vsel vm7, $0x20E, v13;
	v14 =	vsel vm7, $0x21E, v14  }
0xdf: {  	v15 =	vsel vm7, $0x22E, v15;
	v16 =	vsel vm7, $0x23E, v16;
	v17 =	vsel vm7, $0x20F, v17  }
0xe0: {  	v18 =	vsel vm7, $0x21F, v18;
	v19 =	vsel vm7, $0x22F, v19;
	v20 =	vsel vm7, $0x23F, v20  }
0xe1: {  	v21 =	vsel vm7, $0x200, v21;
	v22 =	vsel vm7, $0x210, v22;
	v23 =	vsel vm7, $0x220, v23  }
0xe2: {  	v24 =	vsel vm7, $0x230, v24;
	v25 =	vsel vm7, $0x201, v25;
	v26 =	vsel vm7, $0x211, v26  }
0xe3: {  	v27 =	vsel vm7, $0x221, v27;
	v28 =	vsel vm7, $0x231, v28;
	v29 =	vsel vm7, $0x202, v29  }
0xe4: {  	v30 =	vsel vm7, $0x212, v30;
	v31 =	vsel vm7, $0x222, v31;
	v32 =	vsel vm7, $0x232, v32  }
0xe5: {  	v33 =	vsel vm7, $0x203, v33;
	v34 =	vsel vm7, $0x213, v34;
	v35 =	vsel vm7, $0x223, v35  }
0xe6: {  	v36 =	vsel vm7, $0x233, v36;
	v37 =	vsel vm7, $0x204, v37;
	v38 =	vsel vm7, $0x214, v38  }
0xe7: {  	v39 =	vsel vm7, $0x224, v39;
	v40 =	vsel vm7, $0x234, v40;
	v41 =	vsel vm7, $0x205, v41  }
0xe8: {  	v42 =	vsel vm7, $0x215, v42;
	v43 =	vsel vm7, $0x225, v43;
	v44 =	vsel vm7, $0x235, v44  }
0xe9: {  	v45 =	vsel vm7, $0x206, v45;
	v46 =	vsel vm7, $0x216, v46;
	v47 =	vsel vm7, $0x226, v47  }
0xea: {  	v6 =	vsel vm5, $0x25D, v6;
	v48 =	vsel vm5, $0x277, v48;
	v5 =	vsel vm4, $0x2CF, v5  }
0xeb: {  	v59 =	vunpack.c.l.s4.s8 v57;
	v57 =	vsel vm2, $0x33B, v52;
	v7 =	vsel vm5, $0x26D, v7  }
0xec: {  	v8 =	vsel vm5, $0x27D, v8;
	v9 =	vsel vm5, $0x24E, v9;
	v10 =	vsel vm5, $0x25E, v10  }
0xed: {  	v11 =	vsel vm5, $0x26E, v11;
	v12 =	vsel vm5, $0x27E, v12;
	v13 =	vsel vm5, $0x24F, v13  }
0xee: {  	v14 =	vsel vm5, $0x25F, v14;
	v15 =	vsel vm5, $0x26F, v15;
	v16 =	vsel vm5, $0x27F, v16  }
0xef: {  	v17 =	vsel vm5, $0x240, v17;
	v18 =	vsel vm5, $0x250, v18;
	v19 =	vsel vm5, $0x260, v19  }
0xf0: {  	v20 =	vsel vm5, $0x270, v20;
	v21 =	vsel vm5, $0x241, v21;
	v22 =	vsel vm5, $0x251, v22  }
0xf1: {  	v23 =	vsel vm5, $0x261, v23;
	v24 =	vsel vm5, $0x271, v24;
	v25 =	vsel vm5, $0x242, v25  }
0xf2: {  	v26 =	vsel vm5, $0x252, v26;
	v27 =	vsel vm5, $0x262, v27;
	v28 =	vsel vm5, $0x272, v28  }
0xf3: {  	v29 =	vsel vm5, $0x243, v29;
	v30 =	vsel vm5, $0x253, v30;
	v31 =	vsel vm5, $0x263, v31  }
0xf4: {  	v32 =	vsel vm5, $0x273, v32;
	v33 =	vsel vm5, $0x244, v33;
	v34 =	vsel vm5, $0x254, v34  }
0xf5: {  	v35 =	vsel vm5, $0x264, v35;
	v36 =	vsel vm5, $0x274, v36;
	v37 =	vsel vm5, $0x245, v37  }
0xf6: {  	v38 =	vsel vm5, $0x255, v38;
	v39 =	vsel vm5, $0x265, v39;
	v40 =	vsel vm5, $0x275, v40  }
0xf7: {  	v41 =	vsel vm5, $0x246, v41;
	v42 =	vsel vm5, $0x256, v42;
	v43 =	vsel vm5, $0x266, v43  }
0xf8: {  	v44 =	vsel vm5, $0x276, v44;
	v45 =	vsel vm5, $0x247, v45;
	v46 =	vsel vm5, $0x257, v46  }
0xf9: {  	[tilespmem:$0x1FF30] =	vst v53;
	v47 =	vsel vm5, $0x267, v47;
	v53 =	vunpack.c.l.s4.s8 v60;
	v6 =	vsel vm3, $0x29E, v6  }
0xfa: {  	v48 =	vsel vm3, $0x2B8, v48;
	v60 =	vunpack.c.0.s8.s32 v62;
	v6 =	vsel vm4, $0x2DF, v6  }
0xfb: {  	v7 =	vsel vm3, $0x2AE, v7;
	v8 =	vsel vm3, $0x2BE, v8;
	v9 =	vsel vm3, $0x28F, v9  }
0xfc: {  	v10 =	vsel vm3, $0x29F, v10;
	v11 =	vsel vm3, $0x2AF, v11;
	v12 =	vsel vm3, $0x2BF, v12  }
0xfd: {  	v13 =	vsel vm3, $0x280, v13;
	v14 =	vsel vm3, $0x290, v14;
	v15 =	vsel vm3, $0x2A0, v15  }
0xfe: {  	v16 =	vsel vm3, $0x2B0, v16;
	v17 =	vsel vm3, $0x281, v17;
	v18 =	vsel vm3, $0x291, v18  }
0xff: {  	v19 =	vsel vm3, $0x2A1, v19;
	v20 =	vsel vm3, $0x2B1, v20;
	v21 =	vsel vm3, $0x282, v21  }
0x100: {  	v22 =	vsel vm3, $0x292, v22;
	v23 =	vsel vm3, $0x2A2, v23;
	v24 =	vsel vm3, $0x2B2, v24  }
0x101: {  	v25 =	vsel vm3, $0x283, v25;
	v26 =	vsel vm3, $0x293, v26;
	v27 =	vsel vm3, $0x2A3, v27  }
0x102: {  	v28 =	vsel vm3, $0x2B3, v28;
	v29 =	vsel vm3, $0x284, v29;
	v30 =	vsel vm3, $0x294, v30  }
0x103: {  	v31 =	vsel vm3, $0x2A4, v31;
	v32 =	vsel vm3, $0x2B4, v32;
	v33 =	vsel vm3, $0x285, v33  }
0x104: {  	v34 =	vsel vm3, $0x295, v34;
	v35 =	vsel vm3, $0x2A5, v35;
	v36 =	vsel vm3, $0x2B5, v36  }
0x105: {  	v37 =	vsel vm3, $0x286, v37;
	v38 =	vsel vm3, $0x296, v38;
	v7 =	vsel vm4, $0x2EF, v7  }
0x106: {  	v8 =	vsel vm4, $0x2FF, v8;
	v9 =	vsel vm4, $0x2C0, v9;
	v10 =	vsel vm4, $0x2D0, v10  }
0x107: {  	v11 =	vsel vm4, $0x2E0, v11;
	v12 =	vsel vm4, $0x2F0, v12;
	v13 =	vsel vm4, $0x2C1, v13  }
0x108: {  	v14 =	vsel vm4, $0x2D1, v14;
	v15 =	vsel vm4, $0x2E1, v15;
	v16 =	vsel vm4, $0x2F1, v16  }
0x109: {  	v17 =	vsel vm4, $0x2C2, v17;
	v18 =	vsel vm4, $0x2D2, v18;
	v19 =	vsel vm4, $0x2E2, v19  }
0x10a: {  	v20 =	vsel vm4, $0x2F2, v20;
	v21 =	vsel vm4, $0x2C3, v21;
	v22 =	vsel vm4, $0x2D3, v22  }
0x10b: {  	v23 =	vsel vm4, $0x2E3, v23;
	v24 =	vsel vm4, $0x2F3, v24;
	v25 =	vsel vm4, $0x2C4, v25  }
0x10c: {  	v26 =	vsel vm4, $0x2D4, v26;
	v27 =	vsel vm4, $0x2E4, v27;
	v28 =	vsel vm4, $0x2F4, v28  }
0x10d: {  	v29 =	vsel vm4, $0x2C5, v29;
	v30 =	vsel vm4, $0x2D5, v30;
	v31 =	vsel vm4, $0x2E5, v31  }
0x10e: {  	v32 =	vsel vm4, $0x2F5, v32;
	v33 =	vsel vm4, $0x2C6, v33;
	v34 =	vsel vm4, $0x2D6, v34  }
0x10f: {  	[tilespmem:$0x1F710] =	vst v0;
	v35 =	vsel vm4, $0x2E6, v35;
	v36 =	vsel vm4, $0x2F6, v36;
	v0 =	vunpack.c.0.s8.s32 v53  }
0x110: {  	v53 =	vsel vm2, $0x316, v30;
	v30 =	vsel vm2, $0x326, v31;
	v31 =	vsel vm2, $0x336, v32  }
0x111: {  	v32 =	vsel vm2, $0x307, v33;
	v33 =	vsel vm2, $0x317, v34;
	v34 =	vsel vm2, $0x327, v35  }
0x112: {  	v35 =	vsel vm2, $0x337, v36;
	[tilespmem:$0x1F720] =	vst v0;
	v0 =	vsel vm2, $0x30F, v1;
	v1 =	vunpack.c.0.s8.s32 v59  }
0x113: {  	v59 =	vimm.s32 $0x1E1D1C1B;
	v52 =	vsel vm1, $0x348, v32;
	v32 =	vsel vm1, $0x378, v35  }
0x114: {  	v0 =	vsel vm1, $0x340, v0;
	[tilespmem:$0x1F730] =	vst v1;
	v1 =	vsel vm2, $0x31F, v2;
	v2 =	vsel vm2, $0x32F, v3  }
0x115: {  	v3 =	vsel vm2, $0x33F, v4;
	v4 =	vsel vm2, $0x300, v5;
	v5 =	vsel vm2, $0x310, v6  }
0x116: {  	v6 =	vsel vm2, $0x320, v7;
	v7 =	vsel vm2, $0x330, v8;
	v8 =	vsel vm2, $0x301, v9  }
0x117: {  	v9 =	vsel vm2, $0x311, v10;
	v10 =	vsel vm2, $0x321, v11;
	v0 =	vsel vm0, $0x381, v0  }
0x118: {  	v11 =	vsel vm2, $0x331, v12;
	v12 =	vsel vm2, $0x302, v13;
	[tilespmem:$0x1F740] =	vst v0;
	v0 =	vunpack.c.0.s8.s32 v59  }
0x119: {  	v13 =	vsel vm2, $0x312, v14;
	v14 =	vsel vm2, $0x322, v15;
	v15 =	vsel vm2, $0x332, v16  }
0x11a: {  	v16 =	vsel vm2, $0x303, v17;
	[tilespmem:$0x1F750] =	vst v0;
	v0 =	vsel vm1, $0x350, v1;
	v1 =	vsel vm1, $0x360, v2  }
0x11b: {  	[tilespmem:$0x1FAA0] =	vst v54;
	v2 =	vsel vm1, $0x370, v3;
	v35 =	vsel vm0, $0x391, v0;
	v0 =	vsel vm0, $0x3A1, v1  }
0x11c: {  	v17 =	vsel vm2, $0x313, v18;
	v3 =	vsel vm1, $0x341, v4;
	[tilespmem:$0x1F770] =	vst v0;
	v0 =	vsel vm0, $0x3B1, v2  }
0x11d: {  	v18 =	vsel vm2, $0x323, v19;
	v4 =	vsel vm1, $0x351, v5;
	[tilespmem:$0x1F780] =	vst v0;
	v0 =	vsel vm0, $0x382, v3  }
0x11e: {  	v19 =	vsel vm2, $0x333, v20;
	v5 =	vsel vm1, $0x361, v6;
	[tilespmem:$0x1F790] =	vst v0;
	v0 =	vsel vm0, $0x392, v4  }
0x11f: {  	v20 =	vsel vm2, $0x304, v21;
	v6 =	vsel vm1, $0x371, v7;
	[tilespmem:$0x1F7A0] =	vst v0;
	v0 =	vsel vm0, $0x3A2, v5  }
0x120: {  	v21 =	vsel vm2, $0x314, v22;
	v7 =	vsel vm1, $0x342, v8;
	[tilespmem:$0x1F7C0] =	vst v0;
	v0 =	vsel vm0, $0x3B2, v6  }
0x121: {  	v22 =	vsel vm2, $0x324, v23;
	v8 =	vsel vm1, $0x352, v9;
	[tilespmem:$0x1F7E0] =	vst v0;
	v0 =	vsel vm0, $0x383, v7  }
0x122: {  	v23 =	vsel vm2, $0x334, v24;
	v9 =	vsel vm1, $0x362, v10;
	[tilespmem:$0x1F800] =	vst v0;
	v0 =	vsel vm0, $0x393, v8  }
0x123: {  	v24 =	vsel vm2, $0x305, v25;
	v10 =	vsel vm1, $0x372, v11;
	[tilespmem:$0x1F820] =	vst v0;
	v0 =	vsel vm0, $0x3A3, v9  }
0x124: {  	v25 =	vsel vm2, $0x315, v26;
	v11 =	vsel vm1, $0x343, v12;
	[tilespmem:$0x1F830] =	vst v0;
	v0 =	vsel vm0, $0x3B3, v10  }
0x125: {  	v26 =	vsel vm2, $0x325, v27;
	v12 =	vsel vm1, $0x353, v13;
	[tilespmem:$0x1F850] =	vst v0;
	v0 =	vsel vm0, $0x384, v11  }
0x126: {  	v27 =	vsel vm2, $0x335, v28;
	v13 =	vsel vm1, $0x363, v14;
	[tilespmem:$0x1F870] =	vst v0;
	v0 =	vsel vm0, $0x394, v12  }
0x127: {  	v28 =	vsel vm2, $0x306, v29;
	v29 =	vsel vm1, $0x373, v15;
	[tilespmem:$0x1F890] =	vst v0;
	v0 =	vsel vm0, $0x3A4, v13  }
0x128: {  	v39 =	vsel vm3, $0x2A6, v39;
	v15 =	vsel vm1, $0x344, v16;
	[tilespmem:$0x1F8B0] =	vst v0;
	v0 =	vsel vm0, $0x3B4, v29  }
0x129: {  	v40 =	vsel vm3, $0x2B6, v40;
	v14 =	vsel vm1, $0x354, v17;
	[tilespmem:$0x1F8C0] =	vst v0;
	v0 =	vsel vm0, $0x385, v15  }
0x12a: {  	v41 =	vsel vm3, $0x287, v41;
	v17 =	vsel vm1, $0x364, v18;
	[tilespmem:$0x1F8E0] =	vst v0;
	v0 =	vsel vm0, $0x395, v14  }
0x12b: {  	v42 =	vsel vm3, $0x297, v42;
	v54 =	vsel vm1, $0x374, v19;
	[tilespmem:$0x1F910] =	vst v0;
	v0 =	vsel vm0, $0x3A5, v17  }
0x12c: {  	v43 =	vsel vm3, $0x2A7, v43;
	v19 =	vsel vm1, $0x345, v20;
	[tilespmem:$0x1F940] =	vst v0;
	v0 =	vsel vm0, $0x3B5, v54  }
0x12d: {  	v44 =	vsel vm3, $0x2B7, v44;
	v20 =	vsel vm1, $0x355, v21;
	[tilespmem:$0x1F970] =	vst v0;
	v0 =	vsel vm0, $0x386, v19  }
0x12e: {  	v45 =	vsel vm3, $0x288, v45;
	v21 =	vsel vm1, $0x365, v22;
	[tilespmem:$0x1F990] =	vst v0;
	v0 =	vsel vm0, $0x396, v20  }
0x12f: {  	v46 =	vsel vm3, $0x298, v46;
	v22 =	vsel vm1, $0x375, v23;
	[tilespmem:$0x1F9B0] =	vst v0;
	v0 =	vsel vm0, $0x3A6, v21  }
0x130: {  	v47 =	vsel vm3, $0x2A8, v47;
	v23 =	vsel vm1, $0x346, v24;
	[tilespmem:$0x1F9C0] =	vst v0;
	v0 =	vsel vm0, $0x3B6, v22  }
0x131: {  	v48 =	vsel vm4, $0x2F9, v48;
	v24 =	vsel vm1, $0x356, v25;
	[tilespmem:$0x1F9D0] =	vst v0;
	v0 =	vsel vm0, $0x387, v23  }
0x132: {  	v37 =	vsel vm4, $0x2C7, v37;
	v25 =	vsel vm1, $0x366, v26;
	[tilespmem:$0x1F9E0] =	vst v0;
	v0 =	vsel vm0, $0x397, v24  }
0x133: {  	v38 =	vsel vm4, $0x2D7, v38;
	v26 =	vsel vm1, $0x376, v27;
	[tilespmem:$0x1FA00] =	vst v0;
	v0 =	vsel vm0, $0x3A7, v25  }
0x134: {  	v39 =	vsel vm4, $0x2E7, v39;
	v27 =	vsel vm1, $0x347, v28;
	[tilespmem:$0x1FA20] =	vst v0;
	v0 =	vsel vm0, $0x3B7, v26  }
0x135: {  	v40 =	vsel vm4, $0x2F7, v40;
	v28 =	vsel vm1, $0x357, v53;
	[tilespmem:$0x1FA40] =	vst v0;
	v0 =	vsel vm0, $0x388, v27  }
0x136: {  	v41 =	vsel vm4, $0x2C8, v41;
	v18 =	vsel vm1, $0x367, v30;
	[tilespmem:$0x1FA50] =	vst v0;
	v0 =	vsel vm0, $0x398, v28  }
0x137: {  	v42 =	vsel vm4, $0x2D8, v42;
	v31 =	vsel vm1, $0x377, v31;
	[tilespmem:$0x1FA60] =	vst v0;
	v0 =	vsel vm0, $0x3A8, v18  }
0x138: {  	v43 =	vsel vm4, $0x2E8, v43;
	v44 =	vsel vm4, $0x2F8, v44;
	[tilespmem:$0x1FA70] =	vst v0;
	v0 =	vsel vm0, $0x3B8, v31  }
0x139: {  	v45 =	vsel vm4, $0x2C9, v45;
	v53 =	vsel vm1, $0x358, v33;
	[tilespmem:$0x1FA90] =	vst v0;
	v0 =	vsel vm0, $0x389, v52  }
0x13a: {  	v46 =	vsel vm4, $0x2D9, v46;
	v33 =	vsel vm1, $0x368, v34;
	[tilespmem:$0x1FAB0] =	vst v0;
	v0 =	vsel vm0, $0x399, v53  }
0x13b: {  	v47 =	vsel vm4, $0x2E9, v47;
	v36 =	vsel vm2, $0x308, v37;
	[tilespmem:$0x1FAC0] =	vst v0;
	v0 =	vsel vm0, $0x3A9, v33  }
0x13c: {  	v37 =	vsel vm2, $0x318, v38;
	v55 =	vsel vm1, $0x349, v36;
	[tilespmem:$0x1FAD0] =	vst v0;
	v0 =	vsel vm0, $0x3B9, v32  }
0x13d: {  	v38 =	vsel vm2, $0x328, v39;
	v16 =	vsel vm1, $0x359, v37;
	[tilespmem:$0x1FAE0] =	vst v0;
	v0 =	vsel vm0, $0x38A, v55  }
0x13e: {  	v39 =	vsel vm2, $0x338, v40;
	v37 =	vsel vm1, $0x369, v38;
	[tilespmem:$0x1FB00] =	vst v0;
	v0 =	vsel vm0, $0x39A, v16  }
0x13f: {  	v40 =	vsel vm2, $0x309, v41;
	v38 =	vsel vm1, $0x379, v39;
	[tilespmem:$0x1FB10] =	vst v0;
	v0 =	vsel vm0, $0x3AA, v37  }
0x140: {  	v41 =	vsel vm2, $0x319, v42;
	v39 =	vsel vm1, $0x34A, v40;
	[tilespmem:$0x1FB20] =	vst v0;
	v0 =	vsel vm0, $0x3BA, v38  }
0x141: {  	v42 =	vsel vm2, $0x329, v43;
	v40 =	vsel vm1, $0x35A, v41;
	[tilespmem:$0x1FB40] =	vst v0;
	v0 =	vsel vm0, $0x38B, v39  }
0x142: {  	v43 =	vsel vm2, $0x339, v44;
	v41 =	vsel vm1, $0x36A, v42;
	[tilespmem:$0x1FB50] =	vst v0;
	v0 =	vsel vm0, $0x39B, v40  }
0x143: {  	v44 =	vsel vm2, $0x30A, v45;
	v42 =	vsel vm1, $0x37A, v43;
	[tilespmem:$0x1FB60] =	vst v0;
	v0 =	vsel vm0, $0x3AB, v41  }
0x144: {  	v45 =	vsel vm2, $0x31A, v46;
	v43 =	vsel vm1, $0x34B, v44;
	[tilespmem:$0x1FB70] =	vst v0;
	v0 =	vsel vm0, $0x3BB, v42  }
0x145: {  	v46 =	vsel vm2, $0x32A, v47;
	v44 =	vsel vm1, $0x35B, v45;
	[tilespmem:$0x1FB80] =	vst v0;
	v0 =	vsel vm0, $0x38C, v43  }
0x146: {  	v47 =	vsel vm2, $0x33A, v48;
	v45 =	vsel vm1, $0x36B, v46;
	[tilespmem:$0x1FB90] =	vst v0;
	v0 =	vsel vm0, $0x39C, v44  }
0x147: {  	v48 =	vsel vm2, $0x30B, v49;
	v46 =	vsel vm1, $0x37B, v47;
	[tilespmem:$0x1FBA0] =	vst v0;
	v0 =	vsel vm0, $0x3AC, v45  }
0x148: {  	v49 =	vsel vm2, $0x31B, v50;
	v47 =	vsel vm1, $0x34C, v48;
	[tilespmem:$0x1FBB0] =	vst v0;
	v0 =	vsel vm0, $0x3BC, v46  }
0x149: {  	v62 =	vsel vm2, $0x32B, v51;
	v48 =	vsel vm1, $0x35C, v49;
	[tilespmem:$0x1FBC0] =	vst v0;
	v0 =	vsel vm0, $0x38D, v47  }
0x14a: {  	v49 =	vsel vm1, $0x36C, v62;
	[tilespmem:$0x1FBD0] =	vst v0;
	v0 =	vsel vm0, $0x39D, v48  }
0x14b: {  	v50 =	vsel vm1, $0x37C, v57;
	[tilespmem:$0x1FBE0] =	vst v0;
	v0 =	vsel vm0, $0x3AD, v49  }
0x14c: {  	[tilespmem:$0x1FBF0] =	vst v0;
	v0 =	vsel vm0, $0x3BD, v50  }
0x14d: {  	[tilespmem:$0x1FC00] =	vst v0;
	v0 =	vimm.s32 $0x16151413  }
0x14e: {  	v0 =	vunpack.c.0.s8.s32 v0  }
0x14f: {  	v1 =	vimm.s32 $0x1A191817  }
0x150: {  	[tilespmem:$0x1FC10] =	vst v0;
	v0 =	vunpack.c.0.s8.s32 v1;
	_ =	sdelay $0x1  }
0x151: {  	[tilespmem:$0x1FC20] =	vst v0;
	v0 =	vimm.s32 $0x2E2D2C2B  }
0x152: {  	v0 =	vunpack.c.0.s8.s32 v0;
	_ =	sdelay $0x1  }
0x153: {  	[tilespmem:$0x1FC30] =	vst v0;
	v0 =	vimm.s32 $0x2221202F  }
0x154: {  	v0 =	vunpack.c.0.s8.s32 v0  }
0x155: {  	v1 =	vimm.s32 $0x26252423  }
0x156: {  	[tilespmem:$0x1FC40] =	vst v0;
	v0 =	vunpack.c.0.s8.s32 v1;
	_ =	sdelay $0x1  }
0x157: {  	[tilespmem:$0x1FC50] =	vst v0;
	v0 =	vimm.s32 $0x2A292827  }
0x158: {  	v0 =	vunpack.c.0.s8.s32 v0;
	_ =	sdelay $0x1  }
0x159: {  	[tilespmem:$0x1FC60] =	vst v0;
	v0 =	vimm.s32 $0x3E3D3C3B  }
0x15a: {  	v0 =	vunpack.c.0.s8.s32 v0  }
0x15b: {  	v1 =	vimm.s32 $0x3231303F  }
0x15c: {  	[tilespmem:$0x1FC70] =	vst v0;
	v0 =	vunpack.c.0.s8.s32 v1;
	_ =	sdelay $0x1  }
0x15d: {  	[tilespmem:$0x1FC80] =	vst v0;
	v0 =	vimm.s32 $0x3210FEDC  }
0x15e: {  	v0 =	vunpack.c.l.s4.s8 v0;
	_ =	sdelay $0x1  }
0x15f: {  	v56 =	vld [tilespmem:$0x1F7B0];
	v0 =	vunpack.c.0.s8.s32 v0  }
0x160: {  	v51 =	vld [tilespmem:$0x1F7D0]  }
0x161: {  	v57 =	vld [tilespmem:$0x1F7F0];
	[tilespmem:$0x1FCB0] =	vst v0;
	v0 =	vimm.s32 $0x1F1E1D1C  }
0x162: {  	v36 =	vld [tilespmem:$0x1F8F0];
	v1 =	vimm.s32 $0x36353433;
	v0 =	vunpack.c.0.s8.s32 v0  }
0x163: {  	v62 =	vimm.s32 $0x1211101F;
	v59 =	vld [tilespmem:$0x1F810];
	v1 =	vunpack.c.0.s8.s32 v1  }
0x164: {  	v34 =	vld [tilespmem:$0x1F920];
	v30 =	vunpack.c.0.s8.s32 v62;
	v2 =	vimm.s32 $0xBA987654;
	[tilespmem:$0x1FCD0] =	vst v0;
	v0 =	vimm.s32 $0x13121110  }
0x165: {  	v62 =	vld [tilespmem:$0x1F900];
	[tilespmem:$0x1FC90] =	vst v1;
	v1 =	vunpack.c.l.s4.s8 v2;
	v0 =	vunpack.c.0.s8.s32 v0  }
0x166: {  	[tilespmem:$0x1F760] =	vst v30;
	v30 =	vld [tilespmem:$0x1F950]  }
0x167: {  	v5 =	vld [tilespmem:$0x1F880];
	v1 =	vunpack.c.0.s8.s32 v1;
	[tilespmem:$0x1FCE0] =	vst v0;
	v0 =	vimm.s32 $0x17161514  }
0x168: {  	v6 =	vld [tilespmem:$0x1F960];
	v0 =	vunpack.c.0.s8.s32 v0  }
0x169: {  	v7 =	vld [tilespmem:$0x1F840];
	[tilespmem:$0x1FCC0] =	vst v1;
	v1 =	vimm.s32 $0x1B1A1918  }
0x16a: {  	v8 =	vld [tilespmem:$0x1F8A0];
	[tilespmem:$0x1FCF0] =	vst v0;
	v0 =	vunpack.c.0.s8.s32 v1  }
0x16b: {  	v9 =	vld [tilespmem:$0x1FA10]  }
0x16c: {  	v10 =	vld [tilespmem:$0x1F860];
	[tilespmem:$0x1FD00] =	vst v0;
	v0 =	vimm.s32 $0x2F2E2D2C  }
0x16d: {  	v11 =	vld [tilespmem:$0x1FA30];
	v0 =	vunpack.c.0.s8.s32 v0  }
0x16e: {  	v13 =	vld [tilespmem:$0x1F8D0]  }
0x16f: {  	v29 =	vld [tilespmem:$0x1F980];
	[tilespmem:$0x1FD10] =	vst v0;
	v0 =	vimm.s32 $0x23222120  }
0x170: {  	v15 =	vld [tilespmem:$0x1FA80];
	v0 =	vunpack.c.0.s8.s32 v0  }
0x171: {  	v3 =	vimm.s32 $0xEDCBA987;
	v14 =	vld [tilespmem:$0x1F930];
	v1 =	vimm.s32 $0x27262524  }
0x172: {  	v3 =	vunpack.c.l.s4.s8 v3;
	v17 =	vld [tilespmem:$0x1FAF0];
	v2 =	vimm.s32 $0x3A393837;
	[tilespmem:$0x1FD20] =	vst v0;
	v0 =	vunpack.c.0.s8.s32 v1  }
0x173: {  	v54 =	vld [tilespmem:$0x1F9A0];
	v2 =	vunpack.c.0.s8.s32 v2  }
0x174: {  	s0 =	rddreg [dreg:$0x0];
	s2 =	simm.s32 $0x0;
	v3 =	vunpack.c.0.s8.s32 v3;
	v19 =	vld [tilespmem:$0x1F9F0];
	[tilespmem:$0x1FD30] =	vst v0;
	v0 =	vimm.s32 $0x2B2A2928  }
0x175: {  	[smem:$0x7FF] =	sst s2;
	v22 =	vld [tilespmem:$0x1FAA0];
	[tilespmem:$0x1FCA0] =	vst v2;
	v0 =	vunpack.c.0.s8.s32 v0  }
0x176: {  	s1 =	rddreg [dreg:$0x1];
	v31 =	vld [tilespmem:$0x1FB30];
	vm0 =	vcmask $0x1F10;
	_ =	strace $0x80000047;
	[tilespmem:$0x1FDF0] =	vst v3  }
0x177: {  	v20 =	vsel vm0, v59, v57;
	[tilespmem:$0x1FD40] =	vst v0;
	v0 =	vimm.s32 $0x3F3E3D3C  }
0x178: {  	v21 =	vsel vm0, v5, v10;
	[tilespmem:$0x1FE60] =	vst v20;
	v0 =	vunpack.c.0.s8.s32 v0  }
0x179: {  	v1 =	vimm.s32 $0x33323130;
	[tilespmem:$0x1FE80] =	vst v21  }
0x17a: {  	v63 =	vimm.s32 $0x29282726;
	v8 =	vsel vm0, v13, v8;
	[tilespmem:$0x1FD50] =	vst v0;
	v0 =	vunpack.c.0.s8.s32 v1  }
0x17b: {  	v63 =	vunpack.c.0.s8.s32 v63;
	[tilespmem:$0x1FE90] =	vst v8  }
0x17c: {  	v13 =	vsel vm0, v30, v34;
	v1 =	vimm.s32 $0x37363534;
	[tilespmem:$0x1FD60] =	vst v0;
	v0 =	vimm.s32 $0x43210FED  }
0x17d: {  	v18 =	vmov v63;
	[tilespmem:$0x1FEE0] =	vst v13;
	v1 =	vunpack.c.0.s8.s32 v1;
	v0 =	vunpack.c.l.s4.s8 v0  }
0x17e: {  	v2 =	vimm.s32 $0xCBA98765;
	[tilespmem:$0x1FF10] =	vst v18  }
0x17f: {  	[tilespmem:$0x1FD70] =	vst v1;
	v1 =	vunpack.c.l.s4.s8 v2;
	v0 =	vunpack.c.0.s8.s32 v0  }
0x180: {  	[tilespmem:$0x1FF40] =	vst v61  }
0x181: {  	v2 =	vimm.s32 $0x3B3A3938;
	v1 =	vunpack.c.0.s8.s32 v1;
	[tilespmem:$0x1FD90] =	vst v0;
	v0 =	vimm.s32 $0x543210FE  }
0x182: {  	[tilespmem:$0x1FF50] =	vst v60;
	v2 =	vunpack.c.0.s8.s32 v2;
	v0 =	vunpack.c.l.s4.s8 v0  }
0x183: {  	[tilespmem:$0x1FDA0] =	vst v1;
	v1 =	vimm.s32 $0xDCBA9876  }
0x184: {  	[tilespmem:$0x1FD80] =	vst v2;
	v2 =	vimm.s32 $0x6543210F;
	v1 =	vunpack.c.l.s4.s8 v1;
	v0 =	vunpack.c.0.s8.s32 v0  }
0x185: {  	[tilespmem:$0x1FFE0] =	vst v35;
	v2 =	vunpack.c.l.s4.s8 v2  }
0x186: {  	[tilespmem:$0x1FDB0] =	vst v0;
	v0 =	vunpack.c.0.s8.s32 v1  }
0x187: {  	[tilespmem:$0x1FFF0] =	vst v58;
	v2 =	vunpack.c.0.s8.s32 v2;
	v1 =	vlaneseq.u32  }
0x188: {  	[tilespmem:$0x1FDC0] =	vst v0;
	v0 =	vmul.u32 $0x41, v1  }
0x189: {  	[tilespmem:$0x1FDD0] =	vst v2;
	v3 =	vor.u32 $0x10, v1  }
0x18a: {  	[tilespmem:$0x1FE00] =	vst v3;
	v3 =	vadd.s32 $0x10, v0  }
0x18b: {  	[tilespmem:$0x1FE10] =	vst v3;
	v3 =	vor.u32 $0x20, v1  }
0x18c: {  	[tilespmem:$0x1FE20] =	vst v3;
	v3 =	vadd.s32 $0x20, v0  }
0x18d: {  	s3 =	srdreg.scid;
	s4 =	stileid.u32;
	s28 =	simm.s32 $0x48;
	[tilespmem:$0x1FE30] =	vst v3;
	v3 =	vor.u32 $0x30, v1  }
0x18e: {  	s30 =	simm.s32 $0x3840;
	s31 =	simm.s32 $0x6;
	s29 =	simm.s32 $0x8A40;
	[tilespmem:$0x1FE40] =	vst v3;
	v3 =	vsel vm0, v51, v56  }
0x18f: {  	s10 =	simm.s32 $0xBC40;
	s11 =	simm.s32 $0x1;
	s12 =	simm.s32 $0x2;
	[tilespmem:$0x1FE50] =	vst v3;
	v3 =	vcombine.low v20, v3  }
0x190: {  	s15 =	simm.s32 $0x0;
	s3 =	sand.u32 $0x1, s3;
	s5 =	sshll.u32 s4, $0x8;
	[tilespmem:$0x1FF60] =	vst v0  }
0x191: {  	s4 =	sadd.s32 $0x19E00, s0;
	s7 =	sadd.s32 $0xF43200, s0;
	s6 =	sshll.u32 s3, $0x7;
	v0 =	vadd.s32 $0x30, v0;
	[tilespmem:$0x1FE70] =	vst v3;
	v3 =	vcombine.low v8, v21  }
0x192: {  	s3 =	ssub.s32 $0x2, s3;
	s5 =	sor.u32 s6, s5;
	s6 =	sadd.s32 $0xE00, s0;
	[tilespmem:$0x1FF70] =	vst v0  }
0x193: {  	s8 =	sshrl.u32 s3, $0x1;
	s0 =	sadd.s32 $0x32E00, s0;
	s9 =	smul.u32 $0x19, s5;
	v8 =	vsel vm0, v54, v29;
	[tilespmem:$0x1FEA0] =	vst v3;
	v3 =	vsel vm0, v6, v14  }
0x194: {  	s16 =	ssub.s32 s3, s8;
	s17 =	sor.u32 $0x4, s5;
	s18 =	sor.u32 $0x6, s5;
	v20 =	vsel vm0, v11, v15;
	[tilespmem:$0x1FEB0] =	vst v3;
	v3 =	vcombine.low v8, v3  }
0x195: {  	s8 =	simm.s32 $0x9C40;
	s19 =	sadd.s32 s4, s9;
	v63 =	vmov v14;
	[dreg:$0x3] =	wrdreg s0;
	[tilespmem:$0x1FEF0] =	vst v20;
	v14 =	vld [tilespmem:$0x1FF30]  }
0x196: {  	s20 =	sadd.s32 s6, s9;
	s21 =	sor.u32 $0x19, s9;
	[dreg:$0x4] =	wrdreg s19;
	[tilespmem:$0x1FED0] =	vst v3;
	v3 =	vcombine.low v20, v13;
	v13 =	vld [tilespmem:$0x1FF20]  }
0x197: {  	s23 =	sor.u32 $0x32, s9;
	s22 =	sadd.s32 s4, s21;
	[dreg:$0x5] =	wrdreg s20;
	[tilespmem:$0x1FEC0] =	vst v8;
	v8 =	vsel vm0, v18, v58  }
0x198: {  	s25 =	sor.u32 $0x4B, s9;
	s3 =	sadd.s32 s6, s21;
	[dreg:$0x6] =	wrdreg s22;
	[tilespmem:$0x1FF90] =	vst v8  }
0x199: {  	s9 =	simm.s32 $0x2D8;
	s24 =	sadd.s32 s4, s23;
	[dreg:$0x7] =	wrdreg s3;
	v20 =	vsel vm0, v60, v61;
	[tilespmem:$0x1FF00] =	vst v3;
	v3 =	vsel vm0, v17, v22  }
0x19a: {  	s26 =	sadd.s32 s4, s25;
	[dreg:$0x8] =	wrdreg s24;
	s3 =	sadd.s32 s6, s23;
	[tilespmem:$0x1FFC0] =	vst v20;
	v0 =	vcombine.low v8, v3  }
0x19b: {  	[dreg:$0xa] =	wrdreg s26;
	s0 =	smax.u32 s16, $0x1;
	s20 =	simm.s32 $0xCE40;
	[tilespmem:$0x1FF80] =	vst v3;
	v13 =	vsel vm0, v14, v13  }
0x19c: {  	s24 =	simm.s32 $0x258;
	s22 =	simm.s32 $0x210;
	[dreg:$0x9] =	wrdreg s3;
	[tilespmem:$0x1FFA0] =	vst v0;
	v0 =	vcombine.low v20, v13  }
0x19d: {  	v4 =	vmov v51;
	s3 =	sadd.s32 s6, s25;
	[dreg:$0xc] =	wrdreg s0;
	s25 =	simm.s32 $0x80;
	[tilespmem:$0x1FFB0] =	vst v13  }
0x19e: {  	v12 =	vmovc v6;
	v23 =	vmovc v29;
	v5 =	vmov v54;
	s0 =	simm.s32 $0x6A40;
	[dreg:$0xb] =	wrdreg s3;
	s3 =	simm.s32 $0x190;
	v2 =	vld [tilespmem:$0x1FDE0];
	v15 =	vmov v17;
	v6 =	vmov v58;
	[tilespmem:$0x1FFD0] =	vst v0  }
.LBB2_1:
0x19f: {  	[dreg:$0xd] =	wrdreg s15  }
0x1a0: {  	s13 =	rddreg [dreg:$0x3];
	s14 =	simm.s32 $0x7  }
0x1a1: {  	[tilespmem:s20], [sflag:$0x7] =	stream.linear.gather [hbm4b:s13+s2], $0x3F00, $0x38;
	[tilespmem:$0x10D40] =	vst v63  }
0x1a2: {  	_ =	swait.ge [sflag:s14], $0x3F00  }
0x1a3: {  	[sflag:s14] =	ssyncset.done $0x0  }
0x1a4: {  	s15 =	rddreg [dreg:$0x4];
	[sflag:s14] =	ssyncadd.s32 $0xFFFFC100  }
0x1a5: {  	[tilespmem:s2], [sflag:$0x7] =	stream.linear.gather [hbm4b:s15+s2], $0xC8, $0x38;
	[tilespmem:$0x10D40] =	vst v63  }
0x1a6: {  	_ =	swait.ge [sflag:s14], $0xC8  }
0x1a7: {  	[sflag:s14] =	ssyncset.done $0x0  }
0x1a8: {  	s19 =	simm.s32 $0x320;
	s16 =	rddreg [dreg:$0x5];
	[sflag:s14] =	ssyncadd.s32 $0xFFFFFF38  }
0x1a9: {  	[tilespmem:s19], [sflag:$0x7] =	stream.linear.gather [hbm4b:s16+s2], $0xC8, $0x38;
	[tilespmem:$0x10D40] =	vst v63  }
0x1aa: {  	_ =	swait.ge [sflag:s14], $0xC8  }
0x1ab: {  	[sflag:s14] =	ssyncset.done $0x0  }
0x1ac: {  	s23 =	simm.s32 $0xC8;
	s21 =	rddreg [dreg:$0x6];
	[sflag:s14] =	ssyncadd.s32 $0xFFFFFF38  }
0x1ad: {  	[tilespmem:s23], [sflag:$0x7] =	stream.linear.gather [hbm4b:s21+s2], $0xC8, $0x38;
	[tilespmem:$0x10D40] =	vst v63  }
0x1ae: {  	_ =	swait.ge [sflag:s14], $0xC8  }
0x1af: {  	[sflag:s14] =	ssyncset.done $0x0  }
0x1b0: {  	s16 =	simm.s32 $0x3E8;
	s26 =	rddreg [dreg:$0x7];
	[sflag:s14] =	ssyncadd.s32 $0xFFFFFF38  }
0x1b1: {  	[tilespmem:s16], [sflag:$0x7] =	stream.linear.gather [hbm4b:s26+s2], $0xC8, $0x38;
	[tilespmem:$0x10D40] =	vst v63  }
0x1b2: {  	_ =	swait.ge [sflag:s14], $0xC8  }
0x1b3: {  	[sflag:s14] =	ssyncset.done $0x0  }
0x1b4: {  	s19 =	simm.s32 $0x640;
	[sflag:s14] =	ssyncadd.s32 $0xFFFFFF38  }
0x1b5: {  	[tilespmem:s19], [sflag:$0x1] =	stream.indirect.gather [hbm4b:s7+s25], $0x40, s2, s25, $0xb8;
	[tilespmem:$0x10D40] =	vst v63  }
0x1b6: {  	s21 =	simm.s32 $0x2640  }
0x1b7: {  	[tilespmem:s21], [sflag:$0x1] =	stream.indirect.gather [hbm4b:s7+s28], $0x40, s25, s28, $0xb8;
	[tilespmem:$0x10D40] =	vst v63  }
0x1b8: {  	_ = 	snop  }
0x1b9: {  	[tilespmem:s30], [sflag:$0x1] =	stream.indirect.gather [hbm4b:s7+s25], $0x40, s23, s25, $0xb8;
	[tilespmem:$0x10D40] =	vst v63  }
0x1ba: {  	s26 =	simm.s32 $0x5840;
	s23 =	simm.s32 $0x148  }
0x1bb: {  	[tilespmem:s26], [sflag:$0x1] =	stream.indirect.gather [hbm4b:s7+s28], $0x40, s23, s28, $0xb8;
	[tilespmem:$0x10D40] =	vst v63  }
0x1bc: {  	s15 =	rddreg [dreg:$0x8]  }
0x1bd: {  	[tilespmem:s3], [sflag:$0x6] =	stream.linear.gather [hbm4b:s15+s2], $0xC8, $0x38;
	[tilespmem:$0x10D40] =	vst v63  }
0x1be: {  	s16 =	rddreg [dreg:$0x9];
	s19 =	simm.s32 $0x4B0  }
0x1bf: {  	[tilespmem:s19], [sflag:$0x6] =	stream.linear.gather [hbm4b:s16+s2], $0xC8, $0x38;
	[tilespmem:$0x10D40] =	vst v63  }
0x1c0: {  	s21 =	rddreg [dreg:$0xa]  }
0x1c1: {  	[tilespmem:s24], [sflag:$0x6] =	stream.linear.gather [hbm4b:s21+s2], $0xC8, $0x38;
	[tilespmem:$0x10D40] =	vst v63  }
0x1c2: {  	s23 =	rddreg [dreg:$0xb];
	s26 =	simm.s32 $0x578;
	s16 =	simm.s32 $0x0  }
0x1c3: {  	[tilespmem:s26], [sflag:$0x6] =	stream.linear.gather [hbm4b:s23+s2], $0xC8, $0x38;
	[tilespmem:$0x10D40] =	vst v63  }
.LBB2_2:
0x1c4: {  	_ =	swait.ge [sflag:s31], $0xC8  }
0x1c5: {  	[sflag:s31] =	ssyncset.done $0x0  }
0x1c6: {  	[sflag:s31] =	ssyncadd.s32 $0xFFFFFF38  }
0x1c7: {  	_ =	swait.ge [sflag:s31], $0xC8  }
0x1c8: {  	[sflag:s31] =	ssyncset.done $0x0  }
0x1c9: {  	[sflag:s31] =	ssyncadd.s32 $0xFFFFFF38  }
0x1ca: {  	_ =	swait.ge [sflag:s31], $0xC8  }
0x1cb: {  	[sflag:s31] =	ssyncset.done $0x0  }
0x1cc: {  	[sflag:s31] =	ssyncadd.s32 $0xFFFFFF38  }
0x1cd: {  	_ =	swait.ge [sflag:s31], $0xC8  }
0x1ce: {  	p0 =	seq.s32 s16, $0x0;
	[sflag:s31] =	ssyncset.done $0x0  }
0x1cf: {  	s13 =	simm.s32 @!p0 $0x4;
	[sflag:s31] =	ssyncadd.s32 $0xFFFFFF38  }
0x1d0: {  	_ =	swait.ge @!p0 [sflag:s13], $0x3200  }
0x1d1: {  	[sflag:s13] =	ssyncset.done @!p0 $0x0  }
0x1d2: {  	[sflag:s13] =	ssyncadd.s32 @!p0 $0xFFFFCE00  }
0x1d3: {  	_ =	swait.ge @!p0 [sflag:s13], $0x3200  }
0x1d4: {  	[sflag:s13] =	ssyncset.done @!p0 $0x0  }
0x1d5: {  	[sflag:s13] =	ssyncadd.s32 @!p0 $0xFFFFCE00  }
0x1d6: {  	[tilespmem:s0], [sflag:$0x2] =	stream.indirect.gather [hbm4b:s7+s25], $0x40, s3, s25, $0xb8;
	[tilespmem:$0x10D40] =	vst v63  }
0x1d7: {  	_ = 	snop  }
0x1d8: {  	[tilespmem:s29], [sflag:$0x2] =	stream.indirect.gather [hbm4b:s7+s28], $0x40, s22, s28, $0xb8;
	[tilespmem:$0x10D40] =	vst v63  }
0x1d9: {  	_ = 	snop  }
0x1da: {  	[tilespmem:s8], [sflag:$0x2] =	stream.indirect.gather [hbm4b:s7+s25], $0x40, s24, s25, $0xb8;
	[tilespmem:$0x10D40] =	vst v63  }
0x1db: {  	_ = 	snop  }
0x1dc: {  	[tilespmem:s10], [sflag:$0x2] =	stream.indirect.gather [hbm4b:s7+s28], $0x40, s9, s28, $0xb8;
	[tilespmem:$0x10D40] =	vst v63  }
0x1dd: {  	_ =	swait.ge [sflag:s11], $0x6400  }
0x1de: {  	s23 =	sshll.u32 s16, $0x2;
	[sflag:s11] =	ssyncset.done $0x0;
	v26 =	vld [tilespmem:$0x1F740]  }
0x1df: {  	s19 =	simm.s32 $0x0;
	s13 =	simm.s32 $0x640;
	v24 =	vld [tilespmem:$0x1FF60];
	[sflag:s11] =	ssyncadd.s32 $0xFFFF9C00  }
.LBB2_3:
0x1e0: {  	s14 =	sshra.s32 s19, $0x2  }
0x1e1: {  	v0 =	vld [tilespmem:s14+$0x320];
	_ =	sdelay $0x4  }
0x1e2: {  	v57 =	vshll.u32 v0, $0x6  }
0x1e3: {  	v0 =	vor.u32 v1, v57  }
0x1e4: {  	v1 =	vld [tilespmem:$0x1FE00];
	_ =	sdelay $0x3  }
0x1e5: {  	v0 =	vld.idx.msk [tilespmem:v0+s20+$0x0], $0xffff  }
0x1e6: {  	v1 =	vor.u32 v1, v57;
	_ =	sdelay $0x3  }
0x1e7: {  	[tilespmem:v24+s13+$0x0] =	vst.idx.add.f32.msk $0xffff, v0  }
0x1e8: {  	v0 =	vld.idx.msk [tilespmem:v1+s20+$0x0], $0xffff  }
0x1e9: {  	v1 =	vld [tilespmem:$0x1FE20]  }
0x1ea: {  	v13 =	vld [tilespmem:$0x1FE10];
	_ =	sdelay $0x3  }
0x1eb: {  	v1 =	vor.u32 v1, v57;
	_ =	sdelay $0x3  }
0x1ec: {  	[tilespmem:v13+s13+$0x0] =	vst.idx.add.f32.msk $0xffff, v0  }
0x1ed: {  	v0 =	vld.idx.msk [tilespmem:v1+s20+$0x0], $0xffff  }
0x1ee: {  	v1 =	vld [tilespmem:$0x1FE40]  }
0x1ef: {  	v13 =	vld [tilespmem:$0x1FE30];
	_ =	sdelay $0x3  }
0x1f0: {  	v1 =	vor.u32 v1, v57  }
0x1f1: {  	v3 =	vld [tilespmem:$0x1F6C0];
	_ =	sdelay $0x2  }
0x1f2: {  	[tilespmem:v13+s13+$0x0] =	vst.idx.add.f32.msk $0xffff, v0  }
0x1f3: {  	v0 =	vld.idx.msk [tilespmem:v1+s20+$0x0], $0xffff  }
0x1f4: {  	v1 =	vor.u32 v3, v57;
	v3 =	vld [tilespmem:$0x1FF70];
	_ =	sdelay $0x7  }
0x1f5: {  	[tilespmem:v3+s13+$0x0] =	vst.idx.add.f32.msk $0xffff, v0  }
0x1f6: {  	v0 =	vld.idx.msk [tilespmem:v1+s20+$0x0], $0xffff  }
0x1f7: {  	v1 =	vld [tilespmem:$0x1FE70]  }
0x1f8: {  	v8 =	vld [tilespmem:$0x1F6D0];
	_ =	sdelay $0x3  }
0x1f9: {  	v1 =	vor.u32 v1, v57;
	_ =	sdelay $0x3  }
0x1fa: {  	[tilespmem:v8+s13+$0x0] =	vst.idx.add.f32.msk $0xffff, v0  }
0x1fb: {  	v0 =	vld.idx.msk [tilespmem:v1+s20+$0x0], $0xffff  }
0x1fc: {  	v1 =	vld [tilespmem:$0x1FEA0];
	_ =	sdelay $0x4  }
0x1fd: {  	v1 =	vor.u32 v1, v57;
	_ =	sdelay $0x3  }
0x1fe: {  	[tilespmem:v7+s13+$0x0] =	vst.idx.add.f32.msk $0xffff, v0  }
0x1ff: {  	v0 =	vld.idx.msk [tilespmem:v1+s20+$0x0], $0xffff  }
0x200: {  	v1 =	vld [tilespmem:$0x1FED0];
	_ =	sdelay $0x4  }
0x201: {  	v1 =	vor.u32 v1, v57;
	_ =	sdelay $0x3  }
0x202: {  	[tilespmem:v62+s13+$0x0] =	vst.idx.add.f32.msk $0xffff, v0  }
0x203: {  	v0 =	vld.idx.msk [tilespmem:v1+s20+$0x0], $0xffff  }
0x204: {  	v1 =	vor.u32 v9, v57;
	_ =	sdelay $0x3  }
0x205: {  	[tilespmem:v19+s13+$0x0] =	vst.idx.add.f32.msk $0xffff, v0  }
0x206: {  	v0 =	vld.idx.msk [tilespmem:v1+s20+$0x0], $0xffff  }
0x207: {  	v1 =	vld [tilespmem:$0x1FF00];
	_ =	sdelay $0x4  }
0x208: {  	v1 =	vor.u32 v1, v57;
	_ =	sdelay $0x3  }
0x209: {  	[tilespmem:v36+s13+$0x0] =	vst.idx.add.f32.msk $0xffff, v0  }
0x20a: {  	v0 =	vld.idx.msk [tilespmem:v1+s20+$0x0], $0xffff  }
0x20b: {  	v1 =	vld [tilespmem:$0x1FFA0];
	_ =	sdelay $0x4  }
0x20c: {  	v1 =	vor.u32 v1, v57;
	_ =	sdelay $0x3  }
0x20d: {  	[tilespmem:v2+s13+$0x0] =	vst.idx.add.f32.msk $0xffff, v0  }
0x20e: {  	v0 =	vld.idx.msk [tilespmem:v1+s20+$0x0], $0xffff  }
0x20f: {  	v1 =	vld [tilespmem:$0x1FFD0];
	_ =	sdelay $0x2  }
0x210: {  	v3 =	vld [tilespmem:$0x1F720]  }
0x211: {  	v2 =	vld [tilespmem:$0x1F730]  }
0x212: {  	v1 =	vor.u32 v1, v57;
	_ =	sdelay $0x2  }
0x213: {  	v20 =	vld [tilespmem:$0x1F760]  }
0x214: {  	v2 =	vcombine.low v2, v3;
	[tilespmem:v31+s13+$0x0] =	vst.idx.add.f32.msk $0xffff, v0  }
0x215: {  	v0 =	vld.idx.msk [tilespmem:v1+s20+$0x0], $0xffff  }
0x216: {  	v1 =	vand.u32 $0xF, v2;
	v2 =	vld [tilespmem:$0x1F710]  }
0x217: {  	v21 =	vld [tilespmem:$0x1FC10]  }
0x218: {  	v22 =	vld [tilespmem:$0x1FC20]  }
0x219: {  	v13 =	vld [tilespmem:$0x1F750]  }
0x21a: {  	v27 =	vld [tilespmem:$0x1FC30];
	[tilespmem:$0x1F560] =	vst v1;
	v1 =	vor.u32 v1, v57  }
0x21b: {  	v28 =	vld [tilespmem:$0x1FC40]  }
0x21c: {  	v29 =	vld [tilespmem:$0x1FC50]  }
0x21d: {  	v33 =	vld [tilespmem:$0x1FC60]  }
0x21e: {  	v43 =	vsel vm0, v22, v21;
	v42 =	vsel vm0, v20, v13;
	[tilespmem:v2+s13+$0x0] =	vst.idx.add.f32.msk $0xffff, v0  }
0x21f: {  	v2 =	vcombine.low v43, v42;
	v0 =	vld.idx.msk [tilespmem:v1+s20+$0x0], $0xffff;
	_ =	sdelay $0x1  }
0x220: {  	v38 =	vld [tilespmem:$0x1FC70];
	v1 =	vor.u32 v2, v57  }
0x221: {  	v39 =	vld [tilespmem:$0x1FC90]  }
0x222: {  	v40 =	vld [tilespmem:$0x1FCA0]  }
0x223: {  	v44 =	vsel vm0, v28, v27;
	v45 =	vsel vm0, v33, v29;
	[tilespmem:v26+s13+$0x0] =	vst.idx.add.f32.msk $0xffff, v0  }
0x224: {  	[tilespmem:$0x1F570] =	vst v2;
	v2 =	vcombine.low v45, v44;
	v26 =	vld [tilespmem:$0x1FC80]  }
0x225: {  	v0 =	vld.idx.msk [tilespmem:v1+s20+$0x0], $0xffff  }
0x226: {  	v1 =	vor.u32 v2, v57;
	_ =	sdelay $0x2  }
0x227: {  	v47 =	vsel vm0, v40, v39;
	v3 =	vld [tilespmem:$0x1FCB0];
	[tilespmem:$0x1F580] =	vst v2;
	v46 =	vsel vm0, v26, v38  }
0x228: {  	[tilespmem:v35+s13+$0x0] =	vst.idx.add.f32.msk $0xffff, v0;
	v2 =	vcombine.low v47, v46  }
0x229: {  	v0 =	vld.idx.msk [tilespmem:v1+s20+$0x0], $0xffff  }
0x22a: {  	[tilespmem:$0x1F590] =	vst v2;
	v1 =	vor.u32 v2, v57;
	v2 =	vld [tilespmem:$0x1FCC0];
	_ =	sdelay $0x4  }
0x22b: {  	v2 =	vcombine.low v2, v3;
	v3 =	vld [tilespmem:$0x1F770];
	_ =	sdelay $0x5  }
0x22c: {  	v41 =	vld [tilespmem:$0x1FCD0]  }
0x22d: {  	v14 =	vld [tilespmem:$0x1FCE0]  }
0x22e: {  	[tilespmem:v3+s13+$0x0] =	vst.idx.add.f32.msk $0xffff, v0  }
0x22f: {  	v0 =	vld.idx.msk [tilespmem:v1+s20+$0x0], $0xffff  }
0x230: {  	v1 =	vand.u32 $0xF, v2;
	v2 =	vld [tilespmem:$0x1F780]  }
0x231: {  	v18 =	vld [tilespmem:$0x1FCF0]  }
0x232: {  	v11 =	vmov v15;
	v15 =	vld [tilespmem:$0x1FD00];
	_ =	sdelay $0x1  }
0x233: {  	[tilespmem:$0x1F5A0] =	vst v1;
	v1 =	vor.u32 v1, v57;
	_ =	sdelay $0x1  }
0x234: {  	v32 =	vld [tilespmem:$0x1FD20]  }
0x235: {  	v34 =	vld [tilespmem:$0x1FD30];
	v48 =	vsel vm0, v14, v41;
	v49 =	vsel vm0, v15, v18  }
0x236: {  	[tilespmem:v2+s13+$0x0] =	vst.idx.add.f32.msk $0xffff, v0;
	v2 =	vcombine.low v49, v48  }
0x237: {  	v0 =	vld.idx.msk [tilespmem:v1+s20+$0x0], $0xffff  }
0x238: {  	[tilespmem:$0x1F5B0] =	vst v2;
	v1 =	vor.u32 v2, v57;
	v2 =	vld [tilespmem:$0x1F790]  }
0x239: {  	v59 =	vmov v23;
	v23 =	vld [tilespmem:$0x1FD40]  }
0x23a: {  	v31 =	vld [tilespmem:$0x1FD10];
	_ =	sdelay $0x3  }
0x23b: {  	v37 =	vld [tilespmem:$0x1FD50]  }
0x23c: {  	v17 =	vld [tilespmem:$0x1FD60];
	v51 =	vsel vm0, v23, v34;
	v50 =	vsel vm0, v32, v31  }
0x23d: {  	[tilespmem:v2+s13+$0x0] =	vst.idx.add.f32.msk $0xffff, v0;
	v2 =	vcombine.low v51, v50  }
0x23e: {  	v0 =	vld.idx.msk [tilespmem:v1+s20+$0x0], $0xffff  }
0x23f: {  	[tilespmem:$0x1F5C0] =	vst v2;
	v1 =	vor.u32 v2, v57;
	v2 =	vld [tilespmem:$0x1F7A0]  }
0x240: {  	v25 =	vld [tilespmem:$0x1FD80]  }
0x241: {  	v19 =	vld [tilespmem:$0x1FD70];
	_ =	sdelay $0x4  }
0x242: {  	v52 =	vsel vm0, v17, v37;
	v53 =	vsel vm0, v25, v19;
	v3 =	vld [tilespmem:$0x1FD90]  }
0x243: {  	[tilespmem:v2+s13+$0x0] =	vst.idx.add.f32.msk $0xffff, v0;
	v2 =	vcombine.low v53, v52  }
0x244: {  	v0 =	vld.idx.msk [tilespmem:v1+s20+$0x0], $0xffff  }
0x245: {  	[tilespmem:$0x1F5D0] =	vst v2;
	v1 =	vor.u32 v2, v57;
	v2 =	vld [tilespmem:$0x1FDA0];
	_ =	sdelay $0x4  }
0x246: {  	v2 =	vcombine.low v2, v3;
	v3 =	vld [tilespmem:$0x1F7C0];
	_ =	sdelay $0x7  }
0x247: {  	[tilespmem:v3+s13+$0x0] =	vst.idx.add.f32.msk $0xffff, v0  }
0x248: {  	v0 =	vld.idx.msk [tilespmem:v1+s20+$0x0], $0xffff  }
0x249: {  	v1 =	vand.u32 $0xF, v2;
	v2 =	vld [tilespmem:$0x1F7F0];
	_ =	sdelay $0x3  }
0x24a: {  	v30 =	vld [tilespmem:$0x1F7B0]  }
0x24b: {  	v54 =	vsel vm0, v2, v4;
	v2 =	vld [tilespmem:$0x1F810];
	_ =	sdelay $0x4  }
0x24c: {  	v55 =	vsel vm0, v30, v2;
	v2 =	vld [tilespmem:$0x1F7E0];
	_ =	sdelay $0x3  }
0x24d: {  	[tilespmem:$0x1F5E0] =	vst v1;
	v1 =	vor.u32 v1, v57;
	_ =	sdelay $0x2  }
0x24e: {  	v3 =	vld [tilespmem:$0x1F880]  }
0x24f: {  	[tilespmem:v2+s13+$0x0] =	vst.idx.add.f32.msk $0xffff, v0;
	v2 =	vcombine.low v55, v54  }
0x250: {  	v0 =	vld.idx.msk [tilespmem:v1+s20+$0x0], $0xffff  }
0x251: {  	[tilespmem:$0x1F5F0] =	vst v2;
	v1 =	vor.u32 v2, v57;
	v2 =	vld [tilespmem:$0x1F8A0];
	_ =	sdelay $0x4  }
0x252: {  	v56 =	vsel vm0, v2, v3;
	v2 =	vld [tilespmem:$0x1F8D0]  }
0x253: {  	v3 =	vld [tilespmem:$0x1F860];
	_ =	sdelay $0x4  }
0x254: {  	v58 =	vsel vm0, v3, v2;
	v2 =	vld [tilespmem:$0x1F800];
	_ =	sdelay $0x7  }
0x255: {  	[tilespmem:v2+s13+$0x0] =	vst.idx.add.f32.msk $0xffff, v0;
	v2 =	vcombine.low v58, v56  }
0x256: {  	v0 =	vld.idx.msk [tilespmem:v1+s20+$0x0], $0xffff  }
0x257: {  	[tilespmem:$0x1F600] =	vst v2;
	v1 =	vor.u32 v2, v57;
	v2 =	vld [tilespmem:$0x1F820];
	_ =	sdelay $0x5  }
0x258: {  	v3 =	vld [tilespmem:$0x1F830]  }
0x259: {  	v60 =	vsel vm0, v63, v5;
	v59 =	vsel vm0, v59, v12;
	v36 =	vld [tilespmem:$0x1FDC0]  }
0x25a: {  	[tilespmem:v2+s13+$0x0] =	vst.idx.add.f32.msk $0xffff, v0;
	v2 =	vcombine.low v60, v59  }
0x25b: {  	v0 =	vld.idx.msk [tilespmem:v1+s20+$0x0], $0xffff  }
0x25c: {  	[tilespmem:$0x1F610] =	vst v2;
	v1 =	vor.u32 v2, v57;
	v2 =	vld [tilespmem:$0x1FDB0];
	_ =	sdelay $0x3  }
0x25d: {  	[tilespmem:v3+s13+$0x0] =	vst.idx.add.f32.msk $0xffff, v0  }
0x25e: {  	v3 =	vld [tilespmem:$0x1FA80];
	v2 =	vcombine.low v36, v2  }
0x25f: {  	v0 =	vld.idx.msk [tilespmem:v1+s20+$0x0], $0xffff  }
0x260: {  	v1 =	vand.u32 $0xF, v2;
	v2 =	vld [tilespmem:$0x1F950];
	_ =	sdelay $0x4  }
0x261: {  	v61 =	vsel vm0, v3, v2;
	v2 =	vld [tilespmem:$0x1F920]  }
0x262: {  	v3 =	vld [tilespmem:$0x1FA30];
	_ =	sdelay $0x4  }
0x263: {  	v62 =	vsel vm0, v2, v3;
	v2 =	vld [tilespmem:$0x1F850];
	_ =	sdelay $0x7  }
0x264: {  	[tilespmem:v2+s13+$0x0] =	vst.idx.add.f32.msk $0xffff, v0;
	v0 =	vcombine.low v62, v61  }
0x265: {  	v3 =	vld [tilespmem:$0x1FAA0]  }
0x266: {  	[tilespmem:$0x1F630] =	vst v0;
	v2 =	vor.u32 v0, v57;
	v0 =	vld [tilespmem:$0x1FF10];
	_ =	sdelay $0x2  }
0x267: {  	[tilespmem:$0x1F620] =	vst v1;
	v1 =	vor.u32 v1, v57;
	_ =	sdelay $0x1  }
0x268: {  	v0 =	vsel vm0, v3, v0;
	v3 =	vld [tilespmem:$0x1F870];
	_ =	sdelay $0x2  }
0x269: {  	v1 =	vld.idx.msk [tilespmem:v1+s20+$0x0], $0xffff;
	_ =	sdelay $0x3  }
0x26a: {  	v63 =	vsel vm0, v6, v11  }
0x26b: {  	[tilespmem:v3+s13+$0x0] =	vst.idx.add.f32.msk $0xffff, v1;
	v1 =	vcombine.low v0, v63  }
0x26c: {  	v4 =	vld [tilespmem:$0x1FF40]  }
0x26d: {  	[tilespmem:$0x1F640] =	vst v1;
	v3 =	vor.u32 v1, v57;
	v1 =	vld [tilespmem:$0x1FF30];
	_ =	sdelay $0x3  }
0x26e: {  	v5 =	vld [tilespmem:$0x1FF50]  }
0x26f: {  	v1 =	vsel vm0, v4, v1;
	v4 =	vld [tilespmem:$0x1FF20];
	_ =	sdelay $0x4  }
0x270: {  	v4 =	vsel vm0, v4, v5;
	v5 =	vld [tilespmem:$0x1F890];
	_ =	sdelay $0x2  }
0x271: {  	v2 =	vld.idx.msk [tilespmem:v2+s20+$0x0], $0xffff;
	_ =	sdelay $0x2  }
0x272: {  	v8 =	vld [tilespmem:$0x1F8B0];
	_ =	sdelay $0x1  }
0x273: {  	[tilespmem:v5+s13+$0x0] =	vst.idx.add.f32.msk $0xffff, v2  }
0x274: {  	v2 =	vld.idx.msk [tilespmem:v3+s20+$0x0], $0xffff  }
0x275: {  	v35 =	vld [tilespmem:$0x1FDD0]  }
0x276: {  	v30 =	vld [tilespmem:$0x1FDF0];
	v5 =	vcombine.low v4, v1;
	_ =	sdelay $0x1  }
0x277: {  	v3 =	vor.u32 v5, v57  }
0x278: {  	[tilespmem:v8+s13+$0x0] =	vst.idx.add.f32.msk $0xffff, v2  }
0x279: {  	v8 =	vld [tilespmem:$0x1F8C0]  }
0x27a: {  	[tilespmem:$0x1F650] =	vst v5;
	v5 =	vcombine.low v30, v35;
	_ =	sdelay $0x1  }
0x27b: {  	v2 =	vld.idx.msk [tilespmem:v3+s20+$0x0], $0xffff;
	v3 =	vand.u32 $0xF, v5  }
0x27c: {  	[tilespmem:$0x1F660] =	vst v3;
	v3 =	vor.u32 v3, v57;
	_ =	sdelay $0x2  }
0x27d: {  	v6 =	vsel vm0, v13, v22;
	v5 =	vsel vm0, v21, v20  }
0x27e: {  	[tilespmem:v8+s13+$0x0] =	vst.idx.add.f32.msk $0xffff, v2;
	v8 =	vcombine.low v6, v5  }
0x27f: {  	v2 =	vld.idx.msk [tilespmem:v3+s20+$0x0], $0xffff  }
0x280: {  	[tilespmem:$0x1F670] =	vst v8;
	v3 =	vor.u32 v8, v57;
	v8 =	vld [tilespmem:$0x1F8E0];
	_ =	sdelay $0x5  }
0x281: {  	v12 =	vld [tilespmem:$0x1F910];
	_ =	sdelay $0x1  }
0x282: {  	[tilespmem:v8+s13+$0x0] =	vst.idx.add.f32.msk $0xffff, v2  }
0x283: {  	v3 =	vld.idx.msk [tilespmem:v3+s20+$0x0], $0xffff  }
0x284: {  	v16 =	vmov v7;
	v7 =	vsel vm0, v29, v28;
	v9 =	vsel vm0, v27, v33  }
0x285: {  	v2 =	vcombine.low v9, v7;
	_ =	sdelay $0x1  }
0x286: {  	v8 =	vor.u32 v2, v57  }
0x287: {  	[tilespmem:v12+s13+$0x0] =	vst.idx.add.f32.msk $0xffff, v3  }
0x288: {  	v12 =	vld [tilespmem:$0x1F940];
	_ =	sdelay $0x2  }
0x289: {  	v8 =	vld.idx.msk [tilespmem:v8+s20+$0x0], $0xffff  }
0x28a: {  	v11 =	vsel vm0, v38, v40;
	v10 =	vsel vm0, v39, v26  }
0x28b: {  	[tilespmem:$0x1F680] =	vst v2;
	v2 =	vcombine.low v11, v10;
	_ =	sdelay $0x1  }
0x28c: {  	v13 =	vor.u32 v2, v57  }
0x28d: {  	[tilespmem:v12+s13+$0x0] =	vst.idx.add.f32.msk $0xffff, v8  }
0x28e: {  	v12 =	vld [tilespmem:$0x1F970];
	_ =	sdelay $0x1  }
0x28f: {  	v3 =	vld [tilespmem:$0x1F700]  }
0x290: {  	v8 =	vld.idx.msk [tilespmem:v13+s20+$0x0], $0xffff;
	_ =	sdelay $0x3  }
0x291: {  	v13 =	vor.u32 v3, v57  }
0x292: {  	[tilespmem:v12+s13+$0x0] =	vst.idx.add.f32.msk $0xffff, v8  }
0x293: {  	v12 =	vld [tilespmem:$0x1F990];
	_ =	sdelay $0x2  }
0x294: {  	v13 =	vld.idx.msk [tilespmem:v13+s20+$0x0], $0xffff  }
0x295: {  	v20 =	vsel vm0, v18, v14;
	v21 =	vsel vm0, v41, v15  }
0x296: {  	v29 =	vcombine.low v21, v20;
	_ =	sdelay $0x1  }
0x297: {  	v20 =	vor.u32 v29, v57  }
0x298: {  	[tilespmem:v12+s13+$0x0] =	vst.idx.add.f32.msk $0xffff, v13  }
0x299: {  	v12 =	vld [tilespmem:$0x1F9B0];
	_ =	sdelay $0x2  }
0x29a: {  	v20 =	vld.idx.msk [tilespmem:v20+s20+$0x0], $0xffff  }
0x29b: {  	v22 =	vsel vm0, v31, v23;
	v21 =	vsel vm0, v34, v32  }
0x29c: {  	v13 =	vcombine.low v22, v21;
	_ =	sdelay $0x1  }
0x29d: {  	v21 =	vor.u32 v13, v57  }
0x29e: {  	[tilespmem:v12+s13+$0x0] =	vst.idx.add.f32.msk $0xffff, v20  }
0x29f: {  	v12 =	vld [tilespmem:$0x1F9C0];
	_ =	sdelay $0x2  }
0x2a0: {  	v21 =	vld.idx.msk [tilespmem:v21+s20+$0x0], $0xffff  }
0x2a1: {  	v27 =	vsel vm0, v37, v25;
	v22 =	vsel vm0, v19, v17  }
0x2a2: {  	v20 =	vcombine.low v27, v22  }
0x2a3: {  	v3 =	vld [tilespmem:$0x1F6A0]  }
0x2a4: {  	v8 =	vld [tilespmem:$0x1F6B0];
	v22 =	vor.u32 v20, v57  }
0x2a5: {  	[tilespmem:v12+s13+$0x0] =	vst.idx.add.f32.msk $0xffff, v21  }
0x2a6: {  	v12 =	vld [tilespmem:$0x1F9D0];
	_ =	sdelay $0x2  }
0x2a7: {  	v22 =	vld.idx.msk [tilespmem:v22+s20+$0x0], $0xffff  }
0x2a8: {  	v27 =	vcombine.low v3, v8;
	_ =	sdelay $0x1  }
0x2a9: {  	[tilespmem:$0x1F690] =	vst v2;
	v2 =	vld [tilespmem:$0x1FE50];
	v21 =	vand.u32 $0xF, v27  }
0x2aa: {  	v3 =	vld [tilespmem:$0x1FE60];
	v27 =	vor.u32 v21, v57  }
0x2ab: {  	[tilespmem:v12+s13+$0x0] =	vst.idx.add.f32.msk $0xffff, v22  }
0x2ac: {  	v12 =	vld [tilespmem:$0x1F9E0];
	_ =	sdelay $0x2  }
0x2ad: {  	v27 =	vld.idx.msk [tilespmem:v27+s20+$0x0], $0xffff;
	_ =	sdelay $0x1  }
0x2ae: {  	v22 =	vcombine.low v2, v3  }
0x2af: {  	v2 =	vld [tilespmem:$0x1FE80]  }
0x2b0: {  	v3 =	vld [tilespmem:$0x1FE90];
	v28 =	vor.u32 v22, v57  }
0x2b1: {  	[tilespmem:v12+s13+$0x0] =	vst.idx.add.f32.msk $0xffff, v27  }
0x2b2: {  	v12 =	vld [tilespmem:$0x1FA00];
	_ =	sdelay $0x2  }
0x2b3: {  	v28 =	vld.idx.msk [tilespmem:v28+s20+$0x0], $0xffff;
	_ =	sdelay $0x1  }
0x2b4: {  	v27 =	vcombine.low v2, v3  }
0x2b5: {  	v2 =	vld [tilespmem:$0x1FEB0]  }
0x2b6: {  	v3 =	vld [tilespmem:$0x1FEC0];
	v41 =	vor.u32 v27, v57  }
0x2b7: {  	[tilespmem:v12+s13+$0x0] =	vst.idx.add.f32.msk $0xffff, v28  }
0x2b8: {  	v12 =	vld [tilespmem:$0x1FA20];
	_ =	sdelay $0x2  }
0x2b9: {  	v33 =	vld.idx.msk [tilespmem:v41+s20+$0x0], $0xffff;
	_ =	sdelay $0x1  }
0x2ba: {  	v28 =	vcombine.low v2, v3  }
0x2bb: {  	v8 =	vld [tilespmem:$0x1F6F0]  }
0x2bc: {  	v3 =	vld [tilespmem:$0x1F6E0];
	v34 =	vor.u32 v28, v57  }
0x2bd: {  	[tilespmem:v12+s13+$0x0] =	vst.idx.add.f32.msk $0xffff, v33  }
0x2be: {  	v12 =	vld [tilespmem:$0x1FA40];
	_ =	sdelay $0x2  }
0x2bf: {  	v38 =	vld.idx.msk [tilespmem:v34+s20+$0x0], $0xffff  }
0x2c0: {  	v32 =	vcombine.low v3, v8;
	_ =	sdelay $0x1  }
0x2c1: {  	v2 =	vld [tilespmem:$0x1FEE0];
	v33 =	vand.u32 $0xF, v32  }
0x2c2: {  	v3 =	vld [tilespmem:$0x1FEF0];
	v39 =	vor.u32 v33, v57  }
0x2c3: {  	[tilespmem:v12+s13+$0x0] =	vst.idx.add.f32.msk $0xffff, v38  }
0x2c4: {  	v12 =	vld [tilespmem:$0x1FA50];
	_ =	sdelay $0x2  }
0x2c5: {  	v39 =	vld.idx.msk [tilespmem:v39+s20+$0x0], $0xffff;
	_ =	sdelay $0x1  }
0x2c6: {  	v38 =	vcombine.low v2, v3;
	v2 =	vld [tilespmem:$0x1FF80]  }
0x2c7: {  	v3 =	vld [tilespmem:$0x1FF90]  }
0x2c8: {  	v34 =	vor.u32 v38, v57  }
0x2c9: {  	[tilespmem:v12+s13+$0x0] =	vst.idx.add.f32.msk $0xffff, v39  }
0x2ca: {  	v12 =	vld [tilespmem:$0x1FA60];
	_ =	sdelay $0x1  }
0x2cb: {  	v39 =	vcombine.low v2, v3;
	v2 =	vld [tilespmem:$0x1FFB0]  }
0x2cc: {  	v40 =	vld.idx.msk [tilespmem:v34+s20+$0x0], $0xffff  }
0x2cd: {  	v3 =	vld [tilespmem:$0x1FFC0];
	_ =	sdelay $0x3  }
0x2ce: {  	[tilespmem:v12+s13+$0x0] =	vst.idx.add.f32.msk $0xffff, v40  }
0x2cf: {  	v40 =	vcombine.low v2, v3;
	v2 =	vld [tilespmem:$0x1F730]  }
0x2d0: {  	v3 =	vld [tilespmem:$0x1F720];
	_ =	sdelay $0x2  }
0x2d1: {  	v32 =	vor.u32 v39, v57;
	_ =	sdelay $0x1  }
0x2d2: {  	v14 =	vcombine.low v3, v2;
	v3 =	vld [tilespmem:$0x1FA70];
	_ =	sdelay $0x2  }
0x2d3: {  	v41 =	vld.idx.msk [tilespmem:v32+s20+$0x0], $0xffff;
	_ =	sdelay $0x3  }
0x2d4: {  	v12 =	vor.u32 v40, v57  }
0x2d5: {  	[tilespmem:v3+s13+$0x0] =	vst.idx.add.f32.msk $0xffff, v41  }
0x2d6: {  	v3 =	vld [tilespmem:$0x1FA90];
	_ =	sdelay $0x2  }
0x2d7: {  	v41 =	vand.u32 $0xF, v14;
	v12 =	vld.idx.msk [tilespmem:v12+s20+$0x0], $0xffff  }
0x2d8: {  	v14 =	vor.u32 v41, v57;
	_ =	sdelay $0x1  }
0x2d9: {  	v34 =	vld [tilespmem:$0x1FAB0];
	_ =	sdelay $0x1  }
0x2da: {  	v42 =	vcombine.low v42, v43;
	[tilespmem:v3+s13+$0x0] =	vst.idx.add.f32.msk $0xffff, v12  }
0x2db: {  	v12 =	vld.idx.msk [tilespmem:v14+s20+$0x0], $0xffff  }
0x2dc: {  	v14 =	vor.u32 v42, v57;
	_ =	sdelay $0x1  }
0x2dd: {  	v37 =	vld [tilespmem:$0x1FAC0];
	_ =	sdelay $0x1  }
0x2de: {  	v43 =	vcombine.low v44, v45;
	[tilespmem:v34+s13+$0x0] =	vst.idx.add.f32.msk $0xffff, v12  }
0x2df: {  	v12 =	vld.idx.msk [tilespmem:v14+s20+$0x0], $0xffff  }
0x2e0: {  	v14 =	vor.u32 v43, v57  }
0x2e1: {  	v15 =	vld [tilespmem:$0x1FCB0]  }
0x2e2: {  	v34 =	vld [tilespmem:$0x1FAD0]  }
0x2e3: {  	v2 =	vld [tilespmem:$0x1FCC0]  }
0x2e4: {  	v44 =	vcombine.low v46, v47;
	[tilespmem:v37+s13+$0x0] =	vst.idx.add.f32.msk $0xffff, v12  }
0x2e5: {  	v12 =	vld.idx.msk [tilespmem:v14+s20+$0x0], $0xffff  }
0x2e6: {  	v14 =	vor.u32 v44, v57;
	_ =	sdelay $0x1  }
0x2e7: {  	v37 =	vld [tilespmem:$0x1FAE0]  }
0x2e8: {  	v32 =	vcombine.low v15, v2  }
0x2e9: {  	[tilespmem:v34+s13+$0x0] =	vst.idx.add.f32.msk $0xffff, v12  }
0x2ea: {  	v45 =	vand.u32 $0xF, v32;
	v12 =	vld.idx.msk [tilespmem:v14+s20+$0x0], $0xffff  }
0x2eb: {  	v14 =	vor.u32 v45, v57;
	_ =	sdelay $0x1  }
0x2ec: {  	v32 =	vld [tilespmem:$0x1FB00];
	_ =	sdelay $0x1  }
0x2ed: {  	v46 =	vcombine.low v48, v49;
	[tilespmem:v37+s13+$0x0] =	vst.idx.add.f32.msk $0xffff, v12  }
0x2ee: {  	v12 =	vld.idx.msk [tilespmem:v14+s20+$0x0], $0xffff  }
0x2ef: {  	v14 =	vor.u32 v46, v57;
	_ =	sdelay $0x1  }
0x2f0: {  	v34 =	vld [tilespmem:$0x1FB10];
	_ =	sdelay $0x1  }
0x2f1: {  	v47 =	vcombine.low v50, v51;
	[tilespmem:v32+s13+$0x0] =	vst.idx.add.f32.msk $0xffff, v12  }
0x2f2: {  	v12 =	vld.idx.msk [tilespmem:v14+s20+$0x0], $0xffff  }
0x2f3: {  	v14 =	vor.u32 v47, v57  }
0x2f4: {  	v48 =	vcombine.low v52, v53;
	v52 =	vld [tilespmem:$0x1FB20]  }
0x2f5: {  	v2 =	vld [tilespmem:$0x1FDA0]  }
0x2f6: {  	v15 =	vld [tilespmem:$0x1FD90]  }
0x2f7: {  	[tilespmem:v34+s13+$0x0] =	vst.idx.add.f32.msk $0xffff, v12  }
0x2f8: {  	v12 =	vld.idx.msk [tilespmem:v14+s20+$0x0], $0xffff  }
0x2f9: {  	v14 =	vor.u32 v48, v57;
	_ =	sdelay $0x1  }
0x2fa: {  	v53 =	vld [tilespmem:$0x1FB40]  }
0x2fb: {  	v37 =	vcombine.low v15, v2  }
0x2fc: {  	[tilespmem:v52+s13+$0x0] =	vst.idx.add.f32.msk $0xffff, v12  }
0x2fd: {  	v49 =	vand.u32 $0xF, v37;
	v12 =	vld.idx.msk [tilespmem:v14+s20+$0x0], $0xffff  }
0x2fe: {  	v14 =	vor.u32 v49, v57;
	_ =	sdelay $0x1  }
0x2ff: {  	v50 =	vcombine.low v54, v55;
	v55 =	vld [tilespmem:$0x1FB50];
	_ =	sdelay $0x1  }
0x300: {  	[tilespmem:v53+s13+$0x0] =	vst.idx.add.f32.msk $0xffff, v12  }
0x301: {  	v12 =	vld.idx.msk [tilespmem:v14+s20+$0x0], $0xffff  }
0x302: {  	v14 =	vor.u32 v50, v57;
	_ =	sdelay $0x1  }
0x303: {  	v51 =	vcombine.low v56, v58;
	v56 =	vld [tilespmem:$0x1FB60];
	_ =	sdelay $0x1  }
0x304: {  	[tilespmem:v55+s13+$0x0] =	vst.idx.add.f32.msk $0xffff, v12  }
0x305: {  	v12 =	vld.idx.msk [tilespmem:v14+s20+$0x0], $0xffff  }
0x306: {  	v14 =	vor.u32 v51, v57;
	_ =	sdelay $0x1  }
0x307: {  	v52 =	vcombine.low v59, v60;
	v59 =	vld [tilespmem:$0x1FB70]  }
0x308: {  	v2 =	vld [tilespmem:$0x1FDB0]  }
0x309: {  	[tilespmem:v56+s13+$0x0] =	vst.idx.add.f32.msk $0xffff, v12  }
0x30a: {  	v12 =	vld.idx.msk [tilespmem:v14+s20+$0x0], $0xffff  }
0x30b: {  	v14 =	vor.u32 v52, v57;
	_ =	sdelay $0x1  }
0x30c: {  	v60 =	vld [tilespmem:$0x1FB80]  }
0x30d: {  	v58 =	vcombine.low v2, v36  }
0x30e: {  	[tilespmem:v59+s13+$0x0] =	vst.idx.add.f32.msk $0xffff, v12  }
0x30f: {  	v53 =	vand.u32 $0xF, v58;
	v12 =	vld.idx.msk [tilespmem:v14+s20+$0x0], $0xffff  }
0x310: {  	v14 =	vor.u32 v53, v57;
	_ =	sdelay $0x1  }
0x311: {  	v32 =	vld [tilespmem:$0x1FB90];
	_ =	sdelay $0x1  }
0x312: {  	v54 =	vcombine.low v61, v62;
	[tilespmem:v60+s13+$0x0] =	vst.idx.add.f32.msk $0xffff, v12  }
0x313: {  	v12 =	vld.idx.msk [tilespmem:v14+s20+$0x0], $0xffff  }
0x314: {  	v14 =	vor.u32 v54, v57;
	_ =	sdelay $0x3  }
0x315: {  	[tilespmem:v32+s13+$0x0] =	vst.idx.add.f32.msk $0xffff, v12  }
0x316: {  	v55 =	vcombine.low v63, v0;
	v0 =	vld.idx.msk [tilespmem:v14+s20+$0x0], $0xffff  }
0x317: {  	v14 =	vld [tilespmem:$0x1FBA0];
	_ =	sdelay $0x3  }
0x318: {  	v12 =	vor.u32 v55, v57;
	_ =	sdelay $0x3  }
0x319: {  	[tilespmem:v14+s13+$0x0] =	vst.idx.add.f32.msk $0xffff, v0  }
0x31a: {  	v0 =	vld.idx.msk [tilespmem:v12+s20+$0x0], $0xffff  }
0x31b: {  	v12 =	vld [tilespmem:$0x1FBB0];
	_ =	sdelay $0x1  }
0x31c: {  	v56 =	vcombine.low v1, v4;
	_ =	sdelay $0x1  }
0x31d: {  	v1 =	vor.u32 v56, v57;
	_ =	sdelay $0x1  }
0x31e: {  	v14 =	vld [tilespmem:$0x1FBC0];
	_ =	sdelay $0x1  }
0x31f: {  	[tilespmem:v12+s13+$0x0] =	vst.idx.add.f32.msk $0xffff, v0  }
0x320: {  	v0 =	vld.idx.msk [tilespmem:v1+s20+$0x0], $0xffff  }
0x321: {  	v4 =	vcombine.low v35, v30;
	_ =	sdelay $0x1  }
0x322: {  	v58 =	vand.u32 $0xF, v4  }
0x323: {  	v1 =	vor.u32 v58, v57  }
0x324: {  	[tilespmem:v14+s13+$0x0] =	vst.idx.add.f32.msk $0xffff, v0  }
0x325: {  	v14 =	vld [tilespmem:$0x1FBD0]  }
0x326: {  	v23 =	vld [tilespmem:$0x1F980]  }
0x327: {  	v31 =	vld [tilespmem:$0x1FB30];
	v59 =	vcombine.low v5, v6  }
0x328: {  	v0 =	vld.idx.msk [tilespmem:v1+s20+$0x0], $0xffff  }
0x329: {  	v26 =	vld [tilespmem:$0x1F740];
	v1 =	vor.u32 v59, v57  }
0x32a: {  	v62 =	vld [tilespmem:$0x1F900]  }
0x32b: {  	v34 =	vld [tilespmem:$0x1FBE0]  }
0x32c: {  	v19 =	vld [tilespmem:$0x1F9F0]  }
0x32d: {  	v60 =	vcombine.low v7, v9;
	[tilespmem:v14+s13+$0x0] =	vst.idx.add.f32.msk $0xffff, v0  }
0x32e: {  	v0 =	vld.idx.msk [tilespmem:v1+s20+$0x0], $0xffff  }
0x32f: {  	v15 =	vld [tilespmem:$0x1FAF0];
	v1 =	vor.u32 v60, v57  }
0x330: {  	v37 =	vld [tilespmem:$0x1FBF0]  }
0x331: {  	v36 =	vld [tilespmem:$0x1F8F0]  }
0x332: {  	v2 =	vld [tilespmem:$0x1FDE0]  }
0x333: {  	v61 =	vcombine.low v10, v11;
	[tilespmem:v34+s13+$0x0] =	vst.idx.add.f32.msk $0xffff, v0  }
0x334: {  	v0 =	vld.idx.msk [tilespmem:v1+s20+$0x0], $0xffff  }
0x335: {  	v63 =	vld [tilespmem:$0x1F930];
	v1 =	vor.u32 v61, v57  }
0x336: {  	v35 =	vld [tilespmem:$0x1FFE0]  }
0x337: {  	v14 =	vld [tilespmem:$0x1FC00]  }
0x338: {  	v4 =	vld [tilespmem:$0x1F7D0]  }
0x339: {  	[tilespmem:v37+s13+$0x0] =	vst.idx.add.f32.msk $0xffff, v0  }
0x33a: {  	p0 =	sne.s32 s19, $0x600;
	v0 =	vld.idx.msk [tilespmem:v1+s20+$0x0], $0xffff  }
.Ltmp0:
0x33b: {  	v5 =	vld [tilespmem:$0x1F9A0];
	(pc) =	sbr.rel @p0 .LBB2_3-.Ltmp0, $4  }
0x33c: {  	v6 =	vld [tilespmem:$0x1FFF0]  }
0x33d: {  	v9 =	vld [tilespmem:$0x1FA10]  }
0x33e: {  	v12 =	vld [tilespmem:$0x1F960]  }
0x33f: {  	s19 =	sadd.s32 $0x40, s19;
	v7 =	vmov v16;
	v1 =	vlaneseq.u32;
	[tilespmem:v14+s13+$0x0] =	vst.idx.add.f32.msk $0xffff, v0;
	s13 =	sadd.s32 $0x400, s13  }
0x340: {  	p0 =	seq.s32 s16, $0x1F  }
0x341: {  	s13 =	sadd.s32 @!p0 s23, s17  }
0x342: {  	s14 =	smul.u32 @!p0 $0x19, s13;
	_ =	sdelay $0x1  }
0x343: {  	s21 =	simm.s32 @!p0 $0x0;
	s13 =	smul.u32 @!p0 $0xC8, s13;
	s19 =	sadd.s32 @!p0 s4, s14  }
0x344: {  	[tilespmem:s21], [sflag:$0x5] =	stream.linear.gather @!p0 [hbm4b:s19+s21], $0xC8, $0x38;
	[tilespmem:$0x10D40] =	vst v63  }
0x345: {  	s14 =	sadd.s32 @!p0 s6, s14;
	s13 =	sadd.s32 @!p0 $0xC8, s13;
	s19 =	simm.s32 @!p0 $0x320  }
0x346: {  	[tilespmem:s19], [sflag:$0x5] =	stream.linear.gather @!p0 [hbm4b:s14+s21], $0xC8, $0x38;
	[tilespmem:$0x10D40] =	vst v63  }
0x347: {  	s14 =	sshrl.u32 @!p0 s13, $0x3  }
0x348: {  	s19 =	simm.s32 @!p0 $0xC8;
	s13 =	sadd.s32 @!p0 s4, s14  }
0x349: {  	[tilespmem:s19], [sflag:$0x5] =	stream.linear.gather @!p0 [hbm4b:s13+s21], $0xC8, $0x38;
	[tilespmem:$0x10D40] =	vst v63  }
0x34a: {  	s13 =	sor.u32 s5, s23  }
0x34b: {  	s15 =	simm.s32 @!p0 $0x3E8;
	s14 =	sadd.s32 @!p0 s6, s14;
	s26 =	smul.u32 $0x640, s13  }
0x34c: {  	[tilespmem:s15], [sflag:$0x5] =	stream.linear.gather @!p0 [hbm4b:s14+s21], $0xC8, $0x38;
	[tilespmem:$0x10D40] =	vst v63  }
0x34d: {  	s15 =	smul.u32 $0x3200, s13;
	s14 =	sadd.s32 s1, s26;
	s26 =	simm.s32 $0x640  }
0x34e: {  	[hbm4b:s14+s2] =	stream.linear.scatter [tilespmem:s26], [sflag:$0x3], $0x3200, $0x38;
	[tilespmem:$0x10D40] =	vst v63  }
0x34f: {  	s26 =	sshrl.u32 s15, $0x3  }
0x350: {  	s14 =	sadd.s32 s1, s26  }
0x351: {  	s14 =	sadd.s32 $0x640, s14  }
0x352: {  	[hbm4b:s14+s2] =	stream.linear.scatter [tilespmem:s30], [sflag:$0x3], $0x3200, $0x38;
	[tilespmem:$0x10D40] =	vst v63  }
0x353: {  	s14 =	simm.s32 @!p0 $0x5  }
0x354: {  	_ =	swait.ge @!p0 [sflag:s14], $0xC8  }
0x355: {  	[sflag:s14] =	ssyncset.done @!p0 $0x0  }
0x356: {  	[sflag:s14] =	ssyncadd.s32 @!p0 $0xFFFFFF38  }
0x357: {  	_ =	swait.ge @!p0 [sflag:s14], $0xC8  }
0x358: {  	[sflag:s14] =	ssyncset.done @!p0 $0x0  }
0x359: {  	[sflag:s14] =	ssyncadd.s32 @!p0 $0xFFFFFF38  }
0x35a: {  	_ =	swait.ge @!p0 [sflag:s14], $0xC8  }
0x35b: {  	[sflag:s14] =	ssyncset.done @!p0 $0x0  }
0x35c: {  	[sflag:s14] =	ssyncadd.s32 @!p0 $0xFFFFFF38  }
0x35d: {  	_ =	swait.ge @!p0 [sflag:s14], $0xC8  }
0x35e: {  	[sflag:s14] =	ssyncset.done @!p0 $0x0  }
0x35f: {  	[sflag:s14] =	ssyncadd.s32 @!p0 $0xFFFFFF38;
	s14 =	simm.s32 @!p0 $0x3  }
0x360: {  	_ =	swait.ge @!p0 [sflag:s14], $0x3200  }
0x361: {  	[sflag:s14] =	ssyncset.done @!p0 $0x0  }
0x362: {  	[sflag:s14] =	ssyncadd.s32 @!p0 $0xFFFFCE00  }
0x363: {  	_ =	swait.ge @!p0 [sflag:s14], $0x3200  }
0x364: {  	[sflag:s14] =	ssyncset.done @!p0 $0x0  }
0x365: {  	s15 =	simm.s32 @!p0 $0x640;
	[sflag:s14] =	ssyncadd.s32 @!p0 $0xFFFFCE00;
	s14 =	simm.s32 @!p0 $0x80  }
0x366: {  	[tilespmem:s15], [sflag:$0x1] =	stream.indirect.gather @!p0 [hbm4b:s7+s14], $0x40, s21, s14, $0xb8;
	[tilespmem:$0x10D40] =	vst v63  }
0x367: {  	s15 =	simm.s32 @!p0 $0x48;
	s21 =	simm.s32 @!p0 $0x2640  }
0x368: {  	[tilespmem:s21], [sflag:$0x1] =	stream.indirect.gather @!p0 [hbm4b:s7+s15], $0x40, s14, s15, $0xb8;
	[tilespmem:$0x10D40] =	vst v63  }
0x369: {  	s21 =	simm.s32 @!p0 $0x3840  }
0x36a: {  	[tilespmem:s21], [sflag:$0x1] =	stream.indirect.gather @!p0 [hbm4b:s7+s14], $0x40, s19, s14, $0xb8;
	[tilespmem:$0x10D40] =	vst v63  }
0x36b: {  	s14 =	simm.s32 @!p0 $0x148;
	s19 =	simm.s32 @!p0 $0x5840  }
0x36c: {  	[tilespmem:s19], [sflag:$0x1] =	stream.indirect.gather @!p0 [hbm4b:s7+s15], $0x40, s14, s15, $0xb8;
	[tilespmem:$0x10D40] =	vst v63  }
0x36d: {  	_ =	swait.ge [sflag:s12], $0x6400  }
0x36e: {  	[sflag:s12] =	ssyncset.done $0x0;
	v10 =	vld [tilespmem:$0x1F700]  }
0x36f: {  	s19 =	simm.s32 $0x0;
	s14 =	simm.s32 $0x6A40;
	v8 =	vld [tilespmem:$0x1FE00];
	[sflag:s12] =	ssyncadd.s32 $0xFFFF9C00  }
.LBB2_5:
0x370: {  	s15 =	sshra.s32 s19, $0x2  }
0x371: {  	v0 =	vld [tilespmem:s15+$0x4B0];
	_ =	sdelay $0x4  }
0x372: {  	v57 =	vshll.u32 v0, $0x6  }
0x373: {  	v0 =	vor.u32 v1, v57;
	_ =	sdelay $0x4  }
0x374: {  	v0 =	vld.idx.msk [tilespmem:v0+s20+$0x0], $0xffff  }
0x375: {  	v1 =	vor.u32 v8, v57;
	_ =	sdelay $0x3  }
0x376: {  	[tilespmem:v24+s14+$0x0] =	vst.idx.add.f32.msk $0xffff, v0  }
0x377: {  	v0 =	vld.idx.msk [tilespmem:v1+s20+$0x0], $0xffff  }
0x378: {  	v1 =	vld [tilespmem:$0x1FE20]  }
0x379: {  	v3 =	vld [tilespmem:$0x1FE10];
	_ =	sdelay $0x3  }
0x37a: {  	v1 =	vor.u32 v1, v57;
	_ =	sdelay $0x3  }
0x37b: {  	[tilespmem:v3+s14+$0x0] =	vst.idx.add.f32.msk $0xffff, v0  }
0x37c: {  	v0 =	vld.idx.msk [tilespmem:v1+s20+$0x0], $0xffff  }
0x37d: {  	v1 =	vld [tilespmem:$0x1FE40]  }
0x37e: {  	v3 =	vld [tilespmem:$0x1FE30];
	_ =	sdelay $0x3  }
0x37f: {  	v1 =	vor.u32 v1, v57;
	_ =	sdelay $0x3  }
0x380: {  	[tilespmem:v3+s14+$0x0] =	vst.idx.add.f32.msk $0xffff, v0  }
0x381: {  	v0 =	vld.idx.msk [tilespmem:v1+s20+$0x0], $0xffff  }
0x382: {  	v1 =	vld [tilespmem:$0x1F6C0]  }
0x383: {  	v3 =	vld [tilespmem:$0x1FF70];
	_ =	sdelay $0x3  }
0x384: {  	v1 =	vor.u32 v1, v57;
	_ =	sdelay $0x3  }
0x385: {  	[tilespmem:v3+s14+$0x0] =	vst.idx.add.f32.msk $0xffff, v0  }
0x386: {  	v0 =	vld.idx.msk [tilespmem:v1+s20+$0x0], $0xffff  }
0x387: {  	v1 =	vld [tilespmem:$0x1FE70]  }
0x388: {  	v35 =	vld [tilespmem:$0x1F6D0];
	_ =	sdelay $0x3  }
0x389: {  	v1 =	vor.u32 v1, v57;
	_ =	sdelay $0x3  }
0x38a: {  	[tilespmem:v35+s14+$0x0] =	vst.idx.add.f32.msk $0xffff, v0  }
0x38b: {  	v0 =	vld.idx.msk [tilespmem:v1+s20+$0x0], $0xffff  }
0x38c: {  	v1 =	vld [tilespmem:$0x1FEA0];
	_ =	sdelay $0x4  }
0x38d: {  	v1 =	vor.u32 v1, v57;
	_ =	sdelay $0x3  }
0x38e: {  	[tilespmem:v7+s14+$0x0] =	vst.idx.add.f32.msk $0xffff, v0  }
0x38f: {  	v0 =	vld.idx.msk [tilespmem:v1+s20+$0x0], $0xffff  }
0x390: {  	v1 =	vld [tilespmem:$0x1FED0];
	_ =	sdelay $0x4  }
0x391: {  	v1 =	vor.u32 v1, v57;
	_ =	sdelay $0x3  }
0x392: {  	[tilespmem:v62+s14+$0x0] =	vst.idx.add.f32.msk $0xffff, v0  }
0x393: {  	v0 =	vld.idx.msk [tilespmem:v1+s20+$0x0], $0xffff  }
0x394: {  	v1 =	vor.u32 v9, v57;
	_ =	sdelay $0x3  }
0x395: {  	[tilespmem:v19+s14+$0x0] =	vst.idx.add.f32.msk $0xffff, v0  }
0x396: {  	v0 =	vld.idx.msk [tilespmem:v1+s20+$0x0], $0xffff  }
0x397: {  	v1 =	vld [tilespmem:$0x1FF00];
	_ =	sdelay $0x4  }
0x398: {  	v1 =	vor.u32 v1, v57;
	_ =	sdelay $0x3  }
0x399: {  	[tilespmem:v36+s14+$0x0] =	vst.idx.add.f32.msk $0xffff, v0  }
0x39a: {  	v0 =	vld.idx.msk [tilespmem:v1+s20+$0x0], $0xffff  }
0x39b: {  	v1 =	vld [tilespmem:$0x1FFA0];
	_ =	sdelay $0x4  }
0x39c: {  	v1 =	vor.u32 v1, v57;
	_ =	sdelay $0x3  }
0x39d: {  	[tilespmem:v2+s14+$0x0] =	vst.idx.add.f32.msk $0xffff, v0  }
0x39e: {  	v0 =	vld.idx.msk [tilespmem:v1+s20+$0x0], $0xffff  }
0x39f: {  	v1 =	vld [tilespmem:$0x1FFD0];
	_ =	sdelay $0x4  }
0x3a0: {  	v1 =	vor.u32 v1, v57;
	_ =	sdelay $0x3  }
0x3a1: {  	[tilespmem:v31+s14+$0x0] =	vst.idx.add.f32.msk $0xffff, v0  }
0x3a2: {  	v0 =	vld.idx.msk [tilespmem:v1+s20+$0x0], $0xffff  }
0x3a3: {  	v1 =	vld [tilespmem:$0x1F560]  }
0x3a4: {  	v26 =	vld [tilespmem:$0x1F710];
	_ =	sdelay $0x3  }
0x3a5: {  	v1 =	vor.u32 v1, v57;
	_ =	sdelay $0x3  }
0x3a6: {  	[tilespmem:v26+s14+$0x0] =	vst.idx.add.f32.msk $0xffff, v0  }
0x3a7: {  	v0 =	vld.idx.msk [tilespmem:v1+s20+$0x0], $0xffff  }
0x3a8: {  	v1 =	vld [tilespmem:$0x1F570]  }
0x3a9: {  	v26 =	vld [tilespmem:$0x1F740];
	_ =	sdelay $0x3  }
0x3aa: {  	v1 =	vor.u32 v1, v57;
	_ =	sdelay $0x3  }
0x3ab: {  	[tilespmem:v26+s14+$0x0] =	vst.idx.add.f32.msk $0xffff, v0  }
0x3ac: {  	v0 =	vld.idx.msk [tilespmem:v1+s20+$0x0], $0xffff  }
0x3ad: {  	v1 =	vld [tilespmem:$0x1F580]  }
0x3ae: {  	v35 =	vld [tilespmem:$0x1FFE0];
	_ =	sdelay $0x3  }
0x3af: {  	v1 =	vor.u32 v1, v57;
	_ =	sdelay $0x2  }
0x3b0: {  	v26 =	vld [tilespmem:$0x1F770]  }
0x3b1: {  	[tilespmem:v35+s14+$0x0] =	vst.idx.add.f32.msk $0xffff, v0  }
0x3b2: {  	v0 =	vld.idx.msk [tilespmem:v1+s20+$0x0], $0xffff  }
0x3b3: {  	v1 =	vld [tilespmem:$0x1F590];
	_ =	sdelay $0x4  }
0x3b4: {  	v1 =	vor.u32 v1, v57;
	_ =	sdelay $0x2  }
0x3b5: {  	[tilespmem:v26+s14+$0x0] =	vst.idx.add.f32.msk $0xffff, v0  }
0x3b6: {  	v26 =	vld [tilespmem:$0x1F780]  }
0x3b7: {  	v0 =	vld.idx.msk [tilespmem:v1+s20+$0x0], $0xffff  }
0x3b8: {  	v1 =	vld [tilespmem:$0x1F5A0];
	_ =	sdelay $0x4  }
0x3b9: {  	v1 =	vor.u32 v1, v57;
	_ =	sdelay $0x2  }
0x3ba: {  	[tilespmem:v26+s14+$0x0] =	vst.idx.add.f32.msk $0xffff, v0  }
0x3bb: {  	v26 =	vld [tilespmem:$0x1F790]  }
0x3bc: {  	v0 =	vld.idx.msk [tilespmem:v1+s20+$0x0], $0xffff  }
0x3bd: {  	v1 =	vld [tilespmem:$0x1F5B0];
	_ =	sdelay $0x4  }
0x3be: {  	v1 =	vor.u32 v1, v57;
	_ =	sdelay $0x2  }
0x3bf: {  	[tilespmem:v26+s14+$0x0] =	vst.idx.add.f32.msk $0xffff, v0  }
0x3c0: {  	v26 =	vld [tilespmem:$0x1F7A0]  }
0x3c1: {  	v0 =	vld.idx.msk [tilespmem:v1+s20+$0x0], $0xffff  }
0x3c2: {  	v1 =	vld [tilespmem:$0x1F5C0];
	_ =	sdelay $0x4  }
0x3c3: {  	v1 =	vor.u32 v1, v57;
	_ =	sdelay $0x2  }
0x3c4: {  	[tilespmem:v26+s14+$0x0] =	vst.idx.add.f32.msk $0xffff, v0  }
0x3c5: {  	v26 =	vld [tilespmem:$0x1F7C0]  }
0x3c6: {  	v0 =	vld.idx.msk [tilespmem:v1+s20+$0x0], $0xffff  }
0x3c7: {  	v1 =	vld [tilespmem:$0x1F5D0];
	_ =	sdelay $0x4  }
0x3c8: {  	v1 =	vor.u32 v1, v57;
	_ =	sdelay $0x2  }
0x3c9: {  	[tilespmem:v26+s14+$0x0] =	vst.idx.add.f32.msk $0xffff, v0  }
0x3ca: {  	v26 =	vld [tilespmem:$0x1F7E0]  }
0x3cb: {  	v0 =	vld.idx.msk [tilespmem:v1+s20+$0x0], $0xffff  }
0x3cc: {  	v1 =	vld [tilespmem:$0x1F5E0];
	_ =	sdelay $0x4  }
0x3cd: {  	v1 =	vor.u32 v1, v57;
	_ =	sdelay $0x2  }
0x3ce: {  	[tilespmem:v26+s14+$0x0] =	vst.idx.add.f32.msk $0xffff, v0  }
0x3cf: {  	v26 =	vld [tilespmem:$0x1F800]  }
0x3d0: {  	v0 =	vld.idx.msk [tilespmem:v1+s20+$0x0], $0xffff  }
0x3d1: {  	v1 =	vld [tilespmem:$0x1F5F0];
	_ =	sdelay $0x4  }
0x3d2: {  	v1 =	vor.u32 v1, v57;
	_ =	sdelay $0x2  }
0x3d3: {  	[tilespmem:v26+s14+$0x0] =	vst.idx.add.f32.msk $0xffff, v0  }
0x3d4: {  	v26 =	vld [tilespmem:$0x1F820]  }
0x3d5: {  	v0 =	vld.idx.msk [tilespmem:v1+s20+$0x0], $0xffff  }
0x3d6: {  	v1 =	vld [tilespmem:$0x1F600];
	_ =	sdelay $0x4  }
0x3d7: {  	v1 =	vor.u32 v1, v57;
	_ =	sdelay $0x2  }
0x3d8: {  	[tilespmem:v26+s14+$0x0] =	vst.idx.add.f32.msk $0xffff, v0  }
0x3d9: {  	v26 =	vld [tilespmem:$0x1F830]  }
0x3da: {  	v0 =	vld.idx.msk [tilespmem:v1+s20+$0x0], $0xffff  }
0x3db: {  	v1 =	vld [tilespmem:$0x1F610];
	_ =	sdelay $0x4  }
0x3dc: {  	v1 =	vor.u32 v1, v57;
	_ =	sdelay $0x2  }
0x3dd: {  	[tilespmem:v26+s14+$0x0] =	vst.idx.add.f32.msk $0xffff, v0  }
0x3de: {  	v26 =	vld [tilespmem:$0x1F850]  }
0x3df: {  	v0 =	vld.idx.msk [tilespmem:v1+s20+$0x0], $0xffff  }
0x3e0: {  	v1 =	vld [tilespmem:$0x1F620];
	_ =	sdelay $0x4  }
0x3e1: {  	v1 =	vor.u32 v1, v57;
	_ =	sdelay $0x2  }
0x3e2: {  	[tilespmem:v26+s14+$0x0] =	vst.idx.add.f32.msk $0xffff, v0  }
0x3e3: {  	v26 =	vld [tilespmem:$0x1F870]  }
0x3e4: {  	v0 =	vld.idx.msk [tilespmem:v1+s20+$0x0], $0xffff  }
0x3e5: {  	v1 =	vld [tilespmem:$0x1F630];
	_ =	sdelay $0x4  }
0x3e6: {  	v1 =	vor.u32 v1, v57;
	_ =	sdelay $0x2  }
0x3e7: {  	[tilespmem:v26+s14+$0x0] =	vst.idx.add.f32.msk $0xffff, v0  }
0x3e8: {  	v26 =	vld [tilespmem:$0x1F890]  }
0x3e9: {  	v0 =	vld.idx.msk [tilespmem:v1+s20+$0x0], $0xffff  }
0x3ea: {  	v1 =	vld [tilespmem:$0x1F640];
	_ =	sdelay $0x4  }
0x3eb: {  	v1 =	vor.u32 v1, v57;
	_ =	sdelay $0x2  }
0x3ec: {  	[tilespmem:v26+s14+$0x0] =	vst.idx.add.f32.msk $0xffff, v0  }
0x3ed: {  	v26 =	vld [tilespmem:$0x1F8B0]  }
0x3ee: {  	v0 =	vld.idx.msk [tilespmem:v1+s20+$0x0], $0xffff  }
0x3ef: {  	v1 =	vld [tilespmem:$0x1F650];
	_ =	sdelay $0x4  }
0x3f0: {  	v1 =	vor.u32 v1, v57;
	_ =	sdelay $0x2  }
0x3f1: {  	[tilespmem:v26+s14+$0x0] =	vst.idx.add.f32.msk $0xffff, v0  }
0x3f2: {  	v26 =	vld [tilespmem:$0x1F8C0]  }
0x3f3: {  	v0 =	vld.idx.msk [tilespmem:v1+s20+$0x0], $0xffff  }
0x3f4: {  	v1 =	vld [tilespmem:$0x1F660];
	_ =	sdelay $0x4  }
0x3f5: {  	v1 =	vor.u32 v1, v57;
	_ =	sdelay $0x2  }
0x3f6: {  	[tilespmem:v26+s14+$0x0] =	vst.idx.add.f32.msk $0xffff, v0  }
0x3f7: {  	v26 =	vld [tilespmem:$0x1F8E0]  }
0x3f8: {  	v0 =	vld.idx.msk [tilespmem:v1+s20+$0x0], $0xffff  }
0x3f9: {  	v1 =	vld [tilespmem:$0x1F670];
	_ =	sdelay $0x4  }
0x3fa: {  	v1 =	vor.u32 v1, v57;
	_ =	sdelay $0x2  }
0x3fb: {  	[tilespmem:v26+s14+$0x0] =	vst.idx.add.f32.msk $0xffff, v0  }
0x3fc: {  	v26 =	vld [tilespmem:$0x1F910]  }
0x3fd: {  	v0 =	vld.idx.msk [tilespmem:v1+s20+$0x0], $0xffff  }
0x3fe: {  	v1 =	vld [tilespmem:$0x1F680];
	_ =	sdelay $0x4  }
0x3ff: {  	v1 =	vor.u32 v1, v57;
	_ =	sdelay $0x2  }
0x400: {  	[tilespmem:v26+s14+$0x0] =	vst.idx.add.f32.msk $0xffff, v0  }
0x401: {  	v26 =	vld [tilespmem:$0x1F940]  }
0x402: {  	v0 =	vld.idx.msk [tilespmem:v1+s20+$0x0], $0xffff  }
0x403: {  	v1 =	vld [tilespmem:$0x1F690];
	_ =	sdelay $0x4  }
0x404: {  	v1 =	vor.u32 v1, v57  }
0x405: {  	[tilespmem:v26+s14+$0x0] =	vst.idx.add.f32.msk $0xffff, v0  }
0x406: {  	v26 =	vld [tilespmem:$0x1F970];
	_ =	sdelay $0x2  }
0x407: {  	v0 =	vld.idx.msk [tilespmem:v1+s20+$0x0], $0xffff;
	_ =	sdelay $0x3  }
0x408: {  	v1 =	vor.u32 v10, v57  }
0x409: {  	[tilespmem:v26+s14+$0x0] =	vst.idx.add.f32.msk $0xffff, v0  }
0x40a: {  	v26 =	vld [tilespmem:$0x1F990];
	_ =	sdelay $0x2  }
0x40b: {  	v0 =	vld.idx.msk [tilespmem:v1+s20+$0x0], $0xffff;
	_ =	sdelay $0x3  }
0x40c: {  	v1 =	vor.u32 v29, v57  }
0x40d: {  	[tilespmem:v26+s14+$0x0] =	vst.idx.add.f32.msk $0xffff, v0  }
0x40e: {  	v26 =	vld [tilespmem:$0x1F9B0];
	_ =	sdelay $0x2  }
0x40f: {  	v0 =	vld.idx.msk [tilespmem:v1+s20+$0x0], $0xffff;
	_ =	sdelay $0x3  }
0x410: {  	v1 =	vor.u32 v13, v57  }
0x411: {  	[tilespmem:v26+s14+$0x0] =	vst.idx.add.f32.msk $0xffff, v0  }
0x412: {  	v26 =	vld [tilespmem:$0x1F9C0];
	_ =	sdelay $0x2  }
0x413: {  	v0 =	vld.idx.msk [tilespmem:v1+s20+$0x0], $0xffff;
	_ =	sdelay $0x3  }
0x414: {  	v1 =	vor.u32 v20, v57  }
0x415: {  	[tilespmem:v26+s14+$0x0] =	vst.idx.add.f32.msk $0xffff, v0  }
0x416: {  	v26 =	vld [tilespmem:$0x1F9D0];
	_ =	sdelay $0x2  }
0x417: {  	v0 =	vld.idx.msk [tilespmem:v1+s20+$0x0], $0xffff;
	_ =	sdelay $0x3  }
0x418: {  	v1 =	vor.u32 v21, v57  }
0x419: {  	[tilespmem:v26+s14+$0x0] =	vst.idx.add.f32.msk $0xffff, v0  }
0x41a: {  	v26 =	vld [tilespmem:$0x1F9E0];
	_ =	sdelay $0x2  }
0x41b: {  	v0 =	vld.idx.msk [tilespmem:v1+s20+$0x0], $0xffff;
	_ =	sdelay $0x3  }
0x41c: {  	v1 =	vor.u32 v22, v57  }
0x41d: {  	[tilespmem:v26+s14+$0x0] =	vst.idx.add.f32.msk $0xffff, v0  }
0x41e: {  	v26 =	vld [tilespmem:$0x1FA00];
	_ =	sdelay $0x2  }
0x41f: {  	v0 =	vld.idx.msk [tilespmem:v1+s20+$0x0], $0xffff;
	_ =	sdelay $0x3  }
0x420: {  	v1 =	vor.u32 v27, v57  }
0x421: {  	[tilespmem:v26+s14+$0x0] =	vst.idx.add.f32.msk $0xffff, v0  }
0x422: {  	v26 =	vld [tilespmem:$0x1FA20];
	_ =	sdelay $0x2  }
0x423: {  	v0 =	vld.idx.msk [tilespmem:v1+s20+$0x0], $0xffff;
	_ =	sdelay $0x3  }
0x424: {  	v1 =	vor.u32 v28, v57  }
0x425: {  	[tilespmem:v26+s14+$0x0] =	vst.idx.add.f32.msk $0xffff, v0  }
0x426: {  	v26 =	vld [tilespmem:$0x1FA40];
	_ =	sdelay $0x2  }
0x427: {  	v0 =	vld.idx.msk [tilespmem:v1+s20+$0x0], $0xffff;
	_ =	sdelay $0x3  }
0x428: {  	v1 =	vor.u32 v33, v57  }
0x429: {  	[tilespmem:v26+s14+$0x0] =	vst.idx.add.f32.msk $0xffff, v0  }
0x42a: {  	v26 =	vld [tilespmem:$0x1FA50];
	_ =	sdelay $0x2  }
0x42b: {  	v0 =	vld.idx.msk [tilespmem:v1+s20+$0x0], $0xffff;
	_ =	sdelay $0x3  }
0x42c: {  	v1 =	vor.u32 v38, v57  }
0x42d: {  	[tilespmem:v26+s14+$0x0] =	vst.idx.add.f32.msk $0xffff, v0  }
0x42e: {  	v26 =	vld [tilespmem:$0x1FA60];
	_ =	sdelay $0x2  }
0x42f: {  	v0 =	vld.idx.msk [tilespmem:v1+s20+$0x0], $0xffff  }
0x430: {  	v1 =	vor.u32 v39, v57;
	_ =	sdelay $0x1  }
0x431: {  	v3 =	vld [tilespmem:$0x1FA70];
	_ =	sdelay $0x1  }
0x432: {  	[tilespmem:v26+s14+$0x0] =	vst.idx.add.f32.msk $0xffff, v0  }
0x433: {  	v0 =	vld.idx.msk [tilespmem:v1+s20+$0x0], $0xffff;
	_ =	sdelay $0x3  }
0x434: {  	v1 =	vor.u32 v40, v57  }
0x435: {  	[tilespmem:v3+s14+$0x0] =	vst.idx.add.f32.msk $0xffff, v0  }
0x436: {  	v3 =	vld [tilespmem:$0x1FA90];
	_ =	sdelay $0x2  }
0x437: {  	v0 =	vld.idx.msk [tilespmem:v1+s20+$0x0], $0xffff;
	_ =	sdelay $0x3  }
0x438: {  	v1 =	vor.u32 v41, v57  }
0x439: {  	[tilespmem:v3+s14+$0x0] =	vst.idx.add.f32.msk $0xffff, v0  }
0x43a: {  	v3 =	vld [tilespmem:$0x1FAB0];
	_ =	sdelay $0x2  }
0x43b: {  	v0 =	vld.idx.msk [tilespmem:v1+s20+$0x0], $0xffff;
	_ =	sdelay $0x3  }
0x43c: {  	v1 =	vor.u32 v42, v57  }
0x43d: {  	[tilespmem:v3+s14+$0x0] =	vst.idx.add.f32.msk $0xffff, v0  }
0x43e: {  	v3 =	vld [tilespmem:$0x1FAC0];
	_ =	sdelay $0x2  }
0x43f: {  	v0 =	vld.idx.msk [tilespmem:v1+s20+$0x0], $0xffff;
	_ =	sdelay $0x3  }
0x440: {  	v1 =	vor.u32 v43, v57  }
0x441: {  	[tilespmem:v3+s14+$0x0] =	vst.idx.add.f32.msk $0xffff, v0  }
0x442: {  	v3 =	vld [tilespmem:$0x1FAD0];
	_ =	sdelay $0x2  }
0x443: {  	v0 =	vld.idx.msk [tilespmem:v1+s20+$0x0], $0xffff;
	_ =	sdelay $0x3  }
0x444: {  	v1 =	vor.u32 v44, v57  }
0x445: {  	[tilespmem:v3+s14+$0x0] =	vst.idx.add.f32.msk $0xffff, v0  }
0x446: {  	v3 =	vld [tilespmem:$0x1FAE0];
	_ =	sdelay $0x2  }
0x447: {  	v0 =	vld.idx.msk [tilespmem:v1+s20+$0x0], $0xffff;
	_ =	sdelay $0x3  }
0x448: {  	v1 =	vor.u32 v45, v57  }
0x449: {  	[tilespmem:v3+s14+$0x0] =	vst.idx.add.f32.msk $0xffff, v0  }
0x44a: {  	v3 =	vld [tilespmem:$0x1FB00];
	_ =	sdelay $0x2  }
0x44b: {  	v0 =	vld.idx.msk [tilespmem:v1+s20+$0x0], $0xffff;
	_ =	sdelay $0x3  }
0x44c: {  	v1 =	vor.u32 v46, v57  }
0x44d: {  	[tilespmem:v3+s14+$0x0] =	vst.idx.add.f32.msk $0xffff, v0  }
0x44e: {  	v3 =	vld [tilespmem:$0x1FB10];
	_ =	sdelay $0x2  }
0x44f: {  	v0 =	vld.idx.msk [tilespmem:v1+s20+$0x0], $0xffff;
	_ =	sdelay $0x3  }
0x450: {  	v1 =	vor.u32 v47, v57  }
0x451: {  	[tilespmem:v3+s14+$0x0] =	vst.idx.add.f32.msk $0xffff, v0  }
0x452: {  	v3 =	vld [tilespmem:$0x1FB20];
	_ =	sdelay $0x2  }
0x453: {  	v0 =	vld.idx.msk [tilespmem:v1+s20+$0x0], $0xffff;
	_ =	sdelay $0x3  }
0x454: {  	v1 =	vor.u32 v48, v57  }
0x455: {  	[tilespmem:v3+s14+$0x0] =	vst.idx.add.f32.msk $0xffff, v0  }
0x456: {  	v3 =	vld [tilespmem:$0x1FB40];
	_ =	sdelay $0x2  }
0x457: {  	v0 =	vld.idx.msk [tilespmem:v1+s20+$0x0], $0xffff;
	_ =	sdelay $0x3  }
0x458: {  	v1 =	vor.u32 v49, v57  }
0x459: {  	[tilespmem:v3+s14+$0x0] =	vst.idx.add.f32.msk $0xffff, v0  }
0x45a: {  	v3 =	vld [tilespmem:$0x1FB50];
	_ =	sdelay $0x2  }
0x45b: {  	v0 =	vld.idx.msk [tilespmem:v1+s20+$0x0], $0xffff;
	_ =	sdelay $0x3  }
0x45c: {  	v1 =	vor.u32 v50, v57  }
0x45d: {  	[tilespmem:v3+s14+$0x0] =	vst.idx.add.f32.msk $0xffff, v0  }
0x45e: {  	v3 =	vld [tilespmem:$0x1FB60];
	_ =	sdelay $0x2  }
0x45f: {  	v0 =	vld.idx.msk [tilespmem:v1+s20+$0x0], $0xffff;
	_ =	sdelay $0x3  }
0x460: {  	v1 =	vor.u32 v51, v57  }
0x461: {  	[tilespmem:v3+s14+$0x0] =	vst.idx.add.f32.msk $0xffff, v0  }
0x462: {  	v3 =	vld [tilespmem:$0x1FB70];
	_ =	sdelay $0x2  }
0x463: {  	v0 =	vld.idx.msk [tilespmem:v1+s20+$0x0], $0xffff;
	_ =	sdelay $0x3  }
0x464: {  	v1 =	vor.u32 v52, v57  }
0x465: {  	[tilespmem:v3+s14+$0x0] =	vst.idx.add.f32.msk $0xffff, v0  }
0x466: {  	v3 =	vld [tilespmem:$0x1FB80];
	_ =	sdelay $0x2  }
0x467: {  	v0 =	vld.idx.msk [tilespmem:v1+s20+$0x0], $0xffff;
	_ =	sdelay $0x3  }
0x468: {  	v1 =	vor.u32 v53, v57  }
0x469: {  	[tilespmem:v3+s14+$0x0] =	vst.idx.add.f32.msk $0xffff, v0  }
0x46a: {  	v3 =	vld [tilespmem:$0x1FB90];
	_ =	sdelay $0x2  }
0x46b: {  	v0 =	vld.idx.msk [tilespmem:v1+s20+$0x0], $0xffff;
	_ =	sdelay $0x3  }
0x46c: {  	v1 =	vor.u32 v54, v57  }
0x46d: {  	[tilespmem:v3+s14+$0x0] =	vst.idx.add.f32.msk $0xffff, v0  }
0x46e: {  	v3 =	vld [tilespmem:$0x1FBA0];
	_ =	sdelay $0x2  }
0x46f: {  	v0 =	vld.idx.msk [tilespmem:v1+s20+$0x0], $0xffff;
	_ =	sdelay $0x3  }
0x470: {  	v1 =	vor.u32 v55, v57  }
0x471: {  	[tilespmem:v3+s14+$0x0] =	vst.idx.add.f32.msk $0xffff, v0  }
0x472: {  	v3 =	vld [tilespmem:$0x1FBB0];
	_ =	sdelay $0x2  }
0x473: {  	v0 =	vld.idx.msk [tilespmem:v1+s20+$0x0], $0xffff;
	_ =	sdelay $0x3  }
0x474: {  	v1 =	vor.u32 v56, v57  }
0x475: {  	[tilespmem:v3+s14+$0x0] =	vst.idx.add.f32.msk $0xffff, v0  }
0x476: {  	v3 =	vld [tilespmem:$0x1FBC0];
	_ =	sdelay $0x2  }
0x477: {  	v0 =	vld.idx.msk [tilespmem:v1+s20+$0x0], $0xffff;
	_ =	sdelay $0x3  }
0x478: {  	v1 =	vor.u32 v58, v57  }
0x479: {  	[tilespmem:v3+s14+$0x0] =	vst.idx.add.f32.msk $0xffff, v0  }
0x47a: {  	v3 =	vld [tilespmem:$0x1FBD0];
	_ =	sdelay $0x2  }
0x47b: {  	v0 =	vld.idx.msk [tilespmem:v1+s20+$0x0], $0xffff;
	_ =	sdelay $0x3  }
0x47c: {  	v1 =	vor.u32 v59, v57  }
0x47d: {  	[tilespmem:v3+s14+$0x0] =	vst.idx.add.f32.msk $0xffff, v0  }
0x47e: {  	v3 =	vld [tilespmem:$0x1FBE0];
	_ =	sdelay $0x2  }
0x47f: {  	v0 =	vld.idx.msk [tilespmem:v1+s20+$0x0], $0xffff;
	_ =	sdelay $0x3  }
0x480: {  	v1 =	vor.u32 v60, v57  }
0x481: {  	[tilespmem:v3+s14+$0x0] =	vst.idx.add.f32.msk $0xffff, v0  }
0x482: {  	v3 =	vld [tilespmem:$0x1FBF0];
	_ =	sdelay $0x2  }
0x483: {  	v0 =	vld.idx.msk [tilespmem:v1+s20+$0x0], $0xffff;
	_ =	sdelay $0x3  }
0x484: {  	v1 =	vor.u32 v61, v57  }
0x485: {  	[tilespmem:v3+s14+$0x0] =	vst.idx.add.f32.msk $0xffff, v0  }
0x486: {  	v3 =	vld [tilespmem:$0x1FC00];
	_ =	sdelay $0x2  }
0x487: {  	p1 =	sne.s32 s19, $0x600;
	v0 =	vld.idx.msk [tilespmem:v1+s20+$0x0], $0xffff  }
.Ltmp1:
0x488: {  	_ = 	snop;
	(pc) =	sbr.rel @p1 .LBB2_5-.Ltmp1, $2  }
0x489: {  	_ =	sdelay $0x2  }
0x48a: {  	s19 =	sadd.s32 $0x40, s19;
	v1 =	vlaneseq.u32;
	[tilespmem:v3+s14+$0x0] =	vst.idx.add.f32.msk $0xffff, v0;
	s14 =	sadd.s32 $0x400, s14  }
0x48b: {  	s14 =	sadd.s32 @!p0 s23, s18  }
0x48c: {  	s15 =	smul.u32 @!p0 $0x19, s14  }
0x48d: {  	s14 =	smul.u32 @!p0 $0xC8, s14  }
0x48e: {  	s21 =	simm.s32 @!p0 $0x0;
	s23 =	simm.s32 @!p0 $0x190;
	s13 =	sor.u32 $0x2, s13  }
0x48f: {  	s16 =	sadd.s32 $0x1, s16;
	s19 =	sadd.s32 @!p0 s4, s15;
	s14 =	sadd.s32 @!p0 $0xC8, s14  }
0x490: {  	[tilespmem:s23], [sflag:$0x6] =	stream.linear.gather @!p0 [hbm4b:s19+s21], $0xC8, $0x38;
	[tilespmem:$0x10D40] =	vst v63  }
0x491: {  	s15 =	sadd.s32 @!p0 s6, s15;
	s19 =	simm.s32 @!p0 $0x4B0;
	s14 =	sshrl.u32 @!p0 s14, $0x3  }
0x492: {  	[tilespmem:s19], [sflag:$0x6] =	stream.linear.gather @!p0 [hbm4b:s15+s21], $0xC8, $0x38;
	[tilespmem:$0x10D40] =	vst v63  }
0x493: {  	s23 =	smul.u32 $0x640, s13;
	s15 =	sadd.s32 @!p0 s4, s14;
	s19 =	simm.s32 @!p0 $0x258  }
0x494: {  	[tilespmem:s19], [sflag:$0x6] =	stream.linear.gather @!p0 [hbm4b:s15+s21], $0xC8, $0x38;
	[tilespmem:$0x10D40] =	vst v63  }
0x495: {  	s13 =	smul.u32 $0x3200, s13;
	s14 =	sadd.s32 @!p0 s6, s14;
	s15 =	simm.s32 @!p0 $0x578  }
0x496: {  	[tilespmem:s15], [sflag:$0x6] =	stream.linear.gather @!p0 [hbm4b:s14+s21], $0xC8, $0x38;
	[tilespmem:$0x10D40] =	vst v63  }
0x497: {  	p0 =	sne.s32 s16, $0x20  }
.Ltmp2:
0x498: {  	s13 =	sshrl.u32 s13, $0x3;
	(pc) =	sbr.rel @p0 .LBB2_2-.Ltmp2, $4  }
0x499: {  	s26 =	sadd.s32 s1, s23;
	s13 =	sadd.s32 s1, s13  }
0x49a: {  	[hbm4b:s26+s2] =	stream.linear.scatter [tilespmem:s0], [sflag:$0x4], $0x3200, $0x38;
	[tilespmem:$0x10D40] =	vst v63  }
0x49b: {  	s13 =	sadd.s32 $0x640, s13  }
0x49c: {  	[hbm4b:s13+s2] =	stream.linear.scatter [tilespmem:s8], [sflag:$0x4], $0x3200, $0x38;
	[tilespmem:$0x10D40] =	vst v63  }
0x49d: {  	s13 =	simm.s32 $0x3  }
0x49e: {  	_ =	swait.ge [sflag:s13], $0x3200  }
0x49f: {  	[sflag:s13] =	ssyncset.done $0x0  }
0x4a0: {  	[sflag:s13] =	ssyncadd.s32 $0xFFFFCE00  }
0x4a1: {  	_ =	swait.ge [sflag:s13], $0x3200  }
0x4a2: {  	[sflag:s13] =	ssyncset.done $0x0  }
0x4a3: {  	s14 =	simm.s32 $0x4;
	[sflag:s13] =	ssyncadd.s32 $0xFFFFCE00  }
0x4a4: {  	_ =	swait.ge [sflag:s14], $0x3200  }
0x4a5: {  	[sflag:s14] =	ssyncset.done $0x0  }
0x4a6: {  	[sflag:s14] =	ssyncadd.s32 $0xFFFFCE00  }
0x4a7: {  	_ =	swait.ge [sflag:s14], $0x3200  }
0x4a8: {  	s15 =	rddreg [dreg:$0xd]  }
0x4a9: {  	s26 =	rddreg [dreg:$0xc];
	s15 =	sadd.s32 $0x1, s15  }
0x4aa: {  	p0 =	sne.s32 s15, s26  }
.Ltmp3:
0x4ab: {  	_ = 	snop;
	(pc) =	sbr.rel @p0 .LBB2_1-.Ltmp3, $3  }
0x4ac: {  	_ =	sdelay $0x1  }
0x4ad: {  	[sflag:s14] =	ssyncset.done $0x0  }
0x4ae: {  	[sflag:s14] =	ssyncadd.s32 $0xFFFFCE00  }
0x4af: {  	_ =	sfence.sel $0x180000  }
0x4b0: {  	[bflag:$0x0] =	sbarrier.arrive $0xFFFF  }
0x4b1: {  	_ =	strace $0x90000047  }
0x4b2: {  	s0 =	stileid.u32;
	[bflag:$0x2] =	sbarrier.arrive $0xFFFF  }
0x4b3: {  	p0 =	sne.s32 s0, $0x0;
	s0 =	rddreg [dreg:$0x2]  }
0x4b4: {  	s0 =	sadd.s32 @!p0 $0x100000, s0  }
0x4b5: {  	[sflag:s0] =	ssyncadd.tile.s32 @!p0 $0x1;
	_ =	shalt  }
.Lfunc_end2:
_tile_overlayer_lowered:
.L_overlay_start_2:
0x4b6: {  	(tag) =	ssettag $0x2  }
0x4b7: {  	s0 =	rddreg [dreg:$0x0];
	s2 =	stileid.u32  }
0x4b8: {  	s1 =	rddreg [dreg:$0x1];
	p0 =	sne.s32 s2, $0x0  }
0x4b9: {  	s3 =	rddreg [dreg:$0x2];
	[bflag:$0x3] =	sbarrier.arrive $0xFFFF;
	s2 =	simm.s32 @!p0 $0x1C07  }
0x4ba: {  	[timem:s3], [sflag:s2] =	dma.local @!p0 [hbm:s0], s1  }
0x4bb: {  	s0 =	simm.s32 @!p0 $0x7  }
0x4bc: {  	_ =	swait.ge @!p0 [sflag:s0], s1  }
0x4bd: {  	s1 =	ssub.s32 @!p0 $0x0, s1;
	[sflag:s0] =	ssyncset.done @!p0 $0x0  }
0x4be: {  	[sflag:s0] =	ssyncadd.s32 @!p0 s1  }
0x4bf: {  	[bflag:$0x3] =	sbarrier.arrive $0xFFFF  }
0x4c0: {  	_ =	shalt  }

// kernel: sparse-core-data-format-call.cloned.1.call-start
scs
called_computation_lowered:
.L_overlay_start_0:
0x0: {  	s2 =	sld [smem:$0x3FD9]  }
0x1: {  	s3 =	sld [smem:$0x3FFE];
	_ =	sdelay $0x1  }
0x2: {  	s1 =	srdreg.scid  }
0x3: {  	s0 =	sand.u32 $0x1, s1  }
0x4: {  	s18 =	sshll.u32 s0, $0xA;
	s2 =	sadd.s32 s3, s2  }
0x5: {  	s2 =	sadd.s32 s2, s18  }
0x6: {  	[smem:$0x3FC4] =	sst s2  }
0x7: {  	_ = 	snop  }
0x8: {  	s2 =	sld [smem:$0x3FD0];
	(tm) =	ssettm $0x1  }
0x9: {  	s19 =	sld [smem:$0x3FFB];
	_ =	sdelay $0x3  }
0xa: {  	_ =	strace s19  }
0xb: {  	s3 =	sld [smem:$0x3FFC];
	_ =	sdelay $0x3  }
0xc: {  	_ =	strace s3  }
0xd: {  	s3 =	sld [smem:$0x3FFD];
	_ =	sdelay $0x3  }
0xe: {  	_ =	strace s3  }
0xf: {  	_ =	strace $0x8FFFFFFF  }
0x10: {  	s20 =	sld [smem:$0x3FDB];
	_ =	sdelay $0x1  }
0x11: {  	s4 =	simm.s32 $_scs_section_size  }
0x12: {  	s5 =	simm.s32 $_size__tile_overlayer_lowered;
	s6 =	simm.s32 $_tile_overlayer_lowered  }
0x13: {  	s23 =	simm.s32 $0x1BFF;
	s22 =	sshll.u32 s6, $0x1;
	s3 =	sadd.s32 s4, s20  }
0x14: {  	s7 =	simm.s32 $0x0;
	s21 =	sshll.u32 s5, $0x1;
	s5 =	sadd.s32 s22, s3  }
0x15: {  	[timem:s7], [sflag:s23] =	dma.local [hbm:s5], s21  }
0x16: {  	_ =	swait.ge [sflag:s23], s21  }
0x17: {  	s4 =	ssub.s32 $0x0, s21;
	[sflag:s23] =	ssyncset.done $0x0  }
0x18: {  	[sflag:s23] =	ssyncadd.s32 s4;
	_ =	sdelay $0x1  }
0x19: {  	s24 =	simm.s32 $0x1B8B  }
0x1a: {  	_ =	swait.ge [sflag:s24], $0x1  }
0x1b: {  	[sflag:s24] =	ssyncset.done $0x0  }
0x1c: {  	s26 =	simm.s32 $0x1B8E;
	s25 =	sld [smem:$0x3FFE];
	[sflag:s24] =	ssyncadd.s32 $0xFFFFFFFF  }
0x1d: {  	s27 =	simm.s32 $execute0_lowered;
	[smem:$0x3FD2] =	sst s26  }
0x1e: {  	s5 =	sshll.u32 s27, $0x1;
	_ =	strace $0x80000049;
	[dreg:$0x1] =	wrdreg $0xFFFFFFFF  }
0x1f: {  	s28 =	simm.s32 $_size_execute0_lowered;
	s3 =	sadd.s32 s3, s5;
	[dreg:$0x0] =	wrdreg $0x0  }
0x20: {  	s5 =	sshll.u32 s28, $0x1;
	[dreg:$0x2] =	wrdreg s3  }
0x21: {  	[dreg:$0x3] =	wrdreg s5  }
0x22: {  	[dreg:$0x4] =	wrdreg $0xC0  }
0x23: {  	_ =	task [dreg:s7], $0x5FFFF  }
0x24: {  	[dreg:$0x1] =	wrdreg $0xFFFFFFFF  }
0x25: {  	[dreg:$0x0] =	wrdreg $0x60  }
0x26: {  	[dreg:$0x2] =	wrdreg s25  }
0x27: {  	[dreg:$0x3] =	wrdreg s2  }
0x28: {  	[dreg:$0x4] =	wrdreg $0x9  }
0x29: {  	_ =	task.clear_ibuf [dreg:s7], $0x5FFFF;
	_ =	strace $0x90000049  }
0x2a: {  	s29 =	simm.s32 $0x9;
	_ =	strace $0x8000004B  }
0x2b: {  	_ =	swait.ge [sflag:s29], $0x1  }
0x2c: {  	[sflag:s29] =	ssyncadd.s32 $0xFFFFFFFF  }
0x2d: {  	_ =	strace $0x9000004B  }
0x2e: {  	_ =	sfence  }
0x2f: {  	s30 =	sld [smem:$0x0];
	_ =	sdelay $0x2  }
0x30: {  	s31 =	sshll.u32 s1, $0xD;
	s1 =	sshrl.u32 s1, $0x2  }
0x31: {  	s3 =	sand.u32 $0x4000, s31;
	s1 =	sadd.s32 s1, s30  }
0x32: {  	s0 =	sor.u32 s3, s0;
	s1 =	sshll.u32 s1, $0x11  }
0x33: {  	s0 =	sor.u32 s1, s0  }
0x34: {  	s0 =	sadd.s32 $0x8F2B, s0  }
0x35: {  	[sflag:s0] =	ssyncadd.remote.s32 $0x1  }
0x36: {  	_ =	sfence.sel $0xFFFF  }
0x37: {  	[dreg:$0x0] =	wrdreg $0xFFFFFFFF;
	(pc) =	sbr.abs _section_cstart, $3  }
0x38: {  	[dreg:$0x1] =	wrdreg $0xFFFFFFFF  }
0x39: {  	_ =	task.clear_ibuf [dreg:s7], $0x2FFFF;
	_ =	strace $0x9FFFFFFF  }
0x3a: {  	(tm) =	ssettm $0x7FFFFFFF  }
0x3b: {  	_ =	shalt  }
tec
execute0_lowered:
.L_overlay_start_1:
0x0: {  	(tag) =	ssettag $0x1  }
0x1: {  	s0 =	srdreg.scid  }
0x2: {  	s1 =	sshll.u32 s0, $0x4  }
0x3: {  	s0 =	stileid.u32;
	s1 =	sand.u32 $0x10, s1  }
0x4: {  	s1 =	sor.u32 s0, s1  }
0x5: {  	s6 =	rddreg [dreg:$0x0];
	s4 =	simm.s32 $0x1;
	s2 =	sshll.u32 s1, $0x7  }
0x6: {  	s7 =	simm.s32 $0x2;
	s12 =	simm.s32 $0x0;
	s1 =	ssub.s32 $0x1000, s2  }
0x7: {  	s8 =	simm.s32 $0x8000;
	s13 =	simm.s32 $0x0;
	s3 =	sand.u32 $0xF80, s1  }
0x8: {  	s9 =	simm.s32 $0x0;
	s5 =	sshrl.u32 s1, $0xC;
	p0 =	sne.s32 s3, $0x0  }
.Ltmp0:
0x9: {  	s1 =	rddreg [dreg:$0x2];
	s4 =	simm.s32 @!p0 $0x0;
	(pc) =	sbr.rel .LBB1_1-.Ltmp0, $4  }
0xa: {  	s11 =	simm.s32 $0x0;
	s3 =	rddreg [dreg:$0x1];
	s5 =	sadd.s32 s4, s5  }
0xb: {  	_ =	strace $0x8000004A;
	s4 =	simm.s32 $0x1;
	s5 =	smul.u32 $0xC8, s5  }
0xc: {  	s6 =	sadd.s32 $0xE00, s6;
	s10 =	smov.u32 s2;
	[sflag:s4] =	ssyncpa.u1 $0x0  }
0xd: {  	p0 =	por $0x0, $0x0;
	[sflag:s7] =	ssyncpa.u1 $0x0;
	s7 =	sor.u32 $0x1, s5  }
.LBB1_4:
0xe: {  	s16 =	sshll.u32 s13, $0x3;
	s17 =	sand.u32 $0x78, s13  }
0xf: {  	s30 =	sand.u32 $0x7E00, s13;
	s12 =	sshll.u32 s12, $0xF;
	s16 =	sand.u32 $0xC00, s16  }
0x10: {  	[tilespmem:s15+$0x810 ss:$0x81] =	vst.msk $0xffff, v2;
	s31 =	sand.u32 $0x7, s13;
	s16 =	sor.u32 s17, s16;
	s17 =	sadd.s32 s3, s30  }
0x11: {  	[tilespmem:s15+$0x1020 ss:$0x81] =	vst.msk $0xffff, v0;
	s13 =	sshll.u32 s31, $0x12;
	s12 =	sadd.s32 s12, s17;
	s16 =	sshrl.u32 s16, $0x3  }
0x12: {  	[tilespmem:s15+$0x0 ss:$0x81] =	vst.msk $0xffff, v1;
	s13 =	sor.u32 $0x400, s13;
	s12 =	sadd.s32 s16, s12  }
0x13: {  	[hbm4b:s12+s13] =	stream.strided.scatter [tilespmem:s14], [sflag:$0x2], $0x2000, s8, s13, $0x20;
	[tilespmem:$0x8080] =	vst v63  }
.LBB1_5:
0x14: {  	s14 =	sadd.s32 $0x1, s9  }
0x15: {  	s12 =	sadd.s32 $0x1000, s10;
	s16 =	smov.u32 s10;
	p2 =	sgt.s32 s14, $0xC7  }
0x16: {  	s16 =	smov.u32 @p2 s12  }
0x17: {  	s14 =	simm.s32 @p2 $0x0;
	p2 =	sgt.s32 s16, $0xFFF  }
0x18: {  	s16 =	smov.u32 @p2 s2;
	p2 =	sne.s32 s11, s7  }
.Ltmp1:
0x19: {  	p1 =	slt.u32 s11, $0x2;
	(pc) =	sbr.rel @!p2 .LBB1_6-.Ltmp1, $4  }
0x1a: {  	s15 =	simm.s32 @!p1 $0x2  }
0x1b: {  	s13 =	smov.u32 s10;
	p0 =	por !p0, !p0;
	_ =	swait.ge @!p1 [sflag:s15], $0x2000  }
0x1c: {  	s12 =	smov.u32 s9;
	[sflag:s15] =	ssyncset.done @!p1 $0x0;
	s9 =	smov.u32 s14  }
0x1d: {  	s11 =	sadd.s32 $0x1, s11;
	[sflag:s15] =	ssyncadd.s32 @!p1 $0xFFFFE000;
	s10 =	smov.u32 s16  }
.LBB1_1:
0x1e: {  	p1 =	sge.u32 s11, s5  }
0x1f: {  	s14 =	sand.u32 @!p1 $0x1FFFFFF, s9  }
0x20: {  	s15 =	smulhi.u32 @!p1 $0x147AE15, s14;
	_ =	sdelay $0x1  }
0x21: {  	s15 =	smul.u32 @!p1 $0xC8, s15  }
0x22: {  	s16 =	sxor.u32 @!p1 $0xFFFFFFFF, s11;
	s17 =	smul.u32 @!p1 $0xC80, s10  }
0x23: {  	s31 =	sadd.s32 $0xFFFFFFFF, s11;
	s16 =	sshll.u32 @!p1 s16, $0xD;
	s14 =	ssub.s32 @!p1 s14, s15  }
0x24: {  	s15 =	sand.u32 @!p1 $0x2000, s16;
	s16 =	sadd.s32 @!p1 s6, s17;
	s14 =	sshll.u32 @!p1 s14, $0x4  }
0x25: {  	s17 =	simm.s32 @!p1 $0x6400;
	s14 =	sadd.s32 @!p1 s14, s16;
	s16 =	simm.s32 @!p1 $0x40  }
0x26: {  	[tilespmem:s15], [sflag:$0x1] =	stream.strided.gather @!p1 [hbm4b:s14+s16], $0x2000, s17, s16, $0x38;
	[tilespmem:$0x8080] =	vst v63  }
0x27: {  	p1 =	sge.u32 s31, s5  }
.Ltmp2:
0x28: {  	_ = 	snop;
	(pc) =	sbr.rel @p1 .LBB1_5-.Ltmp2, $1  }
0x29: {  	_ =	sdelay $0x3  }
0x2a: {  	s14 =	simm.s32 $0x1  }
0x2b: {  	_ =	swait.ge [sflag:s4], $0x2000;
	s14 =	simm.s32 @!p0 $0x0  }
0x2c: {  	[sflag:s4] =	ssyncset.done $0x0;
	s15 =	sshll.u32 s14, $0xD  }
0x2d: {  	[sflag:s4] =	ssyncadd.s32 $0xFFFFE000;
	s18 =	sor.u32 $0x20, s15  }
0x2e: {  	s14 =	smul.u32 $0x8100, s14;
	v3 =	vld [tilespmem:s18+$0x10]  }
0x2f: {  	s30 =	sand.u32 $0x1, s11;
	v2 =	vld [tilespmem:s18+$0xFFFFFFF0]  }
0x30: {  	s15 =	smul.u32 $0x8100, s30;
	s14 =	sshrl.u32 s14, $0x2;
	v0 =	vld [tilespmem:s18+$0x0]  }
0x31: {  	v1 =	vld [tilespmem:s18+$0xFFFFFFE0];
	s16 =	sor.u32 $0x4000, s14  }
0x32: {  	s31 =	sshrl.u32 s15, $0x2;
	s15 =	sadd.s32 $0x0, s16  }
0x33: {  	s17 =	simm.s32 $0x4;
	s18 =	sadd.s32 $0x40, s18;
	s14 =	sor.u32 $0x4000, s31;
	[tilespmem:s15+$0x1830 ss:$0x81] =	vst.msk $0xffff, v3  }
.LBB1_3:
0x34: {  	v3 =	vld [tilespmem:s18+$0x10];
	p1 =	sne.s32 s17, $0x1FC;
	[tilespmem:s15+$0x810 ss:$0x81] =	vst.msk $0xffff, v2;
	s19 =	smov.u32 s17;
	s17 =	sadd.s32 $0x4, s17  }
.Ltmp3:
0x35: {  	v2 =	vld [tilespmem:s18+$0xFFFFFFF0];
	[tilespmem:s15+$0x1020 ss:$0x81] =	vst.msk $0xffff, v0;
	(pc) =	sbr.rel @p1 .LBB1_3-.Ltmp3, $4  }
0x36: {  	v0 =	vld [tilespmem:s18+$0x0];
	[tilespmem:s15+$0x0 ss:$0x81] =	vst.msk $0xffff, v1  }
0x37: {  	s15 =	sshra.s32 s19, $0x2;
	v1 =	vld [tilespmem:s18+$0xFFFFFFE0]  }
0x38: {  	s15 =	sadd.s32 s15, s16  }
0x39: {  	s18 =	sadd.s32 $0x40, s18;
	[tilespmem:s15+$0x1830 ss:$0x81] =	vst.msk $0xffff, v3  }
.Ltmp4:
0x3a: {  	_ = 	snop;
	(pc) =	sbr.rel .LBB1_4-.Ltmp4, $1  }
0x3b: {  	_ =	sdelay $0x3  }
.LBB1_6:
0x3c: {  	_ =	sfence.sel $0x180000  }
0x3d: {  	s2 =	simm.s32 $0x1;
	[bflag:$0x0] =	sbarrier.arrive $0xFFFF  }
0x3e: {  	s31 =	simm.s32 $0x2;
	[sflag:s2] =	ssyncpa.u1 $0x1  }
0x3f: {  	[sflag:s31] =	ssyncpa.u1 $0x1  }
0x40: {  	p0 =	sne.s32 s0, $0x0;
	_ =	strace $0x9000004A  }
0x41: {  	s0 =	sadd.s32 @!p0 $0x100000, s1;
	[bflag:$0x2] =	sbarrier.arrive $0xFFFF  }
0x42: {  	[sflag:s0] =	ssyncadd.tile.s32 @!p0 $0x1;
	_ =	shalt  }
.Lfunc_end1:
_tile_overlayer_lowered:
.L_overlay_start_2:
0x43: {  	(tag) =	ssettag $0x2  }
0x44: {  	s0 =	rddreg [dreg:$0x0];
	s2 =	stileid.u32  }
0x45: {  	s1 =	rddreg [dreg:$0x1];
	p0 =	sne.s32 s2, $0x0  }
0x46: {  	s3 =	rddreg [dreg:$0x2];
	[bflag:$0x3] =	sbarrier.arrive $0xFFFF;
	s2 =	simm.s32 @!p0 $0x1C01  }
0x47: {  	[timem:s3], [sflag:s2] =	dma.local @!p0 [hbm:s0], s1  }
0x48: {  	s0 =	simm.s32 @!p0 $0x1  }
0x49: {  	_ =	swait.ge @!p0 [sflag:s0], s1  }
0x4a: {  	s1 =	ssub.s32 @!p0 $0x0, s1;
	[sflag:s0] =	ssyncset.done @!p0 $0x0  }
0x4b: {  	[sflag:s0] =	ssyncadd.s32 @!p0 s1  }
0x4c: {  	[bflag:$0x3] =	sbarrier.arrive $0xFFFF  }
0x4d: {  	_ =	shalt  }

</sc_bundles>
